<compile_context>
chip_gen: v7x
topology: tpu7x:2x2x1
jax: 0.10.2.dev20260603
libtpu: 0.0.44.dev20260713+nightly
codegen_flags: <defaults>
</compile_context>

<pallas_src>
import functools

import jax
import jax.numpy as jnp
from jax import lax
from jax.experimental import pallas as pl
from jax.experimental.pallas import tpu as pltpu
from jax.experimental.pallas import tpu_sc as plsc

_LANES = 128
_NBUF = 4
_TROWS = 8064
_G16 = 16


@functools.partial(jax.jit, static_argnums=(2,))
def _gather_rows(x_flat2d, pe, steps_per_worker):
    D = pe.shape[1]
    B_total = x_flat2d.size
    n_steps = steps_per_worker
    mesh = plsc.VectorSubcoreMesh(core_axis_name="c", subcore_axis_name="s")

    @functools.partial(
        pl.kernel,
        mesh=mesh,
        out_type=jax.ShapeDtypeStruct((B_total, D), jnp.float32),
        scratch_types=[
            pltpu.VMEM((_NBUF, _LANES), jnp.int32),
            pltpu.VMEM((_NBUF, _LANES), jnp.int32),
            pltpu.VMEM((_NBUF * _LANES, D), jnp.float32),
            pltpu.VMEM_SHARED((_TROWS, D), jnp.float32),
        ] + [pltpu.SemaphoreType.DMA] * (3 * _NBUF + 1),
    )
    def k(x_hbm, pe_hbm, out_hbm, idx_b, cl_b, rows_v, pe_sp, *sems):
        sem_i = sems[:_NBUF]
        sem_g = sems[_NBUF:2 * _NBUF]
        sem_w = sems[2 * _NBUF:3 * _NBUF]
        sem_f = sems[3 * _NBUF]
        n_cores = lax.axis_size("c")
        n_sub = lax.axis_size("s")
        sid = lax.axis_index("s")
        wid = sid * n_cores + lax.axis_index("c")
        row_base = wid * n_steps

        stripe = _TROWS // n_sub
        pltpu.sync_copy(
            pe_hbm.at[pl.ds(sid * stripe, stripe)],
            pe_sp.at[pl.ds(sid * stripe, stripe)],
        )
        plsc.subcore_barrier()

        def buf(b):
            return rows_v.at[pl.ds(b * _LANES, _LANES)]

        def idx_src(s):
            return x_hbm.at[pl.ds(row_base + s, 1)]

        def fire_idx(s, b):
            pltpu.async_copy(idx_src(s), idx_b.at[pl.ds(b, 1)], sem_i[b])

        def wait_idx(s, b):
            pltpu.make_async_copy(
                idx_src(s), idx_b.at[pl.ds(b, 1)], sem_i[b]
            ).wait()

        def clamp_idx(b):
            for g in range(_LANES // _G16):
                grp = idx_b[b, pl.ds(g * _G16, _G16)]
                cl_b[b, pl.ds(g * _G16, _G16)] = jnp.minimum(grp, _TROWS - 1)

        def fire_gather(s, b):
            pltpu.async_copy(pe_sp.at[cl_b.at[b]], buf(b), sem_g[b])

        def wait_gather(s, b):
            pltpu.make_async_copy(
                pe_sp.at[cl_b.at[b]], buf(b), sem_g[b]
            ).wait()

        def fire_fixups(b):
            def grp_body(g, cnt):
                grp = idx_b[b, pl.ds(g * _G16, _G16)]
                n_g = jnp.int32(0)
                for l in range(_G16):
                    n_g = n_g + jnp.where(
                        grp[l] >= _TROWS, jnp.int32(1), jnp.int32(0)
                    )

                @pl.when(n_g > 0)
                def _():
                    for l in range(_G16):
                        v_l = grp[l]

                        @pl.when(v_l >= _TROWS)
                        def _():
                            row = b * _LANES + g * _G16 + l
                            pltpu.async_copy(
                                pe_hbm.at[pl.ds(v_l, 1)],
                                rows_v.at[pl.ds(row, 1)],
                                sem_f,
                            )

                return cnt + n_g

            return lax.fori_loop(0, _LANES // _G16, grp_body, jnp.int32(0))

        def wait_fixups(cnt):
            def wbody(i, c):
                pltpu.make_async_copy(
                    pe_hbm.at[pl.ds(0, 1)], rows_v.at[pl.ds(0, 1)], sem_f
                ).wait()
                return c

            lax.fori_loop(0, cnt, wbody, 0)

        def out_dst(s):
            return out_hbm.at[pl.ds((row_base + s) * _LANES, _LANES)]

        def fire_write(s, b):
            pltpu.async_copy(buf(b), out_dst(s), sem_w[b])

        def wait_write(s, b):
            pltpu.make_async_copy(buf(b), out_dst(s), sem_w[b]).wait()

        for b in range(_NBUF):
            fire_idx(b, b)
        for b in range(3):
            wait_idx(b, b)
            clamp_idx(b)
            fire_gather(b, b)

        def body(g, carry):
            for b in range(_NBUF):
                s = 4 * g + b
                wait_gather(s, b)
                n_fix = fire_fixups(b)

                s4 = s + 4

                @pl.when(s4 < n_steps)
                def _():
                    fire_idx(s4, b)

                b2 = (b + 3) % _NBUF
                s3 = s + 3

                @pl.when(s3 < n_steps)
                def _():
                    @pl.when(s3 >= _NBUF)
                    def _():
                        wait_write(s3 - _NBUF, b2)
                    wait_idx(s3, b2)
                    clamp_idx(b2)
                    fire_gather(s3, b2)

                wait_fixups(n_fix)
                fire_write(s, b)

            return carry

        lax.fori_loop(0, n_steps // _NBUF, body, 0)

        for b in range(_NBUF):
            wait_write(n_steps - _NBUF + b, b)

    return k(x_flat2d, pe)


def kernel(x, pe):
    B, H = x.shape
    D = pe.shape[1]
    total = B * H
    info = plsc.get_sparse_core_info()
    n_workers = info.num_cores * info.num_subcores
    assert total % (n_workers * _LANES * _NBUF) == 0
    steps_per_worker = total // (n_workers * _LANES)
    x2 = jnp.reshape(x.astype(jnp.int32), (total // _LANES, _LANES))
    out = _gather_rows(x2, pe, steps_per_worker)
    return jnp.reshape(out, (B, H, D))

# --- scband reference (transcript-rebuilt; emitter-appended) ---
"""Pipeline reference for scband-sinusoidal-positional-embedding-24000277250211 (READ-ONLY COPY).

The authoritative reference and input builder live on the scoring server;
editing this copy changes nothing except your own understanding.
"""

import jax, jax.numpy as jnp
import numpy as np

MAX_SEQ_LENGTH = 8192
WIDTH = 128
BATCH = 4096
HIST = 200


def _make_pe(max_seq_length, width):
    pos = jnp.arange(max_seq_length, dtype=jnp.float32)[:, None]
    i = jnp.arange(width, dtype=jnp.float32)[None, :]
    even = jnp.sin(pos / jnp.power(10000.0, i / width))
    odd = jnp.cos(pos / jnp.power(10000.0, (i - 1.0) / width))
    mask = (jnp.arange(width)[None, :] % 2) == 0
    return jnp.where(mask, even, odd).astype(jnp.float32)


def setup_inputs(seed: int = 0) -> dict:
    key = jax.random.key(seed)
    x = jax.random.randint(key, (BATCH, HIST), 0, MAX_SEQ_LENGTH)
    pe = _make_pe(MAX_SEQ_LENGTH, WIDTH)
    return {"x": x, "pe": pe}


def reference(x, pe):
    # forward: gather rows of the sinusoidal positional table: self.pe[x]
    return jnp.take(pe, x, axis=0)

if __name__ == "__main__":
    import jax
    _d = setup_inputs()
    print(jax.jit(kernel)(*tuple(_d.values())))

</pallas_src>

<mosaic_0001>
#map = affine_map<(d0, d1) -> (0, 0)>
module attributes {stable_mosaic.version = 14 : i64} {
  func.func @k(%arg0: i32, %arg1: i32, %arg2: memref<6400x128xi32, #tpu.memory_space<hbm>>, %arg3: memref<8192x128xf32, #tpu.memory_space<hbm>>, %arg4: memref<819200x128xf32, #tpu.memory_space<hbm>>, %arg5: memref<4x128xi32, #tpu.memory_space<vmem>>, %arg6: memref<4x128xi32, #tpu.memory_space<vmem>>, %arg7: memref<512x128xf32, #tpu.memory_space<vmem>>, %arg8: memref<8064x128xf32, #tpu.memory_space<vmem_shared>>, %arg9: memref<!tpu.dma_semaphore, #tpu.memory_space<semaphore_mem>>, %arg10: memref<!tpu.dma_semaphore, #tpu.memory_space<semaphore_mem>>, %arg11: memref<!tpu.dma_semaphore, #tpu.memory_space<semaphore_mem>>, %arg12: memref<!tpu.dma_semaphore, #tpu.memory_space<semaphore_mem>>, %arg13: memref<!tpu.dma_semaphore, #tpu.memory_space<semaphore_mem>>, %arg14: memref<!tpu.dma_semaphore, #tpu.memory_space<semaphore_mem>>, %arg15: memref<!tpu.dma_semaphore, #tpu.memory_space<semaphore_mem>>, %arg16: memref<!tpu.dma_semaphore, #tpu.memory_space<semaphore_mem>>, %arg17: memref<!tpu.dma_semaphore, #tpu.memory_space<semaphore_mem>>, %arg18: memref<!tpu.dma_semaphore, #tpu.memory_space<semaphore_mem>>, %arg19: memref<!tpu.dma_semaphore, #tpu.memory_space<semaphore_mem>>, %arg20: memref<!tpu.dma_semaphore, #tpu.memory_space<semaphore_mem>>, %arg21: memref<!tpu.dma_semaphore, #tpu.memory_space<semaphore_mem>>) attributes {dimension_semantics = [#tpu.dimension_semantics<core_parallel>, #tpu.dimension_semantics<subcore_parallel>], iteration_bounds = array<i64: 2, 16>, scalar_prefetch = 0 : i64, scratch_operands = 17 : i64, tpu.core_type = #tpu.core_type<sc_vector_subcore>, window_params = [{transform_indices = #map}, {transform_indices = #map}, {transform_indices = #map}]} {
    %mul3A = arith.constant 2 : i32
    %mul3A_0 = arith.muli %arg1, %mul3A : i32
    %add3A = arith.addi %mul3A_0, %arg0 : i32
    %mul3A_1 = arith.constant 200 : i32
    %mul3A_2 = arith.muli %add3A, %mul3A_1 : i32
    %mul3A_3 = arith.constant 504 : i32
    %mul3A_4 = arith.muli %arg1, %mul3A_3 : i32
    %mul3A_5 = arith.constant 504 : i32
    %mul3A_6 = arith.muli %arg1, %mul3A_5 : i32
    "tpu.region"() ({
      %run_scoped3A = tpu.sem_alloc : memref<!tpu.dma_semaphore, #tpu.memory_space<semaphore_mem>>
      %dma_start3A_513 = arith.constant 0 : i32
      %dma_start3A_514 = tpu.memref_slice %arg8[%mul3A_6, %dma_start3A_513] : memref<8064x128xf32, #tpu.memory_space<vmem_shared>> -> memref<504x128xf32, #tpu.memory_space<vmem_shared>>
      %dma_start3A_515 = arith.constant 0 : i32
      %dma_start3A_516 = tpu.memref_slice %arg3[%mul3A_4, %dma_start3A_515] : memref<8192x128xf32, #tpu.memory_space<hbm>> -> memref<504x128xf32, #tpu.memory_space<hbm>>
      tpu.enqueue_dma source(%dma_start3A_516 : memref<504x128xf32, #tpu.memory_space<hbm>>) target(%dma_start3A_514 : memref<504x128xf32, #tpu.memory_space<vmem_shared>>) target_semaphore(%run_scoped3A : memref<!tpu.dma_semaphore, #tpu.memory_space<semaphore_mem>>)
      %dma_wait3A_517 = arith.constant 0 : i32
      %dma_wait3A_518 = tpu.memref_slice %arg8[%mul3A_6, %dma_wait3A_517] : memref<8064x128xf32, #tpu.memory_space<vmem_shared>> -> memref<504x128xf32, #tpu.memory_space<vmem_shared>>
      %dma_wait3A_519 = arith.constant 0 : i32
      %dma_wait3A_520 = tpu.memref_slice %arg3[%mul3A_4, %dma_wait3A_519] : memref<8192x128xf32, #tpu.memory_space<hbm>> -> memref<504x128xf32, #tpu.memory_space<hbm>>
      tpu.wait_dma2 semaphore(%run_scoped3A : memref<!tpu.dma_semaphore, #tpu.memory_space<semaphore_mem>>) src(%dma_wait3A_520 : memref<504x128xf32, #tpu.memory_space<hbm>>) dst(%dma_wait3A_518 : memref<504x128xf32, #tpu.memory_space<vmem_shared>>)
      tpu.yield
    }) : () -> ()
    %barrier3A = arith.constant 0 : index
    tpu.barrier barrier_id(%barrier3A)
    %add3A_7 = arith.constant 0 : i32
    %add3A_8 = arith.addi %mul3A_2, %add3A_7 : i32
    %dma_start3A = arith.constant 0 : i32
    %dma_start3A_9 = arith.constant 0 : i32
    %dma_start3A_10 = tpu.memref_slice %arg5[%dma_start3A, %dma_start3A_9] : memref<4x128xi32, #tpu.memory_space<vmem>> -> memref<1x128xi32, #tpu.memory_space<vmem>>
    %dma_start3A_11 = arith.constant 0 : i32
    %dma_start3A_12 = tpu.memref_slice %arg2[%add3A_8, %dma_start3A_11] : memref<6400x128xi32, #tpu.memory_space<hbm>> -> memref<1x128xi32, #tpu.memory_space<hbm>>
    %dma_start3A_13 = arith.constant 0 : i32
    %dma_start3A_14 = arith.constant 0 : i32
    %dma_start3A_15 = tpu.memref_slice %arg5[%dma_start3A_13, %dma_start3A_14] : memref<4x128xi32, #tpu.memory_space<vmem>> -> memref<1x128xi32, #tpu.memory_space<vmem>>
    %dma_start3A_16 = arith.constant 0 : i32
    %dma_start3A_17 = tpu.memref_slice %arg2[%add3A_8, %dma_start3A_16] : memref<6400x128xi32, #tpu.memory_space<hbm>> -> memref<1x128xi32, #tpu.memory_space<hbm>>
    tpu.enqueue_dma source(%dma_start3A_17 : memref<1x128xi32, #tpu.memory_space<hbm>>) target(%dma_start3A_15 : memref<1x128xi32, #tpu.memory_space<vmem>>) target_semaphore(%arg9 : memref<!tpu.dma_semaphore, #tpu.memory_space<semaphore_mem>>)
    %add3A_18 = arith.constant 1 : i32
    %add3A_19 = arith.addi %mul3A_2, %add3A_18 : i32
    %dma_start3A_20 = arith.constant 1 : i32
    %dma_start3A_21 = arith.constant 0 : i32
    %dma_start3A_22 = tpu.memref_slice %arg5[%dma_start3A_20, %dma_start3A_21] : memref<4x128xi32, #tpu.memory_space<vmem>> -> memref<1x128xi32, #tpu.memory_space<vmem>>
    %dma_start3A_23 = arith.constant 0 : i32
    %dma_start3A_24 = tpu.memref_slice %arg2[%add3A_19, %dma_start3A_23] : memref<6400x128xi32, #tpu.memory_space<hbm>> -> memref<1x128xi32, #tpu.memory_space<hbm>>
    %dma_start3A_25 = arith.constant 1 : i32
    %dma_start3A_26 = arith.constant 0 : i32
    %dma_start3A_27 = tpu.memref_slice %arg5[%dma_start3A_25, %dma_start3A_26] : memref<4x128xi32, #tpu.memory_space<vmem>> -> memref<1x128xi32, #tpu.memory_space<vmem>>
    %dma_start3A_28 = arith.constant 0 : i32
    %dma_start3A_29 = tpu.memref_slice %arg2[%add3A_19, %dma_start3A_28] : memref<6400x128xi32, #tpu.memory_space<hbm>> -> memref<1x128xi32, #tpu.memory_space<hbm>>
    tpu.enqueue_dma source(%dma_start3A_29 : memref<1x128xi32, #tpu.memory_space<hbm>>) target(%dma_start3A_27 : memref<1x128xi32, #tpu.memory_space<vmem>>) target_semaphore(%arg10 : memref<!tpu.dma_semaphore, #tpu.memory_space<semaphore_mem>>)
    %add3A_30 = arith.constant 2 : i32
    %add3A_31 = arith.addi %mul3A_2, %add3A_30 : i32
    %dma_start3A_32 = arith.constant 2 : i32
    %dma_start3A_33 = arith.constant 0 : i32
    %dma_start3A_34 = tpu.memref_slice %arg5[%dma_start3A_32, %dma_start3A_33] : memref<4x128xi32, #tpu.memory_space<vmem>> -> memref<1x128xi32, #tpu.memory_space<vmem>>
    %dma_start3A_35 = arith.constant 0 : i32
    %dma_start3A_36 = tpu.memref_slice %arg2[%add3A_31, %dma_start3A_35] : memref<6400x128xi32, #tpu.memory_space<hbm>> -> memref<1x128xi32, #tpu.memory_space<hbm>>
    %dma_start3A_37 = arith.constant 2 : i32
    %dma_start3A_38 = arith.constant 0 : i32
    %dma_start3A_39 = tpu.memref_slice %arg5[%dma_start3A_37, %dma_start3A_38] : memref<4x128xi32, #tpu.memory_space<vmem>> -> memref<1x128xi32, #tpu.memory_space<vmem>>
    %dma_start3A_40 = arith.constant 0 : i32
    %dma_start3A_41 = tpu.memref_slice %arg2[%add3A_31, %dma_start3A_40] : memref<6400x128xi32, #tpu.memory_space<hbm>> -> memref<1x128xi32, #tpu.memory_space<hbm>>
    tpu.enqueue_dma source(%dma_start3A_41 : memref<1x128xi32, #tpu.memory_space<hbm>>) target(%dma_start3A_39 : memref<1x128xi32, #tpu.memory_space<vmem>>) target_semaphore(%arg11 : memref<!tpu.dma_semaphore, #tpu.memory_space<semaphore_mem>>)
    %add3A_42 = arith.constant 3 : i32
    %add3A_43 = arith.addi %mul3A_2, %add3A_42 : i32
    %dma_start3A_44 = arith.constant 3 : i32
    %dma_start3A_45 = arith.constant 0 : i32
    %dma_start3A_46 = tpu.memref_slice %arg5[%dma_start3A_44, %dma_start3A_45] : memref<4x128xi32, #tpu.memory_space<vmem>> -> memref<1x128xi32, #tpu.memory_space<vmem>>
    %dma_start3A_47 = arith.constant 0 : i32
    %dma_start3A_48 = tpu.memref_slice %arg2[%add3A_43, %dma_start3A_47] : memref<6400x128xi32, #tpu.memory_space<hbm>> -> memref<1x128xi32, #tpu.memory_space<hbm>>
    %dma_start3A_49 = arith.constant 3 : i32
    %dma_start3A_50 = arith.constant 0 : i32
    %dma_start3A_51 = tpu.memref_slice %arg5[%dma_start3A_49, %dma_start3A_50] : memref<4x128xi32, #tpu.memory_space<vmem>> -> memref<1x128xi32, #tpu.memory_space<vmem>>
    %dma_start3A_52 = arith.constant 0 : i32
    %dma_start3A_53 = tpu.memref_slice %arg2[%add3A_43, %dma_start3A_52] : memref<6400x128xi32, #tpu.memory_space<hbm>> -> memref<1x128xi32, #tpu.memory_space<hbm>>
    tpu.enqueue_dma source(%dma_start3A_53 : memref<1x128xi32, #tpu.memory_space<hbm>>) target(%dma_start3A_51 : memref<1x128xi32, #tpu.memory_space<vmem>>) target_semaphore(%arg12 : memref<!tpu.dma_semaphore, #tpu.memory_space<semaphore_mem>>)
    %add3A_54 = arith.constant 0 : i32
    %add3A_55 = arith.addi %mul3A_2, %add3A_54 : i32
    %dma_wait3A = arith.constant 0 : i32
    %dma_wait3A_56 = arith.constant 0 : i32
    %dma_wait3A_57 = tpu.memref_slice %arg5[%dma_wait3A, %dma_wait3A_56] : memref<4x128xi32, #tpu.memory_space<vmem>> -> memref<1x128xi32, #tpu.memory_space<vmem>>
    %dma_wait3A_58 = arith.constant 0 : i32
    %dma_wait3A_59 = tpu.memref_slice %arg2[%add3A_55, %dma_wait3A_58] : memref<6400x128xi32, #tpu.memory_space<hbm>> -> memref<1x128xi32, #tpu.memory_space<hbm>>
    %dma_wait3A_60 = arith.constant 0 : i32
    %dma_wait3A_61 = arith.constant 0 : i32
    %dma_wait3A_62 = tpu.memref_slice %arg5[%dma_wait3A_60, %dma_wait3A_61] : memref<4x128xi32, #tpu.memory_space<vmem>> -> memref<1x128xi32, #tpu.memory_space<vmem>>
    %dma_wait3A_63 = arith.constant 0 : i32
    %dma_wait3A_64 = tpu.memref_slice %arg2[%add3A_55, %dma_wait3A_63] : memref<6400x128xi32, #tpu.memory_space<hbm>> -> memref<1x128xi32, #tpu.memory_space<hbm>>
    tpu.wait_dma2 semaphore(%arg9 : memref<!tpu.dma_semaphore, #tpu.memory_space<semaphore_mem>>) src(%dma_wait3A_64 : memref<1x128xi32, #tpu.memory_space<hbm>>) dst(%dma_wait3A_62 : memref<1x128xi32, #tpu.memory_space<vmem>>)
    %get3A = arith.constant 0 : i32
    %get3A_65 = arith.index_cast %get3A : i32 to index
    %get3A_66 = arith.constant 0 : index
    %get3A_67 = tpu.vector_load %arg5[%get3A_65, %get3A_66] {strides = array<i32>} : memref<4x128xi32, #tpu.memory_space<vmem>>, vector<1x16xi32>,
    %get3A_68 = vector.shape_cast %get3A_67 : vector<1x16xi32> to vector<16xi32>
    %min3A = arith.constant 8063 : i32
    %min3A_69 = vector.broadcast %min3A : i32 to vector<16xi32>
    %min3A_70 = arith.minsi %get3A_68, %min3A_69 : vector<16xi32>
    %swap3A = arith.constant 0 : i32
    %swap3A_71 = arith.index_cast %swap3A : i32 to index
    %swap3A_72 = arith.constant 0 : index
    %swap3A_73 = tpu.vector_load %arg6[%swap3A_71, %swap3A_72] {strides = array<i32>} : memref<4x128xi32, #tpu.memory_space<vmem>>, vector<1x16xi32>,
    %swap3A_74 = vector.shape_cast %swap3A_73 : vector<1x16xi32> to vector<16xi32>
    %swap3A_75 = vector.shape_cast %min3A_70 : vector<16xi32> to vector<1x16xi32>
    tpu.vector_store %arg6[%swap3A_71, %swap3A_72], %swap3A_75 {strides = array<i32>} : memref<4x128xi32, #tpu.memory_space<vmem>>, vector<1x16xi32>,
    %get3A_76 = arith.constant 0 : i32
    %get3A_77 = arith.index_cast %get3A_76 : i32 to index
    %get3A_78 = arith.constant 16 : index
    %get3A_79 = tpu.vector_load %arg5[%get3A_77, %get3A_78] {strides = array<i32>} : memref<4x128xi32, #tpu.memory_space<vmem>>, vector<1x16xi32>,
    %get3A_80 = vector.shape_cast %get3A_79 : vector<1x16xi32> to vector<16xi32>
    %min3A_81 = arith.constant 8063 : i32
    %min3A_82 = vector.broadcast %min3A_81 : i32 to vector<16xi32>
    %min3A_83 = arith.minsi %get3A_80, %min3A_82 : vector<16xi32>
    %swap3A_84 = arith.constant 0 : i32
    %swap3A_85 = arith.index_cast %swap3A_84 : i32 to index
    %swap3A_86 = arith.constant 16 : index
    %swap3A_87 = tpu.vector_load %arg6[%swap3A_85, %swap3A_86] {strides = array<i32>} : memref<4x128xi32, #tpu.memory_space<vmem>>, vector<1x16xi32>,
    %swap3A_88 = vector.shape_cast %swap3A_87 : vector<1x16xi32> to vector<16xi32>
    %swap3A_89 = vector.shape_cast %min3A_83 : vector<16xi32> to vector<1x16xi32>
    tpu.vector_store %arg6[%swap3A_85, %swap3A_86], %swap3A_89 {strides = array<i32>} : memref<4x128xi32, #tpu.memory_space<vmem>>, vector<1x16xi32>,
    %get3A_90 = arith.constant 0 : i32
    %get3A_91 = arith.index_cast %get3A_90 : i32 to index
    %get3A_92 = arith.constant 32 : index
    %get3A_93 = tpu.vector_load %arg5[%get3A_91, %get3A_92] {strides = array<i32>} : memref<4x128xi32, #tpu.memory_space<vmem>>, vector<1x16xi32>,
    %get3A_94 = vector.shape_cast %get3A_93 : vector<1x16xi32> to vector<16xi32>
    %min3A_95 = arith.constant 8063 : i32
    %min3A_96 = vector.broadcast %min3A_95 : i32 to vector<16xi32>
    %min3A_97 = arith.minsi %get3A_94, %min3A_96 : vector<16xi32>
    %swap3A_98 = arith.constant 0 : i32
    %swap3A_99 = arith.index_cast %swap3A_98 : i32 to index
    %swap3A_100 = arith.constant 32 : index
    %swap3A_101 = tpu.vector_load %arg6[%swap3A_99, %swap3A_100] {strides = array<i32>} : memref<4x128xi32, #tpu.memory_space<vmem>>, vector<1x16xi32>,
    %swap3A_102 = vector.shape_cast %swap3A_101 : vector<1x16xi32> to vector<16xi32>
    %swap3A_103 = vector.shape_cast %min3A_97 : vector<16xi32> to vector<1x16xi32>
    tpu.vector_store %arg6[%swap3A_99, %swap3A_100], %swap3A_103 {strides = array<i32>} : memref<4x128xi32, #tpu.memory_space<vmem>>, vector<1x16xi32>,
    %get3A_104 = arith.constant 0 : i32
    %get3A_105 = arith.index_cast %get3A_104 : i32 to index
    %get3A_106 = arith.constant 48 : index
    %get3A_107 = tpu.vector_load %arg5[%get3A_105, %get3A_106] {strides = array<i32>} : memref<4x128xi32, #tpu.memory_space<vmem>>, vector<1x16xi32>,
    %get3A_108 = vector.shape_cast %get3A_107 : vector<1x16xi32> to vector<16xi32>
    %min3A_109 = arith.constant 8063 : i32
    %min3A_110 = vector.broadcast %min3A_109 : i32 to vector<16xi32>
    %min3A_111 = arith.minsi %get3A_108, %min3A_110 : vector<16xi32>
    %swap3A_112 = arith.constant 0 : i32
    %swap3A_113 = arith.index_cast %swap3A_112 : i32 to index
    %swap3A_114 = arith.constant 48 : index
    %swap3A_115 = tpu.vector_load %arg6[%swap3A_113, %swap3A_114] {strides = array<i32>} : memref<4x128xi32, #tpu.memory_space<vmem>>, vector<1x16xi32>,
    %swap3A_116 = vector.shape_cast %swap3A_115 : vector<1x16xi32> to vector<16xi32>
    %swap3A_117 = vector.shape_cast %min3A_111 : vector<16xi32> to vector<1x16xi32>
    tpu.vector_store %arg6[%swap3A_113, %swap3A_114], %swap3A_117 {strides = array<i32>} : memref<4x128xi32, #tpu.memory_space<vmem>>, vector<1x16xi32>,
    %get3A_118 = arith.constant 0 : i32
    %get3A_119 = arith.index_cast %get3A_118 : i32 to index
    %get3A_120 = arith.constant 64 : index
    %get3A_121 = tpu.vector_load %arg5[%get3A_119, %get3A_120] {strides = array<i32>} : memref<4x128xi32, #tpu.memory_space<vmem>>, vector<1x16xi32>,
    %get3A_122 = vector.shape_cast %get3A_121 : vector<1x16xi32> to vector<16xi32>
    %min3A_123 = arith.constant 8063 : i32
    %min3A_124 = vector.broadcast %min3A_123 : i32 to vector<16xi32>
    %min3A_125 = arith.minsi %get3A_122, %min3A_124 : vector<16xi32>
    %swap3A_126 = arith.constant 0 : i32
    %swap3A_127 = arith.index_cast %swap3A_126 : i32 to index
    %swap3A_128 = arith.constant 64 : index
    %swap3A_129 = tpu.vector_load %arg6[%swap3A_127, %swap3A_128] {strides = array<i32>} : memref<4x128xi32, #tpu.memory_space<vmem>>, vector<1x16xi32>,
    %swap3A_130 = vector.shape_cast %swap3A_129 : vector<1x16xi32> to vector<16xi32>
    %swap3A_131 = vector.shape_cast %min3A_125 : vector<16xi32> to vector<1x16xi32>
    tpu.vector_store %arg6[%swap3A_127, %swap3A_128], %swap3A_131 {strides = array<i32>} : memref<4x128xi32, #tpu.memory_space<vmem>>, vector<1x16xi32>,
    %get3A_132 = arith.constant 0 : i32
    %get3A_133 = arith.index_cast %get3A_132 : i32 to index
    %get3A_134 = arith.constant 80 : index
    %get3A_135 = tpu.vector_load %arg5[%get3A_133, %get3A_134] {strides = array<i32>} : memref<4x128xi32, #tpu.memory_space<vmem>>, vector<1x16xi32>,
    %get3A_136 = vector.shape_cast %get3A_135 : vector<1x16xi32> to vector<16xi32>
    %min3A_137 = arith.constant 8063 : i32
    %min3A_138 = vector.broadcast %min3A_137 : i32 to vector<16xi32>
    %min3A_139 = arith.minsi %get3A_136, %min3A_138 : vector<16xi32>
    %swap3A_140 = arith.constant 0 : i32
    %swap3A_141 = arith.index_cast %swap3A_140 : i32 to index
    %swap3A_142 = arith.constant 80 : index
    %swap3A_143 = tpu.vector_load %arg6[%swap3A_141, %swap3A_142] {strides = array<i32>} : memref<4x128xi32, #tpu.memory_space<vmem>>, vector<1x16xi32>,
    %swap3A_144 = vector.shape_cast %swap3A_143 : vector<1x16xi32> to vector<16xi32>
    %swap3A_145 = vector.shape_cast %min3A_139 : vector<16xi32> to vector<1x16xi32>
    tpu.vector_store %arg6[%swap3A_141, %swap3A_142], %swap3A_145 {strides = array<i32>} : memref<4x128xi32, #tpu.memory_space<vmem>>, vector<1x16xi32>,
    %get3A_146 = arith.constant 0 : i32
    %get3A_147 = arith.index_cast %get3A_146 : i32 to index
    %get3A_148 = arith.constant 96 : index
    %get3A_149 = tpu.vector_load %arg5[%get3A_147, %get3A_148] {strides = array<i32>} : memref<4x128xi32, #tpu.memory_space<vmem>>, vector<1x16xi32>,
    %get3A_150 = vector.shape_cast %get3A_149 : vector<1x16xi32> to vector<16xi32>
    %min3A_151 = arith.constant 8063 : i32
    %min3A_152 = vector.broadcast %min3A_151 : i32 to vector<16xi32>
    %min3A_153 = arith.minsi %get3A_150, %min3A_152 : vector<16xi32>
    %swap3A_154 = arith.constant 0 : i32
    %swap3A_155 = arith.index_cast %swap3A_154 : i32 to index
    %swap3A_156 = arith.constant 96 : index
    %swap3A_157 = tpu.vector_load %arg6[%swap3A_155, %swap3A_156] {strides = array<i32>} : memref<4x128xi32, #tpu.memory_space<vmem>>, vector<1x16xi32>,
    %swap3A_158 = vector.shape_cast %swap3A_157 : vector<1x16xi32> to vector<16xi32>
    %swap3A_159 = vector.shape_cast %min3A_153 : vector<16xi32> to vector<1x16xi32>
    tpu.vector_store %arg6[%swap3A_155, %swap3A_156], %swap3A_159 {strides = array<i32>} : memref<4x128xi32, #tpu.memory_space<vmem>>, vector<1x16xi32>,
    %get3A_160 = arith.constant 0 : i32
    %get3A_161 = arith.index_cast %get3A_160 : i32 to index
    %get3A_162 = arith.constant 112 : index
    %get3A_163 = tpu.vector_load %arg5[%get3A_161, %get3A_162] {strides = array<i32>} : memref<4x128xi32, #tpu.memory_space<vmem>>, vector<1x16xi32>,
    %get3A_164 = vector.shape_cast %get3A_163 : vector<1x16xi32> to vector<16xi32>
    %min3A_165 = arith.constant 8063 : i32
    %min3A_166 = vector.broadcast %min3A_165 : i32 to vector<16xi32>
    %min3A_167 = arith.minsi %get3A_164, %min3A_166 : vector<16xi32>
    %swap3A_168 = arith.constant 0 : i32
    %swap3A_169 = arith.index_cast %swap3A_168 : i32 to index
    %swap3A_170 = arith.constant 112 : index
    %swap3A_171 = tpu.vector_load %arg6[%swap3A_169, %swap3A_170] {strides = array<i32>} : memref<4x128xi32, #tpu.memory_space<vmem>>, vector<1x16xi32>,
    %swap3A_172 = vector.shape_cast %swap3A_171 : vector<1x16xi32> to vector<16xi32>
    %swap3A_173 = vector.shape_cast %min3A_167 : vector<16xi32> to vector<1x16xi32>
    tpu.vector_store %arg6[%swap3A_169, %swap3A_170], %swap3A_173 {strides = array<i32>} : memref<4x128xi32, #tpu.memory_space<vmem>>, vector<1x16xi32>,
    %dma_start3A_174 = arith.constant 0 : i32
    %dma_start3A_175 = arith.constant 0 : i32
    %dma_start3A_176 = arith.constant 0 : i32
    %dma_start3A_177 = tpu.memref_slice %arg7[%dma_start3A_175, %dma_start3A_176] : memref<512x128xf32, #tpu.memory_space<vmem>> -> memref<128x128xf32, #tpu.memory_space<vmem>>
    %dma_start3A_178 = arith.constant 0 : i32
    %dma_start3A_179 = tpu.memref_slice %arg6[%dma_start3A_174, %dma_start3A_178] : memref<4x128xi32, #tpu.memory_space<vmem>> -> memref<1x128xi32, #tpu.memory_space<vmem>>
    %dma_start3A_180 = tpu.memref_squeeze %dma_start3A_179 : memref<1x128xi32, #tpu.memory_space<vmem>> -> memref<128xi32, #tpu.memory_space<vmem>>
    %dma_start3A_181 = arith.constant 0 : i32
    %dma_start3A_182 = arith.constant 0 : i32
    %dma_start3A_183 = tpu.memref_slice %arg8[%dma_start3A_181, %dma_start3A_182] : memref<8064x128xf32, #tpu.memory_space<vmem_shared>> -> memref<8064x128xf32, #tpu.memory_space<vmem_shared>>
    tpu.enqueue_indirect_dma source(%dma_start3A_183 : memref<8064x128xf32, #tpu.memory_space<vmem_shared>>) target(%dma_start3A_177 : memref<128x128xf32, #tpu.memory_space<vmem>>) offsets(%dma_start3A_180 : memref<128xi32, #tpu.memory_space<vmem>>) semaphore(%arg13 : memref<!tpu.dma_semaphore, #tpu.memory_space<semaphore_mem>>)
    %add3A_184 = arith.constant 1 : i32
    %add3A_185 = arith.addi %mul3A_2, %add3A_184 : i32
    %dma_wait3A_186 = arith.constant 1 : i32
    %dma_wait3A_187 = arith.constant 0 : i32
    %dma_wait3A_188 = tpu.memref_slice %arg5[%dma_wait3A_186, %dma_wait3A_187] : memref<4x128xi32, #tpu.memory_space<vmem>> -> memref<1x128xi32, #tpu.memory_space<vmem>>
    %dma_wait3A_189 = arith.constant 0 : i32
    %dma_wait3A_190 = tpu.memref_slice %arg2[%add3A_185, %dma_wait3A_189] : memref<6400x128xi32, #tpu.memory_space<hbm>> -> memref<1x128xi32, #tpu.memory_space<hbm>>
    %dma_wait3A_191 = arith.constant 1 : i32
    %dma_wait3A_192 = arith.constant 0 : i32
    %dma_wait3A_193 = tpu.memref_slice %arg5[%dma_wait3A_191, %dma_wait3A_192] : memref<4x128xi32, #tpu.memory_space<vmem>> -> memref<1x128xi32, #tpu.memory_space<vmem>>
    %dma_wait3A_194 = arith.constant 0 : i32
    %dma_wait3A_195 = tpu.memref_slice %arg2[%add3A_185, %dma_wait3A_194] : memref<6400x128xi32, #tpu.memory_space<hbm>> -> memref<1x128xi32, #tpu.memory_space<hbm>>
    tpu.wait_dma2 semaphore(%arg10 : memref<!tpu.dma_semaphore, #tpu.memory_space<semaphore_mem>>) src(%dma_wait3A_195 : memref<1x128xi32, #tpu.memory_space<hbm>>) dst(%dma_wait3A_193 : memref<1x128xi32, #tpu.memory_space<vmem>>)
    %get3A_196 = arith.constant 1 : i32
    %get3A_197 = arith.index_cast %get3A_196 : i32 to index
    %get3A_198 = arith.constant 0 : index
    %get3A_199 = tpu.vector_load %arg5[%get3A_197, %get3A_198] {strides = array<i32>} : memref<4x128xi32, #tpu.memory_space<vmem>>, vector<1x16xi32>,
    %get3A_200 = vector.shape_cast %get3A_199 : vector<1x16xi32> to vector<16xi32>
    %min3A_201 = arith.constant 8063 : i32
    %min3A_202 = vector.broadcast %min3A_201 : i32 to vector<16xi32>
    %min3A_203 = arith.minsi %get3A_200, %min3A_202 : vector<16xi32>
    %swap3A_204 = arith.constant 1 : i32
    %swap3A_205 = arith.index_cast %swap3A_204 : i32 to index
    %swap3A_206 = arith.constant 0 : index
    %swap3A_207 = tpu.vector_load %arg6[%swap3A_205, %swap3A_206] {strides = array<i32>} : memref<4x128xi32, #tpu.memory_space<vmem>>, vector<1x16xi32>,
    %swap3A_208 = vector.shape_cast %swap3A_207 : vector<1x16xi32> to vector<16xi32>
    %swap3A_209 = vector.shape_cast %min3A_203 : vector<16xi32> to vector<1x16xi32>
    tpu.vector_store %arg6[%swap3A_205, %swap3A_206], %swap3A_209 {strides = array<i32>} : memref<4x128xi32, #tpu.memory_space<vmem>>, vector<1x16xi32>,
    %get3A_210 = arith.constant 1 : i32
    %get3A_211 = arith.index_cast %get3A_210 : i32 to index
    %get3A_212 = arith.constant 16 : index
    %get3A_213 = tpu.vector_load %arg5[%get3A_211, %get3A_212] {strides = array<i32>} : memref<4x128xi32, #tpu.memory_space<vmem>>, vector<1x16xi32>,
    %get3A_214 = vector.shape_cast %get3A_213 : vector<1x16xi32> to vector<16xi32>
    %min3A_215 = arith.constant 8063 : i32
    %min3A_216 = vector.broadcast %min3A_215 : i32 to vector<16xi32>
    %min3A_217 = arith.minsi %get3A_214, %min3A_216 : vector<16xi32>
    %swap3A_218 = arith.constant 1 : i32
    %swap3A_219 = arith.index_cast %swap3A_218 : i32 to index
    %swap3A_220 = arith.constant 16 : index
    %swap3A_221 = tpu.vector_load %arg6[%swap3A_219, %swap3A_220] {strides = array<i32>} : memref<4x128xi32, #tpu.memory_space<vmem>>, vector<1x16xi32>,
    %swap3A_222 = vector.shape_cast %swap3A_221 : vector<1x16xi32> to vector<16xi32>
    %swap3A_223 = vector.shape_cast %min3A_217 : vector<16xi32> to vector<1x16xi32>
    tpu.vector_store %arg6[%swap3A_219, %swap3A_220], %swap3A_223 {strides = array<i32>} : memref<4x128xi32, #tpu.memory_space<vmem>>, vector<1x16xi32>,
    %get3A_224 = arith.constant 1 : i32
    %get3A_225 = arith.index_cast %get3A_224 : i32 to index
    %get3A_226 = arith.constant 32 : index
    %get3A_227 = tpu.vector_load %arg5[%get3A_225, %get3A_226] {strides = array<i32>} : memref<4x128xi32, #tpu.memory_space<vmem>>, vector<1x16xi32>,
    %get3A_228 = vector.shape_cast %get3A_227 : vector<1x16xi32> to vector<16xi32>
    %min3A_229 = arith.constant 8063 : i32
    %min3A_230 = vector.broadcast %min3A_229 : i32 to vector<16xi32>
    %min3A_231 = arith.minsi %get3A_228, %min3A_230 : vector<16xi32>
    %swap3A_232 = arith.constant 1 : i32
    %swap3A_233 = arith.index_cast %swap3A_232 : i32 to index
    %swap3A_234 = arith.constant 32 : index
    %swap3A_235 = tpu.vector_load %arg6[%swap3A_233, %swap3A_234] {strides = array<i32>} : memref<4x128xi32, #tpu.memory_space<vmem>>, vector<1x16xi32>,
    %swap3A_236 = vector.shape_cast %swap3A_235 : vector<1x16xi32> to vector<16xi32>
    %swap3A_237 = vector.shape_cast %min3A_231 : vector<16xi32> to vector<1x16xi32>
    tpu.vector_store %arg6[%swap3A_233, %swap3A_234], %swap3A_237 {strides = array<i32>} : memref<4x128xi32, #tpu.memory_space<vmem>>, vector<1x16xi32>,
    %get3A_238 = arith.constant 1 : i32
    %get3A_239 = arith.index_cast %get3A_238 : i32 to index
    %get3A_240 = arith.constant 48 : index
    %get3A_241 = tpu.vector_load %arg5[%get3A_239, %get3A_240] {strides = array<i32>} : memref<4x128xi32, #tpu.memory_space<vmem>>, vector<1x16xi32>,
    %get3A_242 = vector.shape_cast %get3A_241 : vector<1x16xi32> to vector<16xi32>
    %min3A_243 = arith.constant 8063 : i32
    %min3A_244 = vector.broadcast %min3A_243 : i32 to vector<16xi32>
    %min3A_245 = arith.minsi %get3A_242, %min3A_244 : vector<16xi32>
    %swap3A_246 = arith.constant 1 : i32
    %swap3A_247 = arith.index_cast %swap3A_246 : i32 to index
    %swap3A_248 = arith.constant 48 : index
    %swap3A_249 = tpu.vector_load %arg6[%swap3A_247, %swap3A_248] {strides = array<i32>} : memref<4x128xi32, #tpu.memory_space<vmem>>, vector<1x16xi32>,
    %swap3A_250 = vector.shape_cast %swap3A_249 : vector<1x16xi32> to vector<16xi32>
    %swap3A_251 = vector.shape_cast %min3A_245 : vector<16xi32> to vector<1x16xi32>
    tpu.vector_store %arg6[%swap3A_247, %swap3A_248], %swap3A_251 {strides = array<i32>} : memref<4x128xi32, #tpu.memory_space<vmem>>, vector<1x16xi32>,
    %get3A_252 = arith.constant 1 : i32
    %get3A_253 = arith.index_cast %get3A_252 : i32 to index
    %get3A_254 = arith.constant 64 : index
    %get3A_255 = tpu.vector_load %arg5[%get3A_253, %get3A_254] {strides = array<i32>} : memref<4x128xi32, #tpu.memory_space<vmem>>, vector<1x16xi32>,
    %get3A_256 = vector.shape_cast %get3A_255 : vector<1x16xi32> to vector<16xi32>
    %min3A_257 = arith.constant 8063 : i32
    %min3A_258 = vector.broadcast %min3A_257 : i32 to vector<16xi32>
    %min3A_259 = arith.minsi %get3A_256, %min3A_258 : vector<16xi32>
    %swap3A_260 = arith.constant 1 : i32
    %swap3A_261 = arith.index_cast %swap3A_260 : i32 to index
    %swap3A_262 = arith.constant 64 : index
    %swap3A_263 = tpu.vector_load %arg6[%swap3A_261, %swap3A_262] {strides = array<i32>} : memref<4x128xi32, #tpu.memory_space<vmem>>, vector<1x16xi32>,
    %swap3A_264 = vector.shape_cast %swap3A_263 : vector<1x16xi32> to vector<16xi32>
    %swap3A_265 = vector.shape_cast %min3A_259 : vector<16xi32> to vector<1x16xi32>
    tpu.vector_store %arg6[%swap3A_261, %swap3A_262], %swap3A_265 {strides = array<i32>} : memref<4x128xi32, #tpu.memory_space<vmem>>, vector<1x16xi32>,
    %get3A_266 = arith.constant 1 : i32
    %get3A_267 = arith.index_cast %get3A_266 : i32 to index
    %get3A_268 = arith.constant 80 : index
    %get3A_269 = tpu.vector_load %arg5[%get3A_267, %get3A_268] {strides = array<i32>} : memref<4x128xi32, #tpu.memory_space<vmem>>, vector<1x16xi32>,
    %get3A_270 = vector.shape_cast %get3A_269 : vector<1x16xi32> to vector<16xi32>
    %min3A_271 = arith.constant 8063 : i32
    %min3A_272 = vector.broadcast %min3A_271 : i32 to vector<16xi32>
    %min3A_273 = arith.minsi %get3A_270, %min3A_272 : vector<16xi32>
    %swap3A_274 = arith.constant 1 : i32
    %swap3A_275 = arith.index_cast %swap3A_274 : i32 to index
    %swap3A_276 = arith.constant 80 : index
    %swap3A_277 = tpu.vector_load %arg6[%swap3A_275, %swap3A_276] {strides = array<i32>} : memref<4x128xi32, #tpu.memory_space<vmem>>, vector<1x16xi32>,
    %swap3A_278 = vector.shape_cast %swap3A_277 : vector<1x16xi32> to vector<16xi32>
    %swap3A_279 = vector.shape_cast %min3A_273 : vector<16xi32> to vector<1x16xi32>
    tpu.vector_store %arg6[%swap3A_275, %swap3A_276], %swap3A_279 {strides = array<i32>} : memref<4x128xi32, #tpu.memory_space<vmem>>, vector<1x16xi32>,
    %get3A_280 = arith.constant 1 : i32
    %get3A_281 = arith.index_cast %get3A_280 : i32 to index
    %get3A_282 = arith.constant 96 : index
    %get3A_283 = tpu.vector_load %arg5[%get3A_281, %get3A_282] {strides = array<i32>} : memref<4x128xi32, #tpu.memory_space<vmem>>, vector<1x16xi32>,
    %get3A_284 = vector.shape_cast %get3A_283 : vector<1x16xi32> to vector<16xi32>
    %min3A_285 = arith.constant 8063 : i32
    %min3A_286 = vector.broadcast %min3A_285 : i32 to vector<16xi32>
    %min3A_287 = arith.minsi %get3A_284, %min3A_286 : vector<16xi32>
    %swap3A_288 = arith.constant 1 : i32
    %swap3A_289 = arith.index_cast %swap3A_288 : i32 to index
    %swap3A_290 = arith.constant 96 : index
    %swap3A_291 = tpu.vector_load %arg6[%swap3A_289, %swap3A_290] {strides = array<i32>} : memref<4x128xi32, #tpu.memory_space<vmem>>, vector<1x16xi32>,
    %swap3A_292 = vector.shape_cast %swap3A_291 : vector<1x16xi32> to vector<16xi32>
    %swap3A_293 = vector.shape_cast %min3A_287 : vector<16xi32> to vector<1x16xi32>
    tpu.vector_store %arg6[%swap3A_289, %swap3A_290], %swap3A_293 {strides = array<i32>} : memref<4x128xi32, #tpu.memory_space<vmem>>, vector<1x16xi32>,
    %get3A_294 = arith.constant 1 : i32
    %get3A_295 = arith.index_cast %get3A_294 : i32 to index
    %get3A_296 = arith.constant 112 : index
    %get3A_297 = tpu.vector_load %arg5[%get3A_295, %get3A_296] {strides = array<i32>} : memref<4x128xi32, #tpu.memory_space<vmem>>, vector<1x16xi32>,
    %get3A_298 = vector.shape_cast %get3A_297 : vector<1x16xi32> to vector<16xi32>
    %min3A_299 = arith.constant 8063 : i32
    %min3A_300 = vector.broadcast %min3A_299 : i32 to vector<16xi32>
    %min3A_301 = arith.minsi %get3A_298, %min3A_300 : vector<16xi32>
    %swap3A_302 = arith.constant 1 : i32
    %swap3A_303 = arith.index_cast %swap3A_302 : i32 to index
    %swap3A_304 = arith.constant 112 : index
    %swap3A_305 = tpu.vector_load %arg6[%swap3A_303, %swap3A_304] {strides = array<i32>} : memref<4x128xi32, #tpu.memory_space<vmem>>, vector<1x16xi32>,
    %swap3A_306 = vector.shape_cast %swap3A_305 : vector<1x16xi32> to vector<16xi32>
    %swap3A_307 = vector.shape_cast %min3A_301 : vector<16xi32> to vector<1x16xi32>
    tpu.vector_store %arg6[%swap3A_303, %swap3A_304], %swap3A_307 {strides = array<i32>} : memref<4x128xi32, #tpu.memory_space<vmem>>, vector<1x16xi32>,
    %dma_start3A_308 = arith.constant 1 : i32
    %dma_start3A_309 = arith.constant 128 : i32
    %dma_start3A_310 = arith.constant 0 : i32
    %dma_start3A_311 = tpu.memref_slice %arg7[%dma_start3A_309, %dma_start3A_310] : memref<512x128xf32, #tpu.memory_space<vmem>> -> memref<128x128xf32, #tpu.memory_space<vmem>>
    %dma_start3A_312 = arith.constant 0 : i32
    %dma_start3A_313 = tpu.memref_slice %arg6[%dma_start3A_308, %dma_start3A_312] : memref<4x128xi32, #tpu.memory_space<vmem>> -> memref<1x128xi32, #tpu.memory_space<vmem>>
    %dma_start3A_314 = tpu.memref_squeeze %dma_start3A_313 : memref<1x128xi32, #tpu.memory_space<vmem>> -> memref<128xi32, #tpu.memory_space<vmem>>
    %dma_start3A_315 = arith.constant 0 : i32
    %dma_start3A_316 = arith.constant 0 : i32
    %dma_start3A_317 = tpu.memref_slice %arg8[%dma_start3A_315, %dma_start3A_316] : memref<8064x128xf32, #tpu.memory_space<vmem_shared>> -> memref<8064x128xf32, #tpu.memory_space<vmem_shared>>
    tpu.enqueue_indirect_dma source(%dma_start3A_317 : memref<8064x128xf32, #tpu.memory_space<vmem_shared>>) target(%dma_start3A_311 : memref<128x128xf32, #tpu.memory_space<vmem>>) offsets(%dma_start3A_314 : memref<128xi32, #tpu.memory_space<vmem>>) semaphore(%arg14 : memref<!tpu.dma_semaphore, #tpu.memory_space<semaphore_mem>>)
    %add3A_318 = arith.constant 2 : i32
    %add3A_319 = arith.addi %mul3A_2, %add3A_318 : i32
    %dma_wait3A_320 = arith.constant 2 : i32
    %dma_wait3A_321 = arith.constant 0 : i32
    %dma_wait3A_322 = tpu.memref_slice %arg5[%dma_wait3A_320, %dma_wait3A_321] : memref<4x128xi32, #tpu.memory_space<vmem>> -> memref<1x128xi32, #tpu.memory_space<vmem>>
    %dma_wait3A_323 = arith.constant 0 : i32
    %dma_wait3A_324 = tpu.memref_slice %arg2[%add3A_319, %dma_wait3A_323] : memref<6400x128xi32, #tpu.memory_space<hbm>> -> memref<1x128xi32, #tpu.memory_space<hbm>>
    %dma_wait3A_325 = arith.constant 2 : i32
    %dma_wait3A_326 = arith.constant 0 : i32
    %dma_wait3A_327 = tpu.memref_slice %arg5[%dma_wait3A_325, %dma_wait3A_326] : memref<4x128xi32, #tpu.memory_space<vmem>> -> memref<1x128xi32, #tpu.memory_space<vmem>>
    %dma_wait3A_328 = arith.constant 0 : i32
    %dma_wait3A_329 = tpu.memref_slice %arg2[%add3A_319, %dma_wait3A_328] : memref<6400x128xi32, #tpu.memory_space<hbm>> -> memref<1x128xi32, #tpu.memory_space<hbm>>
    tpu.wait_dma2 semaphore(%arg11 : memref<!tpu.dma_semaphore, #tpu.memory_space<semaphore_mem>>) src(%dma_wait3A_329 : memref<1x128xi32, #tpu.memory_space<hbm>>) dst(%dma_wait3A_327 : memref<1x128xi32, #tpu.memory_space<vmem>>)
    %get3A_330 = arith.constant 2 : i32
    %get3A_331 = arith.index_cast %get3A_330 : i32 to index
    %get3A_332 = arith.constant 0 : index
    %get3A_333 = tpu.vector_load %arg5[%get3A_331, %get3A_332] {strides = array<i32>} : memref<4x128xi32, #tpu.memory_space<vmem>>, vector<1x16xi32>,
    %get3A_334 = vector.shape_cast %get3A_333 : vector<1x16xi32> to vector<16xi32>
    %min3A_335 = arith.constant 8063 : i32
    %min3A_336 = vector.broadcast %min3A_335 : i32 to vector<16xi32>
    %min3A_337 = arith.minsi %get3A_334, %min3A_336 : vector<16xi32>
    %swap3A_338 = arith.constant 2 : i32
    %swap3A_339 = arith.index_cast %swap3A_338 : i32 to index
    %swap3A_340 = arith.constant 0 : index
    %swap3A_341 = tpu.vector_load %arg6[%swap3A_339, %swap3A_340] {strides = array<i32>} : memref<4x128xi32, #tpu.memory_space<vmem>>, vector<1x16xi32>,
    %swap3A_342 = vector.shape_cast %swap3A_341 : vector<1x16xi32> to vector<16xi32>
    %swap3A_343 = vector.shape_cast %min3A_337 : vector<16xi32> to vector<1x16xi32>
    tpu.vector_store %arg6[%swap3A_339, %swap3A_340], %swap3A_343 {strides = array<i32>} : memref<4x128xi32, #tpu.memory_space<vmem>>, vector<1x16xi32>,
    %get3A_344 = arith.constant 2 : i32
    %get3A_345 = arith.index_cast %get3A_344 : i32 to index
    %get3A_346 = arith.constant 16 : index
    %get3A_347 = tpu.vector_load %arg5[%get3A_345, %get3A_346] {strides = array<i32>} : memref<4x128xi32, #tpu.memory_space<vmem>>, vector<1x16xi32>,
    %get3A_348 = vector.shape_cast %get3A_347 : vector<1x16xi32> to vector<16xi32>
    %min3A_349 = arith.constant 8063 : i32
    %min3A_350 = vector.broadcast %min3A_349 : i32 to vector<16xi32>
    %min3A_351 = arith.minsi %get3A_348, %min3A_350 : vector<16xi32>
    %swap3A_352 = arith.constant 2 : i32
    %swap3A_353 = arith.index_cast %swap3A_352 : i32 to index
    %swap3A_354 = arith.constant 16 : index
    %swap3A_355 = tpu.vector_load %arg6[%swap3A_353, %swap3A_354] {strides = array<i32>} : memref<4x128xi32, #tpu.memory_space<vmem>>, vector<1x16xi32>,
    %swap3A_356 = vector.shape_cast %swap3A_355 : vector<1x16xi32> to vector<16xi32>
    %swap3A_357 = vector.shape_cast %min3A_351 : vector<16xi32> to vector<1x16xi32>
    tpu.vector_store %arg6[%swap3A_353, %swap3A_354], %swap3A_357 {strides = array<i32>} : memref<4x128xi32, #tpu.memory_space<vmem>>, vector<1x16xi32>,
    %get3A_358 = arith.constant 2 : i32
    %get3A_359 = arith.index_cast %get3A_358 : i32 to index
    %get3A_360 = arith.constant 32 : index
    %get3A_361 = tpu.vector_load %arg5[%get3A_359, %get3A_360] {strides = array<i32>} : memref<4x128xi32, #tpu.memory_space<vmem>>, vector<1x16xi32>,
    %get3A_362 = vector.shape_cast %get3A_361 : vector<1x16xi32> to vector<16xi32>
    %min3A_363 = arith.constant 8063 : i32
    %min3A_364 = vector.broadcast %min3A_363 : i32 to vector<16xi32>
    %min3A_365 = arith.minsi %get3A_362, %min3A_364 : vector<16xi32>
    %swap3A_366 = arith.constant 2 : i32
    %swap3A_367 = arith.index_cast %swap3A_366 : i32 to index
    %swap3A_368 = arith.constant 32 : index
    %swap3A_369 = tpu.vector_load %arg6[%swap3A_367, %swap3A_368] {strides = array<i32>} : memref<4x128xi32, #tpu.memory_space<vmem>>, vector<1x16xi32>,
    %swap3A_370 = vector.shape_cast %swap3A_369 : vector<1x16xi32> to vector<16xi32>
    %swap3A_371 = vector.shape_cast %min3A_365 : vector<16xi32> to vector<1x16xi32>
    tpu.vector_store %arg6[%swap3A_367, %swap3A_368], %swap3A_371 {strides = array<i32>} : memref<4x128xi32, #tpu.memory_space<vmem>>, vector<1x16xi32>,
    %get3A_372 = arith.constant 2 : i32
    %get3A_373 = arith.index_cast %get3A_372 : i32 to index
    %get3A_374 = arith.constant 48 : index
    %get3A_375 = tpu.vector_load %arg5[%get3A_373, %get3A_374] {strides = array<i32>} : memref<4x128xi32, #tpu.memory_space<vmem>>, vector<1x16xi32>,
    %get3A_376 = vector.shape_cast %get3A_375 : vector<1x16xi32> to vector<16xi32>
    %min3A_377 = arith.constant 8063 : i32
    %min3A_378 = vector.broadcast %min3A_377 : i32 to vector<16xi32>
    %min3A_379 = arith.minsi %get3A_376, %min3A_378 : vector<16xi32>
    %swap3A_380 = arith.constant 2 : i32
    %swap3A_381 = arith.index_cast %swap3A_380 : i32 to index
    %swap3A_382 = arith.constant 48 : index
    %swap3A_383 = tpu.vector_load %arg6[%swap3A_381, %swap3A_382] {strides = array<i32>} : memref<4x128xi32, #tpu.memory_space<vmem>>, vector<1x16xi32>,
    %swap3A_384 = vector.shape_cast %swap3A_383 : vector<1x16xi32> to vector<16xi32>
    %swap3A_385 = vector.shape_cast %min3A_379 : vector<16xi32> to vector<1x16xi32>
    tpu.vector_store %arg6[%swap3A_381, %swap3A_382], %swap3A_385 {strides = array<i32>} : memref<4x128xi32, #tpu.memory_space<vmem>>, vector<1x16xi32>,
    %get3A_386 = arith.constant 2 : i32
    %get3A_387 = arith.index_cast %get3A_386 : i32 to index
    %get3A_388 = arith.constant 64 : index
    %get3A_389 = tpu.vector_load %arg5[%get3A_387, %get3A_388] {strides = array<i32>} : memref<4x128xi32, #tpu.memory_space<vmem>>, vector<1x16xi32>,
    %get3A_390 = vector.shape_cast %get3A_389 : vector<1x16xi32> to vector<16xi32>
    %min3A_391 = arith.constant 8063 : i32
    %min3A_392 = vector.broadcast %min3A_391 : i32 to vector<16xi32>
    %min3A_393 = arith.minsi %get3A_390, %min3A_392 : vector<16xi32>
    %swap3A_394 = arith.constant 2 : i32
    %swap3A_395 = arith.index_cast %swap3A_394 : i32 to index
    %swap3A_396 = arith.constant 64 : index
    %swap3A_397 = tpu.vector_load %arg6[%swap3A_395, %swap3A_396] {strides = array<i32>} : memref<4x128xi32, #tpu.memory_space<vmem>>, vector<1x16xi32>,
    %swap3A_398 = vector.shape_cast %swap3A_397 : vector<1x16xi32> to vector<16xi32>
    %swap3A_399 = vector.shape_cast %min3A_393 : vector<16xi32> to vector<1x16xi32>
    tpu.vector_store %arg6[%swap3A_395, %swap3A_396], %swap3A_399 {strides = array<i32>} : memref<4x128xi32, #tpu.memory_space<vmem>>, vector<1x16xi32>,
    %get3A_400 = arith.constant 2 : i32
    %get3A_401 = arith.index_cast %get3A_400 : i32 to index
    %get3A_402 = arith.constant 80 : index
    %get3A_403 = tpu.vector_load %arg5[%get3A_401, %get3A_402] {strides = array<i32>} : memref<4x128xi32, #tpu.memory_space<vmem>>, vector<1x16xi32>,
    %get3A_404 = vector.shape_cast %get3A_403 : vector<1x16xi32> to vector<16xi32>
    %min3A_405 = arith.constant 8063 : i32
    %min3A_406 = vector.broadcast %min3A_405 : i32 to vector<16xi32>
    %min3A_407 = arith.minsi %get3A_404, %min3A_406 : vector<16xi32>
    %swap3A_408 = arith.constant 2 : i32
    %swap3A_409 = arith.index_cast %swap3A_408 : i32 to index
    %swap3A_410 = arith.constant 80 : index
    %swap3A_411 = tpu.vector_load %arg6[%swap3A_409, %swap3A_410] {strides = array<i32>} : memref<4x128xi32, #tpu.memory_space<vmem>>, vector<1x16xi32>,
    %swap3A_412 = vector.shape_cast %swap3A_411 : vector<1x16xi32> to vector<16xi32>
    %swap3A_413 = vector.shape_cast %min3A_407 : vector<16xi32> to vector<1x16xi32>
    tpu.vector_store %arg6[%swap3A_409, %swap3A_410], %swap3A_413 {strides = array<i32>} : memref<4x128xi32, #tpu.memory_space<vmem>>, vector<1x16xi32>,
    %get3A_414 = arith.constant 2 : i32
    %get3A_415 = arith.index_cast %get3A_414 : i32 to index
    %get3A_416 = arith.constant 96 : index
    %get3A_417 = tpu.vector_load %arg5[%get3A_415, %get3A_416] {strides = array<i32>} : memref<4x128xi32, #tpu.memory_space<vmem>>, vector<1x16xi32>,
    %get3A_418 = vector.shape_cast %get3A_417 : vector<1x16xi32> to vector<16xi32>
    %min3A_419 = arith.constant 8063 : i32
    %min3A_420 = vector.broadcast %min3A_419 : i32 to vector<16xi32>
    %min3A_421 = arith.minsi %get3A_418, %min3A_420 : vector<16xi32>
    %swap3A_422 = arith.constant 2 : i32
    %swap3A_423 = arith.index_cast %swap3A_422 : i32 to index
    %swap3A_424 = arith.constant 96 : index
    %swap3A_425 = tpu.vector_load %arg6[%swap3A_423, %swap3A_424] {strides = array<i32>} : memref<4x128xi32, #tpu.memory_space<vmem>>, vector<1x16xi32>,
    %swap3A_426 = vector.shape_cast %swap3A_425 : vector<1x16xi32> to vector<16xi32>
    %swap3A_427 = vector.shape_cast %min3A_421 : vector<16xi32> to vector<1x16xi32>
    tpu.vector_store %arg6[%swap3A_423, %swap3A_424], %swap3A_427 {strides = array<i32>} : memref<4x128xi32, #tpu.memory_space<vmem>>, vector<1x16xi32>,
    %get3A_428 = arith.constant 2 : i32
    %get3A_429 = arith.index_cast %get3A_428 : i32 to index
    %get3A_430 = arith.constant 112 : index
    %get3A_431 = tpu.vector_load %arg5[%get3A_429, %get3A_430] {strides = array<i32>} : memref<4x128xi32, #tpu.memory_space<vmem>>, vector<1x16xi32>,
    %get3A_432 = vector.shape_cast %get3A_431 : vector<1x16xi32> to vector<16xi32>
    %min3A_433 = arith.constant 8063 : i32
    %min3A_434 = vector.broadcast %min3A_433 : i32 to vector<16xi32>
    %min3A_435 = arith.minsi %get3A_432, %min3A_434 : vector<16xi32>
    %swap3A_436 = arith.constant 2 : i32
    %swap3A_437 = arith.index_cast %swap3A_436 : i32 to index
    %swap3A_438 = arith.constant 112 : index
    %swap3A_439 = tpu.vector_load %arg6[%swap3A_437, %swap3A_438] {strides = array<i32>} : memref<4x128xi32, #tpu.memory_space<vmem>>, vector<1x16xi32>,
    %swap3A_440 = vector.shape_cast %swap3A_439 : vector<1x16xi32> to vector<16xi32>
    %swap3A_441 = vector.shape_cast %min3A_435 : vector<16xi32> to vector<1x16xi32>
    tpu.vector_store %arg6[%swap3A_437, %swap3A_438], %swap3A_441 {strides = array<i32>} : memref<4x128xi32, #tpu.memory_space<vmem>>, vector<1x16xi32>,
    %dma_start3A_442 = arith.constant 2 : i32
    %dma_start3A_443 = arith.constant 256 : i32
    %dma_start3A_444 = arith.constant 0 : i32
    %dma_start3A_445 = tpu.memref_slice %arg7[%dma_start3A_443, %dma_start3A_444] : memref<512x128xf32, #tpu.memory_space<vmem>> -> memref<128x128xf32, #tpu.memory_space<vmem>>
    %dma_start3A_446 = arith.constant 0 : i32
    %dma_start3A_447 = tpu.memref_slice %arg6[%dma_start3A_442, %dma_start3A_446] : memref<4x128xi32, #tpu.memory_space<vmem>> -> memref<1x128xi32, #tpu.memory_space<vmem>>
    %dma_start3A_448 = tpu.memref_squeeze %dma_start3A_447 : memref<1x128xi32, #tpu.memory_space<vmem>> -> memref<128xi32, #tpu.memory_space<vmem>>
    %dma_start3A_449 = arith.constant 0 : i32
    %dma_start3A_450 = arith.constant 0 : i32
    %dma_start3A_451 = tpu.memref_slice %arg8[%dma_start3A_449, %dma_start3A_450] : memref<8064x128xf32, #tpu.memory_space<vmem_shared>> -> memref<8064x128xf32, #tpu.memory_space<vmem_shared>>
    tpu.enqueue_indirect_dma source(%dma_start3A_451 : memref<8064x128xf32, #tpu.memory_space<vmem_shared>>) target(%dma_start3A_445 : memref<128x128xf32, #tpu.memory_space<vmem>>) offsets(%dma_start3A_448 : memref<128xi32, #tpu.memory_space<vmem>>) semaphore(%arg15 : memref<!tpu.dma_semaphore, #tpu.memory_space<semaphore_mem>>)
    %scan3A = arith.constant 0 : i32
    %scan3A_452 = arith.constant 0 : i32
    %scan3A_453 = arith.constant 50 : i32
    %scan3A_454 = arith.addi %scan3A_452, %scan3A_453 : i32
    %scan3A_455 = arith.constant 1 : i32
    scf.for %scan3A_513 = %scan3A_452 to %scan3A_454 step %scan3A_455  : i32 {
      %mul3A_514 = arith.constant 4 : i32
      %mul3A_515 = arith.muli %mul3A_514, %scan3A_513 : i32
      %add3A_516 = arith.constant 0 : i32
      %add3A_517 = arith.addi %mul3A_515, %add3A_516 : i32
      %dma_wait3A_518 = arith.constant 0 : i32
      %dma_wait3A_519 = arith.constant 0 : i32
      %dma_wait3A_520 = arith.constant 0 : i32
      %dma_wait3A_521 = tpu.memref_slice %arg7[%dma_wait3A_519, %dma_wait3A_520] : memref<512x128xf32, #tpu.memory_space<vmem>> -> memref<128x128xf32, #tpu.memory_space<vmem>>
      %dma_wait3A_522 = arith.constant 0 : i32
      %dma_wait3A_523 = tpu.memref_slice %arg6[%dma_wait3A_518, %dma_wait3A_522] : memref<4x128xi32, #tpu.memory_space<vmem>> -> memref<1x128xi32, #tpu.memory_space<vmem>>
      %dma_wait3A_524 = tpu.memref_squeeze %dma_wait3A_523 : memref<1x128xi32, #tpu.memory_space<vmem>> -> memref<128xi32, #tpu.memory_space<vmem>>
      %dma_wait3A_525 = arith.constant 0 : i32
      %dma_wait3A_526 = arith.constant 0 : i32
      %dma_wait3A_527 = tpu.memref_slice %arg8[%dma_wait3A_525, %dma_wait3A_526] : memref<8064x128xf32, #tpu.memory_space<vmem_shared>> -> memref<8064x128xf32, #tpu.memory_space<vmem_shared>>
      tpu.wait_indirect_dma semaphore(%arg13 : memref<!tpu.dma_semaphore, #tpu.memory_space<semaphore_mem>>) src(%dma_wait3A_527 : memref<8064x128xf32, #tpu.memory_space<vmem_shared>>) dst(%dma_wait3A_521 : memref<128x128xf32, #tpu.memory_space<vmem>>)
      %scan3A_528 = arith.constant 0 : i32
      %scan3A_529 = arith.constant 0 : i32
      %scan3A_530 = arith.constant 8 : i32
      %scan3A_531 = arith.addi %scan3A_529, %scan3A_530 : i32
      %scan3A_532 = arith.constant 1 : i32
      %scan3A_533 = scf.for %scan3A_742 = %scan3A_529 to %scan3A_531 step %scan3A_532 iter_args(%scan3A_743 = %scan3A_528) -> (i32)  : i32 {
        %mul3A_744 = arith.constant 16 : i32
        %mul3A_745 = arith.muli %scan3A_742, %mul3A_744 : i32
        %get3A_746 = arith.constant 0 : i32
        %get3A_747 = arith.index_cast %get3A_746 : i32 to index
        %get3A_748 = arith.index_cast %mul3A_745 : i32 to index
        %get3A_749 = tpu.vector_load %arg5[%get3A_747, %get3A_748] {strides = array<i32>} : memref<4x128xi32, #tpu.memory_space<vmem>>, vector<1x16xi32>,
        %get3A_750 = vector.shape_cast %get3A_749 : vector<1x16xi32> to vector<16xi32>
        %slice3A = vector.extract_strided_slice %get3A_750 {offsets = [0], sizes = [1], strides = [1]} : vector<16xi32> to vector<1xi32>
        %squeeze3A = vector.extract %slice3A[0] : i32 from vector<1xi32>
        %ge3A = arith.constant 8064 : i32
        %ge3A_751 = arith.cmpi sge, %squeeze3A, %ge3A : i32
        %jit3A = arith.constant 1 : i32
        %jit3A_752 = arith.constant 0 : i32
        %select_n3A = arith.select %ge3A_751, %jit3A, %jit3A_752 : i32
        %add3A_753 = arith.constant 0 : i32
        %add3A_754 = arith.addi %add3A_753, %select_n3A : i32
        %slice3A_755 = vector.extract_strided_slice %get3A_750 {offsets = [1], sizes = [1], strides = [1]} : vector<16xi32> to vector<1xi32>
        %squeeze3A_756 = vector.extract %slice3A_755[0] : i32 from vector<1xi32>
        %ge3A_757 = arith.constant 8064 : i32
        %ge3A_758 = arith.cmpi sge, %squeeze3A_756, %ge3A_757 : i32
        %jit3A_759 = arith.constant 1 : i32
        %jit3A_760 = arith.constant 0 : i32
        %select_n3A_761 = arith.select %ge3A_758, %jit3A_759, %jit3A_760 : i32
        %add3A_762 = arith.addi %add3A_754, %select_n3A_761 : i32
        %slice3A_763 = vector.extract_strided_slice %get3A_750 {offsets = [2], sizes = [1], strides = [1]} : vector<16xi32> to vector<1xi32>
        %squeeze3A_764 = vector.extract %slice3A_763[0] : i32 from vector<1xi32>
        %ge3A_765 = arith.constant 8064 : i32
        %ge3A_766 = arith.cmpi sge, %squeeze3A_764, %ge3A_765 : i32
        %jit3A_767 = arith.constant 1 : i32
        %jit3A_768 = arith.constant 0 : i32
        %select_n3A_769 = arith.select %ge3A_766, %jit3A_767, %jit3A_768 : i32
        %add3A_770 = arith.addi %add3A_762, %select_n3A_769 : i32
        %slice3A_771 = vector.extract_strided_slice %get3A_750 {offsets = [3], sizes = [1], strides = [1]} : vector<16xi32> to vector<1xi32>
        %squeeze3A_772 = vector.extract %slice3A_771[0] : i32 from vector<1xi32>
        %ge3A_773 = arith.constant 8064 : i32
        %ge3A_774 = arith.cmpi sge, %squeeze3A_772, %ge3A_773 : i32
        %jit3A_775 = arith.constant 1 : i32
        %jit3A_776 = arith.constant 0 : i32
        %select_n3A_777 = arith.select %ge3A_774, %jit3A_775, %jit3A_776 : i32
        %add3A_778 = arith.addi %add3A_770, %select_n3A_777 : i32
        %slice3A_779 = vector.extract_strided_slice %get3A_750 {offsets = [4], sizes = [1], strides = [1]} : vector<16xi32> to vector<1xi32>
        %squeeze3A_780 = vector.extract %slice3A_779[0] : i32 from vector<1xi32>
        %ge3A_781 = arith.constant 8064 : i32
        %ge3A_782 = arith.cmpi sge, %squeeze3A_780, %ge3A_781 : i32
        %jit3A_783 = arith.constant 1 : i32
        %jit3A_784 = arith.constant 0 : i32
        %select_n3A_785 = arith.select %ge3A_782, %jit3A_783, %jit3A_784 : i32
        %add3A_786 = arith.addi %add3A_778, %select_n3A_785 : i32
        %slice3A_787 = vector.extract_strided_slice %get3A_750 {offsets = [5], sizes = [1], strides = [1]} : vector<16xi32> to vector<1xi32>
        %squeeze3A_788 = vector.extract %slice3A_787[0] : i32 from vector<1xi32>
        %ge3A_789 = arith.constant 8064 : i32
        %ge3A_790 = arith.cmpi sge, %squeeze3A_788, %ge3A_789 : i32
        %jit3A_791 = arith.constant 1 : i32
        %jit3A_792 = arith.constant 0 : i32
        %select_n3A_793 = arith.select %ge3A_790, %jit3A_791, %jit3A_792 : i32
        %add3A_794 = arith.addi %add3A_786, %select_n3A_793 : i32
        %slice3A_795 = vector.extract_strided_slice %get3A_750 {offsets = [6], sizes = [1], strides = [1]} : vector<16xi32> to vector<1xi32>
        %squeeze3A_796 = vector.extract %slice3A_795[0] : i32 from vector<1xi32>
        %ge3A_797 = arith.constant 8064 : i32
        %ge3A_798 = arith.cmpi sge, %squeeze3A_796, %ge3A_797 : i32
        %jit3A_799 = arith.constant 1 : i32
        %jit3A_800 = arith.constant 0 : i32
        %select_n3A_801 = arith.select %ge3A_798, %jit3A_799, %jit3A_800 : i32
        %add3A_802 = arith.addi %add3A_794, %select_n3A_801 : i32
        %slice3A_803 = vector.extract_strided_slice %get3A_750 {offsets = [7], sizes = [1], strides = [1]} : vector<16xi32> to vector<1xi32>
        %squeeze3A_804 = vector.extract %slice3A_803[0] : i32 from vector<1xi32>
        %ge3A_805 = arith.constant 8064 : i32
        %ge3A_806 = arith.cmpi sge, %squeeze3A_804, %ge3A_805 : i32
        %jit3A_807 = arith.constant 1 : i32
        %jit3A_808 = arith.constant 0 : i32
        %select_n3A_809 = arith.select %ge3A_806, %jit3A_807, %jit3A_808 : i32
        %add3A_810 = arith.addi %add3A_802, %select_n3A_809 : i32
        %slice3A_811 = vector.extract_strided_slice %get3A_750 {offsets = [8], sizes = [1], strides = [1]} : vector<16xi32> to vector<1xi32>
        %squeeze3A_812 = vector.extract %slice3A_811[0] : i32 from vector<1xi32>
        %ge3A_813 = arith.constant 8064 : i32
        %ge3A_814 = arith.cmpi sge, %squeeze3A_812, %ge3A_813 : i32
        %jit3A_815 = arith.constant 1 : i32
        %jit3A_816 = arith.constant 0 : i32
        %select_n3A_817 = arith.select %ge3A_814, %jit3A_815, %jit3A_816 : i32
        %add3A_818 = arith.addi %add3A_810, %select_n3A_817 : i32
        %slice3A_819 = vector.extract_strided_slice %get3A_750 {offsets = [9], sizes = [1], strides = [1]} : vector<16xi32> to vector<1xi32>
        %squeeze3A_820 = vector.extract %slice3A_819[0] : i32 from vector<1xi32>
        %ge3A_821 = arith.constant 8064 : i32
        %ge3A_822 = arith.cmpi sge, %squeeze3A_820, %ge3A_821 : i32
        %jit3A_823 = arith.constant 1 : i32
        %jit3A_824 = arith.constant 0 : i32
        %select_n3A_825 = arith.select %ge3A_822, %jit3A_823, %jit3A_824 : i32
        %add3A_826 = arith.addi %add3A_818, %select_n3A_825 : i32
        %slice3A_827 = vector.extract_strided_slice %get3A_750 {offsets = [10], sizes = [1], strides = [1]} : vector<16xi32> to vector<1xi32>
        %squeeze3A_828 = vector.extract %slice3A_827[0] : i32 from vector<1xi32>
        %ge3A_829 = arith.constant 8064 : i32
        %ge3A_830 = arith.cmpi sge, %squeeze3A_828, %ge3A_829 : i32
        %jit3A_831 = arith.constant 1 : i32
        %jit3A_832 = arith.constant 0 : i32
        %select_n3A_833 = arith.select %ge3A_830, %jit3A_831, %jit3A_832 : i32
        %add3A_834 = arith.addi %add3A_826, %select_n3A_833 : i32
        %slice3A_835 = vector.extract_strided_slice %get3A_750 {offsets = [11], sizes = [1], strides = [1]} : vector<16xi32> to vector<1xi32>
        %squeeze3A_836 = vector.extract %slice3A_835[0] : i32 from vector<1xi32>
        %ge3A_837 = arith.constant 8064 : i32
        %ge3A_838 = arith.cmpi sge, %squeeze3A_836, %ge3A_837 : i32
        %jit3A_839 = arith.constant 1 : i32
        %jit3A_840 = arith.constant 0 : i32
        %select_n3A_841 = arith.select %ge3A_838, %jit3A_839, %jit3A_840 : i32
        %add3A_842 = arith.addi %add3A_834, %select_n3A_841 : i32
        %slice3A_843 = vector.extract_strided_slice %get3A_750 {offsets = [12], sizes = [1], strides = [1]} : vector<16xi32> to vector<1xi32>
        %squeeze3A_844 = vector.extract %slice3A_843[0] : i32 from vector<1xi32>
        %ge3A_845 = arith.constant 8064 : i32
        %ge3A_846 = arith.cmpi sge, %squeeze3A_844, %ge3A_845 : i32
        %jit3A_847 = arith.constant 1 : i32
        %jit3A_848 = arith.constant 0 : i32
        %select_n3A_849 = arith.select %ge3A_846, %jit3A_847, %jit3A_848 : i32
        %add3A_850 = arith.addi %add3A_842, %select_n3A_849 : i32
        %slice3A_851 = vector.extract_strided_slice %get3A_750 {offsets = [13], sizes = [1], strides = [1]} : vector<16xi32> to vector<1xi32>
        %squeeze3A_852 = vector.extract %slice3A_851[0] : i32 from vector<1xi32>
        %ge3A_853 = arith.constant 8064 : i32
        %ge3A_854 = arith.cmpi sge, %squeeze3A_852, %ge3A_853 : i32
        %jit3A_855 = arith.constant 1 : i32
        %jit3A_856 = arith.constant 0 : i32
        %select_n3A_857 = arith.select %ge3A_854, %jit3A_855, %jit3A_856 : i32
        %add3A_858 = arith.addi %add3A_850, %select_n3A_857 : i32
        %slice3A_859 = vector.extract_strided_slice %get3A_750 {offsets = [14], sizes = [1], strides = [1]} : vector<16xi32> to vector<1xi32>
        %squeeze3A_860 = vector.extract %slice3A_859[0] : i32 from vector<1xi32>
        %ge3A_861 = arith.constant 8064 : i32
        %ge3A_862 = arith.cmpi sge, %squeeze3A_860, %ge3A_861 : i32
        %jit3A_863 = arith.constant 1 : i32
        %jit3A_864 = arith.constant 0 : i32
        %select_n3A_865 = arith.select %ge3A_862, %jit3A_863, %jit3A_864 : i32
        %add3A_866 = arith.addi %add3A_858, %select_n3A_865 : i32
        %slice3A_867 = vector.extract_strided_slice %get3A_750 {offsets = [15], sizes = [1], strides = [1]} : vector<16xi32> to vector<1xi32>
        %squeeze3A_868 = vector.extract %slice3A_867[0] : i32 from vector<1xi32>
        %ge3A_869 = arith.constant 8064 : i32
        %ge3A_870 = arith.cmpi sge, %squeeze3A_868, %ge3A_869 : i32
        %jit3A_871 = arith.constant 1 : i32
        %jit3A_872 = arith.constant 0 : i32
        %select_n3A_873 = arith.select %ge3A_870, %jit3A_871, %jit3A_872 : i32
        %add3A_874 = arith.addi %add3A_866, %select_n3A_873 : i32
        %gt3A = arith.constant 0 : i32
        %gt3A_875 = arith.cmpi sgt, %add3A_874, %gt3A : i32
        %convert_element_type3A_876 = arith.extui %gt3A_875 : i1 to i32
        %cond3A_877 = arith.constant 0 : i32
        %cond3A_878 = arith.cmpi ne, %convert_element_type3A_876, %cond3A_877 : i32
        scf.if %cond3A_878 {
          %slice3A_880 = vector.extract_strided_slice %get3A_750 {offsets = [0], sizes = [1], strides = [1]} : vector<16xi32> to vector<1xi32>
          %squeeze3A_881 = vector.extract %slice3A_880[0] : i32 from vector<1xi32>
          %ge3A_882 = arith.constant 8064 : i32
          %ge3A_883 = arith.cmpi sge, %squeeze3A_881, %ge3A_882 : i32
          %convert_element_type3A_884 = arith.extui %ge3A_883 : i1 to i32
          %cond3A_885 = arith.constant 0 : i32
          %cond3A_886 = arith.cmpi ne, %convert_element_type3A_884, %cond3A_885 : i32
          scf.if %cond3A_886 {
            %mul3A_992 = arith.constant 16 : i32
            %mul3A_993 = arith.muli %scan3A_742, %mul3A_992 : i32
            %add3A_994 = arith.constant 0 : i32
            %add3A_995 = arith.addi %add3A_994, %mul3A_993 : i32
            %add3A_996 = arith.constant 0 : i32
            %add3A_997 = arith.addi %add3A_995, %add3A_996 : i32
            %dma_start3A_998 = arith.constant 0 : i32
            %dma_start3A_999 = tpu.memref_slice %arg7[%add3A_997, %dma_start3A_998] : memref<512x128xf32, #tpu.memory_space<vmem>> -> memref<1x128xf32, #tpu.memory_space<vmem>>
            %dma_start3A_1000 = arith.constant 0 : i32
            %dma_start3A_1001 = tpu.memref_slice %arg3[%squeeze3A_881, %dma_start3A_1000] : memref<8192x128xf32, #tpu.memory_space<hbm>> -> memref<1x128xf32, #tpu.memory_space<hbm>>
            %dma_start3A_1002 = arith.constant 0 : i32
            %dma_start3A_1003 = tpu.memref_slice %arg7[%add3A_997, %dma_start3A_1002] : memref<512x128xf32, #tpu.memory_space<vmem>> -> memref<1x128xf32, #tpu.memory_space<vmem>>
            %dma_start3A_1004 = arith.constant 0 : i32
            %dma_start3A_1005 = tpu.memref_slice %arg3[%squeeze3A_881, %dma_start3A_1004] : memref<8192x128xf32, #tpu.memory_space<hbm>> -> memref<1x128xf32, #tpu.memory_space<hbm>>
            tpu.enqueue_dma source(%dma_start3A_1005 : memref<1x128xf32, #tpu.memory_space<hbm>>) target(%dma_start3A_1003 : memref<1x128xf32, #tpu.memory_space<vmem>>) target_semaphore(%arg21 : memref<!tpu.dma_semaphore, #tpu.memory_space<semaphore_mem>>)
          } else {
          }
          %slice3A_887 = vector.extract_strided_slice %get3A_750 {offsets = [1], sizes = [1], strides = [1]} : vector<16xi32> to vector<1xi32>
          %squeeze3A_888 = vector.extract %slice3A_887[0] : i32 from vector<1xi32>
          %ge3A_889 = arith.constant 8064 : i32
          %ge3A_890 = arith.cmpi sge, %squeeze3A_888, %ge3A_889 : i32
          %convert_element_type3A_891 = arith.extui %ge3A_890 : i1 to i32
          %cond3A_892 = arith.constant 0 : i32
          %cond3A_893 = arith.cmpi ne, %convert_element_type3A_891, %cond3A_892 : i32
          scf.if %cond3A_893 {
            %mul3A_992 = arith.constant 16 : i32
            %mul3A_993 = arith.muli %scan3A_742, %mul3A_992 : i32
            %add3A_994 = arith.constant 0 : i32
            %add3A_995 = arith.addi %add3A_994, %mul3A_993 : i32
            %add3A_996 = arith.constant 1 : i32
            %add3A_997 = arith.addi %add3A_995, %add3A_996 : i32
            %dma_start3A_998 = arith.constant 0 : i32
            %dma_start3A_999 = tpu.memref_slice %arg7[%add3A_997, %dma_start3A_998] : memref<512x128xf32, #tpu.memory_space<vmem>> -> memref<1x128xf32, #tpu.memory_space<vmem>>
            %dma_start3A_1000 = arith.constant 0 : i32
            %dma_start3A_1001 = tpu.memref_slice %arg3[%squeeze3A_888, %dma_start3A_1000] : memref<8192x128xf32, #tpu.memory_space<hbm>> -> memref<1x128xf32, #tpu.memory_space<hbm>>
            %dma_start3A_1002 = arith.constant 0 : i32
            %dma_start3A_1003 = tpu.memref_slice %arg7[%add3A_997, %dma_start3A_1002] : memref<512x128xf32, #tpu.memory_space<vmem>> -> memref<1x128xf32, #tpu.memory_space<vmem>>
            %dma_start3A_1004 = arith.constant 0 : i32
            %dma_start3A_1005 = tpu.memref_slice %arg3[%squeeze3A_888, %dma_start3A_1004] : memref<8192x128xf32, #tpu.memory_space<hbm>> -> memref<1x128xf32, #tpu.memory_space<hbm>>
            tpu.enqueue_dma source(%dma_start3A_1005 : memref<1x128xf32, #tpu.memory_space<hbm>>) target(%dma_start3A_1003 : memref<1x128xf32, #tpu.memory_space<vmem>>) target_semaphore(%arg21 : memref<!tpu.dma_semaphore, #tpu.memory_space<semaphore_mem>>)
          } else {
          }
          %slice3A_894 = vector.extract_strided_slice %get3A_750 {offsets = [2], sizes = [1], strides = [1]} : vector<16xi32> to vector<1xi32>
          %squeeze3A_895 = vector.extract %slice3A_894[0] : i32 from vector<1xi32>
          %ge3A_896 = arith.constant 8064 : i32
          %ge3A_897 = arith.cmpi sge, %squeeze3A_895, %ge3A_896 : i32
          %convert_element_type3A_898 = arith.extui %ge3A_897 : i1 to i32
          %cond3A_899 = arith.constant 0 : i32
          %cond3A_900 = arith.cmpi ne, %convert_element_type3A_898, %cond3A_899 : i32
          scf.if %cond3A_900 {
            %mul3A_992 = arith.constant 16 : i32
            %mul3A_993 = arith.muli %scan3A_742, %mul3A_992 : i32
            %add3A_994 = arith.constant 0 : i32
            %add3A_995 = arith.addi %add3A_994, %mul3A_993 : i32
            %add3A_996 = arith.constant 2 : i32
            %add3A_997 = arith.addi %add3A_995, %add3A_996 : i32
            %dma_start3A_998 = arith.constant 0 : i32
            %dma_start3A_999 = tpu.memref_slice %arg7[%add3A_997, %dma_start3A_998] : memref<512x128xf32, #tpu.memory_space<vmem>> -> memref<1x128xf32, #tpu.memory_space<vmem>>
            %dma_start3A_1000 = arith.constant 0 : i32
            %dma_start3A_1001 = tpu.memref_slice %arg3[%squeeze3A_895, %dma_start3A_1000] : memref<8192x128xf32, #tpu.memory_space<hbm>> -> memref<1x128xf32, #tpu.memory_space<hbm>>
            %dma_start3A_1002 = arith.constant 0 : i32
            %dma_start3A_1003 = tpu.memref_slice %arg7[%add3A_997, %dma_start3A_1002] : memref<512x128xf32, #tpu.memory_space<vmem>> -> memref<1x128xf32, #tpu.memory_space<vmem>>
            %dma_start3A_1004 = arith.constant 0 : i32
            %dma_start3A_1005 = tpu.memref_slice %arg3[%squeeze3A_895, %dma_start3A_1004] : memref<8192x128xf32, #tpu.memory_space<hbm>> -> memref<1x128xf32, #tpu.memory_space<hbm>>
            tpu.enqueue_dma source(%dma_start3A_1005 : memref<1x128xf32, #tpu.memory_space<hbm>>) target(%dma_start3A_1003 : memref<1x128xf32, #tpu.memory_space<vmem>>) target_semaphore(%arg21 : memref<!tpu.dma_semaphore, #tpu.memory_space<semaphore_mem>>)
          } else {
          }
          %slice3A_901 = vector.extract_strided_slice %get3A_750 {offsets = [3], sizes = [1], strides = [1]} : vector<16xi32> to vector<1xi32>
          %squeeze3A_902 = vector.extract %slice3A_901[0] : i32 from vector<1xi32>
          %ge3A_903 = arith.constant 8064 : i32
          %ge3A_904 = arith.cmpi sge, %squeeze3A_902, %ge3A_903 : i32
          %convert_element_type3A_905 = arith.extui %ge3A_904 : i1 to i32
          %cond3A_906 = arith.constant 0 : i32
          %cond3A_907 = arith.cmpi ne, %convert_element_type3A_905, %cond3A_906 : i32
          scf.if %cond3A_907 {
            %mul3A_992 = arith.constant 16 : i32
            %mul3A_993 = arith.muli %scan3A_742, %mul3A_992 : i32
            %add3A_994 = arith.constant 0 : i32
            %add3A_995 = arith.addi %add3A_994, %mul3A_993 : i32
            %add3A_996 = arith.constant 3 : i32
            %add3A_997 = arith.addi %add3A_995, %add3A_996 : i32
            %dma_start3A_998 = arith.constant 0 : i32
            %dma_start3A_999 = tpu.memref_slice %arg7[%add3A_997, %dma_start3A_998] : memref<512x128xf32, #tpu.memory_space<vmem>> -> memref<1x128xf32, #tpu.memory_space<vmem>>
            %dma_start3A_1000 = arith.constant 0 : i32
            %dma_start3A_1001 = tpu.memref_slice %arg3[%squeeze3A_902, %dma_start3A_1000] : memref<8192x128xf32, #tpu.memory_space<hbm>> -> memref<1x128xf32, #tpu.memory_space<hbm>>
            %dma_start3A_1002 = arith.constant 0 : i32
            %dma_start3A_1003 = tpu.memref_slice %arg7[%add3A_997, %dma_start3A_1002] : memref<512x128xf32, #tpu.memory_space<vmem>> -> memref<1x128xf32, #tpu.memory_space<vmem>>
            %dma_start3A_1004 = arith.constant 0 : i32
            %dma_start3A_1005 = tpu.memref_slice %arg3[%squeeze3A_902, %dma_start3A_1004] : memref<8192x128xf32, #tpu.memory_space<hbm>> -> memref<1x128xf32, #tpu.memory_space<hbm>>
            tpu.enqueue_dma source(%dma_start3A_1005 : memref<1x128xf32, #tpu.memory_space<hbm>>) target(%dma_start3A_1003 : memref<1x128xf32, #tpu.memory_space<vmem>>) target_semaphore(%arg21 : memref<!tpu.dma_semaphore, #tpu.memory_space<semaphore_mem>>)
          } else {
          }
          %slice3A_908 = vector.extract_strided_slice %get3A_750 {offsets = [4], sizes = [1], strides = [1]} : vector<16xi32> to vector<1xi32>
          %squeeze3A_909 = vector.extract %slice3A_908[0] : i32 from vector<1xi32>
          %ge3A_910 = arith.constant 8064 : i32
          %ge3A_911 = arith.cmpi sge, %squeeze3A_909, %ge3A_910 : i32
          %convert_element_type3A_912 = arith.extui %ge3A_911 : i1 to i32
          %cond3A_913 = arith.constant 0 : i32
          %cond3A_914 = arith.cmpi ne, %convert_element_type3A_912, %cond3A_913 : i32
          scf.if %cond3A_914 {
            %mul3A_992 = arith.constant 16 : i32
            %mul3A_993 = arith.muli %scan3A_742, %mul3A_992 : i32
            %add3A_994 = arith.constant 0 : i32
            %add3A_995 = arith.addi %add3A_994, %mul3A_993 : i32
            %add3A_996 = arith.constant 4 : i32
            %add3A_997 = arith.addi %add3A_995, %add3A_996 : i32
            %dma_start3A_998 = arith.constant 0 : i32
            %dma_start3A_999 = tpu.memref_slice %arg7[%add3A_997, %dma_start3A_998] : memref<512x128xf32, #tpu.memory_space<vmem>> -> memref<1x128xf32, #tpu.memory_space<vmem>>
            %dma_start3A_1000 = arith.constant 0 : i32
            %dma_start3A_1001 = tpu.memref_slice %arg3[%squeeze3A_909, %dma_start3A_1000] : memref<8192x128xf32, #tpu.memory_space<hbm>> -> memref<1x128xf32, #tpu.memory_space<hbm>>
            %dma_start3A_1002 = arith.constant 0 : i32
            %dma_start3A_1003 = tpu.memref_slice %arg7[%add3A_997, %dma_start3A_1002] : memref<512x128xf32, #tpu.memory_space<vmem>> -> memref<1x128xf32, #tpu.memory_space<vmem>>
            %dma_start3A_1004 = arith.constant 0 : i32
            %dma_start3A_1005 = tpu.memref_slice %arg3[%squeeze3A_909, %dma_start3A_1004] : memref<8192x128xf32, #tpu.memory_space<hbm>> -> memref<1x128xf32, #tpu.memory_space<hbm>>
            tpu.enqueue_dma source(%dma_start3A_1005 : memref<1x128xf32, #tpu.memory_space<hbm>>) target(%dma_start3A_1003 : memref<1x128xf32, #tpu.memory_space<vmem>>) target_semaphore(%arg21 : memref<!tpu.dma_semaphore, #tpu.memory_space<semaphore_mem>>)
          } else {
          }
          %slice3A_915 = vector.extract_strided_slice %get3A_750 {offsets = [5], sizes = [1], strides = [1]} : vector<16xi32> to vector<1xi32>
          %squeeze3A_916 = vector.extract %slice3A_915[0] : i32 from vector<1xi32>
          %ge3A_917 = arith.constant 8064 : i32
          %ge3A_918 = arith.cmpi sge, %squeeze3A_916, %ge3A_917 : i32
          %convert_element_type3A_919 = arith.extui %ge3A_918 : i1 to i32
          %cond3A_920 = arith.constant 0 : i32
          %cond3A_921 = arith.cmpi ne, %convert_element_type3A_919, %cond3A_920 : i32
          scf.if %cond3A_921 {
            %mul3A_992 = arith.constant 16 : i32
            %mul3A_993 = arith.muli %scan3A_742, %mul3A_992 : i32
            %add3A_994 = arith.constant 0 : i32
            %add3A_995 = arith.addi %add3A_994, %mul3A_993 : i32
            %add3A_996 = arith.constant 5 : i32
            %add3A_997 = arith.addi %add3A_995, %add3A_996 : i32
            %dma_start3A_998 = arith.constant 0 : i32
            %dma_start3A_999 = tpu.memref_slice %arg7[%add3A_997, %dma_start3A_998] : memref<512x128xf32, #tpu.memory_space<vmem>> -> memref<1x128xf32, #tpu.memory_space<vmem>>
            %dma_start3A_1000 = arith.constant 0 : i32
            %dma_start3A_1001 = tpu.memref_slice %arg3[%squeeze3A_916, %dma_start3A_1000] : memref<8192x128xf32, #tpu.memory_space<hbm>> -> memref<1x128xf32, #tpu.memory_space<hbm>>
            %dma_start3A_1002 = arith.constant 0 : i32
            %dma_start3A_1003 = tpu.memref_slice %arg7[%add3A_997, %dma_start3A_1002] : memref<512x128xf32, #tpu.memory_space<vmem>> -> memref<1x128xf32, #tpu.memory_space<vmem>>
            %dma_start3A_1004 = arith.constant 0 : i32
            %dma_start3A_1005 = tpu.memref_slice %arg3[%squeeze3A_916, %dma_start3A_1004] : memref<8192x128xf32, #tpu.memory_space<hbm>> -> memref<1x128xf32, #tpu.memory_space<hbm>>
            tpu.enqueue_dma source(%dma_start3A_1005 : memref<1x128xf32, #tpu.memory_space<hbm>>) target(%dma_start3A_1003 : memref<1x128xf32, #tpu.memory_space<vmem>>) target_semaphore(%arg21 : memref<!tpu.dma_semaphore, #tpu.memory_space<semaphore_mem>>)
          } else {
          }
          %slice3A_922 = vector.extract_strided_slice %get3A_750 {offsets = [6], sizes = [1], strides = [1]} : vector<16xi32> to vector<1xi32>
          %squeeze3A_923 = vector.extract %slice3A_922[0] : i32 from vector<1xi32>
          %ge3A_924 = arith.constant 8064 : i32
          %ge3A_925 = arith.cmpi sge, %squeeze3A_923, %ge3A_924 : i32
          %convert_element_type3A_926 = arith.extui %ge3A_925 : i1 to i32
          %cond3A_927 = arith.constant 0 : i32
          %cond3A_928 = arith.cmpi ne, %convert_element_type3A_926, %cond3A_927 : i32
          scf.if %cond3A_928 {
            %mul3A_992 = arith.constant 16 : i32
            %mul3A_993 = arith.muli %scan3A_742, %mul3A_992 : i32
            %add3A_994 = arith.constant 0 : i32
            %add3A_995 = arith.addi %add3A_994, %mul3A_993 : i32
            %add3A_996 = arith.constant 6 : i32
            %add3A_997 = arith.addi %add3A_995, %add3A_996 : i32
            %dma_start3A_998 = arith.constant 0 : i32
            %dma_start3A_999 = tpu.memref_slice %arg7[%add3A_997, %dma_start3A_998] : memref<512x128xf32, #tpu.memory_space<vmem>> -> memref<1x128xf32, #tpu.memory_space<vmem>>
            %dma_start3A_1000 = arith.constant 0 : i32
            %dma_start3A_1001 = tpu.memref_slice %arg3[%squeeze3A_923, %dma_start3A_1000] : memref<8192x128xf32, #tpu.memory_space<hbm>> -> memref<1x128xf32, #tpu.memory_space<hbm>>
            %dma_start3A_1002 = arith.constant 0 : i32
            %dma_start3A_1003 = tpu.memref_slice %arg7[%add3A_997, %dma_start3A_1002] : memref<512x128xf32, #tpu.memory_space<vmem>> -> memref<1x128xf32, #tpu.memory_space<vmem>>
            %dma_start3A_1004 = arith.constant 0 : i32
            %dma_start3A_1005 = tpu.memref_slice %arg3[%squeeze3A_923, %dma_start3A_1004] : memref<8192x128xf32, #tpu.memory_space<hbm>> -> memref<1x128xf32, #tpu.memory_space<hbm>>
            tpu.enqueue_dma source(%dma_start3A_1005 : memref<1x128xf32, #tpu.memory_space<hbm>>) target(%dma_start3A_1003 : memref<1x128xf32, #tpu.memory_space<vmem>>) target_semaphore(%arg21 : memref<!tpu.dma_semaphore, #tpu.memory_space<semaphore_mem>>)
          } else {
          }
          %slice3A_929 = vector.extract_strided_slice %get3A_750 {offsets = [7], sizes = [1], strides = [1]} : vector<16xi32> to vector<1xi32>
          %squeeze3A_930 = vector.extract %slice3A_929[0] : i32 from vector<1xi32>
          %ge3A_931 = arith.constant 8064 : i32
          %ge3A_932 = arith.cmpi sge, %squeeze3A_930, %ge3A_931 : i32
          %convert_element_type3A_933 = arith.extui %ge3A_932 : i1 to i32
          %cond3A_934 = arith.constant 0 : i32
          %cond3A_935 = arith.cmpi ne, %convert_element_type3A_933, %cond3A_934 : i32
          scf.if %cond3A_935 {
            %mul3A_992 = arith.constant 16 : i32
            %mul3A_993 = arith.muli %scan3A_742, %mul3A_992 : i32
            %add3A_994 = arith.constant 0 : i32
            %add3A_995 = arith.addi %add3A_994, %mul3A_993 : i32
            %add3A_996 = arith.constant 7 : i32
            %add3A_997 = arith.addi %add3A_995, %add3A_996 : i32
            %dma_start3A_998 = arith.constant 0 : i32
            %dma_start3A_999 = tpu.memref_slice %arg7[%add3A_997, %dma_start3A_998] : memref<512x128xf32, #tpu.memory_space<vmem>> -> memref<1x128xf32, #tpu.memory_space<vmem>>
            %dma_start3A_1000 = arith.constant 0 : i32
            %dma_start3A_1001 = tpu.memref_slice %arg3[%squeeze3A_930, %dma_start3A_1000] : memref<8192x128xf32, #tpu.memory_space<hbm>> -> memref<1x128xf32, #tpu.memory_space<hbm>>
            %dma_start3A_1002 = arith.constant 0 : i32
            %dma_start3A_1003 = tpu.memref_slice %arg7[%add3A_997, %dma_start3A_1002] : memref<512x128xf32, #tpu.memory_space<vmem>> -> memref<1x128xf32, #tpu.memory_space<vmem>>
            %dma_start3A_1004 = arith.constant 0 : i32
            %dma_start3A_1005 = tpu.memref_slice %arg3[%squeeze3A_930, %dma_start3A_1004] : memref<8192x128xf32, #tpu.memory_space<hbm>> -> memref<1x128xf32, #tpu.memory_space<hbm>>
            tpu.enqueue_dma source(%dma_start3A_1005 : memref<1x128xf32, #tpu.memory_space<hbm>>) target(%dma_start3A_1003 : memref<1x128xf32, #tpu.memory_space<vmem>>) target_semaphore(%arg21 : memref<!tpu.dma_semaphore, #tpu.memory_space<semaphore_mem>>)
          } else {
          }
          %slice3A_936 = vector.extract_strided_slice %get3A_750 {offsets = [8], sizes = [1], strides = [1]} : vector<16xi32> to vector<1xi32>
          %squeeze3A_937 = vector.extract %slice3A_936[0] : i32 from vector<1xi32>
          %ge3A_938 = arith.constant 8064 : i32
          %ge3A_939 = arith.cmpi sge, %squeeze3A_937, %ge3A_938 : i32
          %convert_element_type3A_940 = arith.extui %ge3A_939 : i1 to i32
          %cond3A_941 = arith.constant 0 : i32
          %cond3A_942 = arith.cmpi ne, %convert_element_type3A_940, %cond3A_941 : i32
          scf.if %cond3A_942 {
            %mul3A_992 = arith.constant 16 : i32
            %mul3A_993 = arith.muli %scan3A_742, %mul3A_992 : i32
            %add3A_994 = arith.constant 0 : i32
            %add3A_995 = arith.addi %add3A_994, %mul3A_993 : i32
            %add3A_996 = arith.constant 8 : i32
            %add3A_997 = arith.addi %add3A_995, %add3A_996 : i32
            %dma_start3A_998 = arith.constant 0 : i32
            %dma_start3A_999 = tpu.memref_slice %arg7[%add3A_997, %dma_start3A_998] : memref<512x128xf32, #tpu.memory_space<vmem>> -> memref<1x128xf32, #tpu.memory_space<vmem>>
            %dma_start3A_1000 = arith.constant 0 : i32
            %dma_start3A_1001 = tpu.memref_slice %arg3[%squeeze3A_937, %dma_start3A_1000] : memref<8192x128xf32, #tpu.memory_space<hbm>> -> memref<1x128xf32, #tpu.memory_space<hbm>>
            %dma_start3A_1002 = arith.constant 0 : i32
            %dma_start3A_1003 = tpu.memref_slice %arg7[%add3A_997, %dma_start3A_1002] : memref<512x128xf32, #tpu.memory_space<vmem>> -> memref<1x128xf32, #tpu.memory_space<vmem>>
            %dma_start3A_1004 = arith.constant 0 : i32
            %dma_start3A_1005 = tpu.memref_slice %arg3[%squeeze3A_937, %dma_start3A_1004] : memref<8192x128xf32, #tpu.memory_space<hbm>> -> memref<1x128xf32, #tpu.memory_space<hbm>>
            tpu.enqueue_dma source(%dma_start3A_1005 : memref<1x128xf32, #tpu.memory_space<hbm>>) target(%dma_start3A_1003 : memref<1x128xf32, #tpu.memory_space<vmem>>) target_semaphore(%arg21 : memref<!tpu.dma_semaphore, #tpu.memory_space<semaphore_mem>>)
          } else {
          }
          %slice3A_943 = vector.extract_strided_slice %get3A_750 {offsets = [9], sizes = [1], strides = [1]} : vector<16xi32> to vector<1xi32>
          %squeeze3A_944 = vector.extract %slice3A_943[0] : i32 from vector<1xi32>
          %ge3A_945 = arith.constant 8064 : i32
          %ge3A_946 = arith.cmpi sge, %squeeze3A_944, %ge3A_945 : i32
          %convert_element_type3A_947 = arith.extui %ge3A_946 : i1 to i32
          %cond3A_948 = arith.constant 0 : i32
          %cond3A_949 = arith.cmpi ne, %convert_element_type3A_947, %cond3A_948 : i32
          scf.if %cond3A_949 {
            %mul3A_992 = arith.constant 16 : i32
            %mul3A_993 = arith.muli %scan3A_742, %mul3A_992 : i32
            %add3A_994 = arith.constant 0 : i32
            %add3A_995 = arith.addi %add3A_994, %mul3A_993 : i32
            %add3A_996 = arith.constant 9 : i32
            %add3A_997 = arith.addi %add3A_995, %add3A_996 : i32
            %dma_start3A_998 = arith.constant 0 : i32
            %dma_start3A_999 = tpu.memref_slice %arg7[%add3A_997, %dma_start3A_998] : memref<512x128xf32, #tpu.memory_space<vmem>> -> memref<1x128xf32, #tpu.memory_space<vmem>>
            %dma_start3A_1000 = arith.constant 0 : i32
            %dma_start3A_1001 = tpu.memref_slice %arg3[%squeeze3A_944, %dma_start3A_1000] : memref<8192x128xf32, #tpu.memory_space<hbm>> -> memref<1x128xf32, #tpu.memory_space<hbm>>
            %dma_start3A_1002 = arith.constant 0 : i32
            %dma_start3A_1003 = tpu.memref_slice %arg7[%add3A_997, %dma_start3A_1002] : memref<512x128xf32, #tpu.memory_space<vmem>> -> memref<1x128xf32, #tpu.memory_space<vmem>>
            %dma_start3A_1004 = arith.constant 0 : i32
            %dma_start3A_1005 = tpu.memref_slice %arg3[%squeeze3A_944, %dma_start3A_1004] : memref<8192x128xf32, #tpu.memory_space<hbm>> -> memref<1x128xf32, #tpu.memory_space<hbm>>
            tpu.enqueue_dma source(%dma_start3A_1005 : memref<1x128xf32, #tpu.memory_space<hbm>>) target(%dma_start3A_1003 : memref<1x128xf32, #tpu.memory_space<vmem>>) target_semaphore(%arg21 : memref<!tpu.dma_semaphore, #tpu.memory_space<semaphore_mem>>)
          } else {
          }
          %slice3A_950 = vector.extract_strided_slice %get3A_750 {offsets = [10], sizes = [1], strides = [1]} : vector<16xi32> to vector<1xi32>
          %squeeze3A_951 = vector.extract %slice3A_950[0] : i32 from vector<1xi32>
          %ge3A_952 = arith.constant 8064 : i32
          %ge3A_953 = arith.cmpi sge, %squeeze3A_951, %ge3A_952 : i32
          %convert_element_type3A_954 = arith.extui %ge3A_953 : i1 to i32
          %cond3A_955 = arith.constant 0 : i32
          %cond3A_956 = arith.cmpi ne, %convert_element_type3A_954, %cond3A_955 : i32
          scf.if %cond3A_956 {
            %mul3A_992 = arith.constant 16 : i32
            %mul3A_993 = arith.muli %scan3A_742, %mul3A_992 : i32
            %add3A_994 = arith.constant 0 : i32
            %add3A_995 = arith.addi %add3A_994, %mul3A_993 : i32
            %add3A_996 = arith.constant 10 : i32
            %add3A_997 = arith.addi %add3A_995, %add3A_996 : i32
            %dma_start3A_998 = arith.constant 0 : i32
            %dma_start3A_999 = tpu.memref_slice %arg7[%add3A_997, %dma_start3A_998] : memref<512x128xf32, #tpu.memory_space<vmem>> -> memref<1x128xf32, #tpu.memory_space<vmem>>
            %dma_start3A_1000 = arith.constant 0 : i32
            %dma_start3A_1001 = tpu.memref_slice %arg3[%squeeze3A_951, %dma_start3A_1000] : memref<8192x128xf32, #tpu.memory_space<hbm>> -> memref<1x128xf32, #tpu.memory_space<hbm>>
            %dma_start3A_1002 = arith.constant 0 : i32
            %dma_start3A_1003 = tpu.memref_slice %arg7[%add3A_997, %dma_start3A_1002] : memref<512x128xf32, #tpu.memory_space<vmem>> -> memref<1x128xf32, #tpu.memory_space<vmem>>
            %dma_start3A_1004 = arith.constant 0 : i32
            %dma_start3A_1005 = tpu.memref_slice %arg3[%squeeze3A_951, %dma_start3A_1004] : memref<8192x128xf32, #tpu.memory_space<hbm>> -> memref<1x128xf32, #tpu.memory_space<hbm>>
            tpu.enqueue_dma source(%dma_start3A_1005 : memref<1x128xf32, #tpu.memory_space<hbm>>) target(%dma_start3A_1003 : memref<1x128xf32, #tpu.memory_space<vmem>>) target_semaphore(%arg21 : memref<!tpu.dma_semaphore, #tpu.memory_space<semaphore_mem>>)
          } else {
          }
          %slice3A_957 = vector.extract_strided_slice %get3A_750 {offsets = [11], sizes = [1], strides = [1]} : vector<16xi32> to vector<1xi32>
          %squeeze3A_958 = vector.extract %slice3A_957[0] : i32 from vector<1xi32>
          %ge3A_959 = arith.constant 8064 : i32
          %ge3A_960 = arith.cmpi sge, %squeeze3A_958, %ge3A_959 : i32
          %convert_element_type3A_961 = arith.extui %ge3A_960 : i1 to i32
          %cond3A_962 = arith.constant 0 : i32
          %cond3A_963 = arith.cmpi ne, %convert_element_type3A_961, %cond3A_962 : i32
          scf.if %cond3A_963 {
            %mul3A_992 = arith.constant 16 : i32
            %mul3A_993 = arith.muli %scan3A_742, %mul3A_992 : i32
            %add3A_994 = arith.constant 0 : i32
            %add3A_995 = arith.addi %add3A_994, %mul3A_993 : i32
            %add3A_996 = arith.constant 11 : i32
            %add3A_997 = arith.addi %add3A_995, %add3A_996 : i32
            %dma_start3A_998 = arith.constant 0 : i32
            %dma_start3A_999 = tpu.memref_slice %arg7[%add3A_997, %dma_start3A_998] : memref<512x128xf32, #tpu.memory_space<vmem>> -> memref<1x128xf32, #tpu.memory_space<vmem>>
            %dma_start3A_1000 = arith.constant 0 : i32
            %dma_start3A_1001 = tpu.memref_slice %arg3[%squeeze3A_958, %dma_start3A_1000] : memref<8192x128xf32, #tpu.memory_space<hbm>> -> memref<1x128xf32, #tpu.memory_space<hbm>>
            %dma_start3A_1002 = arith.constant 0 : i32
            %dma_start3A_1003 = tpu.memref_slice %arg7[%add3A_997, %dma_start3A_1002] : memref<512x128xf32, #tpu.memory_space<vmem>> -> memref<1x128xf32, #tpu.memory_space<vmem>>
            %dma_start3A_1004 = arith.constant 0 : i32
            %dma_start3A_1005 = tpu.memref_slice %arg3[%squeeze3A_958, %dma_start3A_1004] : memref<8192x128xf32, #tpu.memory_space<hbm>> -> memref<1x128xf32, #tpu.memory_space<hbm>>
            tpu.enqueue_dma source(%dma_start3A_1005 : memref<1x128xf32, #tpu.memory_space<hbm>>) target(%dma_start3A_1003 : memref<1x128xf32, #tpu.memory_space<vmem>>) target_semaphore(%arg21 : memref<!tpu.dma_semaphore, #tpu.memory_space<semaphore_mem>>)
          } else {
          }
          %slice3A_964 = vector.extract_strided_slice %get3A_750 {offsets = [12], sizes = [1], strides = [1]} : vector<16xi32> to vector<1xi32>
          %squeeze3A_965 = vector.extract %slice3A_964[0] : i32 from vector<1xi32>
          %ge3A_966 = arith.constant 8064 : i32
          %ge3A_967 = arith.cmpi sge, %squeeze3A_965, %ge3A_966 : i32
          %convert_element_type3A_968 = arith.extui %ge3A_967 : i1 to i32
          %cond3A_969 = arith.constant 0 : i32
          %cond3A_970 = arith.cmpi ne, %convert_element_type3A_968, %cond3A_969 : i32
          scf.if %cond3A_970 {
            %mul3A_992 = arith.constant 16 : i32
            %mul3A_993 = arith.muli %scan3A_742, %mul3A_992 : i32
            %add3A_994 = arith.constant 0 : i32
            %add3A_995 = arith.addi %add3A_994, %mul3A_993 : i32
            %add3A_996 = arith.constant 12 : i32
            %add3A_997 = arith.addi %add3A_995, %add3A_996 : i32
            %dma_start3A_998 = arith.constant 0 : i32
            %dma_start3A_999 = tpu.memref_slice %arg7[%add3A_997, %dma_start3A_998] : memref<512x128xf32, #tpu.memory_space<vmem>> -> memref<1x128xf32, #tpu.memory_space<vmem>>
            %dma_start3A_1000 = arith.constant 0 : i32
            %dma_start3A_1001 = tpu.memref_slice %arg3[%squeeze3A_965, %dma_start3A_1000] : memref<8192x128xf32, #tpu.memory_space<hbm>> -> memref<1x128xf32, #tpu.memory_space<hbm>>
            %dma_start3A_1002 = arith.constant 0 : i32
            %dma_start3A_1003 = tpu.memref_slice %arg7[%add3A_997, %dma_start3A_1002] : memref<512x128xf32, #tpu.memory_space<vmem>> -> memref<1x128xf32, #tpu.memory_space<vmem>>
            %dma_start3A_1004 = arith.constant 0 : i32
            %dma_start3A_1005 = tpu.memref_slice %arg3[%squeeze3A_965, %dma_start3A_1004] : memref<8192x128xf32, #tpu.memory_space<hbm>> -> memref<1x128xf32, #tpu.memory_space<hbm>>
            tpu.enqueue_dma source(%dma_start3A_1005 : memref<1x128xf32, #tpu.memory_space<hbm>>) target(%dma_start3A_1003 : memref<1x128xf32, #tpu.memory_space<vmem>>) target_semaphore(%arg21 : memref<!tpu.dma_semaphore, #tpu.memory_space<semaphore_mem>>)
          } else {
          }
          %slice3A_971 = vector.extract_strided_slice %get3A_750 {offsets = [13], sizes = [1], strides = [1]} : vector<16xi32> to vector<1xi32>
          %squeeze3A_972 = vector.extract %slice3A_971[0] : i32 from vector<1xi32>
          %ge3A_973 = arith.constant 8064 : i32
          %ge3A_974 = arith.cmpi sge, %squeeze3A_972, %ge3A_973 : i32
          %convert_element_type3A_975 = arith.extui %ge3A_974 : i1 to i32
          %cond3A_976 = arith.constant 0 : i32
          %cond3A_977 = arith.cmpi ne, %convert_element_type3A_975, %cond3A_976 : i32
          scf.if %cond3A_977 {
            %mul3A_992 = arith.constant 16 : i32
            %mul3A_993 = arith.muli %scan3A_742, %mul3A_992 : i32
            %add3A_994 = arith.constant 0 : i32
            %add3A_995 = arith.addi %add3A_994, %mul3A_993 : i32
            %add3A_996 = arith.constant 13 : i32
            %add3A_997 = arith.addi %add3A_995, %add3A_996 : i32
            %dma_start3A_998 = arith.constant 0 : i32
            %dma_start3A_999 = tpu.memref_slice %arg7[%add3A_997, %dma_start3A_998] : memref<512x128xf32, #tpu.memory_space<vmem>> -> memref<1x128xf32, #tpu.memory_space<vmem>>
            %dma_start3A_1000 = arith.constant 0 : i32
            %dma_start3A_1001 = tpu.memref_slice %arg3[%squeeze3A_972, %dma_start3A_1000] : memref<8192x128xf32, #tpu.memory_space<hbm>> -> memref<1x128xf32, #tpu.memory_space<hbm>>
            %dma_start3A_1002 = arith.constant 0 : i32
            %dma_start3A_1003 = tpu.memref_slice %arg7[%add3A_997, %dma_start3A_1002] : memref<512x128xf32, #tpu.memory_space<vmem>> -> memref<1x128xf32, #tpu.memory_space<vmem>>
            %dma_start3A_1004 = arith.constant 0 : i32
            %dma_start3A_1005 = tpu.memref_slice %arg3[%squeeze3A_972, %dma_start3A_1004] : memref<8192x128xf32, #tpu.memory_space<hbm>> -> memref<1x128xf32, #tpu.memory_space<hbm>>
            tpu.enqueue_dma source(%dma_start3A_1005 : memref<1x128xf32, #tpu.memory_space<hbm>>) target(%dma_start3A_1003 : memref<1x128xf32, #tpu.memory_space<vmem>>) target_semaphore(%arg21 : memref<!tpu.dma_semaphore, #tpu.memory_space<semaphore_mem>>)
          } else {
          }
          %slice3A_978 = vector.extract_strided_slice %get3A_750 {offsets = [14], sizes = [1], strides = [1]} : vector<16xi32> to vector<1xi32>
          %squeeze3A_979 = vector.extract %slice3A_978[0] : i32 from vector<1xi32>
          %ge3A_980 = arith.constant 8064 : i32
          %ge3A_981 = arith.cmpi sge, %squeeze3A_979, %ge3A_980 : i32
          %convert_element_type3A_982 = arith.extui %ge3A_981 : i1 to i32
          %cond3A_983 = arith.constant 0 : i32
          %cond3A_984 = arith.cmpi ne, %convert_element_type3A_982, %cond3A_983 : i32
          scf.if %cond3A_984 {
            %mul3A_992 = arith.constant 16 : i32
            %mul3A_993 = arith.muli %scan3A_742, %mul3A_992 : i32
            %add3A_994 = arith.constant 0 : i32
            %add3A_995 = arith.addi %add3A_994, %mul3A_993 : i32
            %add3A_996 = arith.constant 14 : i32
            %add3A_997 = arith.addi %add3A_995, %add3A_996 : i32
            %dma_start3A_998 = arith.constant 0 : i32
            %dma_start3A_999 = tpu.memref_slice %arg7[%add3A_997, %dma_start3A_998] : memref<512x128xf32, #tpu.memory_space<vmem>> -> memref<1x128xf32, #tpu.memory_space<vmem>>
            %dma_start3A_1000 = arith.constant 0 : i32
            %dma_start3A_1001 = tpu.memref_slice %arg3[%squeeze3A_979, %dma_start3A_1000] : memref<8192x128xf32, #tpu.memory_space<hbm>> -> memref<1x128xf32, #tpu.memory_space<hbm>>
            %dma_start3A_1002 = arith.constant 0 : i32
            %dma_start3A_1003 = tpu.memref_slice %arg7[%add3A_997, %dma_start3A_1002] : memref<512x128xf32, #tpu.memory_space<vmem>> -> memref<1x128xf32, #tpu.memory_space<vmem>>
            %dma_start3A_1004 = arith.constant 0 : i32
            %dma_start3A_1005 = tpu.memref_slice %arg3[%squeeze3A_979, %dma_start3A_1004] : memref<8192x128xf32, #tpu.memory_space<hbm>> -> memref<1x128xf32, #tpu.memory_space<hbm>>
            tpu.enqueue_dma source(%dma_start3A_1005 : memref<1x128xf32, #tpu.memory_space<hbm>>) target(%dma_start3A_1003 : memref<1x128xf32, #tpu.memory_space<vmem>>) target_semaphore(%arg21 : memref<!tpu.dma_semaphore, #tpu.memory_space<semaphore_mem>>)
          } else {
          }
          %slice3A_985 = vector.extract_strided_slice %get3A_750 {offsets = [15], sizes = [1], strides = [1]} : vector<16xi32> to vector<1xi32>
          %squeeze3A_986 = vector.extract %slice3A_985[0] : i32 from vector<1xi32>
          %ge3A_987 = arith.constant 8064 : i32
          %ge3A_988 = arith.cmpi sge, %squeeze3A_986, %ge3A_987 : i32
          %convert_element_type3A_989 = arith.extui %ge3A_988 : i1 to i32
          %cond3A_990 = arith.constant 0 : i32
          %cond3A_991 = arith.cmpi ne, %convert_element_type3A_989, %cond3A_990 : i32
          scf.if %cond3A_991 {
            %mul3A_992 = arith.constant 16 : i32
            %mul3A_993 = arith.muli %scan3A_742, %mul3A_992 : i32
            %add3A_994 = arith.constant 0 : i32
            %add3A_995 = arith.addi %add3A_994, %mul3A_993 : i32
            %add3A_996 = arith.constant 15 : i32
            %add3A_997 = arith.addi %add3A_995, %add3A_996 : i32
            %dma_start3A_998 = arith.constant 0 : i32
            %dma_start3A_999 = tpu.memref_slice %arg7[%add3A_997, %dma_start3A_998] : memref<512x128xf32, #tpu.memory_space<vmem>> -> memref<1x128xf32, #tpu.memory_space<vmem>>
            %dma_start3A_1000 = arith.constant 0 : i32
            %dma_start3A_1001 = tpu.memref_slice %arg3[%squeeze3A_986, %dma_start3A_1000] : memref<8192x128xf32, #tpu.memory_space<hbm>> -> memref<1x128xf32, #tpu.memory_space<hbm>>
            %dma_start3A_1002 = arith.constant 0 : i32
            %dma_start3A_1003 = tpu.memref_slice %arg7[%add3A_997, %dma_start3A_1002] : memref<512x128xf32, #tpu.memory_space<vmem>> -> memref<1x128xf32, #tpu.memory_space<vmem>>
            %dma_start3A_1004 = arith.constant 0 : i32
            %dma_start3A_1005 = tpu.memref_slice %arg3[%squeeze3A_986, %dma_start3A_1004] : memref<8192x128xf32, #tpu.memory_space<hbm>> -> memref<1x128xf32, #tpu.memory_space<hbm>>
            tpu.enqueue_dma source(%dma_start3A_1005 : memref<1x128xf32, #tpu.memory_space<hbm>>) target(%dma_start3A_1003 : memref<1x128xf32, #tpu.memory_space<vmem>>) target_semaphore(%arg21 : memref<!tpu.dma_semaphore, #tpu.memory_space<semaphore_mem>>)
          } else {
          }
        } else {
        }
        %add3A_879 = arith.addi %scan3A_743, %add3A_874 : i32
        scf.yield %add3A_879 : i32
      }
      %scan3A_534 = arith.constant 8 : i32
      %add3A_535 = arith.constant 4 : i32
      %add3A_536 = arith.addi %add3A_517, %add3A_535 : i32
      %lt3A = arith.constant 200 : i32
      %lt3A_537 = arith.cmpi slt, %add3A_536, %lt3A : i32
      %convert_element_type3A = arith.extui %lt3A_537 : i1 to i32
      %cond3A = arith.constant 0 : i32
      %cond3A_538 = arith.cmpi ne, %convert_element_type3A, %cond3A : i32
      scf.if %cond3A_538 {
        %add3A_742 = arith.addi %mul3A_2, %add3A_536 : i32
        %dma_start3A_743 = arith.constant 0 : i32
        %dma_start3A_744 = arith.constant 0 : i32
        %dma_start3A_745 = tpu.memref_slice %arg5[%dma_start3A_743, %dma_start3A_744] : memref<4x128xi32, #tpu.memory_space<vmem>> -> memref<1x128xi32, #tpu.memory_space<vmem>>
        %dma_start3A_746 = arith.constant 0 : i32
        %dma_start3A_747 = tpu.memref_slice %arg2[%add3A_742, %dma_start3A_746] : memref<6400x128xi32, #tpu.memory_space<hbm>> -> memref<1x128xi32, #tpu.memory_space<hbm>>
        %dma_start3A_748 = arith.constant 0 : i32
        %dma_start3A_749 = arith.constant 0 : i32
        %dma_start3A_750 = tpu.memref_slice %arg5[%dma_start3A_748, %dma_start3A_749] : memref<4x128xi32, #tpu.memory_space<vmem>> -> memref<1x128xi32, #tpu.memory_space<vmem>>
        %dma_start3A_751 = arith.constant 0 : i32
        %dma_start3A_752 = tpu.memref_slice %arg2[%add3A_742, %dma_start3A_751] : memref<6400x128xi32, #tpu.memory_space<hbm>> -> memref<1x128xi32, #tpu.memory_space<hbm>>
        tpu.enqueue_dma source(%dma_start3A_752 : memref<1x128xi32, #tpu.memory_space<hbm>>) target(%dma_start3A_750 : memref<1x128xi32, #tpu.memory_space<vmem>>) target_semaphore(%arg9 : memref<!tpu.dma_semaphore, #tpu.memory_space<semaphore_mem>>)
      } else {
      }
      %add3A_539 = arith.constant 3 : i32
      %add3A_540 = arith.addi %add3A_517, %add3A_539 : i32
      %lt3A_541 = arith.constant 200 : i32
      %lt3A_542 = arith.cmpi slt, %add3A_540, %lt3A_541 : i32
      %convert_element_type3A_543 = arith.extui %lt3A_542 : i1 to i32
      %cond3A_544 = arith.constant 0 : i32
      %cond3A_545 = arith.cmpi ne, %convert_element_type3A_543, %cond3A_544 : i32
      scf.if %cond3A_545 {
        %ge3A = arith.constant 4 : i32
        %ge3A_742 = arith.cmpi sge, %add3A_540, %ge3A : i32
        %convert_element_type3A_743 = arith.extui %ge3A_742 : i1 to i32
        %cond3A_744 = arith.constant 0 : i32
        %cond3A_745 = arith.cmpi ne, %convert_element_type3A_743, %cond3A_744 : i32
        scf.if %cond3A_745 {
          %sub3A = arith.constant 4 : i32
          %sub3A_879 = arith.subi %add3A_540, %sub3A : i32
          %add3A_880 = arith.addi %mul3A_2, %sub3A_879 : i32
          %mul3A_881 = arith.constant 128 : i32
          %mul3A_882 = arith.muli %add3A_880, %mul3A_881 : i32
          %dma_wait3A_883 = arith.constant 384 : i32
          %dma_wait3A_884 = arith.constant 0 : i32
          %dma_wait3A_885 = tpu.memref_slice %arg7[%dma_wait3A_883, %dma_wait3A_884] : memref<512x128xf32, #tpu.memory_space<vmem>> -> memref<128x128xf32, #tpu.memory_space<vmem>>
          %dma_wait3A_886 = arith.constant 0 : i32
          %dma_wait3A_887 = tpu.memref_slice %arg4[%mul3A_882, %dma_wait3A_886] : memref<819200x128xf32, #tpu.memory_space<hbm>> -> memref<128x128xf32, #tpu.memory_space<hbm>>
          %dma_wait3A_888 = arith.constant 0 : i32
          %dma_wait3A_889 = tpu.memref_slice %arg4[%mul3A_882, %dma_wait3A_888] : memref<819200x128xf32, #tpu.memory_space<hbm>> -> memref<128x128xf32, #tpu.memory_space<hbm>>
          %dma_wait3A_890 = arith.constant 384 : i32
          %dma_wait3A_891 = arith.constant 0 : i32
          %dma_wait3A_892 = tpu.memref_slice %arg7[%dma_wait3A_890, %dma_wait3A_891] : memref<512x128xf32, #tpu.memory_space<vmem>> -> memref<128x128xf32, #tpu.memory_space<vmem>>
          tpu.wait_dma2 semaphore(%arg20 : memref<!tpu.dma_semaphore, #tpu.memory_space<semaphore_mem>>) src(%dma_wait3A_892 : memref<128x128xf32, #tpu.memory_space<vmem>>) dst(%dma_wait3A_889 : memref<128x128xf32, #tpu.memory_space<hbm>>)
        } else {
        }
        %add3A_746 = arith.addi %mul3A_2, %add3A_540 : i32
        %dma_wait3A_747 = arith.constant 3 : i32
        %dma_wait3A_748 = arith.constant 0 : i32
        %dma_wait3A_749 = tpu.memref_slice %arg5[%dma_wait3A_747, %dma_wait3A_748] : memref<4x128xi32, #tpu.memory_space<vmem>> -> memref<1x128xi32, #tpu.memory_space<vmem>>
        %dma_wait3A_750 = arith.constant 0 : i32
        %dma_wait3A_751 = tpu.memref_slice %arg2[%add3A_746, %dma_wait3A_750] : memref<6400x128xi32, #tpu.memory_space<hbm>> -> memref<1x128xi32, #tpu.memory_space<hbm>>
        %dma_wait3A_752 = arith.constant 3 : i32
        %dma_wait3A_753 = arith.constant 0 : i32
        %dma_wait3A_754 = tpu.memref_slice %arg5[%dma_wait3A_752, %dma_wait3A_753] : memref<4x128xi32, #tpu.memory_space<vmem>> -> memref<1x128xi32, #tpu.memory_space<vmem>>
        %dma_wait3A_755 = arith.constant 0 : i32
        %dma_wait3A_756 = tpu.memref_slice %arg2[%add3A_746, %dma_wait3A_755] : memref<6400x128xi32, #tpu.memory_space<hbm>> -> memref<1x128xi32, #tpu.memory_space<hbm>>
        tpu.wait_dma2 semaphore(%arg12 : memref<!tpu.dma_semaphore, #tpu.memory_space<semaphore_mem>>) src(%dma_wait3A_756 : memref<1x128xi32, #tpu.memory_space<hbm>>) dst(%dma_wait3A_754 : memref<1x128xi32, #tpu.memory_space<vmem>>)
        %get3A_757 = arith.constant 3 : i32
        %get3A_758 = arith.index_cast %get3A_757 : i32 to index
        %get3A_759 = arith.constant 0 : index
        %get3A_760 = tpu.vector_load %arg5[%get3A_758, %get3A_759] {strides = array<i32>} : memref<4x128xi32, #tpu.memory_space<vmem>>, vector<1x16xi32>,
        %get3A_761 = vector.shape_cast %get3A_760 : vector<1x16xi32> to vector<16xi32>
        %min3A_762 = arith.constant 8063 : i32
        %min3A_763 = vector.broadcast %min3A_762 : i32 to vector<16xi32>
        %min3A_764 = arith.minsi %get3A_761, %min3A_763 : vector<16xi32>
        %swap3A_765 = arith.constant 3 : i32
        %swap3A_766 = arith.index_cast %swap3A_765 : i32 to index
        %swap3A_767 = arith.constant 0 : index
        %swap3A_768 = tpu.vector_load %arg6[%swap3A_766, %swap3A_767] {strides = array<i32>} : memref<4x128xi32, #tpu.memory_space<vmem>>, vector<1x16xi32>,
        %swap3A_769 = vector.shape_cast %swap3A_768 : vector<1x16xi32> to vector<16xi32>
        %swap3A_770 = vector.shape_cast %min3A_764 : vector<16xi32> to vector<1x16xi32>
        tpu.vector_store %arg6[%swap3A_766, %swap3A_767], %swap3A_770 {strides = array<i32>} : memref<4x128xi32, #tpu.memory_space<vmem>>, vector<1x16xi32>,
        %get3A_771 = arith.constant 3 : i32
        %get3A_772 = arith.index_cast %get3A_771 : i32 to index
        %get3A_773 = arith.constant 16 : index
        %get3A_774 = tpu.vector_load %arg5[%get3A_772, %get3A_773] {strides = array<i32>} : memref<4x128xi32, #tpu.memory_space<vmem>>, vector<1x16xi32>,
        %get3A_775 = vector.shape_cast %get3A_774 : vector<1x16xi32> to vector<16xi32>
        %min3A_776 = arith.constant 8063 : i32
        %min3A_777 = vector.broadcast %min3A_776 : i32 to vector<16xi32>
        %min3A_778 = arith.minsi %get3A_775, %min3A_777 : vector<16xi32>
        %swap3A_779 = arith.constant 3 : i32
        %swap3A_780 = arith.index_cast %swap3A_779 : i32 to index
        %swap3A_781 = arith.constant 16 : index
        %swap3A_782 = tpu.vector_load %arg6[%swap3A_780, %swap3A_781] {strides = array<i32>} : memref<4x128xi32, #tpu.memory_space<vmem>>, vector<1x16xi32>,
        %swap3A_783 = vector.shape_cast %swap3A_782 : vector<1x16xi32> to vector<16xi32>
        %swap3A_784 = vector.shape_cast %min3A_778 : vector<16xi32> to vector<1x16xi32>
        tpu.vector_store %arg6[%swap3A_780, %swap3A_781], %swap3A_784 {strides = array<i32>} : memref<4x128xi32, #tpu.memory_space<vmem>>, vector<1x16xi32>,
        %get3A_785 = arith.constant 3 : i32
        %get3A_786 = arith.index_cast %get3A_785 : i32 to index
        %get3A_787 = arith.constant 32 : index
        %get3A_788 = tpu.vector_load %arg5[%get3A_786, %get3A_787] {strides = array<i32>} : memref<4x128xi32, #tpu.memory_space<vmem>>, vector<1x16xi32>,
        %get3A_789 = vector.shape_cast %get3A_788 : vector<1x16xi32> to vector<16xi32>
        %min3A_790 = arith.constant 8063 : i32
        %min3A_791 = vector.broadcast %min3A_790 : i32 to vector<16xi32>
        %min3A_792 = arith.minsi %get3A_789, %min3A_791 : vector<16xi32>
        %swap3A_793 = arith.constant 3 : i32
        %swap3A_794 = arith.index_cast %swap3A_793 : i32 to index
        %swap3A_795 = arith.constant 32 : index
        %swap3A_796 = tpu.vector_load %arg6[%swap3A_794, %swap3A_795] {strides = array<i32>} : memref<4x128xi32, #tpu.memory_space<vmem>>, vector<1x16xi32>,
        %swap3A_797 = vector.shape_cast %swap3A_796 : vector<1x16xi32> to vector<16xi32>
        %swap3A_798 = vector.shape_cast %min3A_792 : vector<16xi32> to vector<1x16xi32>
        tpu.vector_store %arg6[%swap3A_794, %swap3A_795], %swap3A_798 {strides = array<i32>} : memref<4x128xi32, #tpu.memory_space<vmem>>, vector<1x16xi32>,
        %get3A_799 = arith.constant 3 : i32
        %get3A_800 = arith.index_cast %get3A_799 : i32 to index
        %get3A_801 = arith.constant 48 : index
        %get3A_802 = tpu.vector_load %arg5[%get3A_800, %get3A_801] {strides = array<i32>} : memref<4x128xi32, #tpu.memory_space<vmem>>, vector<1x16xi32>,
        %get3A_803 = vector.shape_cast %get3A_802 : vector<1x16xi32> to vector<16xi32>
        %min3A_804 = arith.constant 8063 : i32
        %min3A_805 = vector.broadcast %min3A_804 : i32 to vector<16xi32>
        %min3A_806 = arith.minsi %get3A_803, %min3A_805 : vector<16xi32>
        %swap3A_807 = arith.constant 3 : i32
        %swap3A_808 = arith.index_cast %swap3A_807 : i32 to index
        %swap3A_809 = arith.constant 48 : index
        %swap3A_810 = tpu.vector_load %arg6[%swap3A_808, %swap3A_809] {strides = array<i32>} : memref<4x128xi32, #tpu.memory_space<vmem>>, vector<1x16xi32>,
        %swap3A_811 = vector.shape_cast %swap3A_810 : vector<1x16xi32> to vector<16xi32>
        %swap3A_812 = vector.shape_cast %min3A_806 : vector<16xi32> to vector<1x16xi32>
        tpu.vector_store %arg6[%swap3A_808, %swap3A_809], %swap3A_812 {strides = array<i32>} : memref<4x128xi32, #tpu.memory_space<vmem>>, vector<1x16xi32>,
        %get3A_813 = arith.constant 3 : i32
        %get3A_814 = arith.index_cast %get3A_813 : i32 to index
        %get3A_815 = arith.constant 64 : index
        %get3A_816 = tpu.vector_load %arg5[%get3A_814, %get3A_815] {strides = array<i32>} : memref<4x128xi32, #tpu.memory_space<vmem>>, vector<1x16xi32>,
        %get3A_817 = vector.shape_cast %get3A_816 : vector<1x16xi32> to vector<16xi32>
        %min3A_818 = arith.constant 8063 : i32
        %min3A_819 = vector.broadcast %min3A_818 : i32 to vector<16xi32>
        %min3A_820 = arith.minsi %get3A_817, %min3A_819 : vector<16xi32>
        %swap3A_821 = arith.constant 3 : i32
        %swap3A_822 = arith.index_cast %swap3A_821 : i32 to index
        %swap3A_823 = arith.constant 64 : index
        %swap3A_824 = tpu.vector_load %arg6[%swap3A_822, %swap3A_823] {strides = array<i32>} : memref<4x128xi32, #tpu.memory_space<vmem>>, vector<1x16xi32>,
        %swap3A_825 = vector.shape_cast %swap3A_824 : vector<1x16xi32> to vector<16xi32>
        %swap3A_826 = vector.shape_cast %min3A_820 : vector<16xi32> to vector<1x16xi32>
        tpu.vector_store %arg6[%swap3A_822, %swap3A_823], %swap3A_826 {strides = array<i32>} : memref<4x128xi32, #tpu.memory_space<vmem>>, vector<1x16xi32>,
        %get3A_827 = arith.constant 3 : i32
        %get3A_828 = arith.index_cast %get3A_827 : i32 to index
        %get3A_829 = arith.constant 80 : index
        %get3A_830 = tpu.vector_load %arg5[%get3A_828, %get3A_829] {strides = array<i32>} : memref<4x128xi32, #tpu.memory_space<vmem>>, vector<1x16xi32>,
        %get3A_831 = vector.shape_cast %get3A_830 : vector<1x16xi32> to vector<16xi32>
        %min3A_832 = arith.constant 8063 : i32
        %min3A_833 = vector.broadcast %min3A_832 : i32 to vector<16xi32>
        %min3A_834 = arith.minsi %get3A_831, %min3A_833 : vector<16xi32>
        %swap3A_835 = arith.constant 3 : i32
        %swap3A_836 = arith.index_cast %swap3A_835 : i32 to index
        %swap3A_837 = arith.constant 80 : index
        %swap3A_838 = tpu.vector_load %arg6[%swap3A_836, %swap3A_837] {strides = array<i32>} : memref<4x128xi32, #tpu.memory_space<vmem>>, vector<1x16xi32>,
        %swap3A_839 = vector.shape_cast %swap3A_838 : vector<1x16xi32> to vector<16xi32>
        %swap3A_840 = vector.shape_cast %min3A_834 : vector<16xi32> to vector<1x16xi32>
        tpu.vector_store %arg6[%swap3A_836, %swap3A_837], %swap3A_840 {strides = array<i32>} : memref<4x128xi32, #tpu.memory_space<vmem>>, vector<1x16xi32>,
        %get3A_841 = arith.constant 3 : i32
        %get3A_842 = arith.index_cast %get3A_841 : i32 to index
        %get3A_843 = arith.constant 96 : index
        %get3A_844 = tpu.vector_load %arg5[%get3A_842, %get3A_843] {strides = array<i32>} : memref<4x128xi32, #tpu.memory_space<vmem>>, vector<1x16xi32>,
        %get3A_845 = vector.shape_cast %get3A_844 : vector<1x16xi32> to vector<16xi32>
        %min3A_846 = arith.constant 8063 : i32
        %min3A_847 = vector.broadcast %min3A_846 : i32 to vector<16xi32>
        %min3A_848 = arith.minsi %get3A_845, %min3A_847 : vector<16xi32>
        %swap3A_849 = arith.constant 3 : i32
        %swap3A_850 = arith.index_cast %swap3A_849 : i32 to index
        %swap3A_851 = arith.constant 96 : index
        %swap3A_852 = tpu.vector_load %arg6[%swap3A_850, %swap3A_851] {strides = array<i32>} : memref<4x128xi32, #tpu.memory_space<vmem>>, vector<1x16xi32>,
        %swap3A_853 = vector.shape_cast %swap3A_852 : vector<1x16xi32> to vector<16xi32>
        %swap3A_854 = vector.shape_cast %min3A_848 : vector<16xi32> to vector<1x16xi32>
        tpu.vector_store %arg6[%swap3A_850, %swap3A_851], %swap3A_854 {strides = array<i32>} : memref<4x128xi32, #tpu.memory_space<vmem>>, vector<1x16xi32>,
        %get3A_855 = arith.constant 3 : i32
        %get3A_856 = arith.index_cast %get3A_855 : i32 to index
        %get3A_857 = arith.constant 112 : index
        %get3A_858 = tpu.vector_load %arg5[%get3A_856, %get3A_857] {strides = array<i32>} : memref<4x128xi32, #tpu.memory_space<vmem>>, vector<1x16xi32>,
        %get3A_859 = vector.shape_cast %get3A_858 : vector<1x16xi32> to vector<16xi32>
        %min3A_860 = arith.constant 8063 : i32
        %min3A_861 = vector.broadcast %min3A_860 : i32 to vector<16xi32>
        %min3A_862 = arith.minsi %get3A_859, %min3A_861 : vector<16xi32>
        %swap3A_863 = arith.constant 3 : i32
        %swap3A_864 = arith.index_cast %swap3A_863 : i32 to index
        %swap3A_865 = arith.constant 112 : index
        %swap3A_866 = tpu.vector_load %arg6[%swap3A_864, %swap3A_865] {strides = array<i32>} : memref<4x128xi32, #tpu.memory_space<vmem>>, vector<1x16xi32>,
        %swap3A_867 = vector.shape_cast %swap3A_866 : vector<1x16xi32> to vector<16xi32>
        %swap3A_868 = vector.shape_cast %min3A_862 : vector<16xi32> to vector<1x16xi32>
        tpu.vector_store %arg6[%swap3A_864, %swap3A_865], %swap3A_868 {strides = array<i32>} : memref<4x128xi32, #tpu.memory_space<vmem>>, vector<1x16xi32>,
        %dma_start3A_869 = arith.constant 3 : i32
        %dma_start3A_870 = arith.constant 384 : i32
        %dma_start3A_871 = arith.constant 0 : i32
        %dma_start3A_872 = tpu.memref_slice %arg7[%dma_start3A_870, %dma_start3A_871] : memref<512x128xf32, #tpu.memory_space<vmem>> -> memref<128x128xf32, #tpu.memory_space<vmem>>
        %dma_start3A_873 = arith.constant 0 : i32
        %dma_start3A_874 = tpu.memref_slice %arg6[%dma_start3A_869, %dma_start3A_873] : memref<4x128xi32, #tpu.memory_space<vmem>> -> memref<1x128xi32, #tpu.memory_space<vmem>>
        %dma_start3A_875 = tpu.memref_squeeze %dma_start3A_874 : memref<1x128xi32, #tpu.memory_space<vmem>> -> memref<128xi32, #tpu.memory_space<vmem>>
        %dma_start3A_876 = arith.constant 0 : i32
        %dma_start3A_877 = arith.constant 0 : i32
        %dma_start3A_878 = tpu.memref_slice %arg8[%dma_start3A_876, %dma_start3A_877] : memref<8064x128xf32, #tpu.memory_space<vmem_shared>> -> memref<8064x128xf32, #tpu.memory_space<vmem_shared>>
        tpu.enqueue_indirect_dma source(%dma_start3A_878 : memref<8064x128xf32, #tpu.memory_space<vmem_shared>>) target(%dma_start3A_872 : memref<128x128xf32, #tpu.memory_space<vmem>>) offsets(%dma_start3A_875 : memref<128xi32, #tpu.memory_space<vmem>>) semaphore(%arg16 : memref<!tpu.dma_semaphore, #tpu.memory_space<semaphore_mem>>)
      } else {
      }
      %while3A = arith.constant 0 : i32
      %while3A_546 = arith.constant 0 : i32
      %while3A_547 = arith.subi %scan3A_533, %while3A_546 : i32
      %while3A_548 = arith.addi %while3A_546, %while3A_547 : i32
      %while3A_549 = arith.constant 1 : i32
      %while3A_550 = arith.divsi %while3A_547, %while3A_549 : i32
      %while3A_551 = arith.muli %while3A_550, %while3A_549 : i32
      %while3A_552 = arith.addi %while3A_546, %while3A_551 : i32
      %while3A_553 = arith.constant 1 : i32
      scf.for %while3A_742 = %while3A_546 to %while3A_552 step %while3A_553  : i32 {
        %dma_wait3A_743 = arith.constant 0 : i32
        %dma_wait3A_744 = arith.constant 0 : i32
        %dma_wait3A_745 = tpu.memref_slice %arg7[%dma_wait3A_743, %dma_wait3A_744] : memref<512x128xf32, #tpu.memory_space<vmem>> -> memref<1x128xf32, #tpu.memory_space<vmem>>
        %dma_wait3A_746 = arith.constant 0 : i32
        %dma_wait3A_747 = arith.constant 0 : i32
        %dma_wait3A_748 = tpu.memref_slice %arg3[%dma_wait3A_746, %dma_wait3A_747] : memref<8192x128xf32, #tpu.memory_space<hbm>> -> memref<1x128xf32, #tpu.memory_space<hbm>>
        %dma_wait3A_749 = arith.constant 0 : i32
        %dma_wait3A_750 = arith.constant 0 : i32
        %dma_wait3A_751 = tpu.memref_slice %arg7[%dma_wait3A_749, %dma_wait3A_750] : memref<512x128xf32, #tpu.memory_space<vmem>> -> memref<1x128xf32, #tpu.memory_space<vmem>>
        %dma_wait3A_752 = arith.constant 0 : i32
        %dma_wait3A_753 = arith.constant 0 : i32
        %dma_wait3A_754 = tpu.memref_slice %arg3[%dma_wait3A_752, %dma_wait3A_753] : memref<8192x128xf32, #tpu.memory_space<hbm>> -> memref<1x128xf32, #tpu.memory_space<hbm>>
        tpu.wait_dma2 semaphore(%arg21 : memref<!tpu.dma_semaphore, #tpu.memory_space<semaphore_mem>>) src(%dma_wait3A_754 : memref<1x128xf32, #tpu.memory_space<hbm>>) dst(%dma_wait3A_751 : memref<1x128xf32, #tpu.memory_space<vmem>>)
      }
      %while3A_554 = arith.constant 1 : i32
      scf.for %while3A_742 = %while3A_552 to %while3A_548 step %while3A_554  : i32 {
        %dma_wait3A_743 = arith.constant 0 : i32
        %dma_wait3A_744 = arith.constant 0 : i32
        %dma_wait3A_745 = tpu.memref_slice %arg7[%dma_wait3A_743, %dma_wait3A_744] : memref<512x128xf32, #tpu.memory_space<vmem>> -> memref<1x128xf32, #tpu.memory_space<vmem>>
        %dma_wait3A_746 = arith.constant 0 : i32
        %dma_wait3A_747 = arith.constant 0 : i32
        %dma_wait3A_748 = tpu.memref_slice %arg3[%dma_wait3A_746, %dma_wait3A_747] : memref<8192x128xf32, #tpu.memory_space<hbm>> -> memref<1x128xf32, #tpu.memory_space<hbm>>
        %dma_wait3A_749 = arith.constant 0 : i32
        %dma_wait3A_750 = arith.constant 0 : i32
        %dma_wait3A_751 = tpu.memref_slice %arg7[%dma_wait3A_749, %dma_wait3A_750] : memref<512x128xf32, #tpu.memory_space<vmem>> -> memref<1x128xf32, #tpu.memory_space<vmem>>
        %dma_wait3A_752 = arith.constant 0 : i32
        %dma_wait3A_753 = arith.constant 0 : i32
        %dma_wait3A_754 = tpu.memref_slice %arg3[%dma_wait3A_752, %dma_wait3A_753] : memref<8192x128xf32, #tpu.memory_space<hbm>> -> memref<1x128xf32, #tpu.memory_space<hbm>>
        tpu.wait_dma2 semaphore(%arg21 : memref<!tpu.dma_semaphore, #tpu.memory_space<semaphore_mem>>) src(%dma_wait3A_754 : memref<1x128xf32, #tpu.memory_space<hbm>>) dst(%dma_wait3A_751 : memref<1x128xf32, #tpu.memory_space<vmem>>)
      }
      %add3A_555 = arith.addi %mul3A_2, %add3A_517 : i32
      %mul3A_556 = arith.constant 128 : i32
      %mul3A_557 = arith.muli %add3A_555, %mul3A_556 : i32
      %dma_start3A_558 = arith.constant 0 : i32
      %dma_start3A_559 = arith.constant 0 : i32
      %dma_start3A_560 = tpu.memref_slice %arg7[%dma_start3A_558, %dma_start3A_559] : memref<512x128xf32, #tpu.memory_space<vmem>> -> memref<128x128xf32, #tpu.memory_space<vmem>>
      %dma_start3A_561 = arith.constant 0 : i32
      %dma_start3A_562 = tpu.memref_slice %arg4[%mul3A_557, %dma_start3A_561] : memref<819200x128xf32, #tpu.memory_space<hbm>> -> memref<128x128xf32, #tpu.memory_space<hbm>>
      %dma_start3A_563 = arith.constant 0 : i32
      %dma_start3A_564 = tpu.memref_slice %arg4[%mul3A_557, %dma_start3A_563] : memref<819200x128xf32, #tpu.memory_space<hbm>> -> memref<128x128xf32, #tpu.memory_space<hbm>>
      %dma_start3A_565 = arith.constant 0 : i32
      %dma_start3A_566 = arith.constant 0 : i32
      %dma_start3A_567 = tpu.memref_slice %arg7[%dma_start3A_565, %dma_start3A_566] : memref<512x128xf32, #tpu.memory_space<vmem>> -> memref<128x128xf32, #tpu.memory_space<vmem>>
      tpu.enqueue_dma source(%dma_start3A_567 : memref<128x128xf32, #tpu.memory_space<vmem>>) target(%dma_start3A_564 : memref<128x128xf32, #tpu.memory_space<hbm>>) target_semaphore(%arg17 : memref<!tpu.dma_semaphore, #tpu.memory_space<semaphore_mem>>)
      %mul3A_568 = arith.constant 4 : i32
      %mul3A_569 = arith.muli %mul3A_568, %scan3A_513 : i32
      %add3A_570 = arith.constant 1 : i32
      %add3A_571 = arith.addi %mul3A_569, %add3A_570 : i32
      %dma_wait3A_572 = arith.constant 1 : i32
      %dma_wait3A_573 = arith.constant 128 : i32
      %dma_wait3A_574 = arith.constant 0 : i32
      %dma_wait3A_575 = tpu.memref_slice %arg7[%dma_wait3A_573, %dma_wait3A_574] : memref<512x128xf32, #tpu.memory_space<vmem>> -> memref<128x128xf32, #tpu.memory_space<vmem>>
      %dma_wait3A_576 = arith.constant 0 : i32
      %dma_wait3A_577 = tpu.memref_slice %arg6[%dma_wait3A_572, %dma_wait3A_576] : memref<4x128xi32, #tpu.memory_space<vmem>> -> memref<1x128xi32, #tpu.memory_space<vmem>>
      %dma_wait3A_578 = tpu.memref_squeeze %dma_wait3A_577 : memref<1x128xi32, #tpu.memory_space<vmem>> -> memref<128xi32, #tpu.memory_space<vmem>>
      %dma_wait3A_579 = arith.constant 0 : i32
      %dma_wait3A_580 = arith.constant 0 : i32
      %dma_wait3A_581 = tpu.memref_slice %arg8[%dma_wait3A_579, %dma_wait3A_580] : memref<8064x128xf32, #tpu.memory_space<vmem_shared>> -> memref<8064x128xf32, #tpu.memory_space<vmem_shared>>
      tpu.wait_indirect_dma semaphore(%arg14 : memref<!tpu.dma_semaphore, #tpu.memory_space<semaphore_mem>>) src(%dma_wait3A_581 : memref<8064x128xf32, #tpu.memory_space<vmem_shared>>) dst(%dma_wait3A_575 : memref<128x128xf32, #tpu.memory_space<vmem>>)
      %scan3A_582 = arith.constant 0 : i32
      %scan3A_583 = arith.constant 0 : i32
      %scan3A_584 = arith.constant 8 : i32
      %scan3A_585 = arith.addi %scan3A_583, %scan3A_584 : i32
      %scan3A_586 = arith.constant 1 : i32
      %scan3A_587 = scf.for %scan3A_742 = %scan3A_583 to %scan3A_585 step %scan3A_586 iter_args(%scan3A_743 = %scan3A_582) -> (i32)  : i32 {
        %mul3A_744 = arith.constant 16 : i32
        %mul3A_745 = arith.muli %scan3A_742, %mul3A_744 : i32
        %get3A_746 = arith.constant 1 : i32
        %get3A_747 = arith.index_cast %get3A_746 : i32 to index
        %get3A_748 = arith.index_cast %mul3A_745 : i32 to index
        %get3A_749 = tpu.vector_load %arg5[%get3A_747, %get3A_748] {strides = array<i32>} : memref<4x128xi32, #tpu.memory_space<vmem>>, vector<1x16xi32>,
        %get3A_750 = vector.shape_cast %get3A_749 : vector<1x16xi32> to vector<16xi32>
        %slice3A = vector.extract_strided_slice %get3A_750 {offsets = [0], sizes = [1], strides = [1]} : vector<16xi32> to vector<1xi32>
        %squeeze3A = vector.extract %slice3A[0] : i32 from vector<1xi32>
        %ge3A = arith.constant 8064 : i32
        %ge3A_751 = arith.cmpi sge, %squeeze3A, %ge3A : i32
        %jit3A = arith.constant 1 : i32
        %jit3A_752 = arith.constant 0 : i32
        %select_n3A = arith.select %ge3A_751, %jit3A, %jit3A_752 : i32
        %add3A_753 = arith.constant 0 : i32
        %add3A_754 = arith.addi %add3A_753, %select_n3A : i32
        %slice3A_755 = vector.extract_strided_slice %get3A_750 {offsets = [1], sizes = [1], strides = [1]} : vector<16xi32> to vector<1xi32>
        %squeeze3A_756 = vector.extract %slice3A_755[0] : i32 from vector<1xi32>
        %ge3A_757 = arith.constant 8064 : i32
        %ge3A_758 = arith.cmpi sge, %squeeze3A_756, %ge3A_757 : i32
        %jit3A_759 = arith.constant 1 : i32
        %jit3A_760 = arith.constant 0 : i32
        %select_n3A_761 = arith.select %ge3A_758, %jit3A_759, %jit3A_760 : i32
        %add3A_762 = arith.addi %add3A_754, %select_n3A_761 : i32
        %slice3A_763 = vector.extract_strided_slice %get3A_750 {offsets = [2], sizes = [1], strides = [1]} : vector<16xi32> to vector<1xi32>
        %squeeze3A_764 = vector.extract %slice3A_763[0] : i32 from vector<1xi32>
        %ge3A_765 = arith.constant 8064 : i32
        %ge3A_766 = arith.cmpi sge, %squeeze3A_764, %ge3A_765 : i32
        %jit3A_767 = arith.constant 1 : i32
        %jit3A_768 = arith.constant 0 : i32
        %select_n3A_769 = arith.select %ge3A_766, %jit3A_767, %jit3A_768 : i32
        %add3A_770 = arith.addi %add3A_762, %select_n3A_769 : i32
        %slice3A_771 = vector.extract_strided_slice %get3A_750 {offsets = [3], sizes = [1], strides = [1]} : vector<16xi32> to vector<1xi32>
        %squeeze3A_772 = vector.extract %slice3A_771[0] : i32 from vector<1xi32>
        %ge3A_773 = arith.constant 8064 : i32
        %ge3A_774 = arith.cmpi sge, %squeeze3A_772, %ge3A_773 : i32
        %jit3A_775 = arith.constant 1 : i32
        %jit3A_776 = arith.constant 0 : i32
        %select_n3A_777 = arith.select %ge3A_774, %jit3A_775, %jit3A_776 : i32
        %add3A_778 = arith.addi %add3A_770, %select_n3A_777 : i32
        %slice3A_779 = vector.extract_strided_slice %get3A_750 {offsets = [4], sizes = [1], strides = [1]} : vector<16xi32> to vector<1xi32>
        %squeeze3A_780 = vector.extract %slice3A_779[0] : i32 from vector<1xi32>
        %ge3A_781 = arith.constant 8064 : i32
        %ge3A_782 = arith.cmpi sge, %squeeze3A_780, %ge3A_781 : i32
        %jit3A_783 = arith.constant 1 : i32
        %jit3A_784 = arith.constant 0 : i32
        %select_n3A_785 = arith.select %ge3A_782, %jit3A_783, %jit3A_784 : i32
        %add3A_786 = arith.addi %add3A_778, %select_n3A_785 : i32
        %slice3A_787 = vector.extract_strided_slice %get3A_750 {offsets = [5], sizes = [1], strides = [1]} : vector<16xi32> to vector<1xi32>
        %squeeze3A_788 = vector.extract %slice3A_787[0] : i32 from vector<1xi32>
        %ge3A_789 = arith.constant 8064 : i32
        %ge3A_790 = arith.cmpi sge, %squeeze3A_788, %ge3A_789 : i32
        %jit3A_791 = arith.constant 1 : i32
        %jit3A_792 = arith.constant 0 : i32
        %select_n3A_793 = arith.select %ge3A_790, %jit3A_791, %jit3A_792 : i32
        %add3A_794 = arith.addi %add3A_786, %select_n3A_793 : i32
        %slice3A_795 = vector.extract_strided_slice %get3A_750 {offsets = [6], sizes = [1], strides = [1]} : vector<16xi32> to vector<1xi32>
        %squeeze3A_796 = vector.extract %slice3A_795[0] : i32 from vector<1xi32>
        %ge3A_797 = arith.constant 8064 : i32
        %ge3A_798 = arith.cmpi sge, %squeeze3A_796, %ge3A_797 : i32
        %jit3A_799 = arith.constant 1 : i32
        %jit3A_800 = arith.constant 0 : i32
        %select_n3A_801 = arith.select %ge3A_798, %jit3A_799, %jit3A_800 : i32
        %add3A_802 = arith.addi %add3A_794, %select_n3A_801 : i32
        %slice3A_803 = vector.extract_strided_slice %get3A_750 {offsets = [7], sizes = [1], strides = [1]} : vector<16xi32> to vector<1xi32>
        %squeeze3A_804 = vector.extract %slice3A_803[0] : i32 from vector<1xi32>
        %ge3A_805 = arith.constant 8064 : i32
        %ge3A_806 = arith.cmpi sge, %squeeze3A_804, %ge3A_805 : i32
        %jit3A_807 = arith.constant 1 : i32
        %jit3A_808 = arith.constant 0 : i32
        %select_n3A_809 = arith.select %ge3A_806, %jit3A_807, %jit3A_808 : i32
        %add3A_810 = arith.addi %add3A_802, %select_n3A_809 : i32
        %slice3A_811 = vector.extract_strided_slice %get3A_750 {offsets = [8], sizes = [1], strides = [1]} : vector<16xi32> to vector<1xi32>
        %squeeze3A_812 = vector.extract %slice3A_811[0] : i32 from vector<1xi32>
        %ge3A_813 = arith.constant 8064 : i32
        %ge3A_814 = arith.cmpi sge, %squeeze3A_812, %ge3A_813 : i32
        %jit3A_815 = arith.constant 1 : i32
        %jit3A_816 = arith.constant 0 : i32
        %select_n3A_817 = arith.select %ge3A_814, %jit3A_815, %jit3A_816 : i32
        %add3A_818 = arith.addi %add3A_810, %select_n3A_817 : i32
        %slice3A_819 = vector.extract_strided_slice %get3A_750 {offsets = [9], sizes = [1], strides = [1]} : vector<16xi32> to vector<1xi32>
        %squeeze3A_820 = vector.extract %slice3A_819[0] : i32 from vector<1xi32>
        %ge3A_821 = arith.constant 8064 : i32
        %ge3A_822 = arith.cmpi sge, %squeeze3A_820, %ge3A_821 : i32
        %jit3A_823 = arith.constant 1 : i32
        %jit3A_824 = arith.constant 0 : i32
        %select_n3A_825 = arith.select %ge3A_822, %jit3A_823, %jit3A_824 : i32
        %add3A_826 = arith.addi %add3A_818, %select_n3A_825 : i32
        %slice3A_827 = vector.extract_strided_slice %get3A_750 {offsets = [10], sizes = [1], strides = [1]} : vector<16xi32> to vector<1xi32>
        %squeeze3A_828 = vector.extract %slice3A_827[0] : i32 from vector<1xi32>
        %ge3A_829 = arith.constant 8064 : i32
        %ge3A_830 = arith.cmpi sge, %squeeze3A_828, %ge3A_829 : i32
        %jit3A_831 = arith.constant 1 : i32
        %jit3A_832 = arith.constant 0 : i32
        %select_n3A_833 = arith.select %ge3A_830, %jit3A_831, %jit3A_832 : i32
        %add3A_834 = arith.addi %add3A_826, %select_n3A_833 : i32
        %slice3A_835 = vector.extract_strided_slice %get3A_750 {offsets = [11], sizes = [1], strides = [1]} : vector<16xi32> to vector<1xi32>
        %squeeze3A_836 = vector.extract %slice3A_835[0] : i32 from vector<1xi32>
        %ge3A_837 = arith.constant 8064 : i32
        %ge3A_838 = arith.cmpi sge, %squeeze3A_836, %ge3A_837 : i32
        %jit3A_839 = arith.constant 1 : i32
        %jit3A_840 = arith.constant 0 : i32
        %select_n3A_841 = arith.select %ge3A_838, %jit3A_839, %jit3A_840 : i32
        %add3A_842 = arith.addi %add3A_834, %select_n3A_841 : i32
        %slice3A_843 = vector.extract_strided_slice %get3A_750 {offsets = [12], sizes = [1], strides = [1]} : vector<16xi32> to vector<1xi32>
        %squeeze3A_844 = vector.extract %slice3A_843[0] : i32 from vector<1xi32>
        %ge3A_845 = arith.constant 8064 : i32
        %ge3A_846 = arith.cmpi sge, %squeeze3A_844, %ge3A_845 : i32
        %jit3A_847 = arith.constant 1 : i32
        %jit3A_848 = arith.constant 0 : i32
        %select_n3A_849 = arith.select %ge3A_846, %jit3A_847, %jit3A_848 : i32
        %add3A_850 = arith.addi %add3A_842, %select_n3A_849 : i32
        %slice3A_851 = vector.extract_strided_slice %get3A_750 {offsets = [13], sizes = [1], strides = [1]} : vector<16xi32> to vector<1xi32>
        %squeeze3A_852 = vector.extract %slice3A_851[0] : i32 from vector<1xi32>
        %ge3A_853 = arith.constant 8064 : i32
        %ge3A_854 = arith.cmpi sge, %squeeze3A_852, %ge3A_853 : i32
        %jit3A_855 = arith.constant 1 : i32
        %jit3A_856 = arith.constant 0 : i32
        %select_n3A_857 = arith.select %ge3A_854, %jit3A_855, %jit3A_856 : i32
        %add3A_858 = arith.addi %add3A_850, %select_n3A_857 : i32
        %slice3A_859 = vector.extract_strided_slice %get3A_750 {offsets = [14], sizes = [1], strides = [1]} : vector<16xi32> to vector<1xi32>
        %squeeze3A_860 = vector.extract %slice3A_859[0] : i32 from vector<1xi32>
        %ge3A_861 = arith.constant 8064 : i32
        %ge3A_862 = arith.cmpi sge, %squeeze3A_860, %ge3A_861 : i32
        %jit3A_863 = arith.constant 1 : i32
        %jit3A_864 = arith.constant 0 : i32
        %select_n3A_865 = arith.select %ge3A_862, %jit3A_863, %jit3A_864 : i32
        %add3A_866 = arith.addi %add3A_858, %select_n3A_865 : i32
        %slice3A_867 = vector.extract_strided_slice %get3A_750 {offsets = [15], sizes = [1], strides = [1]} : vector<16xi32> to vector<1xi32>
        %squeeze3A_868 = vector.extract %slice3A_867[0] : i32 from vector<1xi32>
        %ge3A_869 = arith.constant 8064 : i32
        %ge3A_870 = arith.cmpi sge, %squeeze3A_868, %ge3A_869 : i32
        %jit3A_871 = arith.constant 1 : i32
        %jit3A_872 = arith.constant 0 : i32
        %select_n3A_873 = arith.select %ge3A_870, %jit3A_871, %jit3A_872 : i32
        %add3A_874 = arith.addi %add3A_866, %select_n3A_873 : i32
        %gt3A = arith.constant 0 : i32
        %gt3A_875 = arith.cmpi sgt, %add3A_874, %gt3A : i32
        %convert_element_type3A_876 = arith.extui %gt3A_875 : i1 to i32
        %cond3A_877 = arith.constant 0 : i32
        %cond3A_878 = arith.cmpi ne, %convert_element_type3A_876, %cond3A_877 : i32
        scf.if %cond3A_878 {
          %slice3A_880 = vector.extract_strided_slice %get3A_750 {offsets = [0], sizes = [1], strides = [1]} : vector<16xi32> to vector<1xi32>
          %squeeze3A_881 = vector.extract %slice3A_880[0] : i32 from vector<1xi32>
          %ge3A_882 = arith.constant 8064 : i32
          %ge3A_883 = arith.cmpi sge, %squeeze3A_881, %ge3A_882 : i32
          %convert_element_type3A_884 = arith.extui %ge3A_883 : i1 to i32
          %cond3A_885 = arith.constant 0 : i32
          %cond3A_886 = arith.cmpi ne, %convert_element_type3A_884, %cond3A_885 : i32
          scf.if %cond3A_886 {
            %mul3A_992 = arith.constant 16 : i32
            %mul3A_993 = arith.muli %scan3A_742, %mul3A_992 : i32
            %add3A_994 = arith.constant 128 : i32
            %add3A_995 = arith.addi %add3A_994, %mul3A_993 : i32
            %add3A_996 = arith.constant 0 : i32
            %add3A_997 = arith.addi %add3A_995, %add3A_996 : i32
            %dma_start3A_998 = arith.constant 0 : i32
            %dma_start3A_999 = tpu.memref_slice %arg7[%add3A_997, %dma_start3A_998] : memref<512x128xf32, #tpu.memory_space<vmem>> -> memref<1x128xf32, #tpu.memory_space<vmem>>
            %dma_start3A_1000 = arith.constant 0 : i32
            %dma_start3A_1001 = tpu.memref_slice %arg3[%squeeze3A_881, %dma_start3A_1000] : memref<8192x128xf32, #tpu.memory_space<hbm>> -> memref<1x128xf32, #tpu.memory_space<hbm>>
            %dma_start3A_1002 = arith.constant 0 : i32
            %dma_start3A_1003 = tpu.memref_slice %arg7[%add3A_997, %dma_start3A_1002] : memref<512x128xf32, #tpu.memory_space<vmem>> -> memref<1x128xf32, #tpu.memory_space<vmem>>
            %dma_start3A_1004 = arith.constant 0 : i32
            %dma_start3A_1005 = tpu.memref_slice %arg3[%squeeze3A_881, %dma_start3A_1004] : memref<8192x128xf32, #tpu.memory_space<hbm>> -> memref<1x128xf32, #tpu.memory_space<hbm>>
            tpu.enqueue_dma source(%dma_start3A_1005 : memref<1x128xf32, #tpu.memory_space<hbm>>) target(%dma_start3A_1003 : memref<1x128xf32, #tpu.memory_space<vmem>>) target_semaphore(%arg21 : memref<!tpu.dma_semaphore, #tpu.memory_space<semaphore_mem>>)
          } else {
          }
          %slice3A_887 = vector.extract_strided_slice %get3A_750 {offsets = [1], sizes = [1], strides = [1]} : vector<16xi32> to vector<1xi32>
          %squeeze3A_888 = vector.extract %slice3A_887[0] : i32 from vector<1xi32>
          %ge3A_889 = arith.constant 8064 : i32
          %ge3A_890 = arith.cmpi sge, %squeeze3A_888, %ge3A_889 : i32
          %convert_element_type3A_891 = arith.extui %ge3A_890 : i1 to i32
          %cond3A_892 = arith.constant 0 : i32
          %cond3A_893 = arith.cmpi ne, %convert_element_type3A_891, %cond3A_892 : i32
          scf.if %cond3A_893 {
            %mul3A_992 = arith.constant 16 : i32
            %mul3A_993 = arith.muli %scan3A_742, %mul3A_992 : i32
            %add3A_994 = arith.constant 128 : i32
            %add3A_995 = arith.addi %add3A_994, %mul3A_993 : i32
            %add3A_996 = arith.constant 1 : i32
            %add3A_997 = arith.addi %add3A_995, %add3A_996 : i32
            %dma_start3A_998 = arith.constant 0 : i32
            %dma_start3A_999 = tpu.memref_slice %arg7[%add3A_997, %dma_start3A_998] : memref<512x128xf32, #tpu.memory_space<vmem>> -> memref<1x128xf32, #tpu.memory_space<vmem>>
            %dma_start3A_1000 = arith.constant 0 : i32
            %dma_start3A_1001 = tpu.memref_slice %arg3[%squeeze3A_888, %dma_start3A_1000] : memref<8192x128xf32, #tpu.memory_space<hbm>> -> memref<1x128xf32, #tpu.memory_space<hbm>>
            %dma_start3A_1002 = arith.constant 0 : i32
            %dma_start3A_1003 = tpu.memref_slice %arg7[%add3A_997, %dma_start3A_1002] : memref<512x128xf32, #tpu.memory_space<vmem>> -> memref<1x128xf32, #tpu.memory_space<vmem>>
            %dma_start3A_1004 = arith.constant 0 : i32
            %dma_start3A_1005 = tpu.memref_slice %arg3[%squeeze3A_888, %dma_start3A_1004] : memref<8192x128xf32, #tpu.memory_space<hbm>> -> memref<1x128xf32, #tpu.memory_space<hbm>>
            tpu.enqueue_dma source(%dma_start3A_1005 : memref<1x128xf32, #tpu.memory_space<hbm>>) target(%dma_start3A_1003 : memref<1x128xf32, #tpu.memory_space<vmem>>) target_semaphore(%arg21 : memref<!tpu.dma_semaphore, #tpu.memory_space<semaphore_mem>>)
          } else {
          }
          %slice3A_894 = vector.extract_strided_slice %get3A_750 {offsets = [2], sizes = [1], strides = [1]} : vector<16xi32> to vector<1xi32>
          %squeeze3A_895 = vector.extract %slice3A_894[0] : i32 from vector<1xi32>
          %ge3A_896 = arith.constant 8064 : i32
          %ge3A_897 = arith.cmpi sge, %squeeze3A_895, %ge3A_896 : i32
          %convert_element_type3A_898 = arith.extui %ge3A_897 : i1 to i32
          %cond3A_899 = arith.constant 0 : i32
          %cond3A_900 = arith.cmpi ne, %convert_element_type3A_898, %cond3A_899 : i32
          scf.if %cond3A_900 {
            %mul3A_992 = arith.constant 16 : i32
            %mul3A_993 = arith.muli %scan3A_742, %mul3A_992 : i32
            %add3A_994 = arith.constant 128 : i32
            %add3A_995 = arith.addi %add3A_994, %mul3A_993 : i32
            %add3A_996 = arith.constant 2 : i32
            %add3A_997 = arith.addi %add3A_995, %add3A_996 : i32
            %dma_start3A_998 = arith.constant 0 : i32
            %dma_start3A_999 = tpu.memref_slice %arg7[%add3A_997, %dma_start3A_998] : memref<512x128xf32, #tpu.memory_space<vmem>> -> memref<1x128xf32, #tpu.memory_space<vmem>>
            %dma_start3A_1000 = arith.constant 0 : i32
            %dma_start3A_1001 = tpu.memref_slice %arg3[%squeeze3A_895, %dma_start3A_1000] : memref<8192x128xf32, #tpu.memory_space<hbm>> -> memref<1x128xf32, #tpu.memory_space<hbm>>
            %dma_start3A_1002 = arith.constant 0 : i32
            %dma_start3A_1003 = tpu.memref_slice %arg7[%add3A_997, %dma_start3A_1002] : memref<512x128xf32, #tpu.memory_space<vmem>> -> memref<1x128xf32, #tpu.memory_space<vmem>>
            %dma_start3A_1004 = arith.constant 0 : i32
            %dma_start3A_1005 = tpu.memref_slice %arg3[%squeeze3A_895, %dma_start3A_1004] : memref<8192x128xf32, #tpu.memory_space<hbm>> -> memref<1x128xf32, #tpu.memory_space<hbm>>
            tpu.enqueue_dma source(%dma_start3A_1005 : memref<1x128xf32, #tpu.memory_space<hbm>>) target(%dma_start3A_1003 : memref<1x128xf32, #tpu.memory_space<vmem>>) target_semaphore(%arg21 : memref<!tpu.dma_semaphore, #tpu.memory_space<semaphore_mem>>)
          } else {
          }
          %slice3A_901 = vector.extract_strided_slice %get3A_750 {offsets = [3], sizes = [1], strides = [1]} : vector<16xi32> to vector<1xi32>
          %squeeze3A_902 = vector.extract %slice3A_901[0] : i32 from vector<1xi32>
          %ge3A_903 = arith.constant 8064 : i32
          %ge3A_904 = arith.cmpi sge, %squeeze3A_902, %ge3A_903 : i32
          %convert_element_type3A_905 = arith.extui %ge3A_904 : i1 to i32
          %cond3A_906 = arith.constant 0 : i32
          %cond3A_907 = arith.cmpi ne, %convert_element_type3A_905, %cond3A_906 : i32
          scf.if %cond3A_907 {
            %mul3A_992 = arith.constant 16 : i32
            %mul3A_993 = arith.muli %scan3A_742, %mul3A_992 : i32
            %add3A_994 = arith.constant 128 : i32
            %add3A_995 = arith.addi %add3A_994, %mul3A_993 : i32
            %add3A_996 = arith.constant 3 : i32
            %add3A_997 = arith.addi %add3A_995, %add3A_996 : i32
            %dma_start3A_998 = arith.constant 0 : i32
            %dma_start3A_999 = tpu.memref_slice %arg7[%add3A_997, %dma_start3A_998] : memref<512x128xf32, #tpu.memory_space<vmem>> -> memref<1x128xf32, #tpu.memory_space<vmem>>
            %dma_start3A_1000 = arith.constant 0 : i32
            %dma_start3A_1001 = tpu.memref_slice %arg3[%squeeze3A_902, %dma_start3A_1000] : memref<8192x128xf32, #tpu.memory_space<hbm>> -> memref<1x128xf32, #tpu.memory_space<hbm>>
            %dma_start3A_1002 = arith.constant 0 : i32
            %dma_start3A_1003 = tpu.memref_slice %arg7[%add3A_997, %dma_start3A_1002] : memref<512x128xf32, #tpu.memory_space<vmem>> -> memref<1x128xf32, #tpu.memory_space<vmem>>
            %dma_start3A_1004 = arith.constant 0 : i32
            %dma_start3A_1005 = tpu.memref_slice %arg3[%squeeze3A_902, %dma_start3A_1004] : memref<8192x128xf32, #tpu.memory_space<hbm>> -> memref<1x128xf32, #tpu.memory_space<hbm>>
            tpu.enqueue_dma source(%dma_start3A_1005 : memref<1x128xf32, #tpu.memory_space<hbm>>) target(%dma_start3A_1003 : memref<1x128xf32, #tpu.memory_space<vmem>>) target_semaphore(%arg21 : memref<!tpu.dma_semaphore, #tpu.memory_space<semaphore_mem>>)
          } else {
          }
          %slice3A_908 = vector.extract_strided_slice %get3A_750 {offsets = [4], sizes = [1], strides = [1]} : vector<16xi32> to vector<1xi32>
          %squeeze3A_909 = vector.extract %slice3A_908[0] : i32 from vector<1xi32>
          %ge3A_910 = arith.constant 8064 : i32
          %ge3A_911 = arith.cmpi sge, %squeeze3A_909, %ge3A_910 : i32
          %convert_element_type3A_912 = arith.extui %ge3A_911 : i1 to i32
          %cond3A_913 = arith.constant 0 : i32
          %cond3A_914 = arith.cmpi ne, %convert_element_type3A_912, %cond3A_913 : i32
          scf.if %cond3A_914 {
            %mul3A_992 = arith.constant 16 : i32
            %mul3A_993 = arith.muli %scan3A_742, %mul3A_992 : i32
            %add3A_994 = arith.constant 128 : i32
            %add3A_995 = arith.addi %add3A_994, %mul3A_993 : i32
            %add3A_996 = arith.constant 4 : i32
            %add3A_997 = arith.addi %add3A_995, %add3A_996 : i32
            %dma_start3A_998 = arith.constant 0 : i32
            %dma_start3A_999 = tpu.memref_slice %arg7[%add3A_997, %dma_start3A_998] : memref<512x128xf32, #tpu.memory_space<vmem>> -> memref<1x128xf32, #tpu.memory_space<vmem>>
            %dma_start3A_1000 = arith.constant 0 : i32
            %dma_start3A_1001 = tpu.memref_slice %arg3[%squeeze3A_909, %dma_start3A_1000] : memref<8192x128xf32, #tpu.memory_space<hbm>> -> memref<1x128xf32, #tpu.memory_space<hbm>>
            %dma_start3A_1002 = arith.constant 0 : i32
            %dma_start3A_1003 = tpu.memref_slice %arg7[%add3A_997, %dma_start3A_1002] : memref<512x128xf32, #tpu.memory_space<vmem>> -> memref<1x128xf32, #tpu.memory_space<vmem>>
            %dma_start3A_1004 = arith.constant 0 : i32
            %dma_start3A_1005 = tpu.memref_slice %arg3[%squeeze3A_909, %dma_start3A_1004] : memref<8192x128xf32, #tpu.memory_space<hbm>> -> memref<1x128xf32, #tpu.memory_space<hbm>>
            tpu.enqueue_dma source(%dma_start3A_1005 : memref<1x128xf32, #tpu.memory_space<hbm>>) target(%dma_start3A_1003 : memref<1x128xf32, #tpu.memory_space<vmem>>) target_semaphore(%arg21 : memref<!tpu.dma_semaphore, #tpu.memory_space<semaphore_mem>>)
          } else {
          }
          %slice3A_915 = vector.extract_strided_slice %get3A_750 {offsets = [5], sizes = [1], strides = [1]} : vector<16xi32> to vector<1xi32>
          %squeeze3A_916 = vector.extract %slice3A_915[0] : i32 from vector<1xi32>
          %ge3A_917 = arith.constant 8064 : i32
          %ge3A_918 = arith.cmpi sge, %squeeze3A_916, %ge3A_917 : i32
          %convert_element_type3A_919 = arith.extui %ge3A_918 : i1 to i32
          %cond3A_920 = arith.constant 0 : i32
          %cond3A_921 = arith.cmpi ne, %convert_element_type3A_919, %cond3A_920 : i32
          scf.if %cond3A_921 {
            %mul3A_992 = arith.constant 16 : i32
            %mul3A_993 = arith.muli %scan3A_742, %mul3A_992 : i32
            %add3A_994 = arith.constant 128 : i32
            %add3A_995 = arith.addi %add3A_994, %mul3A_993 : i32
            %add3A_996 = arith.constant 5 : i32
            %add3A_997 = arith.addi %add3A_995, %add3A_996 : i32
            %dma_start3A_998 = arith.constant 0 : i32
            %dma_start3A_999 = tpu.memref_slice %arg7[%add3A_997, %dma_start3A_998] : memref<512x128xf32, #tpu.memory_space<vmem>> -> memref<1x128xf32, #tpu.memory_space<vmem>>
            %dma_start3A_1000 = arith.constant 0 : i32
            %dma_start3A_1001 = tpu.memref_slice %arg3[%squeeze3A_916, %dma_start3A_1000] : memref<8192x128xf32, #tpu.memory_space<hbm>> -> memref<1x128xf32, #tpu.memory_space<hbm>>
            %dma_start3A_1002 = arith.constant 0 : i32
            %dma_start3A_1003 = tpu.memref_slice %arg7[%add3A_997, %dma_start3A_1002] : memref<512x128xf32, #tpu.memory_space<vmem>> -> memref<1x128xf32, #tpu.memory_space<vmem>>
            %dma_start3A_1004 = arith.constant 0 : i32
            %dma_start3A_1005 = tpu.memref_slice %arg3[%squeeze3A_916, %dma_start3A_1004] : memref<8192x128xf32, #tpu.memory_space<hbm>> -> memref<1x128xf32, #tpu.memory_space<hbm>>
            tpu.enqueue_dma source(%dma_start3A_1005 : memref<1x128xf32, #tpu.memory_space<hbm>>) target(%dma_start3A_1003 : memref<1x128xf32, #tpu.memory_space<vmem>>) target_semaphore(%arg21 : memref<!tpu.dma_semaphore, #tpu.memory_space<semaphore_mem>>)
          } else {
          }
          %slice3A_922 = vector.extract_strided_slice %get3A_750 {offsets = [6], sizes = [1], strides = [1]} : vector<16xi32> to vector<1xi32>
          %squeeze3A_923 = vector.extract %slice3A_922[0] : i32 from vector<1xi32>
          %ge3A_924 = arith.constant 8064 : i32
          %ge3A_925 = arith.cmpi sge, %squeeze3A_923, %ge3A_924 : i32
          %convert_element_type3A_926 = arith.extui %ge3A_925 : i1 to i32
          %cond3A_927 = arith.constant 0 : i32
          %cond3A_928 = arith.cmpi ne, %convert_element_type3A_926, %cond3A_927 : i32
          scf.if %cond3A_928 {
            %mul3A_992 = arith.constant 16 : i32
            %mul3A_993 = arith.muli %scan3A_742, %mul3A_992 : i32
            %add3A_994 = arith.constant 128 : i32
            %add3A_995 = arith.addi %add3A_994, %mul3A_993 : i32
            %add3A_996 = arith.constant 6 : i32
            %add3A_997 = arith.addi %add3A_995, %add3A_996 : i32
            %dma_start3A_998 = arith.constant 0 : i32
            %dma_start3A_999 = tpu.memref_slice %arg7[%add3A_997, %dma_start3A_998] : memref<512x128xf32, #tpu.memory_space<vmem>> -> memref<1x128xf32, #tpu.memory_space<vmem>>
            %dma_start3A_1000 = arith.constant 0 : i32
            %dma_start3A_1001 = tpu.memref_slice %arg3[%squeeze3A_923, %dma_start3A_1000] : memref<8192x128xf32, #tpu.memory_space<hbm>> -> memref<1x128xf32, #tpu.memory_space<hbm>>
            %dma_start3A_1002 = arith.constant 0 : i32
            %dma_start3A_1003 = tpu.memref_slice %arg7[%add3A_997, %dma_start3A_1002] : memref<512x128xf32, #tpu.memory_space<vmem>> -> memref<1x128xf32, #tpu.memory_space<vmem>>
            %dma_start3A_1004 = arith.constant 0 : i32
            %dma_start3A_1005 = tpu.memref_slice %arg3[%squeeze3A_923, %dma_start3A_1004] : memref<8192x128xf32, #tpu.memory_space<hbm>> -> memref<1x128xf32, #tpu.memory_space<hbm>>
            tpu.enqueue_dma source(%dma_start3A_1005 : memref<1x128xf32, #tpu.memory_space<hbm>>) target(%dma_start3A_1003 : memref<1x128xf32, #tpu.memory_space<vmem>>) target_semaphore(%arg21 : memref<!tpu.dma_semaphore, #tpu.memory_space<semaphore_mem>>)
          } else {
          }
          %slice3A_929 = vector.extract_strided_slice %get3A_750 {offsets = [7], sizes = [1], strides = [1]} : vector<16xi32> to vector<1xi32>
          %squeeze3A_930 = vector.extract %slice3A_929[0] : i32 from vector<1xi32>
          %ge3A_931 = arith.constant 8064 : i32
          %ge3A_932 = arith.cmpi sge, %squeeze3A_930, %ge3A_931 : i32
          %convert_element_type3A_933 = arith.extui %ge3A_932 : i1 to i32
          %cond3A_934 = arith.constant 0 : i32
          %cond3A_935 = arith.cmpi ne, %convert_element_type3A_933, %cond3A_934 : i32
          scf.if %cond3A_935 {
            %mul3A_992 = arith.constant 16 : i32
            %mul3A_993 = arith.muli %scan3A_742, %mul3A_992 : i32
            %add3A_994 = arith.constant 128 : i32
            %add3A_995 = arith.addi %add3A_994, %mul3A_993 : i32
            %add3A_996 = arith.constant 7 : i32
            %add3A_997 = arith.addi %add3A_995, %add3A_996 : i32
            %dma_start3A_998 = arith.constant 0 : i32
            %dma_start3A_999 = tpu.memref_slice %arg7[%add3A_997, %dma_start3A_998] : memref<512x128xf32, #tpu.memory_space<vmem>> -> memref<1x128xf32, #tpu.memory_space<vmem>>
            %dma_start3A_1000 = arith.constant 0 : i32
            %dma_start3A_1001 = tpu.memref_slice %arg3[%squeeze3A_930, %dma_start3A_1000] : memref<8192x128xf32, #tpu.memory_space<hbm>> -> memref<1x128xf32, #tpu.memory_space<hbm>>
            %dma_start3A_1002 = arith.constant 0 : i32
            %dma_start3A_1003 = tpu.memref_slice %arg7[%add3A_997, %dma_start3A_1002] : memref<512x128xf32, #tpu.memory_space<vmem>> -> memref<1x128xf32, #tpu.memory_space<vmem>>
            %dma_start3A_1004 = arith.constant 0 : i32
            %dma_start3A_1005 = tpu.memref_slice %arg3[%squeeze3A_930, %dma_start3A_1004] : memref<8192x128xf32, #tpu.memory_space<hbm>> -> memref<1x128xf32, #tpu.memory_space<hbm>>
            tpu.enqueue_dma source(%dma_start3A_1005 : memref<1x128xf32, #tpu.memory_space<hbm>>) target(%dma_start3A_1003 : memref<1x128xf32, #tpu.memory_space<vmem>>) target_semaphore(%arg21 : memref<!tpu.dma_semaphore, #tpu.memory_space<semaphore_mem>>)
          } else {
          }
          %slice3A_936 = vector.extract_strided_slice %get3A_750 {offsets = [8], sizes = [1], strides = [1]} : vector<16xi32> to vector<1xi32>
          %squeeze3A_937 = vector.extract %slice3A_936[0] : i32 from vector<1xi32>
          %ge3A_938 = arith.constant 8064 : i32
          %ge3A_939 = arith.cmpi sge, %squeeze3A_937, %ge3A_938 : i32
          %convert_element_type3A_940 = arith.extui %ge3A_939 : i1 to i32
          %cond3A_941 = arith.constant 0 : i32
          %cond3A_942 = arith.cmpi ne, %convert_element_type3A_940, %cond3A_941 : i32
          scf.if %cond3A_942 {
            %mul3A_992 = arith.constant 16 : i32
            %mul3A_993 = arith.muli %scan3A_742, %mul3A_992 : i32
            %add3A_994 = arith.constant 128 : i32
            %add3A_995 = arith.addi %add3A_994, %mul3A_993 : i32
            %add3A_996 = arith.constant 8 : i32
            %add3A_997 = arith.addi %add3A_995, %add3A_996 : i32
            %dma_start3A_998 = arith.constant 0 : i32
            %dma_start3A_999 = tpu.memref_slice %arg7[%add3A_997, %dma_start3A_998] : memref<512x128xf32, #tpu.memory_space<vmem>> -> memref<1x128xf32, #tpu.memory_space<vmem>>
            %dma_start3A_1000 = arith.constant 0 : i32
            %dma_start3A_1001 = tpu.memref_slice %arg3[%squeeze3A_937, %dma_start3A_1000] : memref<8192x128xf32, #tpu.memory_space<hbm>> -> memref<1x128xf32, #tpu.memory_space<hbm>>
            %dma_start3A_1002 = arith.constant 0 : i32
            %dma_start3A_1003 = tpu.memref_slice %arg7[%add3A_997, %dma_start3A_1002] : memref<512x128xf32, #tpu.memory_space<vmem>> -> memref<1x128xf32, #tpu.memory_space<vmem>>
            %dma_start3A_1004 = arith.constant 0 : i32
            %dma_start3A_1005 = tpu.memref_slice %arg3[%squeeze3A_937, %dma_start3A_1004] : memref<8192x128xf32, #tpu.memory_space<hbm>> -> memref<1x128xf32, #tpu.memory_space<hbm>>
            tpu.enqueue_dma source(%dma_start3A_1005 : memref<1x128xf32, #tpu.memory_space<hbm>>) target(%dma_start3A_1003 : memref<1x128xf32, #tpu.memory_space<vmem>>) target_semaphore(%arg21 : memref<!tpu.dma_semaphore, #tpu.memory_space<semaphore_mem>>)
          } else {
          }
          %slice3A_943 = vector.extract_strided_slice %get3A_750 {offsets = [9], sizes = [1], strides = [1]} : vector<16xi32> to vector<1xi32>
          %squeeze3A_944 = vector.extract %slice3A_943[0] : i32 from vector<1xi32>
          %ge3A_945 = arith.constant 8064 : i32
          %ge3A_946 = arith.cmpi sge, %squeeze3A_944, %ge3A_945 : i32
          %convert_element_type3A_947 = arith.extui %ge3A_946 : i1 to i32
          %cond3A_948 = arith.constant 0 : i32
          %cond3A_949 = arith.cmpi ne, %convert_element_type3A_947, %cond3A_948 : i32
          scf.if %cond3A_949 {
            %mul3A_992 = arith.constant 16 : i32
            %mul3A_993 = arith.muli %scan3A_742, %mul3A_992 : i32
            %add3A_994 = arith.constant 128 : i32
            %add3A_995 = arith.addi %add3A_994, %mul3A_993 : i32
            %add3A_996 = arith.constant 9 : i32
            %add3A_997 = arith.addi %add3A_995, %add3A_996 : i32
            %dma_start3A_998 = arith.constant 0 : i32
            %dma_start3A_999 = tpu.memref_slice %arg7[%add3A_997, %dma_start3A_998] : memref<512x128xf32, #tpu.memory_space<vmem>> -> memref<1x128xf32, #tpu.memory_space<vmem>>
            %dma_start3A_1000 = arith.constant 0 : i32
            %dma_start3A_1001 = tpu.memref_slice %arg3[%squeeze3A_944, %dma_start3A_1000] : memref<8192x128xf32, #tpu.memory_space<hbm>> -> memref<1x128xf32, #tpu.memory_space<hbm>>
            %dma_start3A_1002 = arith.constant 0 : i32
            %dma_start3A_1003 = tpu.memref_slice %arg7[%add3A_997, %dma_start3A_1002] : memref<512x128xf32, #tpu.memory_space<vmem>> -> memref<1x128xf32, #tpu.memory_space<vmem>>
            %dma_start3A_1004 = arith.constant 0 : i32
            %dma_start3A_1005 = tpu.memref_slice %arg3[%squeeze3A_944, %dma_start3A_1004] : memref<8192x128xf32, #tpu.memory_space<hbm>> -> memref<1x128xf32, #tpu.memory_space<hbm>>
            tpu.enqueue_dma source(%dma_start3A_1005 : memref<1x128xf32, #tpu.memory_space<hbm>>) target(%dma_start3A_1003 : memref<1x128xf32, #tpu.memory_space<vmem>>) target_semaphore(%arg21 : memref<!tpu.dma_semaphore, #tpu.memory_space<semaphore_mem>>)
          } else {
          }
          %slice3A_950 = vector.extract_strided_slice %get3A_750 {offsets = [10], sizes = [1], strides = [1]} : vector<16xi32> to vector<1xi32>
          %squeeze3A_951 = vector.extract %slice3A_950[0] : i32 from vector<1xi32>
          %ge3A_952 = arith.constant 8064 : i32
          %ge3A_953 = arith.cmpi sge, %squeeze3A_951, %ge3A_952 : i32
          %convert_element_type3A_954 = arith.extui %ge3A_953 : i1 to i32
          %cond3A_955 = arith.constant 0 : i32
          %cond3A_956 = arith.cmpi ne, %convert_element_type3A_954, %cond3A_955 : i32
          scf.if %cond3A_956 {
            %mul3A_992 = arith.constant 16 : i32
            %mul3A_993 = arith.muli %scan3A_742, %mul3A_992 : i32
            %add3A_994 = arith.constant 128 : i32
            %add3A_995 = arith.addi %add3A_994, %mul3A_993 : i32
            %add3A_996 = arith.constant 10 : i32
            %add3A_997 = arith.addi %add3A_995, %add3A_996 : i32
            %dma_start3A_998 = arith.constant 0 : i32
            %dma_start3A_999 = tpu.memref_slice %arg7[%add3A_997, %dma_start3A_998] : memref<512x128xf32, #tpu.memory_space<vmem>> -> memref<1x128xf32, #tpu.memory_space<vmem>>
            %dma_start3A_1000 = arith.constant 0 : i32
            %dma_start3A_1001 = tpu.memref_slice %arg3[%squeeze3A_951, %dma_start3A_1000] : memref<8192x128xf32, #tpu.memory_space<hbm>> -> memref<1x128xf32, #tpu.memory_space<hbm>>
            %dma_start3A_1002 = arith.constant 0 : i32
            %dma_start3A_1003 = tpu.memref_slice %arg7[%add3A_997, %dma_start3A_1002] : memref<512x128xf32, #tpu.memory_space<vmem>> -> memref<1x128xf32, #tpu.memory_space<vmem>>
            %dma_start3A_1004 = arith.constant 0 : i32
            %dma_start3A_1005 = tpu.memref_slice %arg3[%squeeze3A_951, %dma_start3A_1004] : memref<8192x128xf32, #tpu.memory_space<hbm>> -> memref<1x128xf32, #tpu.memory_space<hbm>>
            tpu.enqueue_dma source(%dma_start3A_1005 : memref<1x128xf32, #tpu.memory_space<hbm>>) target(%dma_start3A_1003 : memref<1x128xf32, #tpu.memory_space<vmem>>) target_semaphore(%arg21 : memref<!tpu.dma_semaphore, #tpu.memory_space<semaphore_mem>>)
          } else {
          }
          %slice3A_957 = vector.extract_strided_slice %get3A_750 {offsets = [11], sizes = [1], strides = [1]} : vector<16xi32> to vector<1xi32>
          %squeeze3A_958 = vector.extract %slice3A_957[0] : i32 from vector<1xi32>
          %ge3A_959 = arith.constant 8064 : i32
          %ge3A_960 = arith.cmpi sge, %squeeze3A_958, %ge3A_959 : i32
          %convert_element_type3A_961 = arith.extui %ge3A_960 : i1 to i32
          %cond3A_962 = arith.constant 0 : i32
          %cond3A_963 = arith.cmpi ne, %convert_element_type3A_961, %cond3A_962 : i32
          scf.if %cond3A_963 {
            %mul3A_992 = arith.constant 16 : i32
            %mul3A_993 = arith.muli %scan3A_742, %mul3A_992 : i32
            %add3A_994 = arith.constant 128 : i32
            %add3A_995 = arith.addi %add3A_994, %mul3A_993 : i32
            %add3A_996 = arith.constant 11 : i32
            %add3A_997 = arith.addi %add3A_995, %add3A_996 : i32
            %dma_start3A_998 = arith.constant 0 : i32
            %dma_start3A_999 = tpu.memref_slice %arg7[%add3A_997, %dma_start3A_998] : memref<512x128xf32, #tpu.memory_space<vmem>> -> memref<1x128xf32, #tpu.memory_space<vmem>>
            %dma_start3A_1000 = arith.constant 0 : i32
            %dma_start3A_1001 = tpu.memref_slice %arg3[%squeeze3A_958, %dma_start3A_1000] : memref<8192x128xf32, #tpu.memory_space<hbm>> -> memref<1x128xf32, #tpu.memory_space<hbm>>
            %dma_start3A_1002 = arith.constant 0 : i32
            %dma_start3A_1003 = tpu.memref_slice %arg7[%add3A_997, %dma_start3A_1002] : memref<512x128xf32, #tpu.memory_space<vmem>> -> memref<1x128xf32, #tpu.memory_space<vmem>>
            %dma_start3A_1004 = arith.constant 0 : i32
            %dma_start3A_1005 = tpu.memref_slice %arg3[%squeeze3A_958, %dma_start3A_1004] : memref<8192x128xf32, #tpu.memory_space<hbm>> -> memref<1x128xf32, #tpu.memory_space<hbm>>
            tpu.enqueue_dma source(%dma_start3A_1005 : memref<1x128xf32, #tpu.memory_space<hbm>>) target(%dma_start3A_1003 : memref<1x128xf32, #tpu.memory_space<vmem>>) target_semaphore(%arg21 : memref<!tpu.dma_semaphore, #tpu.memory_space<semaphore_mem>>)
          } else {
          }
          %slice3A_964 = vector.extract_strided_slice %get3A_750 {offsets = [12], sizes = [1], strides = [1]} : vector<16xi32> to vector<1xi32>
          %squeeze3A_965 = vector.extract %slice3A_964[0] : i32 from vector<1xi32>
          %ge3A_966 = arith.constant 8064 : i32
          %ge3A_967 = arith.cmpi sge, %squeeze3A_965, %ge3A_966 : i32
          %convert_element_type3A_968 = arith.extui %ge3A_967 : i1 to i32
          %cond3A_969 = arith.constant 0 : i32
          %cond3A_970 = arith.cmpi ne, %convert_element_type3A_968, %cond3A_969 : i32
          scf.if %cond3A_970 {
            %mul3A_992 = arith.constant 16 : i32
            %mul3A_993 = arith.muli %scan3A_742, %mul3A_992 : i32
            %add3A_994 = arith.constant 128 : i32
            %add3A_995 = arith.addi %add3A_994, %mul3A_993 : i32
            %add3A_996 = arith.constant 12 : i32
            %add3A_997 = arith.addi %add3A_995, %add3A_996 : i32
            %dma_start3A_998 = arith.constant 0 : i32
            %dma_start3A_999 = tpu.memref_slice %arg7[%add3A_997, %dma_start3A_998] : memref<512x128xf32, #tpu.memory_space<vmem>> -> memref<1x128xf32, #tpu.memory_space<vmem>>
            %dma_start3A_1000 = arith.constant 0 : i32
            %dma_start3A_1001 = tpu.memref_slice %arg3[%squeeze3A_965, %dma_start3A_1000] : memref<8192x128xf32, #tpu.memory_space<hbm>> -> memref<1x128xf32, #tpu.memory_space<hbm>>
            %dma_start3A_1002 = arith.constant 0 : i32
            %dma_start3A_1003 = tpu.memref_slice %arg7[%add3A_997, %dma_start3A_1002] : memref<512x128xf32, #tpu.memory_space<vmem>> -> memref<1x128xf32, #tpu.memory_space<vmem>>
            %dma_start3A_1004 = arith.constant 0 : i32
            %dma_start3A_1005 = tpu.memref_slice %arg3[%squeeze3A_965, %dma_start3A_1004] : memref<8192x128xf32, #tpu.memory_space<hbm>> -> memref<1x128xf32, #tpu.memory_space<hbm>>
            tpu.enqueue_dma source(%dma_start3A_1005 : memref<1x128xf32, #tpu.memory_space<hbm>>) target(%dma_start3A_1003 : memref<1x128xf32, #tpu.memory_space<vmem>>) target_semaphore(%arg21 : memref<!tpu.dma_semaphore, #tpu.memory_space<semaphore_mem>>)
          } else {
          }
          %slice3A_971 = vector.extract_strided_slice %get3A_750 {offsets = [13], sizes = [1], strides = [1]} : vector<16xi32> to vector<1xi32>
          %squeeze3A_972 = vector.extract %slice3A_971[0] : i32 from vector<1xi32>
          %ge3A_973 = arith.constant 8064 : i32
          %ge3A_974 = arith.cmpi sge, %squeeze3A_972, %ge3A_973 : i32
          %convert_element_type3A_975 = arith.extui %ge3A_974 : i1 to i32
          %cond3A_976 = arith.constant 0 : i32
          %cond3A_977 = arith.cmpi ne, %convert_element_type3A_975, %cond3A_976 : i32
          scf.if %cond3A_977 {
            %mul3A_992 = arith.constant 16 : i32
            %mul3A_993 = arith.muli %scan3A_742, %mul3A_992 : i32
            %add3A_994 = arith.constant 128 : i32
            %add3A_995 = arith.addi %add3A_994, %mul3A_993 : i32
            %add3A_996 = arith.constant 13 : i32
            %add3A_997 = arith.addi %add3A_995, %add3A_996 : i32
            %dma_start3A_998 = arith.constant 0 : i32
            %dma_start3A_999 = tpu.memref_slice %arg7[%add3A_997, %dma_start3A_998] : memref<512x128xf32, #tpu.memory_space<vmem>> -> memref<1x128xf32, #tpu.memory_space<vmem>>
            %dma_start3A_1000 = arith.constant 0 : i32
            %dma_start3A_1001 = tpu.memref_slice %arg3[%squeeze3A_972, %dma_start3A_1000] : memref<8192x128xf32, #tpu.memory_space<hbm>> -> memref<1x128xf32, #tpu.memory_space<hbm>>
            %dma_start3A_1002 = arith.constant 0 : i32
            %dma_start3A_1003 = tpu.memref_slice %arg7[%add3A_997, %dma_start3A_1002] : memref<512x128xf32, #tpu.memory_space<vmem>> -> memref<1x128xf32, #tpu.memory_space<vmem>>
            %dma_start3A_1004 = arith.constant 0 : i32
            %dma_start3A_1005 = tpu.memref_slice %arg3[%squeeze3A_972, %dma_start3A_1004] : memref<8192x128xf32, #tpu.memory_space<hbm>> -> memref<1x128xf32, #tpu.memory_space<hbm>>
            tpu.enqueue_dma source(%dma_start3A_1005 : memref<1x128xf32, #tpu.memory_space<hbm>>) target(%dma_start3A_1003 : memref<1x128xf32, #tpu.memory_space<vmem>>) target_semaphore(%arg21 : memref<!tpu.dma_semaphore, #tpu.memory_space<semaphore_mem>>)
          } else {
          }
          %slice3A_978 = vector.extract_strided_slice %get3A_750 {offsets = [14], sizes = [1], strides = [1]} : vector<16xi32> to vector<1xi32>
          %squeeze3A_979 = vector.extract %slice3A_978[0] : i32 from vector<1xi32>
          %ge3A_980 = arith.constant 8064 : i32
          %ge3A_981 = arith.cmpi sge, %squeeze3A_979, %ge3A_980 : i32
          %convert_element_type3A_982 = arith.extui %ge3A_981 : i1 to i32
          %cond3A_983 = arith.constant 0 : i32
          %cond3A_984 = arith.cmpi ne, %convert_element_type3A_982, %cond3A_983 : i32
          scf.if %cond3A_984 {
            %mul3A_992 = arith.constant 16 : i32
            %mul3A_993 = arith.muli %scan3A_742, %mul3A_992 : i32
            %add3A_994 = arith.constant 128 : i32
            %add3A_995 = arith.addi %add3A_994, %mul3A_993 : i32
            %add3A_996 = arith.constant 14 : i32
            %add3A_997 = arith.addi %add3A_995, %add3A_996 : i32
            %dma_start3A_998 = arith.constant 0 : i32
            %dma_start3A_999 = tpu.memref_slice %arg7[%add3A_997, %dma_start3A_998] : memref<512x128xf32, #tpu.memory_space<vmem>> -> memref<1x128xf32, #tpu.memory_space<vmem>>
            %dma_start3A_1000 = arith.constant 0 : i32
            %dma_start3A_1001 = tpu.memref_slice %arg3[%squeeze3A_979, %dma_start3A_1000] : memref<8192x128xf32, #tpu.memory_space<hbm>> -> memref<1x128xf32, #tpu.memory_space<hbm>>
            %dma_start3A_1002 = arith.constant 0 : i32
            %dma_start3A_1003 = tpu.memref_slice %arg7[%add3A_997, %dma_start3A_1002] : memref<512x128xf32, #tpu.memory_space<vmem>> -> memref<1x128xf32, #tpu.memory_space<vmem>>
            %dma_start3A_1004 = arith.constant 0 : i32
            %dma_start3A_1005 = tpu.memref_slice %arg3[%squeeze3A_979, %dma_start3A_1004] : memref<8192x128xf32, #tpu.memory_space<hbm>> -> memref<1x128xf32, #tpu.memory_space<hbm>>
            tpu.enqueue_dma source(%dma_start3A_1005 : memref<1x128xf32, #tpu.memory_space<hbm>>) target(%dma_start3A_1003 : memref<1x128xf32, #tpu.memory_space<vmem>>) target_semaphore(%arg21 : memref<!tpu.dma_semaphore, #tpu.memory_space<semaphore_mem>>)
          } else {
          }
          %slice3A_985 = vector.extract_strided_slice %get3A_750 {offsets = [15], sizes = [1], strides = [1]} : vector<16xi32> to vector<1xi32>
          %squeeze3A_986 = vector.extract %slice3A_985[0] : i32 from vector<1xi32>
          %ge3A_987 = arith.constant 8064 : i32
          %ge3A_988 = arith.cmpi sge, %squeeze3A_986, %ge3A_987 : i32
          %convert_element_type3A_989 = arith.extui %ge3A_988 : i1 to i32
          %cond3A_990 = arith.constant 0 : i32
          %cond3A_991 = arith.cmpi ne, %convert_element_type3A_989, %cond3A_990 : i32
          scf.if %cond3A_991 {
            %mul3A_992 = arith.constant 16 : i32
            %mul3A_993 = arith.muli %scan3A_742, %mul3A_992 : i32
            %add3A_994 = arith.constant 128 : i32
            %add3A_995 = arith.addi %add3A_994, %mul3A_993 : i32
            %add3A_996 = arith.constant 15 : i32
            %add3A_997 = arith.addi %add3A_995, %add3A_996 : i32
            %dma_start3A_998 = arith.constant 0 : i32
            %dma_start3A_999 = tpu.memref_slice %arg7[%add3A_997, %dma_start3A_998] : memref<512x128xf32, #tpu.memory_space<vmem>> -> memref<1x128xf32, #tpu.memory_space<vmem>>
            %dma_start3A_1000 = arith.constant 0 : i32
            %dma_start3A_1001 = tpu.memref_slice %arg3[%squeeze3A_986, %dma_start3A_1000] : memref<8192x128xf32, #tpu.memory_space<hbm>> -> memref<1x128xf32, #tpu.memory_space<hbm>>
            %dma_start3A_1002 = arith.constant 0 : i32
            %dma_start3A_1003 = tpu.memref_slice %arg7[%add3A_997, %dma_start3A_1002] : memref<512x128xf32, #tpu.memory_space<vmem>> -> memref<1x128xf32, #tpu.memory_space<vmem>>
            %dma_start3A_1004 = arith.constant 0 : i32
            %dma_start3A_1005 = tpu.memref_slice %arg3[%squeeze3A_986, %dma_start3A_1004] : memref<8192x128xf32, #tpu.memory_space<hbm>> -> memref<1x128xf32, #tpu.memory_space<hbm>>
            tpu.enqueue_dma source(%dma_start3A_1005 : memref<1x128xf32, #tpu.memory_space<hbm>>) target(%dma_start3A_1003 : memref<1x128xf32, #tpu.memory_space<vmem>>) target_semaphore(%arg21 : memref<!tpu.dma_semaphore, #tpu.memory_space<semaphore_mem>>)
          } else {
          }
        } else {
        }
        %add3A_879 = arith.addi %scan3A_743, %add3A_874 : i32
        scf.yield %add3A_879 : i32
      }
      %scan3A_588 = arith.constant 8 : i32
      %add3A_589 = arith.constant 4 : i32
      %add3A_590 = arith.addi %add3A_571, %add3A_589 : i32
      %lt3A_591 = arith.constant 200 : i32
      %lt3A_592 = arith.cmpi slt, %add3A_590, %lt3A_591 : i32
      %convert_element_type3A_593 = arith.extui %lt3A_592 : i1 to i32
      %cond3A_594 = arith.constant 0 : i32
      %cond3A_595 = arith.cmpi ne, %convert_element_type3A_593, %cond3A_594 : i32
      scf.if %cond3A_595 {
        %add3A_742 = arith.addi %mul3A_2, %add3A_590 : i32
        %dma_start3A_743 = arith.constant 1 : i32
        %dma_start3A_744 = arith.constant 0 : i32
        %dma_start3A_745 = tpu.memref_slice %arg5[%dma_start3A_743, %dma_start3A_744] : memref<4x128xi32, #tpu.memory_space<vmem>> -> memref<1x128xi32, #tpu.memory_space<vmem>>
        %dma_start3A_746 = arith.constant 0 : i32
        %dma_start3A_747 = tpu.memref_slice %arg2[%add3A_742, %dma_start3A_746] : memref<6400x128xi32, #tpu.memory_space<hbm>> -> memref<1x128xi32, #tpu.memory_space<hbm>>
        %dma_start3A_748 = arith.constant 1 : i32
        %dma_start3A_749 = arith.constant 0 : i32
        %dma_start3A_750 = tpu.memref_slice %arg5[%dma_start3A_748, %dma_start3A_749] : memref<4x128xi32, #tpu.memory_space<vmem>> -> memref<1x128xi32, #tpu.memory_space<vmem>>
        %dma_start3A_751 = arith.constant 0 : i32
        %dma_start3A_752 = tpu.memref_slice %arg2[%add3A_742, %dma_start3A_751] : memref<6400x128xi32, #tpu.memory_space<hbm>> -> memref<1x128xi32, #tpu.memory_space<hbm>>
        tpu.enqueue_dma source(%dma_start3A_752 : memref<1x128xi32, #tpu.memory_space<hbm>>) target(%dma_start3A_750 : memref<1x128xi32, #tpu.memory_space<vmem>>) target_semaphore(%arg10 : memref<!tpu.dma_semaphore, #tpu.memory_space<semaphore_mem>>)
      } else {
      }
      %add3A_596 = arith.constant 3 : i32
      %add3A_597 = arith.addi %add3A_571, %add3A_596 : i32
      %lt3A_598 = arith.constant 200 : i32
      %lt3A_599 = arith.cmpi slt, %add3A_597, %lt3A_598 : i32
      %convert_element_type3A_600 = arith.extui %lt3A_599 : i1 to i32
      %cond3A_601 = arith.constant 0 : i32
      %cond3A_602 = arith.cmpi ne, %convert_element_type3A_600, %cond3A_601 : i32
      scf.if %cond3A_602 {
        %ge3A = arith.constant 4 : i32
        %ge3A_742 = arith.cmpi sge, %add3A_597, %ge3A : i32
        %convert_element_type3A_743 = arith.extui %ge3A_742 : i1 to i32
        %cond3A_744 = arith.constant 0 : i32
        %cond3A_745 = arith.cmpi ne, %convert_element_type3A_743, %cond3A_744 : i32
        scf.if %cond3A_745 {
          %sub3A = arith.constant 4 : i32
          %sub3A_879 = arith.subi %add3A_597, %sub3A : i32
          %add3A_880 = arith.addi %mul3A_2, %sub3A_879 : i32
          %mul3A_881 = arith.constant 128 : i32
          %mul3A_882 = arith.muli %add3A_880, %mul3A_881 : i32
          %dma_wait3A_883 = arith.constant 0 : i32
          %dma_wait3A_884 = arith.constant 0 : i32
          %dma_wait3A_885 = tpu.memref_slice %arg7[%dma_wait3A_883, %dma_wait3A_884] : memref<512x128xf32, #tpu.memory_space<vmem>> -> memref<128x128xf32, #tpu.memory_space<vmem>>
          %dma_wait3A_886 = arith.constant 0 : i32
          %dma_wait3A_887 = tpu.memref_slice %arg4[%mul3A_882, %dma_wait3A_886] : memref<819200x128xf32, #tpu.memory_space<hbm>> -> memref<128x128xf32, #tpu.memory_space<hbm>>
          %dma_wait3A_888 = arith.constant 0 : i32
          %dma_wait3A_889 = tpu.memref_slice %arg4[%mul3A_882, %dma_wait3A_888] : memref<819200x128xf32, #tpu.memory_space<hbm>> -> memref<128x128xf32, #tpu.memory_space<hbm>>
          %dma_wait3A_890 = arith.constant 0 : i32
          %dma_wait3A_891 = arith.constant 0 : i32
          %dma_wait3A_892 = tpu.memref_slice %arg7[%dma_wait3A_890, %dma_wait3A_891] : memref<512x128xf32, #tpu.memory_space<vmem>> -> memref<128x128xf32, #tpu.memory_space<vmem>>
          tpu.wait_dma2 semaphore(%arg17 : memref<!tpu.dma_semaphore, #tpu.memory_space<semaphore_mem>>) src(%dma_wait3A_892 : memref<128x128xf32, #tpu.memory_space<vmem>>) dst(%dma_wait3A_889 : memref<128x128xf32, #tpu.memory_space<hbm>>)
        } else {
        }
        %add3A_746 = arith.addi %mul3A_2, %add3A_597 : i32
        %dma_wait3A_747 = arith.constant 0 : i32
        %dma_wait3A_748 = arith.constant 0 : i32
        %dma_wait3A_749 = tpu.memref_slice %arg5[%dma_wait3A_747, %dma_wait3A_748] : memref<4x128xi32, #tpu.memory_space<vmem>> -> memref<1x128xi32, #tpu.memory_space<vmem>>
        %dma_wait3A_750 = arith.constant 0 : i32
        %dma_wait3A_751 = tpu.memref_slice %arg2[%add3A_746, %dma_wait3A_750] : memref<6400x128xi32, #tpu.memory_space<hbm>> -> memref<1x128xi32, #tpu.memory_space<hbm>>
        %dma_wait3A_752 = arith.constant 0 : i32
        %dma_wait3A_753 = arith.constant 0 : i32
        %dma_wait3A_754 = tpu.memref_slice %arg5[%dma_wait3A_752, %dma_wait3A_753] : memref<4x128xi32, #tpu.memory_space<vmem>> -> memref<1x128xi32, #tpu.memory_space<vmem>>
        %dma_wait3A_755 = arith.constant 0 : i32
        %dma_wait3A_756 = tpu.memref_slice %arg2[%add3A_746, %dma_wait3A_755] : memref<6400x128xi32, #tpu.memory_space<hbm>> -> memref<1x128xi32, #tpu.memory_space<hbm>>
        tpu.wait_dma2 semaphore(%arg9 : memref<!tpu.dma_semaphore, #tpu.memory_space<semaphore_mem>>) src(%dma_wait3A_756 : memref<1x128xi32, #tpu.memory_space<hbm>>) dst(%dma_wait3A_754 : memref<1x128xi32, #tpu.memory_space<vmem>>)
        %get3A_757 = arith.constant 0 : i32
        %get3A_758 = arith.index_cast %get3A_757 : i32 to index
        %get3A_759 = arith.constant 0 : index
        %get3A_760 = tpu.vector_load %arg5[%get3A_758, %get3A_759] {strides = array<i32>} : memref<4x128xi32, #tpu.memory_space<vmem>>, vector<1x16xi32>,
        %get3A_761 = vector.shape_cast %get3A_760 : vector<1x16xi32> to vector<16xi32>
        %min3A_762 = arith.constant 8063 : i32
        %min3A_763 = vector.broadcast %min3A_762 : i32 to vector<16xi32>
        %min3A_764 = arith.minsi %get3A_761, %min3A_763 : vector<16xi32>
        %swap3A_765 = arith.constant 0 : i32
        %swap3A_766 = arith.index_cast %swap3A_765 : i32 to index
        %swap3A_767 = arith.constant 0 : index
        %swap3A_768 = tpu.vector_load %arg6[%swap3A_766, %swap3A_767] {strides = array<i32>} : memref<4x128xi32, #tpu.memory_space<vmem>>, vector<1x16xi32>,
        %swap3A_769 = vector.shape_cast %swap3A_768 : vector<1x16xi32> to vector<16xi32>
        %swap3A_770 = vector.shape_cast %min3A_764 : vector<16xi32> to vector<1x16xi32>
        tpu.vector_store %arg6[%swap3A_766, %swap3A_767], %swap3A_770 {strides = array<i32>} : memref<4x128xi32, #tpu.memory_space<vmem>>, vector<1x16xi32>,
        %get3A_771 = arith.constant 0 : i32
        %get3A_772 = arith.index_cast %get3A_771 : i32 to index
        %get3A_773 = arith.constant 16 : index
        %get3A_774 = tpu.vector_load %arg5[%get3A_772, %get3A_773] {strides = array<i32>} : memref<4x128xi32, #tpu.memory_space<vmem>>, vector<1x16xi32>,
        %get3A_775 = vector.shape_cast %get3A_774 : vector<1x16xi32> to vector<16xi32>
        %min3A_776 = arith.constant 8063 : i32
        %min3A_777 = vector.broadcast %min3A_776 : i32 to vector<16xi32>
        %min3A_778 = arith.minsi %get3A_775, %min3A_777 : vector<16xi32>
        %swap3A_779 = arith.constant 0 : i32
        %swap3A_780 = arith.index_cast %swap3A_779 : i32 to index
        %swap3A_781 = arith.constant 16 : index
        %swap3A_782 = tpu.vector_load %arg6[%swap3A_780, %swap3A_781] {strides = array<i32>} : memref<4x128xi32, #tpu.memory_space<vmem>>, vector<1x16xi32>,
        %swap3A_783 = vector.shape_cast %swap3A_782 : vector<1x16xi32> to vector<16xi32>
        %swap3A_784 = vector.shape_cast %min3A_778 : vector<16xi32> to vector<1x16xi32>
        tpu.vector_store %arg6[%swap3A_780, %swap3A_781], %swap3A_784 {strides = array<i32>} : memref<4x128xi32, #tpu.memory_space<vmem>>, vector<1x16xi32>,
        %get3A_785 = arith.constant 0 : i32
        %get3A_786 = arith.index_cast %get3A_785 : i32 to index
        %get3A_787 = arith.constant 32 : index
        %get3A_788 = tpu.vector_load %arg5[%get3A_786, %get3A_787] {strides = array<i32>} : memref<4x128xi32, #tpu.memory_space<vmem>>, vector<1x16xi32>,
        %get3A_789 = vector.shape_cast %get3A_788 : vector<1x16xi32> to vector<16xi32>
        %min3A_790 = arith.constant 8063 : i32
        %min3A_791 = vector.broadcast %min3A_790 : i32 to vector<16xi32>
        %min3A_792 = arith.minsi %get3A_789, %min3A_791 : vector<16xi32>
        %swap3A_793 = arith.constant 0 : i32
        %swap3A_794 = arith.index_cast %swap3A_793 : i32 to index
        %swap3A_795 = arith.constant 32 : index
        %swap3A_796 = tpu.vector_load %arg6[%swap3A_794, %swap3A_795] {strides = array<i32>} : memref<4x128xi32, #tpu.memory_space<vmem>>, vector<1x16xi32>,
        %swap3A_797 = vector.shape_cast %swap3A_796 : vector<1x16xi32> to vector<16xi32>
        %swap3A_798 = vector.shape_cast %min3A_792 : vector<16xi32> to vector<1x16xi32>
        tpu.vector_store %arg6[%swap3A_794, %swap3A_795], %swap3A_798 {strides = array<i32>} : memref<4x128xi32, #tpu.memory_space<vmem>>, vector<1x16xi32>,
        %get3A_799 = arith.constant 0 : i32
        %get3A_800 = arith.index_cast %get3A_799 : i32 to index
        %get3A_801 = arith.constant 48 : index
        %get3A_802 = tpu.vector_load %arg5[%get3A_800, %get3A_801] {strides = array<i32>} : memref<4x128xi32, #tpu.memory_space<vmem>>, vector<1x16xi32>,
        %get3A_803 = vector.shape_cast %get3A_802 : vector<1x16xi32> to vector<16xi32>
        %min3A_804 = arith.constant 8063 : i32
        %min3A_805 = vector.broadcast %min3A_804 : i32 to vector<16xi32>
        %min3A_806 = arith.minsi %get3A_803, %min3A_805 : vector<16xi32>
        %swap3A_807 = arith.constant 0 : i32
        %swap3A_808 = arith.index_cast %swap3A_807 : i32 to index
        %swap3A_809 = arith.constant 48 : index
        %swap3A_810 = tpu.vector_load %arg6[%swap3A_808, %swap3A_809] {strides = array<i32>} : memref<4x128xi32, #tpu.memory_space<vmem>>, vector<1x16xi32>,
        %swap3A_811 = vector.shape_cast %swap3A_810 : vector<1x16xi32> to vector<16xi32>
        %swap3A_812 = vector.shape_cast %min3A_806 : vector<16xi32> to vector<1x16xi32>
        tpu.vector_store %arg6[%swap3A_808, %swap3A_809], %swap3A_812 {strides = array<i32>} : memref<4x128xi32, #tpu.memory_space<vmem>>, vector<1x16xi32>,
        %get3A_813 = arith.constant 0 : i32
        %get3A_814 = arith.index_cast %get3A_813 : i32 to index
        %get3A_815 = arith.constant 64 : index
        %get3A_816 = tpu.vector_load %arg5[%get3A_814, %get3A_815] {strides = array<i32>} : memref<4x128xi32, #tpu.memory_space<vmem>>, vector<1x16xi32>,
        %get3A_817 = vector.shape_cast %get3A_816 : vector<1x16xi32> to vector<16xi32>
        %min3A_818 = arith.constant 8063 : i32
        %min3A_819 = vector.broadcast %min3A_818 : i32 to vector<16xi32>
        %min3A_820 = arith.minsi %get3A_817, %min3A_819 : vector<16xi32>
        %swap3A_821 = arith.constant 0 : i32
        %swap3A_822 = arith.index_cast %swap3A_821 : i32 to index
        %swap3A_823 = arith.constant 64 : index
        %swap3A_824 = tpu.vector_load %arg6[%swap3A_822, %swap3A_823] {strides = array<i32>} : memref<4x128xi32, #tpu.memory_space<vmem>>, vector<1x16xi32>,
        %swap3A_825 = vector.shape_cast %swap3A_824 : vector<1x16xi32> to vector<16xi32>
        %swap3A_826 = vector.shape_cast %min3A_820 : vector<16xi32> to vector<1x16xi32>
        tpu.vector_store %arg6[%swap3A_822, %swap3A_823], %swap3A_826 {strides = array<i32>} : memref<4x128xi32, #tpu.memory_space<vmem>>, vector<1x16xi32>,
        %get3A_827 = arith.constant 0 : i32
        %get3A_828 = arith.index_cast %get3A_827 : i32 to index
        %get3A_829 = arith.constant 80 : index
        %get3A_830 = tpu.vector_load %arg5[%get3A_828, %get3A_829] {strides = array<i32>} : memref<4x128xi32, #tpu.memory_space<vmem>>, vector<1x16xi32>,
        %get3A_831 = vector.shape_cast %get3A_830 : vector<1x16xi32> to vector<16xi32>
        %min3A_832 = arith.constant 8063 : i32
        %min3A_833 = vector.broadcast %min3A_832 : i32 to vector<16xi32>
        %min3A_834 = arith.minsi %get3A_831, %min3A_833 : vector<16xi32>
        %swap3A_835 = arith.constant 0 : i32
        %swap3A_836 = arith.index_cast %swap3A_835 : i32 to index
        %swap3A_837 = arith.constant 80 : index
        %swap3A_838 = tpu.vector_load %arg6[%swap3A_836, %swap3A_837] {strides = array<i32>} : memref<4x128xi32, #tpu.memory_space<vmem>>, vector<1x16xi32>,
        %swap3A_839 = vector.shape_cast %swap3A_838 : vector<1x16xi32> to vector<16xi32>
        %swap3A_840 = vector.shape_cast %min3A_834 : vector<16xi32> to vector<1x16xi32>
        tpu.vector_store %arg6[%swap3A_836, %swap3A_837], %swap3A_840 {strides = array<i32>} : memref<4x128xi32, #tpu.memory_space<vmem>>, vector<1x16xi32>,
        %get3A_841 = arith.constant 0 : i32
        %get3A_842 = arith.index_cast %get3A_841 : i32 to index
        %get3A_843 = arith.constant 96 : index
        %get3A_844 = tpu.vector_load %arg5[%get3A_842, %get3A_843] {strides = array<i32>} : memref<4x128xi32, #tpu.memory_space<vmem>>, vector<1x16xi32>,
        %get3A_845 = vector.shape_cast %get3A_844 : vector<1x16xi32> to vector<16xi32>
        %min3A_846 = arith.constant 8063 : i32
        %min3A_847 = vector.broadcast %min3A_846 : i32 to vector<16xi32>
        %min3A_848 = arith.minsi %get3A_845, %min3A_847 : vector<16xi32>
        %swap3A_849 = arith.constant 0 : i32
        %swap3A_850 = arith.index_cast %swap3A_849 : i32 to index
        %swap3A_851 = arith.constant 96 : index
        %swap3A_852 = tpu.vector_load %arg6[%swap3A_850, %swap3A_851] {strides = array<i32>} : memref<4x128xi32, #tpu.memory_space<vmem>>, vector<1x16xi32>,
        %swap3A_853 = vector.shape_cast %swap3A_852 : vector<1x16xi32> to vector<16xi32>
        %swap3A_854 = vector.shape_cast %min3A_848 : vector<16xi32> to vector<1x16xi32>
        tpu.vector_store %arg6[%swap3A_850, %swap3A_851], %swap3A_854 {strides = array<i32>} : memref<4x128xi32, #tpu.memory_space<vmem>>, vector<1x16xi32>,
        %get3A_855 = arith.constant 0 : i32
        %get3A_856 = arith.index_cast %get3A_855 : i32 to index
        %get3A_857 = arith.constant 112 : index
        %get3A_858 = tpu.vector_load %arg5[%get3A_856, %get3A_857] {strides = array<i32>} : memref<4x128xi32, #tpu.memory_space<vmem>>, vector<1x16xi32>,
        %get3A_859 = vector.shape_cast %get3A_858 : vector<1x16xi32> to vector<16xi32>
        %min3A_860 = arith.constant 8063 : i32
        %min3A_861 = vector.broadcast %min3A_860 : i32 to vector<16xi32>
        %min3A_862 = arith.minsi %get3A_859, %min3A_861 : vector<16xi32>
        %swap3A_863 = arith.constant 0 : i32
        %swap3A_864 = arith.index_cast %swap3A_863 : i32 to index
        %swap3A_865 = arith.constant 112 : index
        %swap3A_866 = tpu.vector_load %arg6[%swap3A_864, %swap3A_865] {strides = array<i32>} : memref<4x128xi32, #tpu.memory_space<vmem>>, vector<1x16xi32>,
        %swap3A_867 = vector.shape_cast %swap3A_866 : vector<1x16xi32> to vector<16xi32>
        %swap3A_868 = vector.shape_cast %min3A_862 : vector<16xi32> to vector<1x16xi32>
        tpu.vector_store %arg6[%swap3A_864, %swap3A_865], %swap3A_868 {strides = array<i32>} : memref<4x128xi32, #tpu.memory_space<vmem>>, vector<1x16xi32>,
        %dma_start3A_869 = arith.constant 0 : i32
        %dma_start3A_870 = arith.constant 0 : i32
        %dma_start3A_871 = arith.constant 0 : i32
        %dma_start3A_872 = tpu.memref_slice %arg7[%dma_start3A_870, %dma_start3A_871] : memref<512x128xf32, #tpu.memory_space<vmem>> -> memref<128x128xf32, #tpu.memory_space<vmem>>
        %dma_start3A_873 = arith.constant 0 : i32
        %dma_start3A_874 = tpu.memref_slice %arg6[%dma_start3A_869, %dma_start3A_873] : memref<4x128xi32, #tpu.memory_space<vmem>> -> memref<1x128xi32, #tpu.memory_space<vmem>>
        %dma_start3A_875 = tpu.memref_squeeze %dma_start3A_874 : memref<1x128xi32, #tpu.memory_space<vmem>> -> memref<128xi32, #tpu.memory_space<vmem>>
        %dma_start3A_876 = arith.constant 0 : i32
        %dma_start3A_877 = arith.constant 0 : i32
        %dma_start3A_878 = tpu.memref_slice %arg8[%dma_start3A_876, %dma_start3A_877] : memref<8064x128xf32, #tpu.memory_space<vmem_shared>> -> memref<8064x128xf32, #tpu.memory_space<vmem_shared>>
        tpu.enqueue_indirect_dma source(%dma_start3A_878 : memref<8064x128xf32, #tpu.memory_space<vmem_shared>>) target(%dma_start3A_872 : memref<128x128xf32, #tpu.memory_space<vmem>>) offsets(%dma_start3A_875 : memref<128xi32, #tpu.memory_space<vmem>>) semaphore(%arg13 : memref<!tpu.dma_semaphore, #tpu.memory_space<semaphore_mem>>)
      } else {
      }
      %while3A_603 = arith.constant 0 : i32
      %while3A_604 = arith.constant 0 : i32
      %while3A_605 = arith.subi %scan3A_587, %while3A_604 : i32
      %while3A_606 = arith.addi %while3A_604, %while3A_605 : i32
      %while3A_607 = arith.constant 1 : i32
      %while3A_608 = arith.divsi %while3A_605, %while3A_607 : i32
      %while3A_609 = arith.muli %while3A_608, %while3A_607 : i32
      %while3A_610 = arith.addi %while3A_604, %while3A_609 : i32
      %while3A_611 = arith.constant 1 : i32
      scf.for %while3A_742 = %while3A_604 to %while3A_610 step %while3A_611  : i32 {
        %dma_wait3A_743 = arith.constant 0 : i32
        %dma_wait3A_744 = arith.constant 0 : i32
        %dma_wait3A_745 = tpu.memref_slice %arg7[%dma_wait3A_743, %dma_wait3A_744] : memref<512x128xf32, #tpu.memory_space<vmem>> -> memref<1x128xf32, #tpu.memory_space<vmem>>
        %dma_wait3A_746 = arith.constant 0 : i32
        %dma_wait3A_747 = arith.constant 0 : i32
        %dma_wait3A_748 = tpu.memref_slice %arg3[%dma_wait3A_746, %dma_wait3A_747] : memref<8192x128xf32, #tpu.memory_space<hbm>> -> memref<1x128xf32, #tpu.memory_space<hbm>>
        %dma_wait3A_749 = arith.constant 0 : i32
        %dma_wait3A_750 = arith.constant 0 : i32
        %dma_wait3A_751 = tpu.memref_slice %arg7[%dma_wait3A_749, %dma_wait3A_750] : memref<512x128xf32, #tpu.memory_space<vmem>> -> memref<1x128xf32, #tpu.memory_space<vmem>>
        %dma_wait3A_752 = arith.constant 0 : i32
        %dma_wait3A_753 = arith.constant 0 : i32
        %dma_wait3A_754 = tpu.memref_slice %arg3[%dma_wait3A_752, %dma_wait3A_753] : memref<8192x128xf32, #tpu.memory_space<hbm>> -> memref<1x128xf32, #tpu.memory_space<hbm>>
        tpu.wait_dma2 semaphore(%arg21 : memref<!tpu.dma_semaphore, #tpu.memory_space<semaphore_mem>>) src(%dma_wait3A_754 : memref<1x128xf32, #tpu.memory_space<hbm>>) dst(%dma_wait3A_751 : memref<1x128xf32, #tpu.memory_space<vmem>>)
      }
      %while3A_612 = arith.constant 1 : i32
      scf.for %while3A_742 = %while3A_610 to %while3A_606 step %while3A_612  : i32 {
        %dma_wait3A_743 = arith.constant 0 : i32
        %dma_wait3A_744 = arith.constant 0 : i32
        %dma_wait3A_745 = tpu.memref_slice %arg7[%dma_wait3A_743, %dma_wait3A_744] : memref<512x128xf32, #tpu.memory_space<vmem>> -> memref<1x128xf32, #tpu.memory_space<vmem>>
        %dma_wait3A_746 = arith.constant 0 : i32
        %dma_wait3A_747 = arith.constant 0 : i32
        %dma_wait3A_748 = tpu.memref_slice %arg3[%dma_wait3A_746, %dma_wait3A_747] : memref<8192x128xf32, #tpu.memory_space<hbm>> -> memref<1x128xf32, #tpu.memory_space<hbm>>
        %dma_wait3A_749 = arith.constant 0 : i32
        %dma_wait3A_750 = arith.constant 0 : i32
        %dma_wait3A_751 = tpu.memref_slice %arg7[%dma_wait3A_749, %dma_wait3A_750] : memref<512x128xf32, #tpu.memory_space<vmem>> -> memref<1x128xf32, #tpu.memory_space<vmem>>
        %dma_wait3A_752 = arith.constant 0 : i32
        %dma_wait3A_753 = arith.constant 0 : i32
        %dma_wait3A_754 = tpu.memref_slice %arg3[%dma_wait3A_752, %dma_wait3A_753] : memref<8192x128xf32, #tpu.memory_space<hbm>> -> memref<1x128xf32, #tpu.memory_space<hbm>>
        tpu.wait_dma2 semaphore(%arg21 : memref<!tpu.dma_semaphore, #tpu.memory_space<semaphore_mem>>) src(%dma_wait3A_754 : memref<1x128xf32, #tpu.memory_space<hbm>>) dst(%dma_wait3A_751 : memref<1x128xf32, #tpu.memory_space<vmem>>)
      }
      %add3A_613 = arith.addi %mul3A_2, %add3A_571 : i32
      %mul3A_614 = arith.constant 128 : i32
      %mul3A_615 = arith.muli %add3A_613, %mul3A_614 : i32
      %dma_start3A_616 = arith.constant 128 : i32
      %dma_start3A_617 = arith.constant 0 : i32
      %dma_start3A_618 = tpu.memref_slice %arg7[%dma_start3A_616, %dma_start3A_617] : memref<512x128xf32, #tpu.memory_space<vmem>> -> memref<128x128xf32, #tpu.memory_space<vmem>>
      %dma_start3A_619 = arith.constant 0 : i32
      %dma_start3A_620 = tpu.memref_slice %arg4[%mul3A_615, %dma_start3A_619] : memref<819200x128xf32, #tpu.memory_space<hbm>> -> memref<128x128xf32, #tpu.memory_space<hbm>>
      %dma_start3A_621 = arith.constant 0 : i32
      %dma_start3A_622 = tpu.memref_slice %arg4[%mul3A_615, %dma_start3A_621] : memref<819200x128xf32, #tpu.memory_space<hbm>> -> memref<128x128xf32, #tpu.memory_space<hbm>>
      %dma_start3A_623 = arith.constant 128 : i32
      %dma_start3A_624 = arith.constant 0 : i32
      %dma_start3A_625 = tpu.memref_slice %arg7[%dma_start3A_623, %dma_start3A_624] : memref<512x128xf32, #tpu.memory_space<vmem>> -> memref<128x128xf32, #tpu.memory_space<vmem>>
      tpu.enqueue_dma source(%dma_start3A_625 : memref<128x128xf32, #tpu.memory_space<vmem>>) target(%dma_start3A_622 : memref<128x128xf32, #tpu.memory_space<hbm>>) target_semaphore(%arg18 : memref<!tpu.dma_semaphore, #tpu.memory_space<semaphore_mem>>)
      %mul3A_626 = arith.constant 4 : i32
      %mul3A_627 = arith.muli %mul3A_626, %scan3A_513 : i32
      %add3A_628 = arith.constant 2 : i32
      %add3A_629 = arith.addi %mul3A_627, %add3A_628 : i32
      %dma_wait3A_630 = arith.constant 2 : i32
      %dma_wait3A_631 = arith.constant 256 : i32
      %dma_wait3A_632 = arith.constant 0 : i32
      %dma_wait3A_633 = tpu.memref_slice %arg7[%dma_wait3A_631, %dma_wait3A_632] : memref<512x128xf32, #tpu.memory_space<vmem>> -> memref<128x128xf32, #tpu.memory_space<vmem>>
      %dma_wait3A_634 = arith.constant 0 : i32
      %dma_wait3A_635 = tpu.memref_slice %arg6[%dma_wait3A_630, %dma_wait3A_634] : memref<4x128xi32, #tpu.memory_space<vmem>> -> memref<1x128xi32, #tpu.memory_space<vmem>>
      %dma_wait3A_636 = tpu.memref_squeeze %dma_wait3A_635 : memref<1x128xi32, #tpu.memory_space<vmem>> -> memref<128xi32, #tpu.memory_space<vmem>>
      %dma_wait3A_637 = arith.constant 0 : i32
      %dma_wait3A_638 = arith.constant 0 : i32
      %dma_wait3A_639 = tpu.memref_slice %arg8[%dma_wait3A_637, %dma_wait3A_638] : memref<8064x128xf32, #tpu.memory_space<vmem_shared>> -> memref<8064x128xf32, #tpu.memory_space<vmem_shared>>
      tpu.wait_indirect_dma semaphore(%arg15 : memref<!tpu.dma_semaphore, #tpu.memory_space<semaphore_mem>>) src(%dma_wait3A_639 : memref<8064x128xf32, #tpu.memory_space<vmem_shared>>) dst(%dma_wait3A_633 : memref<128x128xf32, #tpu.memory_space<vmem>>)
      %scan3A_640 = arith.constant 0 : i32
      %scan3A_641 = arith.constant 0 : i32
      %scan3A_642 = arith.constant 8 : i32
      %scan3A_643 = arith.addi %scan3A_641, %scan3A_642 : i32
      %scan3A_644 = arith.constant 1 : i32
      %scan3A_645 = scf.for %scan3A_742 = %scan3A_641 to %scan3A_643 step %scan3A_644 iter_args(%scan3A_743 = %scan3A_640) -> (i32)  : i32 {
        %mul3A_744 = arith.constant 16 : i32
        %mul3A_745 = arith.muli %scan3A_742, %mul3A_744 : i32
        %get3A_746 = arith.constant 2 : i32
        %get3A_747 = arith.index_cast %get3A_746 : i32 to index
        %get3A_748 = arith.index_cast %mul3A_745 : i32 to index
        %get3A_749 = tpu.vector_load %arg5[%get3A_747, %get3A_748] {strides = array<i32>} : memref<4x128xi32, #tpu.memory_space<vmem>>, vector<1x16xi32>,
        %get3A_750 = vector.shape_cast %get3A_749 : vector<1x16xi32> to vector<16xi32>
        %slice3A = vector.extract_strided_slice %get3A_750 {offsets = [0], sizes = [1], strides = [1]} : vector<16xi32> to vector<1xi32>
        %squeeze3A = vector.extract %slice3A[0] : i32 from vector<1xi32>
        %ge3A = arith.constant 8064 : i32
        %ge3A_751 = arith.cmpi sge, %squeeze3A, %ge3A : i32
        %jit3A = arith.constant 1 : i32
        %jit3A_752 = arith.constant 0 : i32
        %select_n3A = arith.select %ge3A_751, %jit3A, %jit3A_752 : i32
        %add3A_753 = arith.constant 0 : i32
        %add3A_754 = arith.addi %add3A_753, %select_n3A : i32
        %slice3A_755 = vector.extract_strided_slice %get3A_750 {offsets = [1], sizes = [1], strides = [1]} : vector<16xi32> to vector<1xi32>
        %squeeze3A_756 = vector.extract %slice3A_755[0] : i32 from vector<1xi32>
        %ge3A_757 = arith.constant 8064 : i32
        %ge3A_758 = arith.cmpi sge, %squeeze3A_756, %ge3A_757 : i32
        %jit3A_759 = arith.constant 1 : i32
        %jit3A_760 = arith.constant 0 : i32
        %select_n3A_761 = arith.select %ge3A_758, %jit3A_759, %jit3A_760 : i32
        %add3A_762 = arith.addi %add3A_754, %select_n3A_761 : i32
        %slice3A_763 = vector.extract_strided_slice %get3A_750 {offsets = [2], sizes = [1], strides = [1]} : vector<16xi32> to vector<1xi32>
        %squeeze3A_764 = vector.extract %slice3A_763[0] : i32 from vector<1xi32>
        %ge3A_765 = arith.constant 8064 : i32
        %ge3A_766 = arith.cmpi sge, %squeeze3A_764, %ge3A_765 : i32
        %jit3A_767 = arith.constant 1 : i32
        %jit3A_768 = arith.constant 0 : i32
        %select_n3A_769 = arith.select %ge3A_766, %jit3A_767, %jit3A_768 : i32
        %add3A_770 = arith.addi %add3A_762, %select_n3A_769 : i32
        %slice3A_771 = vector.extract_strided_slice %get3A_750 {offsets = [3], sizes = [1], strides = [1]} : vector<16xi32> to vector<1xi32>
        %squeeze3A_772 = vector.extract %slice3A_771[0] : i32 from vector<1xi32>
        %ge3A_773 = arith.constant 8064 : i32
        %ge3A_774 = arith.cmpi sge, %squeeze3A_772, %ge3A_773 : i32
        %jit3A_775 = arith.constant 1 : i32
        %jit3A_776 = arith.constant 0 : i32
        %select_n3A_777 = arith.select %ge3A_774, %jit3A_775, %jit3A_776 : i32
        %add3A_778 = arith.addi %add3A_770, %select_n3A_777 : i32
        %slice3A_779 = vector.extract_strided_slice %get3A_750 {offsets = [4], sizes = [1], strides = [1]} : vector<16xi32> to vector<1xi32>
        %squeeze3A_780 = vector.extract %slice3A_779[0] : i32 from vector<1xi32>
        %ge3A_781 = arith.constant 8064 : i32
        %ge3A_782 = arith.cmpi sge, %squeeze3A_780, %ge3A_781 : i32
        %jit3A_783 = arith.constant 1 : i32
        %jit3A_784 = arith.constant 0 : i32
        %select_n3A_785 = arith.select %ge3A_782, %jit3A_783, %jit3A_784 : i32
        %add3A_786 = arith.addi %add3A_778, %select_n3A_785 : i32
        %slice3A_787 = vector.extract_strided_slice %get3A_750 {offsets = [5], sizes = [1], strides = [1]} : vector<16xi32> to vector<1xi32>
        %squeeze3A_788 = vector.extract %slice3A_787[0] : i32 from vector<1xi32>
        %ge3A_789 = arith.constant 8064 : i32
        %ge3A_790 = arith.cmpi sge, %squeeze3A_788, %ge3A_789 : i32
        %jit3A_791 = arith.constant 1 : i32
        %jit3A_792 = arith.constant 0 : i32
        %select_n3A_793 = arith.select %ge3A_790, %jit3A_791, %jit3A_792 : i32
        %add3A_794 = arith.addi %add3A_786, %select_n3A_793 : i32
        %slice3A_795 = vector.extract_strided_slice %get3A_750 {offsets = [6], sizes = [1], strides = [1]} : vector<16xi32> to vector<1xi32>
        %squeeze3A_796 = vector.extract %slice3A_795[0] : i32 from vector<1xi32>
        %ge3A_797 = arith.constant 8064 : i32
        %ge3A_798 = arith.cmpi sge, %squeeze3A_796, %ge3A_797 : i32
        %jit3A_799 = arith.constant 1 : i32
        %jit3A_800 = arith.constant 0 : i32
        %select_n3A_801 = arith.select %ge3A_798, %jit3A_799, %jit3A_800 : i32
        %add3A_802 = arith.addi %add3A_794, %select_n3A_801 : i32
        %slice3A_803 = vector.extract_strided_slice %get3A_750 {offsets = [7], sizes = [1], strides = [1]} : vector<16xi32> to vector<1xi32>
        %squeeze3A_804 = vector.extract %slice3A_803[0] : i32 from vector<1xi32>
        %ge3A_805 = arith.constant 8064 : i32
        %ge3A_806 = arith.cmpi sge, %squeeze3A_804, %ge3A_805 : i32
        %jit3A_807 = arith.constant 1 : i32
        %jit3A_808 = arith.constant 0 : i32
        %select_n3A_809 = arith.select %ge3A_806, %jit3A_807, %jit3A_808 : i32
        %add3A_810 = arith.addi %add3A_802, %select_n3A_809 : i32
        %slice3A_811 = vector.extract_strided_slice %get3A_750 {offsets = [8], sizes = [1], strides = [1]} : vector<16xi32> to vector<1xi32>
        %squeeze3A_812 = vector.extract %slice3A_811[0] : i32 from vector<1xi32>
        %ge3A_813 = arith.constant 8064 : i32
        %ge3A_814 = arith.cmpi sge, %squeeze3A_812, %ge3A_813 : i32
        %jit3A_815 = arith.constant 1 : i32
        %jit3A_816 = arith.constant 0 : i32
        %select_n3A_817 = arith.select %ge3A_814, %jit3A_815, %jit3A_816 : i32
        %add3A_818 = arith.addi %add3A_810, %select_n3A_817 : i32
        %slice3A_819 = vector.extract_strided_slice %get3A_750 {offsets = [9], sizes = [1], strides = [1]} : vector<16xi32> to vector<1xi32>
        %squeeze3A_820 = vector.extract %slice3A_819[0] : i32 from vector<1xi32>
        %ge3A_821 = arith.constant 8064 : i32
        %ge3A_822 = arith.cmpi sge, %squeeze3A_820, %ge3A_821 : i32
        %jit3A_823 = arith.constant 1 : i32
        %jit3A_824 = arith.constant 0 : i32
        %select_n3A_825 = arith.select %ge3A_822, %jit3A_823, %jit3A_824 : i32
        %add3A_826 = arith.addi %add3A_818, %select_n3A_825 : i32
        %slice3A_827 = vector.extract_strided_slice %get3A_750 {offsets = [10], sizes = [1], strides = [1]} : vector<16xi32> to vector<1xi32>
        %squeeze3A_828 = vector.extract %slice3A_827[0] : i32 from vector<1xi32>
        %ge3A_829 = arith.constant 8064 : i32
        %ge3A_830 = arith.cmpi sge, %squeeze3A_828, %ge3A_829 : i32
        %jit3A_831 = arith.constant 1 : i32
        %jit3A_832 = arith.constant 0 : i32
        %select_n3A_833 = arith.select %ge3A_830, %jit3A_831, %jit3A_832 : i32
        %add3A_834 = arith.addi %add3A_826, %select_n3A_833 : i32
        %slice3A_835 = vector.extract_strided_slice %get3A_750 {offsets = [11], sizes = [1], strides = [1]} : vector<16xi32> to vector<1xi32>
        %squeeze3A_836 = vector.extract %slice3A_835[0] : i32 from vector<1xi32>
        %ge3A_837 = arith.constant 8064 : i32
        %ge3A_838 = arith.cmpi sge, %squeeze3A_836, %ge3A_837 : i32
        %jit3A_839 = arith.constant 1 : i32
        %jit3A_840 = arith.constant 0 : i32
        %select_n3A_841 = arith.select %ge3A_838, %jit3A_839, %jit3A_840 : i32
        %add3A_842 = arith.addi %add3A_834, %select_n3A_841 : i32
        %slice3A_843 = vector.extract_strided_slice %get3A_750 {offsets = [12], sizes = [1], strides = [1]} : vector<16xi32> to vector<1xi32>
        %squeeze3A_844 = vector.extract %slice3A_843[0] : i32 from vector<1xi32>
        %ge3A_845 = arith.constant 8064 : i32
        %ge3A_846 = arith.cmpi sge, %squeeze3A_844, %ge3A_845 : i32
        %jit3A_847 = arith.constant 1 : i32
        %jit3A_848 = arith.constant 0 : i32
        %select_n3A_849 = arith.select %ge3A_846, %jit3A_847, %jit3A_848 : i32
        %add3A_850 = arith.addi %add3A_842, %select_n3A_849 : i32
        %slice3A_851 = vector.extract_strided_slice %get3A_750 {offsets = [13], sizes = [1], strides = [1]} : vector<16xi32> to vector<1xi32>
        %squeeze3A_852 = vector.extract %slice3A_851[0] : i32 from vector<1xi32>
        %ge3A_853 = arith.constant 8064 : i32
        %ge3A_854 = arith.cmpi sge, %squeeze3A_852, %ge3A_853 : i32
        %jit3A_855 = arith.constant 1 : i32
        %jit3A_856 = arith.constant 0 : i32
        %select_n3A_857 = arith.select %ge3A_854, %jit3A_855, %jit3A_856 : i32
        %add3A_858 = arith.addi %add3A_850, %select_n3A_857 : i32
        %slice3A_859 = vector.extract_strided_slice %get3A_750 {offsets = [14], sizes = [1], strides = [1]} : vector<16xi32> to vector<1xi32>
        %squeeze3A_860 = vector.extract %slice3A_859[0] : i32 from vector<1xi32>
        %ge3A_861 = arith.constant 8064 : i32
        %ge3A_862 = arith.cmpi sge, %squeeze3A_860, %ge3A_861 : i32
        %jit3A_863 = arith.constant 1 : i32
        %jit3A_864 = arith.constant 0 : i32
        %select_n3A_865 = arith.select %ge3A_862, %jit3A_863, %jit3A_864 : i32
        %add3A_866 = arith.addi %add3A_858, %select_n3A_865 : i32
        %slice3A_867 = vector.extract_strided_slice %get3A_750 {offsets = [15], sizes = [1], strides = [1]} : vector<16xi32> to vector<1xi32>
        %squeeze3A_868 = vector.extract %slice3A_867[0] : i32 from vector<1xi32>
        %ge3A_869 = arith.constant 8064 : i32
        %ge3A_870 = arith.cmpi sge, %squeeze3A_868, %ge3A_869 : i32
        %jit3A_871 = arith.constant 1 : i32
        %jit3A_872 = arith.constant 0 : i32
        %select_n3A_873 = arith.select %ge3A_870, %jit3A_871, %jit3A_872 : i32
        %add3A_874 = arith.addi %add3A_866, %select_n3A_873 : i32
        %gt3A = arith.constant 0 : i32
        %gt3A_875 = arith.cmpi sgt, %add3A_874, %gt3A : i32
        %convert_element_type3A_876 = arith.extui %gt3A_875 : i1 to i32
        %cond3A_877 = arith.constant 0 : i32
        %cond3A_878 = arith.cmpi ne, %convert_element_type3A_876, %cond3A_877 : i32
        scf.if %cond3A_878 {
          %slice3A_880 = vector.extract_strided_slice %get3A_750 {offsets = [0], sizes = [1], strides = [1]} : vector<16xi32> to vector<1xi32>
          %squeeze3A_881 = vector.extract %slice3A_880[0] : i32 from vector<1xi32>
          %ge3A_882 = arith.constant 8064 : i32
          %ge3A_883 = arith.cmpi sge, %squeeze3A_881, %ge3A_882 : i32
          %convert_element_type3A_884 = arith.extui %ge3A_883 : i1 to i32
          %cond3A_885 = arith.constant 0 : i32
          %cond3A_886 = arith.cmpi ne, %convert_element_type3A_884, %cond3A_885 : i32
          scf.if %cond3A_886 {
            %mul3A_992 = arith.constant 16 : i32
            %mul3A_993 = arith.muli %scan3A_742, %mul3A_992 : i32
            %add3A_994 = arith.constant 256 : i32
            %add3A_995 = arith.addi %add3A_994, %mul3A_993 : i32
            %add3A_996 = arith.constant 0 : i32
            %add3A_997 = arith.addi %add3A_995, %add3A_996 : i32
            %dma_start3A_998 = arith.constant 0 : i32
            %dma_start3A_999 = tpu.memref_slice %arg7[%add3A_997, %dma_start3A_998] : memref<512x128xf32, #tpu.memory_space<vmem>> -> memref<1x128xf32, #tpu.memory_space<vmem>>
            %dma_start3A_1000 = arith.constant 0 : i32
            %dma_start3A_1001 = tpu.memref_slice %arg3[%squeeze3A_881, %dma_start3A_1000] : memref<8192x128xf32, #tpu.memory_space<hbm>> -> memref<1x128xf32, #tpu.memory_space<hbm>>
            %dma_start3A_1002 = arith.constant 0 : i32
            %dma_start3A_1003 = tpu.memref_slice %arg7[%add3A_997, %dma_start3A_1002] : memref<512x128xf32, #tpu.memory_space<vmem>> -> memref<1x128xf32, #tpu.memory_space<vmem>>
            %dma_start3A_1004 = arith.constant 0 : i32
            %dma_start3A_1005 = tpu.memref_slice %arg3[%squeeze3A_881, %dma_start3A_1004] : memref<8192x128xf32, #tpu.memory_space<hbm>> -> memref<1x128xf32, #tpu.memory_space<hbm>>
            tpu.enqueue_dma source(%dma_start3A_1005 : memref<1x128xf32, #tpu.memory_space<hbm>>) target(%dma_start3A_1003 : memref<1x128xf32, #tpu.memory_space<vmem>>) target_semaphore(%arg21 : memref<!tpu.dma_semaphore, #tpu.memory_space<semaphore_mem>>)
          } else {
          }
          %slice3A_887 = vector.extract_strided_slice %get3A_750 {offsets = [1], sizes = [1], strides = [1]} : vector<16xi32> to vector<1xi32>
          %squeeze3A_888 = vector.extract %slice3A_887[0] : i32 from vector<1xi32>
          %ge3A_889 = arith.constant 8064 : i32
          %ge3A_890 = arith.cmpi sge, %squeeze3A_888, %ge3A_889 : i32
          %convert_element_type3A_891 = arith.extui %ge3A_890 : i1 to i32
          %cond3A_892 = arith.constant 0 : i32
          %cond3A_893 = arith.cmpi ne, %convert_element_type3A_891, %cond3A_892 : i32
          scf.if %cond3A_893 {
            %mul3A_992 = arith.constant 16 : i32
            %mul3A_993 = arith.muli %scan3A_742, %mul3A_992 : i32
            %add3A_994 = arith.constant 256 : i32
            %add3A_995 = arith.addi %add3A_994, %mul3A_993 : i32
            %add3A_996 = arith.constant 1 : i32
            %add3A_997 = arith.addi %add3A_995, %add3A_996 : i32
            %dma_start3A_998 = arith.constant 0 : i32
            %dma_start3A_999 = tpu.memref_slice %arg7[%add3A_997, %dma_start3A_998] : memref<512x128xf32, #tpu.memory_space<vmem>> -> memref<1x128xf32, #tpu.memory_space<vmem>>
            %dma_start3A_1000 = arith.constant 0 : i32
            %dma_start3A_1001 = tpu.memref_slice %arg3[%squeeze3A_888, %dma_start3A_1000] : memref<8192x128xf32, #tpu.memory_space<hbm>> -> memref<1x128xf32, #tpu.memory_space<hbm>>
            %dma_start3A_1002 = arith.constant 0 : i32
            %dma_start3A_1003 = tpu.memref_slice %arg7[%add3A_997, %dma_start3A_1002] : memref<512x128xf32, #tpu.memory_space<vmem>> -> memref<1x128xf32, #tpu.memory_space<vmem>>
            %dma_start3A_1004 = arith.constant 0 : i32
            %dma_start3A_1005 = tpu.memref_slice %arg3[%squeeze3A_888, %dma_start3A_1004] : memref<8192x128xf32, #tpu.memory_space<hbm>> -> memref<1x128xf32, #tpu.memory_space<hbm>>
            tpu.enqueue_dma source(%dma_start3A_1005 : memref<1x128xf32, #tpu.memory_space<hbm>>) target(%dma_start3A_1003 : memref<1x128xf32, #tpu.memory_space<vmem>>) target_semaphore(%arg21 : memref<!tpu.dma_semaphore, #tpu.memory_space<semaphore_mem>>)
          } else {
          }
          %slice3A_894 = vector.extract_strided_slice %get3A_750 {offsets = [2], sizes = [1], strides = [1]} : vector<16xi32> to vector<1xi32>
          %squeeze3A_895 = vector.extract %slice3A_894[0] : i32 from vector<1xi32>
          %ge3A_896 = arith.constant 8064 : i32
          %ge3A_897 = arith.cmpi sge, %squeeze3A_895, %ge3A_896 : i32
          %convert_element_type3A_898 = arith.extui %ge3A_897 : i1 to i32
          %cond3A_899 = arith.constant 0 : i32
          %cond3A_900 = arith.cmpi ne, %convert_element_type3A_898, %cond3A_899 : i32
          scf.if %cond3A_900 {
            %mul3A_992 = arith.constant 16 : i32
            %mul3A_993 = arith.muli %scan3A_742, %mul3A_992 : i32
            %add3A_994 = arith.constant 256 : i32
            %add3A_995 = arith.addi %add3A_994, %mul3A_993 : i32
            %add3A_996 = arith.constant 2 : i32
            %add3A_997 = arith.addi %add3A_995, %add3A_996 : i32
            %dma_start3A_998 = arith.constant 0 : i32
            %dma_start3A_999 = tpu.memref_slice %arg7[%add3A_997, %dma_start3A_998] : memref<512x128xf32, #tpu.memory_space<vmem>> -> memref<1x128xf32, #tpu.memory_space<vmem>>
            %dma_start3A_1000 = arith.constant 0 : i32
            %dma_start3A_1001 = tpu.memref_slice %arg3[%squeeze3A_895, %dma_start3A_1000] : memref<8192x128xf32, #tpu.memory_space<hbm>> -> memref<1x128xf32, #tpu.memory_space<hbm>>
            %dma_start3A_1002 = arith.constant 0 : i32
            %dma_start3A_1003 = tpu.memref_slice %arg7[%add3A_997, %dma_start3A_1002] : memref<512x128xf32, #tpu.memory_space<vmem>> -> memref<1x128xf32, #tpu.memory_space<vmem>>
            %dma_start3A_1004 = arith.constant 0 : i32
            %dma_start3A_1005 = tpu.memref_slice %arg3[%squeeze3A_895, %dma_start3A_1004] : memref<8192x128xf32, #tpu.memory_space<hbm>> -> memref<1x128xf32, #tpu.memory_space<hbm>>
            tpu.enqueue_dma source(%dma_start3A_1005 : memref<1x128xf32, #tpu.memory_space<hbm>>) target(%dma_start3A_1003 : memref<1x128xf32, #tpu.memory_space<vmem>>) target_semaphore(%arg21 : memref<!tpu.dma_semaphore, #tpu.memory_space<semaphore_mem>>)
          } else {
          }
          %slice3A_901 = vector.extract_strided_slice %get3A_750 {offsets = [3], sizes = [1], strides = [1]} : vector<16xi32> to vector<1xi32>
          %squeeze3A_902 = vector.extract %slice3A_901[0] : i32 from vector<1xi32>
          %ge3A_903 = arith.constant 8064 : i32
          %ge3A_904 = arith.cmpi sge, %squeeze3A_902, %ge3A_903 : i32
          %convert_element_type3A_905 = arith.extui %ge3A_904 : i1 to i32
          %cond3A_906 = arith.constant 0 : i32
          %cond3A_907 = arith.cmpi ne, %convert_element_type3A_905, %cond3A_906 : i32
          scf.if %cond3A_907 {
            %mul3A_992 = arith.constant 16 : i32
            %mul3A_993 = arith.muli %scan3A_742, %mul3A_992 : i32
            %add3A_994 = arith.constant 256 : i32
            %add3A_995 = arith.addi %add3A_994, %mul3A_993 : i32
            %add3A_996 = arith.constant 3 : i32
            %add3A_997 = arith.addi %add3A_995, %add3A_996 : i32
            %dma_start3A_998 = arith.constant 0 : i32
            %dma_start3A_999 = tpu.memref_slice %arg7[%add3A_997, %dma_start3A_998] : memref<512x128xf32, #tpu.memory_space<vmem>> -> memref<1x128xf32, #tpu.memory_space<vmem>>
            %dma_start3A_1000 = arith.constant 0 : i32
            %dma_start3A_1001 = tpu.memref_slice %arg3[%squeeze3A_902, %dma_start3A_1000] : memref<8192x128xf32, #tpu.memory_space<hbm>> -> memref<1x128xf32, #tpu.memory_space<hbm>>
            %dma_start3A_1002 = arith.constant 0 : i32
            %dma_start3A_1003 = tpu.memref_slice %arg7[%add3A_997, %dma_start3A_1002] : memref<512x128xf32, #tpu.memory_space<vmem>> -> memref<1x128xf32, #tpu.memory_space<vmem>>
            %dma_start3A_1004 = arith.constant 0 : i32
            %dma_start3A_1005 = tpu.memref_slice %arg3[%squeeze3A_902, %dma_start3A_1004] : memref<8192x128xf32, #tpu.memory_space<hbm>> -> memref<1x128xf32, #tpu.memory_space<hbm>>
            tpu.enqueue_dma source(%dma_start3A_1005 : memref<1x128xf32, #tpu.memory_space<hbm>>) target(%dma_start3A_1003 : memref<1x128xf32, #tpu.memory_space<vmem>>) target_semaphore(%arg21 : memref<!tpu.dma_semaphore, #tpu.memory_space<semaphore_mem>>)
          } else {
          }
          %slice3A_908 = vector.extract_strided_slice %get3A_750 {offsets = [4], sizes = [1], strides = [1]} : vector<16xi32> to vector<1xi32>
          %squeeze3A_909 = vector.extract %slice3A_908[0] : i32 from vector<1xi32>
          %ge3A_910 = arith.constant 8064 : i32
          %ge3A_911 = arith.cmpi sge, %squeeze3A_909, %ge3A_910 : i32
          %convert_element_type3A_912 = arith.extui %ge3A_911 : i1 to i32
          %cond3A_913 = arith.constant 0 : i32
          %cond3A_914 = arith.cmpi ne, %convert_element_type3A_912, %cond3A_913 : i32
          scf.if %cond3A_914 {
            %mul3A_992 = arith.constant 16 : i32
            %mul3A_993 = arith.muli %scan3A_742, %mul3A_992 : i32
            %add3A_994 = arith.constant 256 : i32
            %add3A_995 = arith.addi %add3A_994, %mul3A_993 : i32
            %add3A_996 = arith.constant 4 : i32
            %add3A_997 = arith.addi %add3A_995, %add3A_996 : i32
            %dma_start3A_998 = arith.constant 0 : i32
            %dma_start3A_999 = tpu.memref_slice %arg7[%add3A_997, %dma_start3A_998] : memref<512x128xf32, #tpu.memory_space<vmem>> -> memref<1x128xf32, #tpu.memory_space<vmem>>
            %dma_start3A_1000 = arith.constant 0 : i32
            %dma_start3A_1001 = tpu.memref_slice %arg3[%squeeze3A_909, %dma_start3A_1000] : memref<8192x128xf32, #tpu.memory_space<hbm>> -> memref<1x128xf32, #tpu.memory_space<hbm>>
            %dma_start3A_1002 = arith.constant 0 : i32
            %dma_start3A_1003 = tpu.memref_slice %arg7[%add3A_997, %dma_start3A_1002] : memref<512x128xf32, #tpu.memory_space<vmem>> -> memref<1x128xf32, #tpu.memory_space<vmem>>
            %dma_start3A_1004 = arith.constant 0 : i32
            %dma_start3A_1005 = tpu.memref_slice %arg3[%squeeze3A_909, %dma_start3A_1004] : memref<8192x128xf32, #tpu.memory_space<hbm>> -> memref<1x128xf32, #tpu.memory_space<hbm>>
            tpu.enqueue_dma source(%dma_start3A_1005 : memref<1x128xf32, #tpu.memory_space<hbm>>) target(%dma_start3A_1003 : memref<1x128xf32, #tpu.memory_space<vmem>>) target_semaphore(%arg21 : memref<!tpu.dma_semaphore, #tpu.memory_space<semaphore_mem>>)
          } else {
          }
          %slice3A_915 = vector.extract_strided_slice %get3A_750 {offsets = [5], sizes = [1], strides = [1]} : vector<16xi32> to vector<1xi32>
          %squeeze3A_916 = vector.extract %slice3A_915[0] : i32 from vector<1xi32>
          %ge3A_917 = arith.constant 8064 : i32
          %ge3A_918 = arith.cmpi sge, %squeeze3A_916, %ge3A_917 : i32
          %convert_element_type3A_919 = arith.extui %ge3A_918 : i1 to i32
          %cond3A_920 = arith.constant 0 : i32
          %cond3A_921 = arith.cmpi ne, %convert_element_type3A_919, %cond3A_920 : i32
          scf.if %cond3A_921 {
            %mul3A_992 = arith.constant 16 : i32
            %mul3A_993 = arith.muli %scan3A_742, %mul3A_992 : i32
            %add3A_994 = arith.constant 256 : i32
            %add3A_995 = arith.addi %add3A_994, %mul3A_993 : i32
            %add3A_996 = arith.constant 5 : i32
            %add3A_997 = arith.addi %add3A_995, %add3A_996 : i32
            %dma_start3A_998 = arith.constant 0 : i32
            %dma_start3A_999 = tpu.memref_slice %arg7[%add3A_997, %dma_start3A_998] : memref<512x128xf32, #tpu.memory_space<vmem>> -> memref<1x128xf32, #tpu.memory_space<vmem>>
            %dma_start3A_1000 = arith.constant 0 : i32
            %dma_start3A_1001 = tpu.memref_slice %arg3[%squeeze3A_916, %dma_start3A_1000] : memref<8192x128xf32, #tpu.memory_space<hbm>> -> memref<1x128xf32, #tpu.memory_space<hbm>>
            %dma_start3A_1002 = arith.constant 0 : i32
            %dma_start3A_1003 = tpu.memref_slice %arg7[%add3A_997, %dma_start3A_1002] : memref<512x128xf32, #tpu.memory_space<vmem>> -> memref<1x128xf32, #tpu.memory_space<vmem>>
            %dma_start3A_1004 = arith.constant 0 : i32
            %dma_start3A_1005 = tpu.memref_slice %arg3[%squeeze3A_916, %dma_start3A_1004] : memref<8192x128xf32, #tpu.memory_space<hbm>> -> memref<1x128xf32, #tpu.memory_space<hbm>>
            tpu.enqueue_dma source(%dma_start3A_1005 : memref<1x128xf32, #tpu.memory_space<hbm>>) target(%dma_start3A_1003 : memref<1x128xf32, #tpu.memory_space<vmem>>) target_semaphore(%arg21 : memref<!tpu.dma_semaphore, #tpu.memory_space<semaphore_mem>>)
          } else {
          }
          %slice3A_922 = vector.extract_strided_slice %get3A_750 {offsets = [6], sizes = [1], strides = [1]} : vector<16xi32> to vector<1xi32>
          %squeeze3A_923 = vector.extract %slice3A_922[0] : i32 from vector<1xi32>
          %ge3A_924 = arith.constant 8064 : i32
          %ge3A_925 = arith.cmpi sge, %squeeze3A_923, %ge3A_924 : i32
          %convert_element_type3A_926 = arith.extui %ge3A_925 : i1 to i32
          %cond3A_927 = arith.constant 0 : i32
          %cond3A_928 = arith.cmpi ne, %convert_element_type3A_926, %cond3A_927 : i32
          scf.if %cond3A_928 {
            %mul3A_992 = arith.constant 16 : i32
            %mul3A_993 = arith.muli %scan3A_742, %mul3A_992 : i32
            %add3A_994 = arith.constant 256 : i32
            %add3A_995 = arith.addi %add3A_994, %mul3A_993 : i32
            %add3A_996 = arith.constant 6 : i32
            %add3A_997 = arith.addi %add3A_995, %add3A_996 : i32
            %dma_start3A_998 = arith.constant 0 : i32
            %dma_start3A_999 = tpu.memref_slice %arg7[%add3A_997, %dma_start3A_998] : memref<512x128xf32, #tpu.memory_space<vmem>> -> memref<1x128xf32, #tpu.memory_space<vmem>>
            %dma_start3A_1000 = arith.constant 0 : i32
            %dma_start3A_1001 = tpu.memref_slice %arg3[%squeeze3A_923, %dma_start3A_1000] : memref<8192x128xf32, #tpu.memory_space<hbm>> -> memref<1x128xf32, #tpu.memory_space<hbm>>
            %dma_start3A_1002 = arith.constant 0 : i32
            %dma_start3A_1003 = tpu.memref_slice %arg7[%add3A_997, %dma_start3A_1002] : memref<512x128xf32, #tpu.memory_space<vmem>> -> memref<1x128xf32, #tpu.memory_space<vmem>>
            %dma_start3A_1004 = arith.constant 0 : i32
            %dma_start3A_1005 = tpu.memref_slice %arg3[%squeeze3A_923, %dma_start3A_1004] : memref<8192x128xf32, #tpu.memory_space<hbm>> -> memref<1x128xf32, #tpu.memory_space<hbm>>
            tpu.enqueue_dma source(%dma_start3A_1005 : memref<1x128xf32, #tpu.memory_space<hbm>>) target(%dma_start3A_1003 : memref<1x128xf32, #tpu.memory_space<vmem>>) target_semaphore(%arg21 : memref<!tpu.dma_semaphore, #tpu.memory_space<semaphore_mem>>)
          } else {
          }
          %slice3A_929 = vector.extract_strided_slice %get3A_750 {offsets = [7], sizes = [1], strides = [1]} : vector<16xi32> to vector<1xi32>
          %squeeze3A_930 = vector.extract %slice3A_929[0] : i32 from vector<1xi32>
          %ge3A_931 = arith.constant 8064 : i32
          %ge3A_932 = arith.cmpi sge, %squeeze3A_930, %ge3A_931 : i32
          %convert_element_type3A_933 = arith.extui %ge3A_932 : i1 to i32
          %cond3A_934 = arith.constant 0 : i32
          %cond3A_935 = arith.cmpi ne, %convert_element_type3A_933, %cond3A_934 : i32
          scf.if %cond3A_935 {
            %mul3A_992 = arith.constant 16 : i32
            %mul3A_993 = arith.muli %scan3A_742, %mul3A_992 : i32
            %add3A_994 = arith.constant 256 : i32
            %add3A_995 = arith.addi %add3A_994, %mul3A_993 : i32
            %add3A_996 = arith.constant 7 : i32
            %add3A_997 = arith.addi %add3A_995, %add3A_996 : i32
            %dma_start3A_998 = arith.constant 0 : i32
            %dma_start3A_999 = tpu.memref_slice %arg7[%add3A_997, %dma_start3A_998] : memref<512x128xf32, #tpu.memory_space<vmem>> -> memref<1x128xf32, #tpu.memory_space<vmem>>
            %dma_start3A_1000 = arith.constant 0 : i32
            %dma_start3A_1001 = tpu.memref_slice %arg3[%squeeze3A_930, %dma_start3A_1000] : memref<8192x128xf32, #tpu.memory_space<hbm>> -> memref<1x128xf32, #tpu.memory_space<hbm>>
            %dma_start3A_1002 = arith.constant 0 : i32
            %dma_start3A_1003 = tpu.memref_slice %arg7[%add3A_997, %dma_start3A_1002] : memref<512x128xf32, #tpu.memory_space<vmem>> -> memref<1x128xf32, #tpu.memory_space<vmem>>
            %dma_start3A_1004 = arith.constant 0 : i32
            %dma_start3A_1005 = tpu.memref_slice %arg3[%squeeze3A_930, %dma_start3A_1004] : memref<8192x128xf32, #tpu.memory_space<hbm>> -> memref<1x128xf32, #tpu.memory_space<hbm>>
            tpu.enqueue_dma source(%dma_start3A_1005 : memref<1x128xf32, #tpu.memory_space<hbm>>) target(%dma_start3A_1003 : memref<1x128xf32, #tpu.memory_space<vmem>>) target_semaphore(%arg21 : memref<!tpu.dma_semaphore, #tpu.memory_space<semaphore_mem>>)
          } else {
          }
          %slice3A_936 = vector.extract_strided_slice %get3A_750 {offsets = [8], sizes = [1], strides = [1]} : vector<16xi32> to vector<1xi32>
          %squeeze3A_937 = vector.extract %slice3A_936[0] : i32 from vector<1xi32>
          %ge3A_938 = arith.constant 8064 : i32
          %ge3A_939 = arith.cmpi sge, %squeeze3A_937, %ge3A_938 : i32
          %convert_element_type3A_940 = arith.extui %ge3A_939 : i1 to i32
          %cond3A_941 = arith.constant 0 : i32
          %cond3A_942 = arith.cmpi ne, %convert_element_type3A_940, %cond3A_941 : i32
          scf.if %cond3A_942 {
            %mul3A_992 = arith.constant 16 : i32
            %mul3A_993 = arith.muli %scan3A_742, %mul3A_992 : i32
            %add3A_994 = arith.constant 256 : i32
            %add3A_995 = arith.addi %add3A_994, %mul3A_993 : i32
            %add3A_996 = arith.constant 8 : i32
            %add3A_997 = arith.addi %add3A_995, %add3A_996 : i32
            %dma_start3A_998 = arith.constant 0 : i32
            %dma_start3A_999 = tpu.memref_slice %arg7[%add3A_997, %dma_start3A_998] : memref<512x128xf32, #tpu.memory_space<vmem>> -> memref<1x128xf32, #tpu.memory_space<vmem>>
            %dma_start3A_1000 = arith.constant 0 : i32
            %dma_start3A_1001 = tpu.memref_slice %arg3[%squeeze3A_937, %dma_start3A_1000] : memref<8192x128xf32, #tpu.memory_space<hbm>> -> memref<1x128xf32, #tpu.memory_space<hbm>>
            %dma_start3A_1002 = arith.constant 0 : i32
            %dma_start3A_1003 = tpu.memref_slice %arg7[%add3A_997, %dma_start3A_1002] : memref<512x128xf32, #tpu.memory_space<vmem>> -> memref<1x128xf32, #tpu.memory_space<vmem>>
            %dma_start3A_1004 = arith.constant 0 : i32
            %dma_start3A_1005 = tpu.memref_slice %arg3[%squeeze3A_937, %dma_start3A_1004] : memref<8192x128xf32, #tpu.memory_space<hbm>> -> memref<1x128xf32, #tpu.memory_space<hbm>>
            tpu.enqueue_dma source(%dma_start3A_1005 : memref<1x128xf32, #tpu.memory_space<hbm>>) target(%dma_start3A_1003 : memref<1x128xf32, #tpu.memory_space<vmem>>) target_semaphore(%arg21 : memref<!tpu.dma_semaphore, #tpu.memory_space<semaphore_mem>>)
          } else {
          }
          %slice3A_943 = vector.extract_strided_slice %get3A_750 {offsets = [9], sizes = [1], strides = [1]} : vector<16xi32> to vector<1xi32>
          %squeeze3A_944 = vector.extract %slice3A_943[0] : i32 from vector<1xi32>
          %ge3A_945 = arith.constant 8064 : i32
          %ge3A_946 = arith.cmpi sge, %squeeze3A_944, %ge3A_945 : i32
          %convert_element_type3A_947 = arith.extui %ge3A_946 : i1 to i32
          %cond3A_948 = arith.constant 0 : i32
          %cond3A_949 = arith.cmpi ne, %convert_element_type3A_947, %cond3A_948 : i32
          scf.if %cond3A_949 {
            %mul3A_992 = arith.constant 16 : i32
            %mul3A_993 = arith.muli %scan3A_742, %mul3A_992 : i32
            %add3A_994 = arith.constant 256 : i32
            %add3A_995 = arith.addi %add3A_994, %mul3A_993 : i32
            %add3A_996 = arith.constant 9 : i32
            %add3A_997 = arith.addi %add3A_995, %add3A_996 : i32
            %dma_start3A_998 = arith.constant 0 : i32
            %dma_start3A_999 = tpu.memref_slice %arg7[%add3A_997, %dma_start3A_998] : memref<512x128xf32, #tpu.memory_space<vmem>> -> memref<1x128xf32, #tpu.memory_space<vmem>>
            %dma_start3A_1000 = arith.constant 0 : i32
            %dma_start3A_1001 = tpu.memref_slice %arg3[%squeeze3A_944, %dma_start3A_1000] : memref<8192x128xf32, #tpu.memory_space<hbm>> -> memref<1x128xf32, #tpu.memory_space<hbm>>
            %dma_start3A_1002 = arith.constant 0 : i32
            %dma_start3A_1003 = tpu.memref_slice %arg7[%add3A_997, %dma_start3A_1002] : memref<512x128xf32, #tpu.memory_space<vmem>> -> memref<1x128xf32, #tpu.memory_space<vmem>>
            %dma_start3A_1004 = arith.constant 0 : i32
            %dma_start3A_1005 = tpu.memref_slice %arg3[%squeeze3A_944, %dma_start3A_1004] : memref<8192x128xf32, #tpu.memory_space<hbm>> -> memref<1x128xf32, #tpu.memory_space<hbm>>
            tpu.enqueue_dma source(%dma_start3A_1005 : memref<1x128xf32, #tpu.memory_space<hbm>>) target(%dma_start3A_1003 : memref<1x128xf32, #tpu.memory_space<vmem>>) target_semaphore(%arg21 : memref<!tpu.dma_semaphore, #tpu.memory_space<semaphore_mem>>)
          } else {
          }
          %slice3A_950 = vector.extract_strided_slice %get3A_750 {offsets = [10], sizes = [1], strides = [1]} : vector<16xi32> to vector<1xi32>
          %squeeze3A_951 = vector.extract %slice3A_950[0] : i32 from vector<1xi32>
          %ge3A_952 = arith.constant 8064 : i32
          %ge3A_953 = arith.cmpi sge, %squeeze3A_951, %ge3A_952 : i32
          %convert_element_type3A_954 = arith.extui %ge3A_953 : i1 to i32
          %cond3A_955 = arith.constant 0 : i32
          %cond3A_956 = arith.cmpi ne, %convert_element_type3A_954, %cond3A_955 : i32
          scf.if %cond3A_956 {
            %mul3A_992 = arith.constant 16 : i32
            %mul3A_993 = arith.muli %scan3A_742, %mul3A_992 : i32
            %add3A_994 = arith.constant 256 : i32
            %add3A_995 = arith.addi %add3A_994, %mul3A_993 : i32
            %add3A_996 = arith.constant 10 : i32
            %add3A_997 = arith.addi %add3A_995, %add3A_996 : i32
            %dma_start3A_998 = arith.constant 0 : i32
            %dma_start3A_999 = tpu.memref_slice %arg7[%add3A_997, %dma_start3A_998] : memref<512x128xf32, #tpu.memory_space<vmem>> -> memref<1x128xf32, #tpu.memory_space<vmem>>
            %dma_start3A_1000 = arith.constant 0 : i32
            %dma_start3A_1001 = tpu.memref_slice %arg3[%squeeze3A_951, %dma_start3A_1000] : memref<8192x128xf32, #tpu.memory_space<hbm>> -> memref<1x128xf32, #tpu.memory_space<hbm>>
            %dma_start3A_1002 = arith.constant 0 : i32
            %dma_start3A_1003 = tpu.memref_slice %arg7[%add3A_997, %dma_start3A_1002] : memref<512x128xf32, #tpu.memory_space<vmem>> -> memref<1x128xf32, #tpu.memory_space<vmem>>
            %dma_start3A_1004 = arith.constant 0 : i32
            %dma_start3A_1005 = tpu.memref_slice %arg3[%squeeze3A_951, %dma_start3A_1004] : memref<8192x128xf32, #tpu.memory_space<hbm>> -> memref<1x128xf32, #tpu.memory_space<hbm>>
            tpu.enqueue_dma source(%dma_start3A_1005 : memref<1x128xf32, #tpu.memory_space<hbm>>) target(%dma_start3A_1003 : memref<1x128xf32, #tpu.memory_space<vmem>>) target_semaphore(%arg21 : memref<!tpu.dma_semaphore, #tpu.memory_space<semaphore_mem>>)
          } else {
          }
          %slice3A_957 = vector.extract_strided_slice %get3A_750 {offsets = [11], sizes = [1], strides = [1]} : vector<16xi32> to vector<1xi32>
          %squeeze3A_958 = vector.extract %slice3A_957[0] : i32 from vector<1xi32>
          %ge3A_959 = arith.constant 8064 : i32
          %ge3A_960 = arith.cmpi sge, %squeeze3A_958, %ge3A_959 : i32
          %convert_element_type3A_961 = arith.extui %ge3A_960 : i1 to i32
          %cond3A_962 = arith.constant 0 : i32
          %cond3A_963 = arith.cmpi ne, %convert_element_type3A_961, %cond3A_962 : i32
          scf.if %cond3A_963 {
            %mul3A_992 = arith.constant 16 : i32
            %mul3A_993 = arith.muli %scan3A_742, %mul3A_992 : i32
            %add3A_994 = arith.constant 256 : i32
            %add3A_995 = arith.addi %add3A_994, %mul3A_993 : i32
            %add3A_996 = arith.constant 11 : i32
            %add3A_997 = arith.addi %add3A_995, %add3A_996 : i32
            %dma_start3A_998 = arith.constant 0 : i32
            %dma_start3A_999 = tpu.memref_slice %arg7[%add3A_997, %dma_start3A_998] : memref<512x128xf32, #tpu.memory_space<vmem>> -> memref<1x128xf32, #tpu.memory_space<vmem>>
            %dma_start3A_1000 = arith.constant 0 : i32
            %dma_start3A_1001 = tpu.memref_slice %arg3[%squeeze3A_958, %dma_start3A_1000] : memref<8192x128xf32, #tpu.memory_space<hbm>> -> memref<1x128xf32, #tpu.memory_space<hbm>>
            %dma_start3A_1002 = arith.constant 0 : i32
            %dma_start3A_1003 = tpu.memref_slice %arg7[%add3A_997, %dma_start3A_1002] : memref<512x128xf32, #tpu.memory_space<vmem>> -> memref<1x128xf32, #tpu.memory_space<vmem>>
            %dma_start3A_1004 = arith.constant 0 : i32
            %dma_start3A_1005 = tpu.memref_slice %arg3[%squeeze3A_958, %dma_start3A_1004] : memref<8192x128xf32, #tpu.memory_space<hbm>> -> memref<1x128xf32, #tpu.memory_space<hbm>>
            tpu.enqueue_dma source(%dma_start3A_1005 : memref<1x128xf32, #tpu.memory_space<hbm>>) target(%dma_start3A_1003 : memref<1x128xf32, #tpu.memory_space<vmem>>) target_semaphore(%arg21 : memref<!tpu.dma_semaphore, #tpu.memory_space<semaphore_mem>>)
          } else {
          }
          %slice3A_964 = vector.extract_strided_slice %get3A_750 {offsets = [12], sizes = [1], strides = [1]} : vector<16xi32> to vector<1xi32>
          %squeeze3A_965 = vector.extract %slice3A_964[0] : i32 from vector<1xi32>
          %ge3A_966 = arith.constant 8064 : i32
          %ge3A_967 = arith.cmpi sge, %squeeze3A_965, %ge3A_966 : i32
          %convert_element_type3A_968 = arith.extui %ge3A_967 : i1 to i32
          %cond3A_969 = arith.constant 0 : i32
          %cond3A_970 = arith.cmpi ne, %convert_element_type3A_968, %cond3A_969 : i32
          scf.if %cond3A_970 {
            %mul3A_992 = arith.constant 16 : i32
            %mul3A_993 = arith.muli %scan3A_742, %mul3A_992 : i32
            %add3A_994 = arith.constant 256 : i32
            %add3A_995 = arith.addi %add3A_994, %mul3A_993 : i32
            %add3A_996 = arith.constant 12 : i32
            %add3A_997 = arith.addi %add3A_995, %add3A_996 : i32
            %dma_start3A_998 = arith.constant 0 : i32
            %dma_start3A_999 = tpu.memref_slice %arg7[%add3A_997, %dma_start3A_998] : memref<512x128xf32, #tpu.memory_space<vmem>> -> memref<1x128xf32, #tpu.memory_space<vmem>>
            %dma_start3A_1000 = arith.constant 0 : i32
            %dma_start3A_1001 = tpu.memref_slice %arg3[%squeeze3A_965, %dma_start3A_1000] : memref<8192x128xf32, #tpu.memory_space<hbm>> -> memref<1x128xf32, #tpu.memory_space<hbm>>
            %dma_start3A_1002 = arith.constant 0 : i32
            %dma_start3A_1003 = tpu.memref_slice %arg7[%add3A_997, %dma_start3A_1002] : memref<512x128xf32, #tpu.memory_space<vmem>> -> memref<1x128xf32, #tpu.memory_space<vmem>>
            %dma_start3A_1004 = arith.constant 0 : i32
            %dma_start3A_1005 = tpu.memref_slice %arg3[%squeeze3A_965, %dma_start3A_1004] : memref<8192x128xf32, #tpu.memory_space<hbm>> -> memref<1x128xf32, #tpu.memory_space<hbm>>
            tpu.enqueue_dma source(%dma_start3A_1005 : memref<1x128xf32, #tpu.memory_space<hbm>>) target(%dma_start3A_1003 : memref<1x128xf32, #tpu.memory_space<vmem>>) target_semaphore(%arg21 : memref<!tpu.dma_semaphore, #tpu.memory_space<semaphore_mem>>)
          } else {
          }
          %slice3A_971 = vector.extract_strided_slice %get3A_750 {offsets = [13], sizes = [1], strides = [1]} : vector<16xi32> to vector<1xi32>
          %squeeze3A_972 = vector.extract %slice3A_971[0] : i32 from vector<1xi32>
          %ge3A_973 = arith.constant 8064 : i32
          %ge3A_974 = arith.cmpi sge, %squeeze3A_972, %ge3A_973 : i32
          %convert_element_type3A_975 = arith.extui %ge3A_974 : i1 to i32
          %cond3A_976 = arith.constant 0 : i32
          %cond3A_977 = arith.cmpi ne, %convert_element_type3A_975, %cond3A_976 : i32
          scf.if %cond3A_977 {
            %mul3A_992 = arith.constant 16 : i32
            %mul3A_993 = arith.muli %scan3A_742, %mul3A_992 : i32
            %add3A_994 = arith.constant 256 : i32
            %add3A_995 = arith.addi %add3A_994, %mul3A_993 : i32
            %add3A_996 = arith.constant 13 : i32
            %add3A_997 = arith.addi %add3A_995, %add3A_996 : i32
            %dma_start3A_998 = arith.constant 0 : i32
            %dma_start3A_999 = tpu.memref_slice %arg7[%add3A_997, %dma_start3A_998] : memref<512x128xf32, #tpu.memory_space<vmem>> -> memref<1x128xf32, #tpu.memory_space<vmem>>
            %dma_start3A_1000 = arith.constant 0 : i32
            %dma_start3A_1001 = tpu.memref_slice %arg3[%squeeze3A_972, %dma_start3A_1000] : memref<8192x128xf32, #tpu.memory_space<hbm>> -> memref<1x128xf32, #tpu.memory_space<hbm>>
            %dma_start3A_1002 = arith.constant 0 : i32
            %dma_start3A_1003 = tpu.memref_slice %arg7[%add3A_997, %dma_start3A_1002] : memref<512x128xf32, #tpu.memory_space<vmem>> -> memref<1x128xf32, #tpu.memory_space<vmem>>
            %dma_start3A_1004 = arith.constant 0 : i32
            %dma_start3A_1005 = tpu.memref_slice %arg3[%squeeze3A_972, %dma_start3A_1004] : memref<8192x128xf32, #tpu.memory_space<hbm>> -> memref<1x128xf32, #tpu.memory_space<hbm>>
            tpu.enqueue_dma source(%dma_start3A_1005 : memref<1x128xf32, #tpu.memory_space<hbm>>) target(%dma_start3A_1003 : memref<1x128xf32, #tpu.memory_space<vmem>>) target_semaphore(%arg21 : memref<!tpu.dma_semaphore, #tpu.memory_space<semaphore_mem>>)
          } else {
          }
          %slice3A_978 = vector.extract_strided_slice %get3A_750 {offsets = [14], sizes = [1], strides = [1]} : vector<16xi32> to vector<1xi32>
          %squeeze3A_979 = vector.extract %slice3A_978[0] : i32 from vector<1xi32>
          %ge3A_980 = arith.constant 8064 : i32
          %ge3A_981 = arith.cmpi sge, %squeeze3A_979, %ge3A_980 : i32
          %convert_element_type3A_982 = arith.extui %ge3A_981 : i1 to i32
          %cond3A_983 = arith.constant 0 : i32
          %cond3A_984 = arith.cmpi ne, %convert_element_type3A_982, %cond3A_983 : i32
          scf.if %cond3A_984 {
            %mul3A_992 = arith.constant 16 : i32
            %mul3A_993 = arith.muli %scan3A_742, %mul3A_992 : i32
            %add3A_994 = arith.constant 256 : i32
            %add3A_995 = arith.addi %add3A_994, %mul3A_993 : i32
            %add3A_996 = arith.constant 14 : i32
            %add3A_997 = arith.addi %add3A_995, %add3A_996 : i32
            %dma_start3A_998 = arith.constant 0 : i32
            %dma_start3A_999 = tpu.memref_slice %arg7[%add3A_997, %dma_start3A_998] : memref<512x128xf32, #tpu.memory_space<vmem>> -> memref<1x128xf32, #tpu.memory_space<vmem>>
            %dma_start3A_1000 = arith.constant 0 : i32
            %dma_start3A_1001 = tpu.memref_slice %arg3[%squeeze3A_979, %dma_start3A_1000] : memref<8192x128xf32, #tpu.memory_space<hbm>> -> memref<1x128xf32, #tpu.memory_space<hbm>>
            %dma_start3A_1002 = arith.constant 0 : i32
            %dma_start3A_1003 = tpu.memref_slice %arg7[%add3A_997, %dma_start3A_1002] : memref<512x128xf32, #tpu.memory_space<vmem>> -> memref<1x128xf32, #tpu.memory_space<vmem>>
            %dma_start3A_1004 = arith.constant 0 : i32
            %dma_start3A_1005 = tpu.memref_slice %arg3[%squeeze3A_979, %dma_start3A_1004] : memref<8192x128xf32, #tpu.memory_space<hbm>> -> memref<1x128xf32, #tpu.memory_space<hbm>>
            tpu.enqueue_dma source(%dma_start3A_1005 : memref<1x128xf32, #tpu.memory_space<hbm>>) target(%dma_start3A_1003 : memref<1x128xf32, #tpu.memory_space<vmem>>) target_semaphore(%arg21 : memref<!tpu.dma_semaphore, #tpu.memory_space<semaphore_mem>>)
          } else {
          }
          %slice3A_985 = vector.extract_strided_slice %get3A_750 {offsets = [15], sizes = [1], strides = [1]} : vector<16xi32> to vector<1xi32>
          %squeeze3A_986 = vector.extract %slice3A_985[0] : i32 from vector<1xi32>
          %ge3A_987 = arith.constant 8064 : i32
          %ge3A_988 = arith.cmpi sge, %squeeze3A_986, %ge3A_987 : i32
          %convert_element_type3A_989 = arith.extui %ge3A_988 : i1 to i32
          %cond3A_990 = arith.constant 0 : i32
          %cond3A_991 = arith.cmpi ne, %convert_element_type3A_989, %cond3A_990 : i32
          scf.if %cond3A_991 {
            %mul3A_992 = arith.constant 16 : i32
            %mul3A_993 = arith.muli %scan3A_742, %mul3A_992 : i32
            %add3A_994 = arith.constant 256 : i32
            %add3A_995 = arith.addi %add3A_994, %mul3A_993 : i32
            %add3A_996 = arith.constant 15 : i32
            %add3A_997 = arith.addi %add3A_995, %add3A_996 : i32
            %dma_start3A_998 = arith.constant 0 : i32
            %dma_start3A_999 = tpu.memref_slice %arg7[%add3A_997, %dma_start3A_998] : memref<512x128xf32, #tpu.memory_space<vmem>> -> memref<1x128xf32, #tpu.memory_space<vmem>>
            %dma_start3A_1000 = arith.constant 0 : i32
            %dma_start3A_1001 = tpu.memref_slice %arg3[%squeeze3A_986, %dma_start3A_1000] : memref<8192x128xf32, #tpu.memory_space<hbm>> -> memref<1x128xf32, #tpu.memory_space<hbm>>
            %dma_start3A_1002 = arith.constant 0 : i32
            %dma_start3A_1003 = tpu.memref_slice %arg7[%add3A_997, %dma_start3A_1002] : memref<512x128xf32, #tpu.memory_space<vmem>> -> memref<1x128xf32, #tpu.memory_space<vmem>>
            %dma_start3A_1004 = arith.constant 0 : i32
            %dma_start3A_1005 = tpu.memref_slice %arg3[%squeeze3A_986, %dma_start3A_1004] : memref<8192x128xf32, #tpu.memory_space<hbm>> -> memref<1x128xf32, #tpu.memory_space<hbm>>
            tpu.enqueue_dma source(%dma_start3A_1005 : memref<1x128xf32, #tpu.memory_space<hbm>>) target(%dma_start3A_1003 : memref<1x128xf32, #tpu.memory_space<vmem>>) target_semaphore(%arg21 : memref<!tpu.dma_semaphore, #tpu.memory_space<semaphore_mem>>)
          } else {
          }
        } else {
        }
        %add3A_879 = arith.addi %scan3A_743, %add3A_874 : i32
        scf.yield %add3A_879 : i32
      }
      %scan3A_646 = arith.constant 8 : i32
      %add3A_647 = arith.constant 4 : i32
      %add3A_648 = arith.addi %add3A_629, %add3A_647 : i32
      %lt3A_649 = arith.constant 200 : i32
      %lt3A_650 = arith.cmpi slt, %add3A_648, %lt3A_649 : i32
      %convert_element_type3A_651 = arith.extui %lt3A_650 : i1 to i32
      %cond3A_652 = arith.constant 0 : i32
      %cond3A_653 = arith.cmpi ne, %convert_element_type3A_651, %cond3A_652 : i32
      scf.if %cond3A_653 {
        %add3A_742 = arith.addi %mul3A_2, %add3A_648 : i32
        %dma_start3A_743 = arith.constant 2 : i32
        %dma_start3A_744 = arith.constant 0 : i32
        %dma_start3A_745 = tpu.memref_slice %arg5[%dma_start3A_743, %dma_start3A_744] : memref<4x128xi32, #tpu.memory_space<vmem>> -> memref<1x128xi32, #tpu.memory_space<vmem>>
        %dma_start3A_746 = arith.constant 0 : i32
        %dma_start3A_747 = tpu.memref_slice %arg2[%add3A_742, %dma_start3A_746] : memref<6400x128xi32, #tpu.memory_space<hbm>> -> memref<1x128xi32, #tpu.memory_space<hbm>>
        %dma_start3A_748 = arith.constant 2 : i32
        %dma_start3A_749 = arith.constant 0 : i32
        %dma_start3A_750 = tpu.memref_slice %arg5[%dma_start3A_748, %dma_start3A_749] : memref<4x128xi32, #tpu.memory_space<vmem>> -> memref<1x128xi32, #tpu.memory_space<vmem>>
        %dma_start3A_751 = arith.constant 0 : i32
        %dma_start3A_752 = tpu.memref_slice %arg2[%add3A_742, %dma_start3A_751] : memref<6400x128xi32, #tpu.memory_space<hbm>> -> memref<1x128xi32, #tpu.memory_space<hbm>>
        tpu.enqueue_dma source(%dma_start3A_752 : memref<1x128xi32, #tpu.memory_space<hbm>>) target(%dma_start3A_750 : memref<1x128xi32, #tpu.memory_space<vmem>>) target_semaphore(%arg11 : memref<!tpu.dma_semaphore, #tpu.memory_space<semaphore_mem>>)
      } else {
      }
      %add3A_654 = arith.constant 3 : i32
      %add3A_655 = arith.addi %add3A_629, %add3A_654 : i32
      %lt3A_656 = arith.constant 200 : i32
      %lt3A_657 = arith.cmpi slt, %add3A_655, %lt3A_656 : i32
      %convert_element_type3A_658 = arith.extui %lt3A_657 : i1 to i32
      %cond3A_659 = arith.constant 0 : i32
      %cond3A_660 = arith.cmpi ne, %convert_element_type3A_658, %cond3A_659 : i32
      scf.if %cond3A_660 {
        %ge3A = arith.constant 4 : i32
        %ge3A_742 = arith.cmpi sge, %add3A_655, %ge3A : i32
        %convert_element_type3A_743 = arith.extui %ge3A_742 : i1 to i32
        %cond3A_744 = arith.constant 0 : i32
        %cond3A_745 = arith.cmpi ne, %convert_element_type3A_743, %cond3A_744 : i32
        scf.if %cond3A_745 {
          %sub3A = arith.constant 4 : i32
          %sub3A_879 = arith.subi %add3A_655, %sub3A : i32
          %add3A_880 = arith.addi %mul3A_2, %sub3A_879 : i32
          %mul3A_881 = arith.constant 128 : i32
          %mul3A_882 = arith.muli %add3A_880, %mul3A_881 : i32
          %dma_wait3A_883 = arith.constant 128 : i32
          %dma_wait3A_884 = arith.constant 0 : i32
          %dma_wait3A_885 = tpu.memref_slice %arg7[%dma_wait3A_883, %dma_wait3A_884] : memref<512x128xf32, #tpu.memory_space<vmem>> -> memref<128x128xf32, #tpu.memory_space<vmem>>
          %dma_wait3A_886 = arith.constant 0 : i32
          %dma_wait3A_887 = tpu.memref_slice %arg4[%mul3A_882, %dma_wait3A_886] : memref<819200x128xf32, #tpu.memory_space<hbm>> -> memref<128x128xf32, #tpu.memory_space<hbm>>
          %dma_wait3A_888 = arith.constant 0 : i32
          %dma_wait3A_889 = tpu.memref_slice %arg4[%mul3A_882, %dma_wait3A_888] : memref<819200x128xf32, #tpu.memory_space<hbm>> -> memref<128x128xf32, #tpu.memory_space<hbm>>
          %dma_wait3A_890 = arith.constant 128 : i32
          %dma_wait3A_891 = arith.constant 0 : i32
          %dma_wait3A_892 = tpu.memref_slice %arg7[%dma_wait3A_890, %dma_wait3A_891] : memref<512x128xf32, #tpu.memory_space<vmem>> -> memref<128x128xf32, #tpu.memory_space<vmem>>
          tpu.wait_dma2 semaphore(%arg18 : memref<!tpu.dma_semaphore, #tpu.memory_space<semaphore_mem>>) src(%dma_wait3A_892 : memref<128x128xf32, #tpu.memory_space<vmem>>) dst(%dma_wait3A_889 : memref<128x128xf32, #tpu.memory_space<hbm>>)
        } else {
        }
        %add3A_746 = arith.addi %mul3A_2, %add3A_655 : i32
        %dma_wait3A_747 = arith.constant 1 : i32
        %dma_wait3A_748 = arith.constant 0 : i32
        %dma_wait3A_749 = tpu.memref_slice %arg5[%dma_wait3A_747, %dma_wait3A_748] : memref<4x128xi32, #tpu.memory_space<vmem>> -> memref<1x128xi32, #tpu.memory_space<vmem>>
        %dma_wait3A_750 = arith.constant 0 : i32
        %dma_wait3A_751 = tpu.memref_slice %arg2[%add3A_746, %dma_wait3A_750] : memref<6400x128xi32, #tpu.memory_space<hbm>> -> memref<1x128xi32, #tpu.memory_space<hbm>>
        %dma_wait3A_752 = arith.constant 1 : i32
        %dma_wait3A_753 = arith.constant 0 : i32
        %dma_wait3A_754 = tpu.memref_slice %arg5[%dma_wait3A_752, %dma_wait3A_753] : memref<4x128xi32, #tpu.memory_space<vmem>> -> memref<1x128xi32, #tpu.memory_space<vmem>>
        %dma_wait3A_755 = arith.constant 0 : i32
        %dma_wait3A_756 = tpu.memref_slice %arg2[%add3A_746, %dma_wait3A_755] : memref<6400x128xi32, #tpu.memory_space<hbm>> -> memref<1x128xi32, #tpu.memory_space<hbm>>
        tpu.wait_dma2 semaphore(%arg10 : memref<!tpu.dma_semaphore, #tpu.memory_space<semaphore_mem>>) src(%dma_wait3A_756 : memref<1x128xi32, #tpu.memory_space<hbm>>) dst(%dma_wait3A_754 : memref<1x128xi32, #tpu.memory_space<vmem>>)
        %get3A_757 = arith.constant 1 : i32
        %get3A_758 = arith.index_cast %get3A_757 : i32 to index
        %get3A_759 = arith.constant 0 : index
        %get3A_760 = tpu.vector_load %arg5[%get3A_758, %get3A_759] {strides = array<i32>} : memref<4x128xi32, #tpu.memory_space<vmem>>, vector<1x16xi32>,
        %get3A_761 = vector.shape_cast %get3A_760 : vector<1x16xi32> to vector<16xi32>
        %min3A_762 = arith.constant 8063 : i32
        %min3A_763 = vector.broadcast %min3A_762 : i32 to vector<16xi32>
        %min3A_764 = arith.minsi %get3A_761, %min3A_763 : vector<16xi32>
        %swap3A_765 = arith.constant 1 : i32
        %swap3A_766 = arith.index_cast %swap3A_765 : i32 to index
        %swap3A_767 = arith.constant 0 : index
        %swap3A_768 = tpu.vector_load %arg6[%swap3A_766, %swap3A_767] {strides = array<i32>} : memref<4x128xi32, #tpu.memory_space<vmem>>, vector<1x16xi32>,
        %swap3A_769 = vector.shape_cast %swap3A_768 : vector<1x16xi32> to vector<16xi32>
        %swap3A_770 = vector.shape_cast %min3A_764 : vector<16xi32> to vector<1x16xi32>
        tpu.vector_store %arg6[%swap3A_766, %swap3A_767], %swap3A_770 {strides = array<i32>} : memref<4x128xi32, #tpu.memory_space<vmem>>, vector<1x16xi32>,
        %get3A_771 = arith.constant 1 : i32
        %get3A_772 = arith.index_cast %get3A_771 : i32 to index
        %get3A_773 = arith.constant 16 : index
        %get3A_774 = tpu.vector_load %arg5[%get3A_772, %get3A_773] {strides = array<i32>} : memref<4x128xi32, #tpu.memory_space<vmem>>, vector<1x16xi32>,
        %get3A_775 = vector.shape_cast %get3A_774 : vector<1x16xi32> to vector<16xi32>
        %min3A_776 = arith.constant 8063 : i32
        %min3A_777 = vector.broadcast %min3A_776 : i32 to vector<16xi32>
        %min3A_778 = arith.minsi %get3A_775, %min3A_777 : vector<16xi32>
        %swap3A_779 = arith.constant 1 : i32
        %swap3A_780 = arith.index_cast %swap3A_779 : i32 to index
        %swap3A_781 = arith.constant 16 : index
        %swap3A_782 = tpu.vector_load %arg6[%swap3A_780, %swap3A_781] {strides = array<i32>} : memref<4x128xi32, #tpu.memory_space<vmem>>, vector<1x16xi32>,
        %swap3A_783 = vector.shape_cast %swap3A_782 : vector<1x16xi32> to vector<16xi32>
        %swap3A_784 = vector.shape_cast %min3A_778 : vector<16xi32> to vector<1x16xi32>
        tpu.vector_store %arg6[%swap3A_780, %swap3A_781], %swap3A_784 {strides = array<i32>} : memref<4x128xi32, #tpu.memory_space<vmem>>, vector<1x16xi32>,
        %get3A_785 = arith.constant 1 : i32
        %get3A_786 = arith.index_cast %get3A_785 : i32 to index
        %get3A_787 = arith.constant 32 : index
        %get3A_788 = tpu.vector_load %arg5[%get3A_786, %get3A_787] {strides = array<i32>} : memref<4x128xi32, #tpu.memory_space<vmem>>, vector<1x16xi32>,
        %get3A_789 = vector.shape_cast %get3A_788 : vector<1x16xi32> to vector<16xi32>
        %min3A_790 = arith.constant 8063 : i32
        %min3A_791 = vector.broadcast %min3A_790 : i32 to vector<16xi32>
        %min3A_792 = arith.minsi %get3A_789, %min3A_791 : vector<16xi32>
        %swap3A_793 = arith.constant 1 : i32
        %swap3A_794 = arith.index_cast %swap3A_793 : i32 to index
        %swap3A_795 = arith.constant 32 : index
        %swap3A_796 = tpu.vector_load %arg6[%swap3A_794, %swap3A_795] {strides = array<i32>} : memref<4x128xi32, #tpu.memory_space<vmem>>, vector<1x16xi32>,
        %swap3A_797 = vector.shape_cast %swap3A_796 : vector<1x16xi32> to vector<16xi32>
        %swap3A_798 = vector.shape_cast %min3A_792 : vector<16xi32> to vector<1x16xi32>
        tpu.vector_store %arg6[%swap3A_794, %swap3A_795], %swap3A_798 {strides = array<i32>} : memref<4x128xi32, #tpu.memory_space<vmem>>, vector<1x16xi32>,
        %get3A_799 = arith.constant 1 : i32
        %get3A_800 = arith.index_cast %get3A_799 : i32 to index
        %get3A_801 = arith.constant 48 : index
        %get3A_802 = tpu.vector_load %arg5[%get3A_800, %get3A_801] {strides = array<i32>} : memref<4x128xi32, #tpu.memory_space<vmem>>, vector<1x16xi32>,
        %get3A_803 = vector.shape_cast %get3A_802 : vector<1x16xi32> to vector<16xi32>
        %min3A_804 = arith.constant 8063 : i32
        %min3A_805 = vector.broadcast %min3A_804 : i32 to vector<16xi32>
        %min3A_806 = arith.minsi %get3A_803, %min3A_805 : vector<16xi32>
        %swap3A_807 = arith.constant 1 : i32
        %swap3A_808 = arith.index_cast %swap3A_807 : i32 to index
        %swap3A_809 = arith.constant 48 : index
        %swap3A_810 = tpu.vector_load %arg6[%swap3A_808, %swap3A_809] {strides = array<i32>} : memref<4x128xi32, #tpu.memory_space<vmem>>, vector<1x16xi32>,
        %swap3A_811 = vector.shape_cast %swap3A_810 : vector<1x16xi32> to vector<16xi32>
        %swap3A_812 = vector.shape_cast %min3A_806 : vector<16xi32> to vector<1x16xi32>
        tpu.vector_store %arg6[%swap3A_808, %swap3A_809], %swap3A_812 {strides = array<i32>} : memref<4x128xi32, #tpu.memory_space<vmem>>, vector<1x16xi32>,
        %get3A_813 = arith.constant 1 : i32
        %get3A_814 = arith.index_cast %get3A_813 : i32 to index
        %get3A_815 = arith.constant 64 : index
        %get3A_816 = tpu.vector_load %arg5[%get3A_814, %get3A_815] {strides = array<i32>} : memref<4x128xi32, #tpu.memory_space<vmem>>, vector<1x16xi32>,
        %get3A_817 = vector.shape_cast %get3A_816 : vector<1x16xi32> to vector<16xi32>
        %min3A_818 = arith.constant 8063 : i32
        %min3A_819 = vector.broadcast %min3A_818 : i32 to vector<16xi32>
        %min3A_820 = arith.minsi %get3A_817, %min3A_819 : vector<16xi32>
        %swap3A_821 = arith.constant 1 : i32
        %swap3A_822 = arith.index_cast %swap3A_821 : i32 to index
        %swap3A_823 = arith.constant 64 : index
        %swap3A_824 = tpu.vector_load %arg6[%swap3A_822, %swap3A_823] {strides = array<i32>} : memref<4x128xi32, #tpu.memory_space<vmem>>, vector<1x16xi32>,
        %swap3A_825 = vector.shape_cast %swap3A_824 : vector<1x16xi32> to vector<16xi32>
        %swap3A_826 = vector.shape_cast %min3A_820 : vector<16xi32> to vector<1x16xi32>
        tpu.vector_store %arg6[%swap3A_822, %swap3A_823], %swap3A_826 {strides = array<i32>} : memref<4x128xi32, #tpu.memory_space<vmem>>, vector<1x16xi32>,
        %get3A_827 = arith.constant 1 : i32
        %get3A_828 = arith.index_cast %get3A_827 : i32 to index
        %get3A_829 = arith.constant 80 : index
        %get3A_830 = tpu.vector_load %arg5[%get3A_828, %get3A_829] {strides = array<i32>} : memref<4x128xi32, #tpu.memory_space<vmem>>, vector<1x16xi32>,
        %get3A_831 = vector.shape_cast %get3A_830 : vector<1x16xi32> to vector<16xi32>
        %min3A_832 = arith.constant 8063 : i32
        %min3A_833 = vector.broadcast %min3A_832 : i32 to vector<16xi32>
        %min3A_834 = arith.minsi %get3A_831, %min3A_833 : vector<16xi32>
        %swap3A_835 = arith.constant 1 : i32
        %swap3A_836 = arith.index_cast %swap3A_835 : i32 to index
        %swap3A_837 = arith.constant 80 : index
        %swap3A_838 = tpu.vector_load %arg6[%swap3A_836, %swap3A_837] {strides = array<i32>} : memref<4x128xi32, #tpu.memory_space<vmem>>, vector<1x16xi32>,
        %swap3A_839 = vector.shape_cast %swap3A_838 : vector<1x16xi32> to vector<16xi32>
        %swap3A_840 = vector.shape_cast %min3A_834 : vector<16xi32> to vector<1x16xi32>
        tpu.vector_store %arg6[%swap3A_836, %swap3A_837], %swap3A_840 {strides = array<i32>} : memref<4x128xi32, #tpu.memory_space<vmem>>, vector<1x16xi32>,
        %get3A_841 = arith.constant 1 : i32
        %get3A_842 = arith.index_cast %get3A_841 : i32 to index
        %get3A_843 = arith.constant 96 : index
        %get3A_844 = tpu.vector_load %arg5[%get3A_842, %get3A_843] {strides = array<i32>} : memref<4x128xi32, #tpu.memory_space<vmem>>, vector<1x16xi32>,
        %get3A_845 = vector.shape_cast %get3A_844 : vector<1x16xi32> to vector<16xi32>
        %min3A_846 = arith.constant 8063 : i32
        %min3A_847 = vector.broadcast %min3A_846 : i32 to vector<16xi32>
        %min3A_848 = arith.minsi %get3A_845, %min3A_847 : vector<16xi32>
        %swap3A_849 = arith.constant 1 : i32
        %swap3A_850 = arith.index_cast %swap3A_849 : i32 to index
        %swap3A_851 = arith.constant 96 : index
        %swap3A_852 = tpu.vector_load %arg6[%swap3A_850, %swap3A_851] {strides = array<i32>} : memref<4x128xi32, #tpu.memory_space<vmem>>, vector<1x16xi32>,
        %swap3A_853 = vector.shape_cast %swap3A_852 : vector<1x16xi32> to vector<16xi32>
        %swap3A_854 = vector.shape_cast %min3A_848 : vector<16xi32> to vector<1x16xi32>
        tpu.vector_store %arg6[%swap3A_850, %swap3A_851], %swap3A_854 {strides = array<i32>} : memref<4x128xi32, #tpu.memory_space<vmem>>, vector<1x16xi32>,
        %get3A_855 = arith.constant 1 : i32
        %get3A_856 = arith.index_cast %get3A_855 : i32 to index
        %get3A_857 = arith.constant 112 : index
        %get3A_858 = tpu.vector_load %arg5[%get3A_856, %get3A_857] {strides = array<i32>} : memref<4x128xi32, #tpu.memory_space<vmem>>, vector<1x16xi32>,
        %get3A_859 = vector.shape_cast %get3A_858 : vector<1x16xi32> to vector<16xi32>
        %min3A_860 = arith.constant 8063 : i32
        %min3A_861 = vector.broadcast %min3A_860 : i32 to vector<16xi32>
        %min3A_862 = arith.minsi %get3A_859, %min3A_861 : vector<16xi32>
        %swap3A_863 = arith.constant 1 : i32
        %swap3A_864 = arith.index_cast %swap3A_863 : i32 to index
        %swap3A_865 = arith.constant 112 : index
        %swap3A_866 = tpu.vector_load %arg6[%swap3A_864, %swap3A_865] {strides = array<i32>} : memref<4x128xi32, #tpu.memory_space<vmem>>, vector<1x16xi32>,
        %swap3A_867 = vector.shape_cast %swap3A_866 : vector<1x16xi32> to vector<16xi32>
        %swap3A_868 = vector.shape_cast %min3A_862 : vector<16xi32> to vector<1x16xi32>
        tpu.vector_store %arg6[%swap3A_864, %swap3A_865], %swap3A_868 {strides = array<i32>} : memref<4x128xi32, #tpu.memory_space<vmem>>, vector<1x16xi32>,
        %dma_start3A_869 = arith.constant 1 : i32
        %dma_start3A_870 = arith.constant 128 : i32
        %dma_start3A_871 = arith.constant 0 : i32
        %dma_start3A_872 = tpu.memref_slice %arg7[%dma_start3A_870, %dma_start3A_871] : memref<512x128xf32, #tpu.memory_space<vmem>> -> memref<128x128xf32, #tpu.memory_space<vmem>>
        %dma_start3A_873 = arith.constant 0 : i32
        %dma_start3A_874 = tpu.memref_slice %arg6[%dma_start3A_869, %dma_start3A_873] : memref<4x128xi32, #tpu.memory_space<vmem>> -> memref<1x128xi32, #tpu.memory_space<vmem>>
        %dma_start3A_875 = tpu.memref_squeeze %dma_start3A_874 : memref<1x128xi32, #tpu.memory_space<vmem>> -> memref<128xi32, #tpu.memory_space<vmem>>
        %dma_start3A_876 = arith.constant 0 : i32
        %dma_start3A_877 = arith.constant 0 : i32
        %dma_start3A_878 = tpu.memref_slice %arg8[%dma_start3A_876, %dma_start3A_877] : memref<8064x128xf32, #tpu.memory_space<vmem_shared>> -> memref<8064x128xf32, #tpu.memory_space<vmem_shared>>
        tpu.enqueue_indirect_dma source(%dma_start3A_878 : memref<8064x128xf32, #tpu.memory_space<vmem_shared>>) target(%dma_start3A_872 : memref<128x128xf32, #tpu.memory_space<vmem>>) offsets(%dma_start3A_875 : memref<128xi32, #tpu.memory_space<vmem>>) semaphore(%arg14 : memref<!tpu.dma_semaphore, #tpu.memory_space<semaphore_mem>>)
      } else {
      }
      %while3A_661 = arith.constant 0 : i32
      %while3A_662 = arith.constant 0 : i32
      %while3A_663 = arith.subi %scan3A_645, %while3A_662 : i32
      %while3A_664 = arith.addi %while3A_662, %while3A_663 : i32
      %while3A_665 = arith.constant 1 : i32
      %while3A_666 = arith.divsi %while3A_663, %while3A_665 : i32
      %while3A_667 = arith.muli %while3A_666, %while3A_665 : i32
      %while3A_668 = arith.addi %while3A_662, %while3A_667 : i32
      %while3A_669 = arith.constant 1 : i32
      scf.for %while3A_742 = %while3A_662 to %while3A_668 step %while3A_669  : i32 {
        %dma_wait3A_743 = arith.constant 0 : i32
        %dma_wait3A_744 = arith.constant 0 : i32
        %dma_wait3A_745 = tpu.memref_slice %arg7[%dma_wait3A_743, %dma_wait3A_744] : memref<512x128xf32, #tpu.memory_space<vmem>> -> memref<1x128xf32, #tpu.memory_space<vmem>>
        %dma_wait3A_746 = arith.constant 0 : i32
        %dma_wait3A_747 = arith.constant 0 : i32
        %dma_wait3A_748 = tpu.memref_slice %arg3[%dma_wait3A_746, %dma_wait3A_747] : memref<8192x128xf32, #tpu.memory_space<hbm>> -> memref<1x128xf32, #tpu.memory_space<hbm>>
        %dma_wait3A_749 = arith.constant 0 : i32
        %dma_wait3A_750 = arith.constant 0 : i32
        %dma_wait3A_751 = tpu.memref_slice %arg7[%dma_wait3A_749, %dma_wait3A_750] : memref<512x128xf32, #tpu.memory_space<vmem>> -> memref<1x128xf32, #tpu.memory_space<vmem>>
        %dma_wait3A_752 = arith.constant 0 : i32
        %dma_wait3A_753 = arith.constant 0 : i32
        %dma_wait3A_754 = tpu.memref_slice %arg3[%dma_wait3A_752, %dma_wait3A_753] : memref<8192x128xf32, #tpu.memory_space<hbm>> -> memref<1x128xf32, #tpu.memory_space<hbm>>
        tpu.wait_dma2 semaphore(%arg21 : memref<!tpu.dma_semaphore, #tpu.memory_space<semaphore_mem>>) src(%dma_wait3A_754 : memref<1x128xf32, #tpu.memory_space<hbm>>) dst(%dma_wait3A_751 : memref<1x128xf32, #tpu.memory_space<vmem>>)
      }
      %while3A_670 = arith.constant 1 : i32
      scf.for %while3A_742 = %while3A_668 to %while3A_664 step %while3A_670  : i32 {
        %dma_wait3A_743 = arith.constant 0 : i32
        %dma_wait3A_744 = arith.constant 0 : i32
        %dma_wait3A_745 = tpu.memref_slice %arg7[%dma_wait3A_743, %dma_wait3A_744] : memref<512x128xf32, #tpu.memory_space<vmem>> -> memref<1x128xf32, #tpu.memory_space<vmem>>
        %dma_wait3A_746 = arith.constant 0 : i32
        %dma_wait3A_747 = arith.constant 0 : i32
        %dma_wait3A_748 = tpu.memref_slice %arg3[%dma_wait3A_746, %dma_wait3A_747] : memref<8192x128xf32, #tpu.memory_space<hbm>> -> memref<1x128xf32, #tpu.memory_space<hbm>>
        %dma_wait3A_749 = arith.constant 0 : i32
        %dma_wait3A_750 = arith.constant 0 : i32
        %dma_wait3A_751 = tpu.memref_slice %arg7[%dma_wait3A_749, %dma_wait3A_750] : memref<512x128xf32, #tpu.memory_space<vmem>> -> memref<1x128xf32, #tpu.memory_space<vmem>>
        %dma_wait3A_752 = arith.constant 0 : i32
        %dma_wait3A_753 = arith.constant 0 : i32
        %dma_wait3A_754 = tpu.memref_slice %arg3[%dma_wait3A_752, %dma_wait3A_753] : memref<8192x128xf32, #tpu.memory_space<hbm>> -> memref<1x128xf32, #tpu.memory_space<hbm>>
        tpu.wait_dma2 semaphore(%arg21 : memref<!tpu.dma_semaphore, #tpu.memory_space<semaphore_mem>>) src(%dma_wait3A_754 : memref<1x128xf32, #tpu.memory_space<hbm>>) dst(%dma_wait3A_751 : memref<1x128xf32, #tpu.memory_space<vmem>>)
      }
      %add3A_671 = arith.addi %mul3A_2, %add3A_629 : i32
      %mul3A_672 = arith.constant 128 : i32
      %mul3A_673 = arith.muli %add3A_671, %mul3A_672 : i32
      %dma_start3A_674 = arith.constant 256 : i32
      %dma_start3A_675 = arith.constant 0 : i32
      %dma_start3A_676 = tpu.memref_slice %arg7[%dma_start3A_674, %dma_start3A_675] : memref<512x128xf32, #tpu.memory_space<vmem>> -> memref<128x128xf32, #tpu.memory_space<vmem>>
      %dma_start3A_677 = arith.constant 0 : i32
      %dma_start3A_678 = tpu.memref_slice %arg4[%mul3A_673, %dma_start3A_677] : memref<819200x128xf32, #tpu.memory_space<hbm>> -> memref<128x128xf32, #tpu.memory_space<hbm>>
      %dma_start3A_679 = arith.constant 0 : i32
      %dma_start3A_680 = tpu.memref_slice %arg4[%mul3A_673, %dma_start3A_679] : memref<819200x128xf32, #tpu.memory_space<hbm>> -> memref<128x128xf32, #tpu.memory_space<hbm>>
      %dma_start3A_681 = arith.constant 256 : i32
      %dma_start3A_682 = arith.constant 0 : i32
      %dma_start3A_683 = tpu.memref_slice %arg7[%dma_start3A_681, %dma_start3A_682] : memref<512x128xf32, #tpu.memory_space<vmem>> -> memref<128x128xf32, #tpu.memory_space<vmem>>
      tpu.enqueue_dma source(%dma_start3A_683 : memref<128x128xf32, #tpu.memory_space<vmem>>) target(%dma_start3A_680 : memref<128x128xf32, #tpu.memory_space<hbm>>) target_semaphore(%arg19 : memref<!tpu.dma_semaphore, #tpu.memory_space<semaphore_mem>>)
      %mul3A_684 = arith.constant 4 : i32
      %mul3A_685 = arith.muli %mul3A_684, %scan3A_513 : i32
      %add3A_686 = arith.constant 3 : i32
      %add3A_687 = arith.addi %mul3A_685, %add3A_686 : i32
      %dma_wait3A_688 = arith.constant 3 : i32
      %dma_wait3A_689 = arith.constant 384 : i32
      %dma_wait3A_690 = arith.constant 0 : i32
      %dma_wait3A_691 = tpu.memref_slice %arg7[%dma_wait3A_689, %dma_wait3A_690] : memref<512x128xf32, #tpu.memory_space<vmem>> -> memref<128x128xf32, #tpu.memory_space<vmem>>
      %dma_wait3A_692 = arith.constant 0 : i32
      %dma_wait3A_693 = tpu.memref_slice %arg6[%dma_wait3A_688, %dma_wait3A_692] : memref<4x128xi32, #tpu.memory_space<vmem>> -> memref<1x128xi32, #tpu.memory_space<vmem>>
      %dma_wait3A_694 = tpu.memref_squeeze %dma_wait3A_693 : memref<1x128xi32, #tpu.memory_space<vmem>> -> memref<128xi32, #tpu.memory_space<vmem>>
      %dma_wait3A_695 = arith.constant 0 : i32
      %dma_wait3A_696 = arith.constant 0 : i32
      %dma_wait3A_697 = tpu.memref_slice %arg8[%dma_wait3A_695, %dma_wait3A_696] : memref<8064x128xf32, #tpu.memory_space<vmem_shared>> -> memref<8064x128xf32, #tpu.memory_space<vmem_shared>>
      tpu.wait_indirect_dma semaphore(%arg16 : memref<!tpu.dma_semaphore, #tpu.memory_space<semaphore_mem>>) src(%dma_wait3A_697 : memref<8064x128xf32, #tpu.memory_space<vmem_shared>>) dst(%dma_wait3A_691 : memref<128x128xf32, #tpu.memory_space<vmem>>)
      %scan3A_698 = arith.constant 0 : i32
      %scan3A_699 = arith.constant 0 : i32
      %scan3A_700 = arith.constant 8 : i32
      %scan3A_701 = arith.addi %scan3A_699, %scan3A_700 : i32
      %scan3A_702 = arith.constant 1 : i32
      %scan3A_703 = scf.for %scan3A_742 = %scan3A_699 to %scan3A_701 step %scan3A_702 iter_args(%scan3A_743 = %scan3A_698) -> (i32)  : i32 {
        %mul3A_744 = arith.constant 16 : i32
        %mul3A_745 = arith.muli %scan3A_742, %mul3A_744 : i32
        %get3A_746 = arith.constant 3 : i32
        %get3A_747 = arith.index_cast %get3A_746 : i32 to index
        %get3A_748 = arith.index_cast %mul3A_745 : i32 to index
        %get3A_749 = tpu.vector_load %arg5[%get3A_747, %get3A_748] {strides = array<i32>} : memref<4x128xi32, #tpu.memory_space<vmem>>, vector<1x16xi32>,
        %get3A_750 = vector.shape_cast %get3A_749 : vector<1x16xi32> to vector<16xi32>
        %slice3A = vector.extract_strided_slice %get3A_750 {offsets = [0], sizes = [1], strides = [1]} : vector<16xi32> to vector<1xi32>
        %squeeze3A = vector.extract %slice3A[0] : i32 from vector<1xi32>
        %ge3A = arith.constant 8064 : i32
        %ge3A_751 = arith.cmpi sge, %squeeze3A, %ge3A : i32
        %jit3A = arith.constant 1 : i32
        %jit3A_752 = arith.constant 0 : i32
        %select_n3A = arith.select %ge3A_751, %jit3A, %jit3A_752 : i32
        %add3A_753 = arith.constant 0 : i32
        %add3A_754 = arith.addi %add3A_753, %select_n3A : i32
        %slice3A_755 = vector.extract_strided_slice %get3A_750 {offsets = [1], sizes = [1], strides = [1]} : vector<16xi32> to vector<1xi32>
        %squeeze3A_756 = vector.extract %slice3A_755[0] : i32 from vector<1xi32>
        %ge3A_757 = arith.constant 8064 : i32
        %ge3A_758 = arith.cmpi sge, %squeeze3A_756, %ge3A_757 : i32
        %jit3A_759 = arith.constant 1 : i32
        %jit3A_760 = arith.constant 0 : i32
        %select_n3A_761 = arith.select %ge3A_758, %jit3A_759, %jit3A_760 : i32
        %add3A_762 = arith.addi %add3A_754, %select_n3A_761 : i32
        %slice3A_763 = vector.extract_strided_slice %get3A_750 {offsets = [2], sizes = [1], strides = [1]} : vector<16xi32> to vector<1xi32>
        %squeeze3A_764 = vector.extract %slice3A_763[0] : i32 from vector<1xi32>
        %ge3A_765 = arith.constant 8064 : i32
        %ge3A_766 = arith.cmpi sge, %squeeze3A_764, %ge3A_765 : i32
        %jit3A_767 = arith.constant 1 : i32
        %jit3A_768 = arith.constant 0 : i32
        %select_n3A_769 = arith.select %ge3A_766, %jit3A_767, %jit3A_768 : i32
        %add3A_770 = arith.addi %add3A_762, %select_n3A_769 : i32
        %slice3A_771 = vector.extract_strided_slice %get3A_750 {offsets = [3], sizes = [1], strides = [1]} : vector<16xi32> to vector<1xi32>
        %squeeze3A_772 = vector.extract %slice3A_771[0] : i32 from vector<1xi32>
        %ge3A_773 = arith.constant 8064 : i32
        %ge3A_774 = arith.cmpi sge, %squeeze3A_772, %ge3A_773 : i32
        %jit3A_775 = arith.constant 1 : i32
        %jit3A_776 = arith.constant 0 : i32
        %select_n3A_777 = arith.select %ge3A_774, %jit3A_775, %jit3A_776 : i32
        %add3A_778 = arith.addi %add3A_770, %select_n3A_777 : i32
        %slice3A_779 = vector.extract_strided_slice %get3A_750 {offsets = [4], sizes = [1], strides = [1]} : vector<16xi32> to vector<1xi32>
        %squeeze3A_780 = vector.extract %slice3A_779[0] : i32 from vector<1xi32>
        %ge3A_781 = arith.constant 8064 : i32
        %ge3A_782 = arith.cmpi sge, %squeeze3A_780, %ge3A_781 : i32
        %jit3A_783 = arith.constant 1 : i32
        %jit3A_784 = arith.constant 0 : i32
        %select_n3A_785 = arith.select %ge3A_782, %jit3A_783, %jit3A_784 : i32
        %add3A_786 = arith.addi %add3A_778, %select_n3A_785 : i32
        %slice3A_787 = vector.extract_strided_slice %get3A_750 {offsets = [5], sizes = [1], strides = [1]} : vector<16xi32> to vector<1xi32>
        %squeeze3A_788 = vector.extract %slice3A_787[0] : i32 from vector<1xi32>
        %ge3A_789 = arith.constant 8064 : i32
        %ge3A_790 = arith.cmpi sge, %squeeze3A_788, %ge3A_789 : i32
        %jit3A_791 = arith.constant 1 : i32
        %jit3A_792 = arith.constant 0 : i32
        %select_n3A_793 = arith.select %ge3A_790, %jit3A_791, %jit3A_792 : i32
        %add3A_794 = arith.addi %add3A_786, %select_n3A_793 : i32
        %slice3A_795 = vector.extract_strided_slice %get3A_750 {offsets = [6], sizes = [1], strides = [1]} : vector<16xi32> to vector<1xi32>
        %squeeze3A_796 = vector.extract %slice3A_795[0] : i32 from vector<1xi32>
        %ge3A_797 = arith.constant 8064 : i32
        %ge3A_798 = arith.cmpi sge, %squeeze3A_796, %ge3A_797 : i32
        %jit3A_799 = arith.constant 1 : i32
        %jit3A_800 = arith.constant 0 : i32
        %select_n3A_801 = arith.select %ge3A_798, %jit3A_799, %jit3A_800 : i32
        %add3A_802 = arith.addi %add3A_794, %select_n3A_801 : i32
        %slice3A_803 = vector.extract_strided_slice %get3A_750 {offsets = [7], sizes = [1], strides = [1]} : vector<16xi32> to vector<1xi32>
        %squeeze3A_804 = vector.extract %slice3A_803[0] : i32 from vector<1xi32>
        %ge3A_805 = arith.constant 8064 : i32
        %ge3A_806 = arith.cmpi sge, %squeeze3A_804, %ge3A_805 : i32
        %jit3A_807 = arith.constant 1 : i32
        %jit3A_808 = arith.constant 0 : i32
        %select_n3A_809 = arith.select %ge3A_806, %jit3A_807, %jit3A_808 : i32
        %add3A_810 = arith.addi %add3A_802, %select_n3A_809 : i32
        %slice3A_811 = vector.extract_strided_slice %get3A_750 {offsets = [8], sizes = [1], strides = [1]} : vector<16xi32> to vector<1xi32>
        %squeeze3A_812 = vector.extract %slice3A_811[0] : i32 from vector<1xi32>
        %ge3A_813 = arith.constant 8064 : i32
        %ge3A_814 = arith.cmpi sge, %squeeze3A_812, %ge3A_813 : i32
        %jit3A_815 = arith.constant 1 : i32
        %jit3A_816 = arith.constant 0 : i32
        %select_n3A_817 = arith.select %ge3A_814, %jit3A_815, %jit3A_816 : i32
        %add3A_818 = arith.addi %add3A_810, %select_n3A_817 : i32
        %slice3A_819 = vector.extract_strided_slice %get3A_750 {offsets = [9], sizes = [1], strides = [1]} : vector<16xi32> to vector<1xi32>
        %squeeze3A_820 = vector.extract %slice3A_819[0] : i32 from vector<1xi32>
        %ge3A_821 = arith.constant 8064 : i32
        %ge3A_822 = arith.cmpi sge, %squeeze3A_820, %ge3A_821 : i32
        %jit3A_823 = arith.constant 1 : i32
        %jit3A_824 = arith.constant 0 : i32
        %select_n3A_825 = arith.select %ge3A_822, %jit3A_823, %jit3A_824 : i32
        %add3A_826 = arith.addi %add3A_818, %select_n3A_825 : i32
        %slice3A_827 = vector.extract_strided_slice %get3A_750 {offsets = [10], sizes = [1], strides = [1]} : vector<16xi32> to vector<1xi32>
        %squeeze3A_828 = vector.extract %slice3A_827[0] : i32 from vector<1xi32>
        %ge3A_829 = arith.constant 8064 : i32
        %ge3A_830 = arith.cmpi sge, %squeeze3A_828, %ge3A_829 : i32
        %jit3A_831 = arith.constant 1 : i32
        %jit3A_832 = arith.constant 0 : i32
        %select_n3A_833 = arith.select %ge3A_830, %jit3A_831, %jit3A_832 : i32
        %add3A_834 = arith.addi %add3A_826, %select_n3A_833 : i32
        %slice3A_835 = vector.extract_strided_slice %get3A_750 {offsets = [11], sizes = [1], strides = [1]} : vector<16xi32> to vector<1xi32>
        %squeeze3A_836 = vector.extract %slice3A_835[0] : i32 from vector<1xi32>
        %ge3A_837 = arith.constant 8064 : i32
        %ge3A_838 = arith.cmpi sge, %squeeze3A_836, %ge3A_837 : i32
        %jit3A_839 = arith.constant 1 : i32
        %jit3A_840 = arith.constant 0 : i32
        %select_n3A_841 = arith.select %ge3A_838, %jit3A_839, %jit3A_840 : i32
        %add3A_842 = arith.addi %add3A_834, %select_n3A_841 : i32
        %slice3A_843 = vector.extract_strided_slice %get3A_750 {offsets = [12], sizes = [1], strides = [1]} : vector<16xi32> to vector<1xi32>
        %squeeze3A_844 = vector.extract %slice3A_843[0] : i32 from vector<1xi32>
        %ge3A_845 = arith.constant 8064 : i32
        %ge3A_846 = arith.cmpi sge, %squeeze3A_844, %ge3A_845 : i32
        %jit3A_847 = arith.constant 1 : i32
        %jit3A_848 = arith.constant 0 : i32
        %select_n3A_849 = arith.select %ge3A_846, %jit3A_847, %jit3A_848 : i32
        %add3A_850 = arith.addi %add3A_842, %select_n3A_849 : i32
        %slice3A_851 = vector.extract_strided_slice %get3A_750 {offsets = [13], sizes = [1], strides = [1]} : vector<16xi32> to vector<1xi32>
        %squeeze3A_852 = vector.extract %slice3A_851[0] : i32 from vector<1xi32>
        %ge3A_853 = arith.constant 8064 : i32
        %ge3A_854 = arith.cmpi sge, %squeeze3A_852, %ge3A_853 : i32
        %jit3A_855 = arith.constant 1 : i32
        %jit3A_856 = arith.constant 0 : i32
        %select_n3A_857 = arith.select %ge3A_854, %jit3A_855, %jit3A_856 : i32
        %add3A_858 = arith.addi %add3A_850, %select_n3A_857 : i32
        %slice3A_859 = vector.extract_strided_slice %get3A_750 {offsets = [14], sizes = [1], strides = [1]} : vector<16xi32> to vector<1xi32>
        %squeeze3A_860 = vector.extract %slice3A_859[0] : i32 from vector<1xi32>
        %ge3A_861 = arith.constant 8064 : i32
        %ge3A_862 = arith.cmpi sge, %squeeze3A_860, %ge3A_861 : i32
        %jit3A_863 = arith.constant 1 : i32
        %jit3A_864 = arith.constant 0 : i32
        %select_n3A_865 = arith.select %ge3A_862, %jit3A_863, %jit3A_864 : i32
        %add3A_866 = arith.addi %add3A_858, %select_n3A_865 : i32
        %slice3A_867 = vector.extract_strided_slice %get3A_750 {offsets = [15], sizes = [1], strides = [1]} : vector<16xi32> to vector<1xi32>
        %squeeze3A_868 = vector.extract %slice3A_867[0] : i32 from vector<1xi32>
        %ge3A_869 = arith.constant 8064 : i32
        %ge3A_870 = arith.cmpi sge, %squeeze3A_868, %ge3A_869 : i32
        %jit3A_871 = arith.constant 1 : i32
        %jit3A_872 = arith.constant 0 : i32
        %select_n3A_873 = arith.select %ge3A_870, %jit3A_871, %jit3A_872 : i32
        %add3A_874 = arith.addi %add3A_866, %select_n3A_873 : i32
        %gt3A = arith.constant 0 : i32
        %gt3A_875 = arith.cmpi sgt, %add3A_874, %gt3A : i32
        %convert_element_type3A_876 = arith.extui %gt3A_875 : i1 to i32
        %cond3A_877 = arith.constant 0 : i32
        %cond3A_878 = arith.cmpi ne, %convert_element_type3A_876, %cond3A_877 : i32
        scf.if %cond3A_878 {
          %slice3A_880 = vector.extract_strided_slice %get3A_750 {offsets = [0], sizes = [1], strides = [1]} : vector<16xi32> to vector<1xi32>
          %squeeze3A_881 = vector.extract %slice3A_880[0] : i32 from vector<1xi32>
          %ge3A_882 = arith.constant 8064 : i32
          %ge3A_883 = arith.cmpi sge, %squeeze3A_881, %ge3A_882 : i32
          %convert_element_type3A_884 = arith.extui %ge3A_883 : i1 to i32
          %cond3A_885 = arith.constant 0 : i32
          %cond3A_886 = arith.cmpi ne, %convert_element_type3A_884, %cond3A_885 : i32
          scf.if %cond3A_886 {
            %mul3A_992 = arith.constant 16 : i32
            %mul3A_993 = arith.muli %scan3A_742, %mul3A_992 : i32
            %add3A_994 = arith.constant 384 : i32
            %add3A_995 = arith.addi %add3A_994, %mul3A_993 : i32
            %add3A_996 = arith.constant 0 : i32
            %add3A_997 = arith.addi %add3A_995, %add3A_996 : i32
            %dma_start3A_998 = arith.constant 0 : i32
            %dma_start3A_999 = tpu.memref_slice %arg7[%add3A_997, %dma_start3A_998] : memref<512x128xf32, #tpu.memory_space<vmem>> -> memref<1x128xf32, #tpu.memory_space<vmem>>
            %dma_start3A_1000 = arith.constant 0 : i32
            %dma_start3A_1001 = tpu.memref_slice %arg3[%squeeze3A_881, %dma_start3A_1000] : memref<8192x128xf32, #tpu.memory_space<hbm>> -> memref<1x128xf32, #tpu.memory_space<hbm>>
            %dma_start3A_1002 = arith.constant 0 : i32
            %dma_start3A_1003 = tpu.memref_slice %arg7[%add3A_997, %dma_start3A_1002] : memref<512x128xf32, #tpu.memory_space<vmem>> -> memref<1x128xf32, #tpu.memory_space<vmem>>
            %dma_start3A_1004 = arith.constant 0 : i32
            %dma_start3A_1005 = tpu.memref_slice %arg3[%squeeze3A_881, %dma_start3A_1004] : memref<8192x128xf32, #tpu.memory_space<hbm>> -> memref<1x128xf32, #tpu.memory_space<hbm>>
            tpu.enqueue_dma source(%dma_start3A_1005 : memref<1x128xf32, #tpu.memory_space<hbm>>) target(%dma_start3A_1003 : memref<1x128xf32, #tpu.memory_space<vmem>>) target_semaphore(%arg21 : memref<!tpu.dma_semaphore, #tpu.memory_space<semaphore_mem>>)
          } else {
          }
          %slice3A_887 = vector.extract_strided_slice %get3A_750 {offsets = [1], sizes = [1], strides = [1]} : vector<16xi32> to vector<1xi32>
          %squeeze3A_888 = vector.extract %slice3A_887[0] : i32 from vector<1xi32>
          %ge3A_889 = arith.constant 8064 : i32
          %ge3A_890 = arith.cmpi sge, %squeeze3A_888, %ge3A_889 : i32
          %convert_element_type3A_891 = arith.extui %ge3A_890 : i1 to i32
          %cond3A_892 = arith.constant 0 : i32
          %cond3A_893 = arith.cmpi ne, %convert_element_type3A_891, %cond3A_892 : i32
          scf.if %cond3A_893 {
            %mul3A_992 = arith.constant 16 : i32
            %mul3A_993 = arith.muli %scan3A_742, %mul3A_992 : i32
            %add3A_994 = arith.constant 384 : i32
            %add3A_995 = arith.addi %add3A_994, %mul3A_993 : i32
            %add3A_996 = arith.constant 1 : i32
            %add3A_997 = arith.addi %add3A_995, %add3A_996 : i32
            %dma_start3A_998 = arith.constant 0 : i32
            %dma_start3A_999 = tpu.memref_slice %arg7[%add3A_997, %dma_start3A_998] : memref<512x128xf32, #tpu.memory_space<vmem>> -> memref<1x128xf32, #tpu.memory_space<vmem>>
            %dma_start3A_1000 = arith.constant 0 : i32
            %dma_start3A_1001 = tpu.memref_slice %arg3[%squeeze3A_888, %dma_start3A_1000] : memref<8192x128xf32, #tpu.memory_space<hbm>> -> memref<1x128xf32, #tpu.memory_space<hbm>>
            %dma_start3A_1002 = arith.constant 0 : i32
            %dma_start3A_1003 = tpu.memref_slice %arg7[%add3A_997, %dma_start3A_1002] : memref<512x128xf32, #tpu.memory_space<vmem>> -> memref<1x128xf32, #tpu.memory_space<vmem>>
            %dma_start3A_1004 = arith.constant 0 : i32
            %dma_start3A_1005 = tpu.memref_slice %arg3[%squeeze3A_888, %dma_start3A_1004] : memref<8192x128xf32, #tpu.memory_space<hbm>> -> memref<1x128xf32, #tpu.memory_space<hbm>>
            tpu.enqueue_dma source(%dma_start3A_1005 : memref<1x128xf32, #tpu.memory_space<hbm>>) target(%dma_start3A_1003 : memref<1x128xf32, #tpu.memory_space<vmem>>) target_semaphore(%arg21 : memref<!tpu.dma_semaphore, #tpu.memory_space<semaphore_mem>>)
          } else {
          }
          %slice3A_894 = vector.extract_strided_slice %get3A_750 {offsets = [2], sizes = [1], strides = [1]} : vector<16xi32> to vector<1xi32>
          %squeeze3A_895 = vector.extract %slice3A_894[0] : i32 from vector<1xi32>
          %ge3A_896 = arith.constant 8064 : i32
          %ge3A_897 = arith.cmpi sge, %squeeze3A_895, %ge3A_896 : i32
          %convert_element_type3A_898 = arith.extui %ge3A_897 : i1 to i32
          %cond3A_899 = arith.constant 0 : i32
          %cond3A_900 = arith.cmpi ne, %convert_element_type3A_898, %cond3A_899 : i32
          scf.if %cond3A_900 {
            %mul3A_992 = arith.constant 16 : i32
            %mul3A_993 = arith.muli %scan3A_742, %mul3A_992 : i32
            %add3A_994 = arith.constant 384 : i32
            %add3A_995 = arith.addi %add3A_994, %mul3A_993 : i32
            %add3A_996 = arith.constant 2 : i32
            %add3A_997 = arith.addi %add3A_995, %add3A_996 : i32
            %dma_start3A_998 = arith.constant 0 : i32
            %dma_start3A_999 = tpu.memref_slice %arg7[%add3A_997, %dma_start3A_998] : memref<512x128xf32, #tpu.memory_space<vmem>> -> memref<1x128xf32, #tpu.memory_space<vmem>>
            %dma_start3A_1000 = arith.constant 0 : i32
            %dma_start3A_1001 = tpu.memref_slice %arg3[%squeeze3A_895, %dma_start3A_1000] : memref<8192x128xf32, #tpu.memory_space<hbm>> -> memref<1x128xf32, #tpu.memory_space<hbm>>
            %dma_start3A_1002 = arith.constant 0 : i32
            %dma_start3A_1003 = tpu.memref_slice %arg7[%add3A_997, %dma_start3A_1002] : memref<512x128xf32, #tpu.memory_space<vmem>> -> memref<1x128xf32, #tpu.memory_space<vmem>>
            %dma_start3A_1004 = arith.constant 0 : i32
            %dma_start3A_1005 = tpu.memref_slice %arg3[%squeeze3A_895, %dma_start3A_1004] : memref<8192x128xf32, #tpu.memory_space<hbm>> -> memref<1x128xf32, #tpu.memory_space<hbm>>
            tpu.enqueue_dma source(%dma_start3A_1005 : memref<1x128xf32, #tpu.memory_space<hbm>>) target(%dma_start3A_1003 : memref<1x128xf32, #tpu.memory_space<vmem>>) target_semaphore(%arg21 : memref<!tpu.dma_semaphore, #tpu.memory_space<semaphore_mem>>)
          } else {
          }
          %slice3A_901 = vector.extract_strided_slice %get3A_750 {offsets = [3], sizes = [1], strides = [1]} : vector<16xi32> to vector<1xi32>
          %squeeze3A_902 = vector.extract %slice3A_901[0] : i32 from vector<1xi32>
          %ge3A_903 = arith.constant 8064 : i32
          %ge3A_904 = arith.cmpi sge, %squeeze3A_902, %ge3A_903 : i32
          %convert_element_type3A_905 = arith.extui %ge3A_904 : i1 to i32
          %cond3A_906 = arith.constant 0 : i32
          %cond3A_907 = arith.cmpi ne, %convert_element_type3A_905, %cond3A_906 : i32
          scf.if %cond3A_907 {
            %mul3A_992 = arith.constant 16 : i32
            %mul3A_993 = arith.muli %scan3A_742, %mul3A_992 : i32
            %add3A_994 = arith.constant 384 : i32
            %add3A_995 = arith.addi %add3A_994, %mul3A_993 : i32
            %add3A_996 = arith.constant 3 : i32
            %add3A_997 = arith.addi %add3A_995, %add3A_996 : i32
            %dma_start3A_998 = arith.constant 0 : i32
            %dma_start3A_999 = tpu.memref_slice %arg7[%add3A_997, %dma_start3A_998] : memref<512x128xf32, #tpu.memory_space<vmem>> -> memref<1x128xf32, #tpu.memory_space<vmem>>
            %dma_start3A_1000 = arith.constant 0 : i32
            %dma_start3A_1001 = tpu.memref_slice %arg3[%squeeze3A_902, %dma_start3A_1000] : memref<8192x128xf32, #tpu.memory_space<hbm>> -> memref<1x128xf32, #tpu.memory_space<hbm>>
            %dma_start3A_1002 = arith.constant 0 : i32
            %dma_start3A_1003 = tpu.memref_slice %arg7[%add3A_997, %dma_start3A_1002] : memref<512x128xf32, #tpu.memory_space<vmem>> -> memref<1x128xf32, #tpu.memory_space<vmem>>
            %dma_start3A_1004 = arith.constant 0 : i32
            %dma_start3A_1005 = tpu.memref_slice %arg3[%squeeze3A_902, %dma_start3A_1004] : memref<8192x128xf32, #tpu.memory_space<hbm>> -> memref<1x128xf32, #tpu.memory_space<hbm>>
            tpu.enqueue_dma source(%dma_start3A_1005 : memref<1x128xf32, #tpu.memory_space<hbm>>) target(%dma_start3A_1003 : memref<1x128xf32, #tpu.memory_space<vmem>>) target_semaphore(%arg21 : memref<!tpu.dma_semaphore, #tpu.memory_space<semaphore_mem>>)
          } else {
          }
          %slice3A_908 = vector.extract_strided_slice %get3A_750 {offsets = [4], sizes = [1], strides = [1]} : vector<16xi32> to vector<1xi32>
          %squeeze3A_909 = vector.extract %slice3A_908[0] : i32 from vector<1xi32>
          %ge3A_910 = arith.constant 8064 : i32
          %ge3A_911 = arith.cmpi sge, %squeeze3A_909, %ge3A_910 : i32
          %convert_element_type3A_912 = arith.extui %ge3A_911 : i1 to i32
          %cond3A_913 = arith.constant 0 : i32
          %cond3A_914 = arith.cmpi ne, %convert_element_type3A_912, %cond3A_913 : i32
          scf.if %cond3A_914 {
            %mul3A_992 = arith.constant 16 : i32
            %mul3A_993 = arith.muli %scan3A_742, %mul3A_992 : i32
            %add3A_994 = arith.constant 384 : i32
            %add3A_995 = arith.addi %add3A_994, %mul3A_993 : i32
            %add3A_996 = arith.constant 4 : i32
            %add3A_997 = arith.addi %add3A_995, %add3A_996 : i32
            %dma_start3A_998 = arith.constant 0 : i32
            %dma_start3A_999 = tpu.memref_slice %arg7[%add3A_997, %dma_start3A_998] : memref<512x128xf32, #tpu.memory_space<vmem>> -> memref<1x128xf32, #tpu.memory_space<vmem>>
            %dma_start3A_1000 = arith.constant 0 : i32
            %dma_start3A_1001 = tpu.memref_slice %arg3[%squeeze3A_909, %dma_start3A_1000] : memref<8192x128xf32, #tpu.memory_space<hbm>> -> memref<1x128xf32, #tpu.memory_space<hbm>>
            %dma_start3A_1002 = arith.constant 0 : i32
            %dma_start3A_1003 = tpu.memref_slice %arg7[%add3A_997, %dma_start3A_1002] : memref<512x128xf32, #tpu.memory_space<vmem>> -> memref<1x128xf32, #tpu.memory_space<vmem>>
            %dma_start3A_1004 = arith.constant 0 : i32
            %dma_start3A_1005 = tpu.memref_slice %arg3[%squeeze3A_909, %dma_start3A_1004] : memref<8192x128xf32, #tpu.memory_space<hbm>> -> memref<1x128xf32, #tpu.memory_space<hbm>>
            tpu.enqueue_dma source(%dma_start3A_1005 : memref<1x128xf32, #tpu.memory_space<hbm>>) target(%dma_start3A_1003 : memref<1x128xf32, #tpu.memory_space<vmem>>) target_semaphore(%arg21 : memref<!tpu.dma_semaphore, #tpu.memory_space<semaphore_mem>>)
          } else {
          }
          %slice3A_915 = vector.extract_strided_slice %get3A_750 {offsets = [5], sizes = [1], strides = [1]} : vector<16xi32> to vector<1xi32>
          %squeeze3A_916 = vector.extract %slice3A_915[0] : i32 from vector<1xi32>
          %ge3A_917 = arith.constant 8064 : i32
          %ge3A_918 = arith.cmpi sge, %squeeze3A_916, %ge3A_917 : i32
          %convert_element_type3A_919 = arith.extui %ge3A_918 : i1 to i32
          %cond3A_920 = arith.constant 0 : i32
          %cond3A_921 = arith.cmpi ne, %convert_element_type3A_919, %cond3A_920 : i32
          scf.if %cond3A_921 {
            %mul3A_992 = arith.constant 16 : i32
            %mul3A_993 = arith.muli %scan3A_742, %mul3A_992 : i32
            %add3A_994 = arith.constant 384 : i32
            %add3A_995 = arith.addi %add3A_994, %mul3A_993 : i32
            %add3A_996 = arith.constant 5 : i32
            %add3A_997 = arith.addi %add3A_995, %add3A_996 : i32
            %dma_start3A_998 = arith.constant 0 : i32
            %dma_start3A_999 = tpu.memref_slice %arg7[%add3A_997, %dma_start3A_998] : memref<512x128xf32, #tpu.memory_space<vmem>> -> memref<1x128xf32, #tpu.memory_space<vmem>>
            %dma_start3A_1000 = arith.constant 0 : i32
            %dma_start3A_1001 = tpu.memref_slice %arg3[%squeeze3A_916, %dma_start3A_1000] : memref<8192x128xf32, #tpu.memory_space<hbm>> -> memref<1x128xf32, #tpu.memory_space<hbm>>
            %dma_start3A_1002 = arith.constant 0 : i32
            %dma_start3A_1003 = tpu.memref_slice %arg7[%add3A_997, %dma_start3A_1002] : memref<512x128xf32, #tpu.memory_space<vmem>> -> memref<1x128xf32, #tpu.memory_space<vmem>>
            %dma_start3A_1004 = arith.constant 0 : i32
            %dma_start3A_1005 = tpu.memref_slice %arg3[%squeeze3A_916, %dma_start3A_1004] : memref<8192x128xf32, #tpu.memory_space<hbm>> -> memref<1x128xf32, #tpu.memory_space<hbm>>
            tpu.enqueue_dma source(%dma_start3A_1005 : memref<1x128xf32, #tpu.memory_space<hbm>>) target(%dma_start3A_1003 : memref<1x128xf32, #tpu.memory_space<vmem>>) target_semaphore(%arg21 : memref<!tpu.dma_semaphore, #tpu.memory_space<semaphore_mem>>)
          } else {
          }
          %slice3A_922 = vector.extract_strided_slice %get3A_750 {offsets = [6], sizes = [1], strides = [1]} : vector<16xi32> to vector<1xi32>
          %squeeze3A_923 = vector.extract %slice3A_922[0] : i32 from vector<1xi32>
          %ge3A_924 = arith.constant 8064 : i32
          %ge3A_925 = arith.cmpi sge, %squeeze3A_923, %ge3A_924 : i32
          %convert_element_type3A_926 = arith.extui %ge3A_925 : i1 to i32
          %cond3A_927 = arith.constant 0 : i32
          %cond3A_928 = arith.cmpi ne, %convert_element_type3A_926, %cond3A_927 : i32
          scf.if %cond3A_928 {
            %mul3A_992 = arith.constant 16 : i32
            %mul3A_993 = arith.muli %scan3A_742, %mul3A_992 : i32
            %add3A_994 = arith.constant 384 : i32
            %add3A_995 = arith.addi %add3A_994, %mul3A_993 : i32
            %add3A_996 = arith.constant 6 : i32
            %add3A_997 = arith.addi %add3A_995, %add3A_996 : i32
            %dma_start3A_998 = arith.constant 0 : i32
            %dma_start3A_999 = tpu.memref_slice %arg7[%add3A_997, %dma_start3A_998] : memref<512x128xf32, #tpu.memory_space<vmem>> -> memref<1x128xf32, #tpu.memory_space<vmem>>
            %dma_start3A_1000 = arith.constant 0 : i32
            %dma_start3A_1001 = tpu.memref_slice %arg3[%squeeze3A_923, %dma_start3A_1000] : memref<8192x128xf32, #tpu.memory_space<hbm>> -> memref<1x128xf32, #tpu.memory_space<hbm>>
            %dma_start3A_1002 = arith.constant 0 : i32
            %dma_start3A_1003 = tpu.memref_slice %arg7[%add3A_997, %dma_start3A_1002] : memref<512x128xf32, #tpu.memory_space<vmem>> -> memref<1x128xf32, #tpu.memory_space<vmem>>
            %dma_start3A_1004 = arith.constant 0 : i32
            %dma_start3A_1005 = tpu.memref_slice %arg3[%squeeze3A_923, %dma_start3A_1004] : memref<8192x128xf32, #tpu.memory_space<hbm>> -> memref<1x128xf32, #tpu.memory_space<hbm>>
            tpu.enqueue_dma source(%dma_start3A_1005 : memref<1x128xf32, #tpu.memory_space<hbm>>) target(%dma_start3A_1003 : memref<1x128xf32, #tpu.memory_space<vmem>>) target_semaphore(%arg21 : memref<!tpu.dma_semaphore, #tpu.memory_space<semaphore_mem>>)
          } else {
          }
          %slice3A_929 = vector.extract_strided_slice %get3A_750 {offsets = [7], sizes = [1], strides = [1]} : vector<16xi32> to vector<1xi32>
          %squeeze3A_930 = vector.extract %slice3A_929[0] : i32 from vector<1xi32>
          %ge3A_931 = arith.constant 8064 : i32
          %ge3A_932 = arith.cmpi sge, %squeeze3A_930, %ge3A_931 : i32
          %convert_element_type3A_933 = arith.extui %ge3A_932 : i1 to i32
          %cond3A_934 = arith.constant 0 : i32
          %cond3A_935 = arith.cmpi ne, %convert_element_type3A_933, %cond3A_934 : i32
          scf.if %cond3A_935 {
            %mul3A_992 = arith.constant 16 : i32
            %mul3A_993 = arith.muli %scan3A_742, %mul3A_992 : i32
            %add3A_994 = arith.constant 384 : i32
            %add3A_995 = arith.addi %add3A_994, %mul3A_993 : i32
            %add3A_996 = arith.constant 7 : i32
            %add3A_997 = arith.addi %add3A_995, %add3A_996 : i32
            %dma_start3A_998 = arith.constant 0 : i32
            %dma_start3A_999 = tpu.memref_slice %arg7[%add3A_997, %dma_start3A_998] : memref<512x128xf32, #tpu.memory_space<vmem>> -> memref<1x128xf32, #tpu.memory_space<vmem>>
            %dma_start3A_1000 = arith.constant 0 : i32
            %dma_start3A_1001 = tpu.memref_slice %arg3[%squeeze3A_930, %dma_start3A_1000] : memref<8192x128xf32, #tpu.memory_space<hbm>> -> memref<1x128xf32, #tpu.memory_space<hbm>>
            %dma_start3A_1002 = arith.constant 0 : i32
            %dma_start3A_1003 = tpu.memref_slice %arg7[%add3A_997, %dma_start3A_1002] : memref<512x128xf32, #tpu.memory_space<vmem>> -> memref<1x128xf32, #tpu.memory_space<vmem>>
            %dma_start3A_1004 = arith.constant 0 : i32
            %dma_start3A_1005 = tpu.memref_slice %arg3[%squeeze3A_930, %dma_start3A_1004] : memref<8192x128xf32, #tpu.memory_space<hbm>> -> memref<1x128xf32, #tpu.memory_space<hbm>>
            tpu.enqueue_dma source(%dma_start3A_1005 : memref<1x128xf32, #tpu.memory_space<hbm>>) target(%dma_start3A_1003 : memref<1x128xf32, #tpu.memory_space<vmem>>) target_semaphore(%arg21 : memref<!tpu.dma_semaphore, #tpu.memory_space<semaphore_mem>>)
          } else {
          }
          %slice3A_936 = vector.extract_strided_slice %get3A_750 {offsets = [8], sizes = [1], strides = [1]} : vector<16xi32> to vector<1xi32>
          %squeeze3A_937 = vector.extract %slice3A_936[0] : i32 from vector<1xi32>
          %ge3A_938 = arith.constant 8064 : i32
          %ge3A_939 = arith.cmpi sge, %squeeze3A_937, %ge3A_938 : i32
          %convert_element_type3A_940 = arith.extui %ge3A_939 : i1 to i32
          %cond3A_941 = arith.constant 0 : i32
          %cond3A_942 = arith.cmpi ne, %convert_element_type3A_940, %cond3A_941 : i32
          scf.if %cond3A_942 {
            %mul3A_992 = arith.constant 16 : i32
            %mul3A_993 = arith.muli %scan3A_742, %mul3A_992 : i32
            %add3A_994 = arith.constant 384 : i32
            %add3A_995 = arith.addi %add3A_994, %mul3A_993 : i32
            %add3A_996 = arith.constant 8 : i32
            %add3A_997 = arith.addi %add3A_995, %add3A_996 : i32
            %dma_start3A_998 = arith.constant 0 : i32
            %dma_start3A_999 = tpu.memref_slice %arg7[%add3A_997, %dma_start3A_998] : memref<512x128xf32, #tpu.memory_space<vmem>> -> memref<1x128xf32, #tpu.memory_space<vmem>>
            %dma_start3A_1000 = arith.constant 0 : i32
            %dma_start3A_1001 = tpu.memref_slice %arg3[%squeeze3A_937, %dma_start3A_1000] : memref<8192x128xf32, #tpu.memory_space<hbm>> -> memref<1x128xf32, #tpu.memory_space<hbm>>
            %dma_start3A_1002 = arith.constant 0 : i32
            %dma_start3A_1003 = tpu.memref_slice %arg7[%add3A_997, %dma_start3A_1002] : memref<512x128xf32, #tpu.memory_space<vmem>> -> memref<1x128xf32, #tpu.memory_space<vmem>>
            %dma_start3A_1004 = arith.constant 0 : i32
            %dma_start3A_1005 = tpu.memref_slice %arg3[%squeeze3A_937, %dma_start3A_1004] : memref<8192x128xf32, #tpu.memory_space<hbm>> -> memref<1x128xf32, #tpu.memory_space<hbm>>
            tpu.enqueue_dma source(%dma_start3A_1005 : memref<1x128xf32, #tpu.memory_space<hbm>>) target(%dma_start3A_1003 : memref<1x128xf32, #tpu.memory_space<vmem>>) target_semaphore(%arg21 : memref<!tpu.dma_semaphore, #tpu.memory_space<semaphore_mem>>)
          } else {
          }
          %slice3A_943 = vector.extract_strided_slice %get3A_750 {offsets = [9], sizes = [1], strides = [1]} : vector<16xi32> to vector<1xi32>
          %squeeze3A_944 = vector.extract %slice3A_943[0] : i32 from vector<1xi32>
          %ge3A_945 = arith.constant 8064 : i32
          %ge3A_946 = arith.cmpi sge, %squeeze3A_944, %ge3A_945 : i32
          %convert_element_type3A_947 = arith.extui %ge3A_946 : i1 to i32
          %cond3A_948 = arith.constant 0 : i32
          %cond3A_949 = arith.cmpi ne, %convert_element_type3A_947, %cond3A_948 : i32
          scf.if %cond3A_949 {
            %mul3A_992 = arith.constant 16 : i32
            %mul3A_993 = arith.muli %scan3A_742, %mul3A_992 : i32
            %add3A_994 = arith.constant 384 : i32
            %add3A_995 = arith.addi %add3A_994, %mul3A_993 : i32
            %add3A_996 = arith.constant 9 : i32
            %add3A_997 = arith.addi %add3A_995, %add3A_996 : i32
            %dma_start3A_998 = arith.constant 0 : i32
            %dma_start3A_999 = tpu.memref_slice %arg7[%add3A_997, %dma_start3A_998] : memref<512x128xf32, #tpu.memory_space<vmem>> -> memref<1x128xf32, #tpu.memory_space<vmem>>
            %dma_start3A_1000 = arith.constant 0 : i32
            %dma_start3A_1001 = tpu.memref_slice %arg3[%squeeze3A_944, %dma_start3A_1000] : memref<8192x128xf32, #tpu.memory_space<hbm>> -> memref<1x128xf32, #tpu.memory_space<hbm>>
            %dma_start3A_1002 = arith.constant 0 : i32
            %dma_start3A_1003 = tpu.memref_slice %arg7[%add3A_997, %dma_start3A_1002] : memref<512x128xf32, #tpu.memory_space<vmem>> -> memref<1x128xf32, #tpu.memory_space<vmem>>
            %dma_start3A_1004 = arith.constant 0 : i32
            %dma_start3A_1005 = tpu.memref_slice %arg3[%squeeze3A_944, %dma_start3A_1004] : memref<8192x128xf32, #tpu.memory_space<hbm>> -> memref<1x128xf32, #tpu.memory_space<hbm>>
            tpu.enqueue_dma source(%dma_start3A_1005 : memref<1x128xf32, #tpu.memory_space<hbm>>) target(%dma_start3A_1003 : memref<1x128xf32, #tpu.memory_space<vmem>>) target_semaphore(%arg21 : memref<!tpu.dma_semaphore, #tpu.memory_space<semaphore_mem>>)
          } else {
          }
          %slice3A_950 = vector.extract_strided_slice %get3A_750 {offsets = [10], sizes = [1], strides = [1]} : vector<16xi32> to vector<1xi32>
          %squeeze3A_951 = vector.extract %slice3A_950[0] : i32 from vector<1xi32>
          %ge3A_952 = arith.constant 8064 : i32
          %ge3A_953 = arith.cmpi sge, %squeeze3A_951, %ge3A_952 : i32
          %convert_element_type3A_954 = arith.extui %ge3A_953 : i1 to i32
          %cond3A_955 = arith.constant 0 : i32
          %cond3A_956 = arith.cmpi ne, %convert_element_type3A_954, %cond3A_955 : i32
          scf.if %cond3A_956 {
            %mul3A_992 = arith.constant 16 : i32
            %mul3A_993 = arith.muli %scan3A_742, %mul3A_992 : i32
            %add3A_994 = arith.constant 384 : i32
            %add3A_995 = arith.addi %add3A_994, %mul3A_993 : i32
            %add3A_996 = arith.constant 10 : i32
            %add3A_997 = arith.addi %add3A_995, %add3A_996 : i32
            %dma_start3A_998 = arith.constant 0 : i32
            %dma_start3A_999 = tpu.memref_slice %arg7[%add3A_997, %dma_start3A_998] : memref<512x128xf32, #tpu.memory_space<vmem>> -> memref<1x128xf32, #tpu.memory_space<vmem>>
            %dma_start3A_1000 = arith.constant 0 : i32
            %dma_start3A_1001 = tpu.memref_slice %arg3[%squeeze3A_951, %dma_start3A_1000] : memref<8192x128xf32, #tpu.memory_space<hbm>> -> memref<1x128xf32, #tpu.memory_space<hbm>>
            %dma_start3A_1002 = arith.constant 0 : i32
            %dma_start3A_1003 = tpu.memref_slice %arg7[%add3A_997, %dma_start3A_1002] : memref<512x128xf32, #tpu.memory_space<vmem>> -> memref<1x128xf32, #tpu.memory_space<vmem>>
            %dma_start3A_1004 = arith.constant 0 : i32
            %dma_start3A_1005 = tpu.memref_slice %arg3[%squeeze3A_951, %dma_start3A_1004] : memref<8192x128xf32, #tpu.memory_space<hbm>> -> memref<1x128xf32, #tpu.memory_space<hbm>>
            tpu.enqueue_dma source(%dma_start3A_1005 : memref<1x128xf32, #tpu.memory_space<hbm>>) target(%dma_start3A_1003 : memref<1x128xf32, #tpu.memory_space<vmem>>) target_semaphore(%arg21 : memref<!tpu.dma_semaphore, #tpu.memory_space<semaphore_mem>>)
          } else {
          }
          %slice3A_957 = vector.extract_strided_slice %get3A_750 {offsets = [11], sizes = [1], strides = [1]} : vector<16xi32> to vector<1xi32>
          %squeeze3A_958 = vector.extract %slice3A_957[0] : i32 from vector<1xi32>
          %ge3A_959 = arith.constant 8064 : i32
          %ge3A_960 = arith.cmpi sge, %squeeze3A_958, %ge3A_959 : i32
          %convert_element_type3A_961 = arith.extui %ge3A_960 : i1 to i32
          %cond3A_962 = arith.constant 0 : i32
          %cond3A_963 = arith.cmpi ne, %convert_element_type3A_961, %cond3A_962 : i32
          scf.if %cond3A_963 {
            %mul3A_992 = arith.constant 16 : i32
            %mul3A_993 = arith.muli %scan3A_742, %mul3A_992 : i32
            %add3A_994 = arith.constant 384 : i32
            %add3A_995 = arith.addi %add3A_994, %mul3A_993 : i32
            %add3A_996 = arith.constant 11 : i32
            %add3A_997 = arith.addi %add3A_995, %add3A_996 : i32
            %dma_start3A_998 = arith.constant 0 : i32
            %dma_start3A_999 = tpu.memref_slice %arg7[%add3A_997, %dma_start3A_998] : memref<512x128xf32, #tpu.memory_space<vmem>> -> memref<1x128xf32, #tpu.memory_space<vmem>>
            %dma_start3A_1000 = arith.constant 0 : i32
            %dma_start3A_1001 = tpu.memref_slice %arg3[%squeeze3A_958, %dma_start3A_1000] : memref<8192x128xf32, #tpu.memory_space<hbm>> -> memref<1x128xf32, #tpu.memory_space<hbm>>
            %dma_start3A_1002 = arith.constant 0 : i32
            %dma_start3A_1003 = tpu.memref_slice %arg7[%add3A_997, %dma_start3A_1002] : memref<512x128xf32, #tpu.memory_space<vmem>> -> memref<1x128xf32, #tpu.memory_space<vmem>>
            %dma_start3A_1004 = arith.constant 0 : i32
            %dma_start3A_1005 = tpu.memref_slice %arg3[%squeeze3A_958, %dma_start3A_1004] : memref<8192x128xf32, #tpu.memory_space<hbm>> -> memref<1x128xf32, #tpu.memory_space<hbm>>
            tpu.enqueue_dma source(%dma_start3A_1005 : memref<1x128xf32, #tpu.memory_space<hbm>>) target(%dma_start3A_1003 : memref<1x128xf32, #tpu.memory_space<vmem>>) target_semaphore(%arg21 : memref<!tpu.dma_semaphore, #tpu.memory_space<semaphore_mem>>)
          } else {
          }
          %slice3A_964 = vector.extract_strided_slice %get3A_750 {offsets = [12], sizes = [1], strides = [1]} : vector<16xi32> to vector<1xi32>
          %squeeze3A_965 = vector.extract %slice3A_964[0] : i32 from vector<1xi32>
          %ge3A_966 = arith.constant 8064 : i32
          %ge3A_967 = arith.cmpi sge, %squeeze3A_965, %ge3A_966 : i32
          %convert_element_type3A_968 = arith.extui %ge3A_967 : i1 to i32
          %cond3A_969 = arith.constant 0 : i32
          %cond3A_970 = arith.cmpi ne, %convert_element_type3A_968, %cond3A_969 : i32
          scf.if %cond3A_970 {
            %mul3A_992 = arith.constant 16 : i32
            %mul3A_993 = arith.muli %scan3A_742, %mul3A_992 : i32
            %add3A_994 = arith.constant 384 : i32
            %add3A_995 = arith.addi %add3A_994, %mul3A_993 : i32
            %add3A_996 = arith.constant 12 : i32
            %add3A_997 = arith.addi %add3A_995, %add3A_996 : i32
            %dma_start3A_998 = arith.constant 0 : i32
            %dma_start3A_999 = tpu.memref_slice %arg7[%add3A_997, %dma_start3A_998] : memref<512x128xf32, #tpu.memory_space<vmem>> -> memref<1x128xf32, #tpu.memory_space<vmem>>
            %dma_start3A_1000 = arith.constant 0 : i32
            %dma_start3A_1001 = tpu.memref_slice %arg3[%squeeze3A_965, %dma_start3A_1000] : memref<8192x128xf32, #tpu.memory_space<hbm>> -> memref<1x128xf32, #tpu.memory_space<hbm>>
            %dma_start3A_1002 = arith.constant 0 : i32
            %dma_start3A_1003 = tpu.memref_slice %arg7[%add3A_997, %dma_start3A_1002] : memref<512x128xf32, #tpu.memory_space<vmem>> -> memref<1x128xf32, #tpu.memory_space<vmem>>
            %dma_start3A_1004 = arith.constant 0 : i32
            %dma_start3A_1005 = tpu.memref_slice %arg3[%squeeze3A_965, %dma_start3A_1004] : memref<8192x128xf32, #tpu.memory_space<hbm>> -> memref<1x128xf32, #tpu.memory_space<hbm>>
            tpu.enqueue_dma source(%dma_start3A_1005 : memref<1x128xf32, #tpu.memory_space<hbm>>) target(%dma_start3A_1003 : memref<1x128xf32, #tpu.memory_space<vmem>>) target_semaphore(%arg21 : memref<!tpu.dma_semaphore, #tpu.memory_space<semaphore_mem>>)
          } else {
          }
          %slice3A_971 = vector.extract_strided_slice %get3A_750 {offsets = [13], sizes = [1], strides = [1]} : vector<16xi32> to vector<1xi32>
          %squeeze3A_972 = vector.extract %slice3A_971[0] : i32 from vector<1xi32>
          %ge3A_973 = arith.constant 8064 : i32
          %ge3A_974 = arith.cmpi sge, %squeeze3A_972, %ge3A_973 : i32
          %convert_element_type3A_975 = arith.extui %ge3A_974 : i1 to i32
          %cond3A_976 = arith.constant 0 : i32
          %cond3A_977 = arith.cmpi ne, %convert_element_type3A_975, %cond3A_976 : i32
          scf.if %cond3A_977 {
            %mul3A_992 = arith.constant 16 : i32
            %mul3A_993 = arith.muli %scan3A_742, %mul3A_992 : i32
            %add3A_994 = arith.constant 384 : i32
            %add3A_995 = arith.addi %add3A_994, %mul3A_993 : i32
            %add3A_996 = arith.constant 13 : i32
            %add3A_997 = arith.addi %add3A_995, %add3A_996 : i32
            %dma_start3A_998 = arith.constant 0 : i32
            %dma_start3A_999 = tpu.memref_slice %arg7[%add3A_997, %dma_start3A_998] : memref<512x128xf32, #tpu.memory_space<vmem>> -> memref<1x128xf32, #tpu.memory_space<vmem>>
            %dma_start3A_1000 = arith.constant 0 : i32
            %dma_start3A_1001 = tpu.memref_slice %arg3[%squeeze3A_972, %dma_start3A_1000] : memref<8192x128xf32, #tpu.memory_space<hbm>> -> memref<1x128xf32, #tpu.memory_space<hbm>>
            %dma_start3A_1002 = arith.constant 0 : i32
            %dma_start3A_1003 = tpu.memref_slice %arg7[%add3A_997, %dma_start3A_1002] : memref<512x128xf32, #tpu.memory_space<vmem>> -> memref<1x128xf32, #tpu.memory_space<vmem>>
            %dma_start3A_1004 = arith.constant 0 : i32
            %dma_start3A_1005 = tpu.memref_slice %arg3[%squeeze3A_972, %dma_start3A_1004] : memref<8192x128xf32, #tpu.memory_space<hbm>> -> memref<1x128xf32, #tpu.memory_space<hbm>>
            tpu.enqueue_dma source(%dma_start3A_1005 : memref<1x128xf32, #tpu.memory_space<hbm>>) target(%dma_start3A_1003 : memref<1x128xf32, #tpu.memory_space<vmem>>) target_semaphore(%arg21 : memref<!tpu.dma_semaphore, #tpu.memory_space<semaphore_mem>>)
          } else {
          }
          %slice3A_978 = vector.extract_strided_slice %get3A_750 {offsets = [14], sizes = [1], strides = [1]} : vector<16xi32> to vector<1xi32>
          %squeeze3A_979 = vector.extract %slice3A_978[0] : i32 from vector<1xi32>
          %ge3A_980 = arith.constant 8064 : i32
          %ge3A_981 = arith.cmpi sge, %squeeze3A_979, %ge3A_980 : i32
          %convert_element_type3A_982 = arith.extui %ge3A_981 : i1 to i32
          %cond3A_983 = arith.constant 0 : i32
          %cond3A_984 = arith.cmpi ne, %convert_element_type3A_982, %cond3A_983 : i32
          scf.if %cond3A_984 {
            %mul3A_992 = arith.constant 16 : i32
            %mul3A_993 = arith.muli %scan3A_742, %mul3A_992 : i32
            %add3A_994 = arith.constant 384 : i32
            %add3A_995 = arith.addi %add3A_994, %mul3A_993 : i32
            %add3A_996 = arith.constant 14 : i32
            %add3A_997 = arith.addi %add3A_995, %add3A_996 : i32
            %dma_start3A_998 = arith.constant 0 : i32
            %dma_start3A_999 = tpu.memref_slice %arg7[%add3A_997, %dma_start3A_998] : memref<512x128xf32, #tpu.memory_space<vmem>> -> memref<1x128xf32, #tpu.memory_space<vmem>>
            %dma_start3A_1000 = arith.constant 0 : i32
            %dma_start3A_1001 = tpu.memref_slice %arg3[%squeeze3A_979, %dma_start3A_1000] : memref<8192x128xf32, #tpu.memory_space<hbm>> -> memref<1x128xf32, #tpu.memory_space<hbm>>
            %dma_start3A_1002 = arith.constant 0 : i32
            %dma_start3A_1003 = tpu.memref_slice %arg7[%add3A_997, %dma_start3A_1002] : memref<512x128xf32, #tpu.memory_space<vmem>> -> memref<1x128xf32, #tpu.memory_space<vmem>>
            %dma_start3A_1004 = arith.constant 0 : i32
            %dma_start3A_1005 = tpu.memref_slice %arg3[%squeeze3A_979, %dma_start3A_1004] : memref<8192x128xf32, #tpu.memory_space<hbm>> -> memref<1x128xf32, #tpu.memory_space<hbm>>
            tpu.enqueue_dma source(%dma_start3A_1005 : memref<1x128xf32, #tpu.memory_space<hbm>>) target(%dma_start3A_1003 : memref<1x128xf32, #tpu.memory_space<vmem>>) target_semaphore(%arg21 : memref<!tpu.dma_semaphore, #tpu.memory_space<semaphore_mem>>)
          } else {
          }
          %slice3A_985 = vector.extract_strided_slice %get3A_750 {offsets = [15], sizes = [1], strides = [1]} : vector<16xi32> to vector<1xi32>
          %squeeze3A_986 = vector.extract %slice3A_985[0] : i32 from vector<1xi32>
          %ge3A_987 = arith.constant 8064 : i32
          %ge3A_988 = arith.cmpi sge, %squeeze3A_986, %ge3A_987 : i32
          %convert_element_type3A_989 = arith.extui %ge3A_988 : i1 to i32
          %cond3A_990 = arith.constant 0 : i32
          %cond3A_991 = arith.cmpi ne, %convert_element_type3A_989, %cond3A_990 : i32
          scf.if %cond3A_991 {
            %mul3A_992 = arith.constant 16 : i32
            %mul3A_993 = arith.muli %scan3A_742, %mul3A_992 : i32
            %add3A_994 = arith.constant 384 : i32
            %add3A_995 = arith.addi %add3A_994, %mul3A_993 : i32
            %add3A_996 = arith.constant 15 : i32
            %add3A_997 = arith.addi %add3A_995, %add3A_996 : i32
            %dma_start3A_998 = arith.constant 0 : i32
            %dma_start3A_999 = tpu.memref_slice %arg7[%add3A_997, %dma_start3A_998] : memref<512x128xf32, #tpu.memory_space<vmem>> -> memref<1x128xf32, #tpu.memory_space<vmem>>
            %dma_start3A_1000 = arith.constant 0 : i32
            %dma_start3A_1001 = tpu.memref_slice %arg3[%squeeze3A_986, %dma_start3A_1000] : memref<8192x128xf32, #tpu.memory_space<hbm>> -> memref<1x128xf32, #tpu.memory_space<hbm>>
            %dma_start3A_1002 = arith.constant 0 : i32
            %dma_start3A_1003 = tpu.memref_slice %arg7[%add3A_997, %dma_start3A_1002] : memref<512x128xf32, #tpu.memory_space<vmem>> -> memref<1x128xf32, #tpu.memory_space<vmem>>
            %dma_start3A_1004 = arith.constant 0 : i32
            %dma_start3A_1005 = tpu.memref_slice %arg3[%squeeze3A_986, %dma_start3A_1004] : memref<8192x128xf32, #tpu.memory_space<hbm>> -> memref<1x128xf32, #tpu.memory_space<hbm>>
            tpu.enqueue_dma source(%dma_start3A_1005 : memref<1x128xf32, #tpu.memory_space<hbm>>) target(%dma_start3A_1003 : memref<1x128xf32, #tpu.memory_space<vmem>>) target_semaphore(%arg21 : memref<!tpu.dma_semaphore, #tpu.memory_space<semaphore_mem>>)
          } else {
          }
        } else {
        }
        %add3A_879 = arith.addi %scan3A_743, %add3A_874 : i32
        scf.yield %add3A_879 : i32
      }
      %scan3A_704 = arith.constant 8 : i32
      %add3A_705 = arith.constant 4 : i32
      %add3A_706 = arith.addi %add3A_687, %add3A_705 : i32
      %lt3A_707 = arith.constant 200 : i32
      %lt3A_708 = arith.cmpi slt, %add3A_706, %lt3A_707 : i32
      %convert_element_type3A_709 = arith.extui %lt3A_708 : i1 to i32
      %cond3A_710 = arith.constant 0 : i32
      %cond3A_711 = arith.cmpi ne, %convert_element_type3A_709, %cond3A_710 : i32
      scf.if %cond3A_711 {
        %add3A_742 = arith.addi %mul3A_2, %add3A_706 : i32
        %dma_start3A_743 = arith.constant 3 : i32
        %dma_start3A_744 = arith.constant 0 : i32
        %dma_start3A_745 = tpu.memref_slice %arg5[%dma_start3A_743, %dma_start3A_744] : memref<4x128xi32, #tpu.memory_space<vmem>> -> memref<1x128xi32, #tpu.memory_space<vmem>>
        %dma_start3A_746 = arith.constant 0 : i32
        %dma_start3A_747 = tpu.memref_slice %arg2[%add3A_742, %dma_start3A_746] : memref<6400x128xi32, #tpu.memory_space<hbm>> -> memref<1x128xi32, #tpu.memory_space<hbm>>
        %dma_start3A_748 = arith.constant 3 : i32
        %dma_start3A_749 = arith.constant 0 : i32
        %dma_start3A_750 = tpu.memref_slice %arg5[%dma_start3A_748, %dma_start3A_749] : memref<4x128xi32, #tpu.memory_space<vmem>> -> memref<1x128xi32, #tpu.memory_space<vmem>>
        %dma_start3A_751 = arith.constant 0 : i32
        %dma_start3A_752 = tpu.memref_slice %arg2[%add3A_742, %dma_start3A_751] : memref<6400x128xi32, #tpu.memory_space<hbm>> -> memref<1x128xi32, #tpu.memory_space<hbm>>
        tpu.enqueue_dma source(%dma_start3A_752 : memref<1x128xi32, #tpu.memory_space<hbm>>) target(%dma_start3A_750 : memref<1x128xi32, #tpu.memory_space<vmem>>) target_semaphore(%arg12 : memref<!tpu.dma_semaphore, #tpu.memory_space<semaphore_mem>>)
      } else {
      }
      %add3A_712 = arith.constant 3 : i32
      %add3A_713 = arith.addi %add3A_687, %add3A_712 : i32
      %lt3A_714 = arith.constant 200 : i32
      %lt3A_715 = arith.cmpi slt, %add3A_713, %lt3A_714 : i32
      %convert_element_type3A_716 = arith.extui %lt3A_715 : i1 to i32
      %cond3A_717 = arith.constant 0 : i32
      %cond3A_718 = arith.cmpi ne, %convert_element_type3A_716, %cond3A_717 : i32
      scf.if %cond3A_718 {
        %ge3A = arith.constant 4 : i32
        %ge3A_742 = arith.cmpi sge, %add3A_713, %ge3A : i32
        %convert_element_type3A_743 = arith.extui %ge3A_742 : i1 to i32
        %cond3A_744 = arith.constant 0 : i32
        %cond3A_745 = arith.cmpi ne, %convert_element_type3A_743, %cond3A_744 : i32
        scf.if %cond3A_745 {
          %sub3A = arith.constant 4 : i32
          %sub3A_879 = arith.subi %add3A_713, %sub3A : i32
          %add3A_880 = arith.addi %mul3A_2, %sub3A_879 : i32
          %mul3A_881 = arith.constant 128 : i32
          %mul3A_882 = arith.muli %add3A_880, %mul3A_881 : i32
          %dma_wait3A_883 = arith.constant 256 : i32
          %dma_wait3A_884 = arith.constant 0 : i32
          %dma_wait3A_885 = tpu.memref_slice %arg7[%dma_wait3A_883, %dma_wait3A_884] : memref<512x128xf32, #tpu.memory_space<vmem>> -> memref<128x128xf32, #tpu.memory_space<vmem>>
          %dma_wait3A_886 = arith.constant 0 : i32
          %dma_wait3A_887 = tpu.memref_slice %arg4[%mul3A_882, %dma_wait3A_886] : memref<819200x128xf32, #tpu.memory_space<hbm>> -> memref<128x128xf32, #tpu.memory_space<hbm>>
          %dma_wait3A_888 = arith.constant 0 : i32
          %dma_wait3A_889 = tpu.memref_slice %arg4[%mul3A_882, %dma_wait3A_888] : memref<819200x128xf32, #tpu.memory_space<hbm>> -> memref<128x128xf32, #tpu.memory_space<hbm>>
          %dma_wait3A_890 = arith.constant 256 : i32
          %dma_wait3A_891 = arith.constant 0 : i32
          %dma_wait3A_892 = tpu.memref_slice %arg7[%dma_wait3A_890, %dma_wait3A_891] : memref<512x128xf32, #tpu.memory_space<vmem>> -> memref<128x128xf32, #tpu.memory_space<vmem>>
          tpu.wait_dma2 semaphore(%arg19 : memref<!tpu.dma_semaphore, #tpu.memory_space<semaphore_mem>>) src(%dma_wait3A_892 : memref<128x128xf32, #tpu.memory_space<vmem>>) dst(%dma_wait3A_889 : memref<128x128xf32, #tpu.memory_space<hbm>>)
        } else {
        }
        %add3A_746 = arith.addi %mul3A_2, %add3A_713 : i32
        %dma_wait3A_747 = arith.constant 2 : i32
        %dma_wait3A_748 = arith.constant 0 : i32
        %dma_wait3A_749 = tpu.memref_slice %arg5[%dma_wait3A_747, %dma_wait3A_748] : memref<4x128xi32, #tpu.memory_space<vmem>> -> memref<1x128xi32, #tpu.memory_space<vmem>>
        %dma_wait3A_750 = arith.constant 0 : i32
        %dma_wait3A_751 = tpu.memref_slice %arg2[%add3A_746, %dma_wait3A_750] : memref<6400x128xi32, #tpu.memory_space<hbm>> -> memref<1x128xi32, #tpu.memory_space<hbm>>
        %dma_wait3A_752 = arith.constant 2 : i32
        %dma_wait3A_753 = arith.constant 0 : i32
        %dma_wait3A_754 = tpu.memref_slice %arg5[%dma_wait3A_752, %dma_wait3A_753] : memref<4x128xi32, #tpu.memory_space<vmem>> -> memref<1x128xi32, #tpu.memory_space<vmem>>
        %dma_wait3A_755 = arith.constant 0 : i32
        %dma_wait3A_756 = tpu.memref_slice %arg2[%add3A_746, %dma_wait3A_755] : memref<6400x128xi32, #tpu.memory_space<hbm>> -> memref<1x128xi32, #tpu.memory_space<hbm>>
        tpu.wait_dma2 semaphore(%arg11 : memref<!tpu.dma_semaphore, #tpu.memory_space<semaphore_mem>>) src(%dma_wait3A_756 : memref<1x128xi32, #tpu.memory_space<hbm>>) dst(%dma_wait3A_754 : memref<1x128xi32, #tpu.memory_space<vmem>>)
        %get3A_757 = arith.constant 2 : i32
        %get3A_758 = arith.index_cast %get3A_757 : i32 to index
        %get3A_759 = arith.constant 0 : index
        %get3A_760 = tpu.vector_load %arg5[%get3A_758, %get3A_759] {strides = array<i32>} : memref<4x128xi32, #tpu.memory_space<vmem>>, vector<1x16xi32>,
        %get3A_761 = vector.shape_cast %get3A_760 : vector<1x16xi32> to vector<16xi32>
        %min3A_762 = arith.constant 8063 : i32
        %min3A_763 = vector.broadcast %min3A_762 : i32 to vector<16xi32>
        %min3A_764 = arith.minsi %get3A_761, %min3A_763 : vector<16xi32>
        %swap3A_765 = arith.constant 2 : i32
        %swap3A_766 = arith.index_cast %swap3A_765 : i32 to index
        %swap3A_767 = arith.constant 0 : index
        %swap3A_768 = tpu.vector_load %arg6[%swap3A_766, %swap3A_767] {strides = array<i32>} : memref<4x128xi32, #tpu.memory_space<vmem>>, vector<1x16xi32>,
        %swap3A_769 = vector.shape_cast %swap3A_768 : vector<1x16xi32> to vector<16xi32>
        %swap3A_770 = vector.shape_cast %min3A_764 : vector<16xi32> to vector<1x16xi32>
        tpu.vector_store %arg6[%swap3A_766, %swap3A_767], %swap3A_770 {strides = array<i32>} : memref<4x128xi32, #tpu.memory_space<vmem>>, vector<1x16xi32>,
        %get3A_771 = arith.constant 2 : i32
        %get3A_772 = arith.index_cast %get3A_771 : i32 to index
        %get3A_773 = arith.constant 16 : index
        %get3A_774 = tpu.vector_load %arg5[%get3A_772, %get3A_773] {strides = array<i32>} : memref<4x128xi32, #tpu.memory_space<vmem>>, vector<1x16xi32>,
        %get3A_775 = vector.shape_cast %get3A_774 : vector<1x16xi32> to vector<16xi32>
        %min3A_776 = arith.constant 8063 : i32
        %min3A_777 = vector.broadcast %min3A_776 : i32 to vector<16xi32>
        %min3A_778 = arith.minsi %get3A_775, %min3A_777 : vector<16xi32>
        %swap3A_779 = arith.constant 2 : i32
        %swap3A_780 = arith.index_cast %swap3A_779 : i32 to index
        %swap3A_781 = arith.constant 16 : index
        %swap3A_782 = tpu.vector_load %arg6[%swap3A_780, %swap3A_781] {strides = array<i32>} : memref<4x128xi32, #tpu.memory_space<vmem>>, vector<1x16xi32>,
        %swap3A_783 = vector.shape_cast %swap3A_782 : vector<1x16xi32> to vector<16xi32>
        %swap3A_784 = vector.shape_cast %min3A_778 : vector<16xi32> to vector<1x16xi32>
        tpu.vector_store %arg6[%swap3A_780, %swap3A_781], %swap3A_784 {strides = array<i32>} : memref<4x128xi32, #tpu.memory_space<vmem>>, vector<1x16xi32>,
        %get3A_785 = arith.constant 2 : i32
        %get3A_786 = arith.index_cast %get3A_785 : i32 to index
        %get3A_787 = arith.constant 32 : index
        %get3A_788 = tpu.vector_load %arg5[%get3A_786, %get3A_787] {strides = array<i32>} : memref<4x128xi32, #tpu.memory_space<vmem>>, vector<1x16xi32>,
        %get3A_789 = vector.shape_cast %get3A_788 : vector<1x16xi32> to vector<16xi32>
        %min3A_790 = arith.constant 8063 : i32
        %min3A_791 = vector.broadcast %min3A_790 : i32 to vector<16xi32>
        %min3A_792 = arith.minsi %get3A_789, %min3A_791 : vector<16xi32>
        %swap3A_793 = arith.constant 2 : i32
        %swap3A_794 = arith.index_cast %swap3A_793 : i32 to index
        %swap3A_795 = arith.constant 32 : index
        %swap3A_796 = tpu.vector_load %arg6[%swap3A_794, %swap3A_795] {strides = array<i32>} : memref<4x128xi32, #tpu.memory_space<vmem>>, vector<1x16xi32>,
        %swap3A_797 = vector.shape_cast %swap3A_796 : vector<1x16xi32> to vector<16xi32>
        %swap3A_798 = vector.shape_cast %min3A_792 : vector<16xi32> to vector<1x16xi32>
        tpu.vector_store %arg6[%swap3A_794, %swap3A_795], %swap3A_798 {strides = array<i32>} : memref<4x128xi32, #tpu.memory_space<vmem>>, vector<1x16xi32>,
        %get3A_799 = arith.constant 2 : i32
        %get3A_800 = arith.index_cast %get3A_799 : i32 to index
        %get3A_801 = arith.constant 48 : index
        %get3A_802 = tpu.vector_load %arg5[%get3A_800, %get3A_801] {strides = array<i32>} : memref<4x128xi32, #tpu.memory_space<vmem>>, vector<1x16xi32>,
        %get3A_803 = vector.shape_cast %get3A_802 : vector<1x16xi32> to vector<16xi32>
        %min3A_804 = arith.constant 8063 : i32
        %min3A_805 = vector.broadcast %min3A_804 : i32 to vector<16xi32>
        %min3A_806 = arith.minsi %get3A_803, %min3A_805 : vector<16xi32>
        %swap3A_807 = arith.constant 2 : i32
        %swap3A_808 = arith.index_cast %swap3A_807 : i32 to index
        %swap3A_809 = arith.constant 48 : index
        %swap3A_810 = tpu.vector_load %arg6[%swap3A_808, %swap3A_809] {strides = array<i32>} : memref<4x128xi32, #tpu.memory_space<vmem>>, vector<1x16xi32>,
        %swap3A_811 = vector.shape_cast %swap3A_810 : vector<1x16xi32> to vector<16xi32>
        %swap3A_812 = vector.shape_cast %min3A_806 : vector<16xi32> to vector<1x16xi32>
        tpu.vector_store %arg6[%swap3A_808, %swap3A_809], %swap3A_812 {strides = array<i32>} : memref<4x128xi32, #tpu.memory_space<vmem>>, vector<1x16xi32>,
        %get3A_813 = arith.constant 2 : i32
        %get3A_814 = arith.index_cast %get3A_813 : i32 to index
        %get3A_815 = arith.constant 64 : index
        %get3A_816 = tpu.vector_load %arg5[%get3A_814, %get3A_815] {strides = array<i32>} : memref<4x128xi32, #tpu.memory_space<vmem>>, vector<1x16xi32>,
        %get3A_817 = vector.shape_cast %get3A_816 : vector<1x16xi32> to vector<16xi32>
        %min3A_818 = arith.constant 8063 : i32
        %min3A_819 = vector.broadcast %min3A_818 : i32 to vector<16xi32>
        %min3A_820 = arith.minsi %get3A_817, %min3A_819 : vector<16xi32>
        %swap3A_821 = arith.constant 2 : i32
        %swap3A_822 = arith.index_cast %swap3A_821 : i32 to index
        %swap3A_823 = arith.constant 64 : index
        %swap3A_824 = tpu.vector_load %arg6[%swap3A_822, %swap3A_823] {strides = array<i32>} : memref<4x128xi32, #tpu.memory_space<vmem>>, vector<1x16xi32>,
        %swap3A_825 = vector.shape_cast %swap3A_824 : vector<1x16xi32> to vector<16xi32>
        %swap3A_826 = vector.shape_cast %min3A_820 : vector<16xi32> to vector<1x16xi32>
        tpu.vector_store %arg6[%swap3A_822, %swap3A_823], %swap3A_826 {strides = array<i32>} : memref<4x128xi32, #tpu.memory_space<vmem>>, vector<1x16xi32>,
        %get3A_827 = arith.constant 2 : i32
        %get3A_828 = arith.index_cast %get3A_827 : i32 to index
        %get3A_829 = arith.constant 80 : index
        %get3A_830 = tpu.vector_load %arg5[%get3A_828, %get3A_829] {strides = array<i32>} : memref<4x128xi32, #tpu.memory_space<vmem>>, vector<1x16xi32>,
        %get3A_831 = vector.shape_cast %get3A_830 : vector<1x16xi32> to vector<16xi32>
        %min3A_832 = arith.constant 8063 : i32
        %min3A_833 = vector.broadcast %min3A_832 : i32 to vector<16xi32>
        %min3A_834 = arith.minsi %get3A_831, %min3A_833 : vector<16xi32>
        %swap3A_835 = arith.constant 2 : i32
        %swap3A_836 = arith.index_cast %swap3A_835 : i32 to index
        %swap3A_837 = arith.constant 80 : index
        %swap3A_838 = tpu.vector_load %arg6[%swap3A_836, %swap3A_837] {strides = array<i32>} : memref<4x128xi32, #tpu.memory_space<vmem>>, vector<1x16xi32>,
        %swap3A_839 = vector.shape_cast %swap3A_838 : vector<1x16xi32> to vector<16xi32>
        %swap3A_840 = vector.shape_cast %min3A_834 : vector<16xi32> to vector<1x16xi32>
        tpu.vector_store %arg6[%swap3A_836, %swap3A_837], %swap3A_840 {strides = array<i32>} : memref<4x128xi32, #tpu.memory_space<vmem>>, vector<1x16xi32>,
        %get3A_841 = arith.constant 2 : i32
        %get3A_842 = arith.index_cast %get3A_841 : i32 to index
        %get3A_843 = arith.constant 96 : index
        %get3A_844 = tpu.vector_load %arg5[%get3A_842, %get3A_843] {strides = array<i32>} : memref<4x128xi32, #tpu.memory_space<vmem>>, vector<1x16xi32>,
        %get3A_845 = vector.shape_cast %get3A_844 : vector<1x16xi32> to vector<16xi32>
        %min3A_846 = arith.constant 8063 : i32
        %min3A_847 = vector.broadcast %min3A_846 : i32 to vector<16xi32>
        %min3A_848 = arith.minsi %get3A_845, %min3A_847 : vector<16xi32>
        %swap3A_849 = arith.constant 2 : i32
        %swap3A_850 = arith.index_cast %swap3A_849 : i32 to index
        %swap3A_851 = arith.constant 96 : index
        %swap3A_852 = tpu.vector_load %arg6[%swap3A_850, %swap3A_851] {strides = array<i32>} : memref<4x128xi32, #tpu.memory_space<vmem>>, vector<1x16xi32>,
        %swap3A_853 = vector.shape_cast %swap3A_852 : vector<1x16xi32> to vector<16xi32>
        %swap3A_854 = vector.shape_cast %min3A_848 : vector<16xi32> to vector<1x16xi32>
        tpu.vector_store %arg6[%swap3A_850, %swap3A_851], %swap3A_854 {strides = array<i32>} : memref<4x128xi32, #tpu.memory_space<vmem>>, vector<1x16xi32>,
        %get3A_855 = arith.constant 2 : i32
        %get3A_856 = arith.index_cast %get3A_855 : i32 to index
        %get3A_857 = arith.constant 112 : index
        %get3A_858 = tpu.vector_load %arg5[%get3A_856, %get3A_857] {strides = array<i32>} : memref<4x128xi32, #tpu.memory_space<vmem>>, vector<1x16xi32>,
        %get3A_859 = vector.shape_cast %get3A_858 : vector<1x16xi32> to vector<16xi32>
        %min3A_860 = arith.constant 8063 : i32
        %min3A_861 = vector.broadcast %min3A_860 : i32 to vector<16xi32>
        %min3A_862 = arith.minsi %get3A_859, %min3A_861 : vector<16xi32>
        %swap3A_863 = arith.constant 2 : i32
        %swap3A_864 = arith.index_cast %swap3A_863 : i32 to index
        %swap3A_865 = arith.constant 112 : index
        %swap3A_866 = tpu.vector_load %arg6[%swap3A_864, %swap3A_865] {strides = array<i32>} : memref<4x128xi32, #tpu.memory_space<vmem>>, vector<1x16xi32>,
        %swap3A_867 = vector.shape_cast %swap3A_866 : vector<1x16xi32> to vector<16xi32>
        %swap3A_868 = vector.shape_cast %min3A_862 : vector<16xi32> to vector<1x16xi32>
        tpu.vector_store %arg6[%swap3A_864, %swap3A_865], %swap3A_868 {strides = array<i32>} : memref<4x128xi32, #tpu.memory_space<vmem>>, vector<1x16xi32>,
        %dma_start3A_869 = arith.constant 2 : i32
        %dma_start3A_870 = arith.constant 256 : i32
        %dma_start3A_871 = arith.constant 0 : i32
        %dma_start3A_872 = tpu.memref_slice %arg7[%dma_start3A_870, %dma_start3A_871] : memref<512x128xf32, #tpu.memory_space<vmem>> -> memref<128x128xf32, #tpu.memory_space<vmem>>
        %dma_start3A_873 = arith.constant 0 : i32
        %dma_start3A_874 = tpu.memref_slice %arg6[%dma_start3A_869, %dma_start3A_873] : memref<4x128xi32, #tpu.memory_space<vmem>> -> memref<1x128xi32, #tpu.memory_space<vmem>>
        %dma_start3A_875 = tpu.memref_squeeze %dma_start3A_874 : memref<1x128xi32, #tpu.memory_space<vmem>> -> memref<128xi32, #tpu.memory_space<vmem>>
        %dma_start3A_876 = arith.constant 0 : i32
        %dma_start3A_877 = arith.constant 0 : i32
        %dma_start3A_878 = tpu.memref_slice %arg8[%dma_start3A_876, %dma_start3A_877] : memref<8064x128xf32, #tpu.memory_space<vmem_shared>> -> memref<8064x128xf32, #tpu.memory_space<vmem_shared>>
        tpu.enqueue_indirect_dma source(%dma_start3A_878 : memref<8064x128xf32, #tpu.memory_space<vmem_shared>>) target(%dma_start3A_872 : memref<128x128xf32, #tpu.memory_space<vmem>>) offsets(%dma_start3A_875 : memref<128xi32, #tpu.memory_space<vmem>>) semaphore(%arg15 : memref<!tpu.dma_semaphore, #tpu.memory_space<semaphore_mem>>)
      } else {
      }
      %while3A_719 = arith.constant 0 : i32
      %while3A_720 = arith.constant 0 : i32
      %while3A_721 = arith.subi %scan3A_703, %while3A_720 : i32
      %while3A_722 = arith.addi %while3A_720, %while3A_721 : i32
      %while3A_723 = arith.constant 1 : i32
      %while3A_724 = arith.divsi %while3A_721, %while3A_723 : i32
      %while3A_725 = arith.muli %while3A_724, %while3A_723 : i32
      %while3A_726 = arith.addi %while3A_720, %while3A_725 : i32
      %while3A_727 = arith.constant 1 : i32
      scf.for %while3A_742 = %while3A_720 to %while3A_726 step %while3A_727  : i32 {
        %dma_wait3A_743 = arith.constant 0 : i32
        %dma_wait3A_744 = arith.constant 0 : i32
        %dma_wait3A_745 = tpu.memref_slice %arg7[%dma_wait3A_743, %dma_wait3A_744] : memref<512x128xf32, #tpu.memory_space<vmem>> -> memref<1x128xf32, #tpu.memory_space<vmem>>
        %dma_wait3A_746 = arith.constant 0 : i32
        %dma_wait3A_747 = arith.constant 0 : i32
        %dma_wait3A_748 = tpu.memref_slice %arg3[%dma_wait3A_746, %dma_wait3A_747] : memref<8192x128xf32, #tpu.memory_space<hbm>> -> memref<1x128xf32, #tpu.memory_space<hbm>>
        %dma_wait3A_749 = arith.constant 0 : i32
        %dma_wait3A_750 = arith.constant 0 : i32
        %dma_wait3A_751 = tpu.memref_slice %arg7[%dma_wait3A_749, %dma_wait3A_750] : memref<512x128xf32, #tpu.memory_space<vmem>> -> memref<1x128xf32, #tpu.memory_space<vmem>>
        %dma_wait3A_752 = arith.constant 0 : i32
        %dma_wait3A_753 = arith.constant 0 : i32
        %dma_wait3A_754 = tpu.memref_slice %arg3[%dma_wait3A_752, %dma_wait3A_753] : memref<8192x128xf32, #tpu.memory_space<hbm>> -> memref<1x128xf32, #tpu.memory_space<hbm>>
        tpu.wait_dma2 semaphore(%arg21 : memref<!tpu.dma_semaphore, #tpu.memory_space<semaphore_mem>>) src(%dma_wait3A_754 : memref<1x128xf32, #tpu.memory_space<hbm>>) dst(%dma_wait3A_751 : memref<1x128xf32, #tpu.memory_space<vmem>>)
      }
      %while3A_728 = arith.constant 1 : i32
      scf.for %while3A_742 = %while3A_726 to %while3A_722 step %while3A_728  : i32 {
        %dma_wait3A_743 = arith.constant 0 : i32
        %dma_wait3A_744 = arith.constant 0 : i32
        %dma_wait3A_745 = tpu.memref_slice %arg7[%dma_wait3A_743, %dma_wait3A_744] : memref<512x128xf32, #tpu.memory_space<vmem>> -> memref<1x128xf32, #tpu.memory_space<vmem>>
        %dma_wait3A_746 = arith.constant 0 : i32
        %dma_wait3A_747 = arith.constant 0 : i32
        %dma_wait3A_748 = tpu.memref_slice %arg3[%dma_wait3A_746, %dma_wait3A_747] : memref<8192x128xf32, #tpu.memory_space<hbm>> -> memref<1x128xf32, #tpu.memory_space<hbm>>
        %dma_wait3A_749 = arith.constant 0 : i32
        %dma_wait3A_750 = arith.constant 0 : i32
        %dma_wait3A_751 = tpu.memref_slice %arg7[%dma_wait3A_749, %dma_wait3A_750] : memref<512x128xf32, #tpu.memory_space<vmem>> -> memref<1x128xf32, #tpu.memory_space<vmem>>
        %dma_wait3A_752 = arith.constant 0 : i32
        %dma_wait3A_753 = arith.constant 0 : i32
        %dma_wait3A_754 = tpu.memref_slice %arg3[%dma_wait3A_752, %dma_wait3A_753] : memref<8192x128xf32, #tpu.memory_space<hbm>> -> memref<1x128xf32, #tpu.memory_space<hbm>>
        tpu.wait_dma2 semaphore(%arg21 : memref<!tpu.dma_semaphore, #tpu.memory_space<semaphore_mem>>) src(%dma_wait3A_754 : memref<1x128xf32, #tpu.memory_space<hbm>>) dst(%dma_wait3A_751 : memref<1x128xf32, #tpu.memory_space<vmem>>)
      }
      %add3A_729 = arith.addi %mul3A_2, %add3A_687 : i32
      %mul3A_730 = arith.constant 128 : i32
      %mul3A_731 = arith.muli %add3A_729, %mul3A_730 : i32
      %dma_start3A_732 = arith.constant 384 : i32
      %dma_start3A_733 = arith.constant 0 : i32
      %dma_start3A_734 = tpu.memref_slice %arg7[%dma_start3A_732, %dma_start3A_733] : memref<512x128xf32, #tpu.memory_space<vmem>> -> memref<128x128xf32, #tpu.memory_space<vmem>>
      %dma_start3A_735 = arith.constant 0 : i32
      %dma_start3A_736 = tpu.memref_slice %arg4[%mul3A_731, %dma_start3A_735] : memref<819200x128xf32, #tpu.memory_space<hbm>> -> memref<128x128xf32, #tpu.memory_space<hbm>>
      %dma_start3A_737 = arith.constant 0 : i32
      %dma_start3A_738 = tpu.memref_slice %arg4[%mul3A_731, %dma_start3A_737] : memref<819200x128xf32, #tpu.memory_space<hbm>> -> memref<128x128xf32, #tpu.memory_space<hbm>>
      %dma_start3A_739 = arith.constant 384 : i32
      %dma_start3A_740 = arith.constant 0 : i32
      %dma_start3A_741 = tpu.memref_slice %arg7[%dma_start3A_739, %dma_start3A_740] : memref<512x128xf32, #tpu.memory_space<vmem>> -> memref<128x128xf32, #tpu.memory_space<vmem>>
      tpu.enqueue_dma source(%dma_start3A_741 : memref<128x128xf32, #tpu.memory_space<vmem>>) target(%dma_start3A_738 : memref<128x128xf32, #tpu.memory_space<hbm>>) target_semaphore(%arg20 : memref<!tpu.dma_semaphore, #tpu.memory_space<semaphore_mem>>)
    }
    %scan3A_456 = arith.constant 50 : i32
    %add3A_457 = arith.constant 196 : i32
    %add3A_458 = arith.addi %mul3A_2, %add3A_457 : i32
    %mul3A_459 = arith.constant 128 : i32
    %mul3A_460 = arith.muli %add3A_458, %mul3A_459 : i32
    %dma_wait3A_461 = arith.constant 0 : i32
    %dma_wait3A_462 = arith.constant 0 : i32
    %dma_wait3A_463 = tpu.memref_slice %arg7[%dma_wait3A_461, %dma_wait3A_462] : memref<512x128xf32, #tpu.memory_space<vmem>> -> memref<128x128xf32, #tpu.memory_space<vmem>>
    %dma_wait3A_464 = arith.constant 0 : i32
    %dma_wait3A_465 = tpu.memref_slice %arg4[%mul3A_460, %dma_wait3A_464] : memref<819200x128xf32, #tpu.memory_space<hbm>> -> memref<128x128xf32, #tpu.memory_space<hbm>>
    %dma_wait3A_466 = arith.constant 0 : i32
    %dma_wait3A_467 = tpu.memref_slice %arg4[%mul3A_460, %dma_wait3A_466] : memref<819200x128xf32, #tpu.memory_space<hbm>> -> memref<128x128xf32, #tpu.memory_space<hbm>>
    %dma_wait3A_468 = arith.constant 0 : i32
    %dma_wait3A_469 = arith.constant 0 : i32
    %dma_wait3A_470 = tpu.memref_slice %arg7[%dma_wait3A_468, %dma_wait3A_469] : memref<512x128xf32, #tpu.memory_space<vmem>> -> memref<128x128xf32, #tpu.memory_space<vmem>>
    tpu.wait_dma2 semaphore(%arg17 : memref<!tpu.dma_semaphore, #tpu.memory_space<semaphore_mem>>) src(%dma_wait3A_470 : memref<128x128xf32, #tpu.memory_space<vmem>>) dst(%dma_wait3A_467 : memref<128x128xf32, #tpu.memory_space<hbm>>)
    %add3A_471 = arith.constant 197 : i32
    %add3A_472 = arith.addi %mul3A_2, %add3A_471 : i32
    %mul3A_473 = arith.constant 128 : i32
    %mul3A_474 = arith.muli %add3A_472, %mul3A_473 : i32
    %dma_wait3A_475 = arith.constant 128 : i32
    %dma_wait3A_476 = arith.constant 0 : i32
    %dma_wait3A_477 = tpu.memref_slice %arg7[%dma_wait3A_475, %dma_wait3A_476] : memref<512x128xf32, #tpu.memory_space<vmem>> -> memref<128x128xf32, #tpu.memory_space<vmem>>
    %dma_wait3A_478 = arith.constant 0 : i32
    %dma_wait3A_479 = tpu.memref_slice %arg4[%mul3A_474, %dma_wait3A_478] : memref<819200x128xf32, #tpu.memory_space<hbm>> -> memref<128x128xf32, #tpu.memory_space<hbm>>
    %dma_wait3A_480 = arith.constant 0 : i32
    %dma_wait3A_481 = tpu.memref_slice %arg4[%mul3A_474, %dma_wait3A_480] : memref<819200x128xf32, #tpu.memory_space<hbm>> -> memref<128x128xf32, #tpu.memory_space<hbm>>
    %dma_wait3A_482 = arith.constant 128 : i32
    %dma_wait3A_483 = arith.constant 0 : i32
    %dma_wait3A_484 = tpu.memref_slice %arg7[%dma_wait3A_482, %dma_wait3A_483] : memref<512x128xf32, #tpu.memory_space<vmem>> -> memref<128x128xf32, #tpu.memory_space<vmem>>
    tpu.wait_dma2 semaphore(%arg18 : memref<!tpu.dma_semaphore, #tpu.memory_space<semaphore_mem>>) src(%dma_wait3A_484 : memref<128x128xf32, #tpu.memory_space<vmem>>) dst(%dma_wait3A_481 : memref<128x128xf32, #tpu.memory_space<hbm>>)
    %add3A_485 = arith.constant 198 : i32
    %add3A_486 = arith.addi %mul3A_2, %add3A_485 : i32
    %mul3A_487 = arith.constant 128 : i32
    %mul3A_488 = arith.muli %add3A_486, %mul3A_487 : i32
    %dma_wait3A_489 = arith.constant 256 : i32
    %dma_wait3A_490 = arith.constant 0 : i32
    %dma_wait3A_491 = tpu.memref_slice %arg7[%dma_wait3A_489, %dma_wait3A_490] : memref<512x128xf32, #tpu.memory_space<vmem>> -> memref<128x128xf32, #tpu.memory_space<vmem>>
    %dma_wait3A_492 = arith.constant 0 : i32
    %dma_wait3A_493 = tpu.memref_slice %arg4[%mul3A_488, %dma_wait3A_492] : memref<819200x128xf32, #tpu.memory_space<hbm>> -> memref<128x128xf32, #tpu.memory_space<hbm>>
    %dma_wait3A_494 = arith.constant 0 : i32
    %dma_wait3A_495 = tpu.memref_slice %arg4[%mul3A_488, %dma_wait3A_494] : memref<819200x128xf32, #tpu.memory_space<hbm>> -> memref<128x128xf32, #tpu.memory_space<hbm>>
    %dma_wait3A_496 = arith.constant 256 : i32
    %dma_wait3A_497 = arith.constant 0 : i32
    %dma_wait3A_498 = tpu.memref_slice %arg7[%dma_wait3A_496, %dma_wait3A_497] : memref<512x128xf32, #tpu.memory_space<vmem>> -> memref<128x128xf32, #tpu.memory_space<vmem>>
    tpu.wait_dma2 semaphore(%arg19 : memref<!tpu.dma_semaphore, #tpu.memory_space<semaphore_mem>>) src(%dma_wait3A_498 : memref<128x128xf32, #tpu.memory_space<vmem>>) dst(%dma_wait3A_495 : memref<128x128xf32, #tpu.memory_space<hbm>>)
    %add3A_499 = arith.constant 199 : i32
    %add3A_500 = arith.addi %mul3A_2, %add3A_499 : i32
    %mul3A_501 = arith.constant 128 : i32
    %mul3A_502 = arith.muli %add3A_500, %mul3A_501 : i32
    %dma_wait3A_503 = arith.constant 384 : i32
    %dma_wait3A_504 = arith.constant 0 : i32
    %dma_wait3A_505 = tpu.memref_slice %arg7[%dma_wait3A_503, %dma_wait3A_504] : memref<512x128xf32, #tpu.memory_space<vmem>> -> memref<128x128xf32, #tpu.memory_space<vmem>>
    %dma_wait3A_506 = arith.constant 0 : i32
    %dma_wait3A_507 = tpu.memref_slice %arg4[%mul3A_502, %dma_wait3A_506] : memref<819200x128xf32, #tpu.memory_space<hbm>> -> memref<128x128xf32, #tpu.memory_space<hbm>>
    %dma_wait3A_508 = arith.constant 0 : i32
    %dma_wait3A_509 = tpu.memref_slice %arg4[%mul3A_502, %dma_wait3A_508] : memref<819200x128xf32, #tpu.memory_space<hbm>> -> memref<128x128xf32, #tpu.memory_space<hbm>>
    %dma_wait3A_510 = arith.constant 384 : i32
    %dma_wait3A_511 = arith.constant 0 : i32
    %dma_wait3A_512 = tpu.memref_slice %arg7[%dma_wait3A_510, %dma_wait3A_511] : memref<512x128xf32, #tpu.memory_space<vmem>> -> memref<128x128xf32, #tpu.memory_space<vmem>>
    tpu.wait_dma2 semaphore(%arg20 : memref<!tpu.dma_semaphore, #tpu.memory_space<semaphore_mem>>) src(%dma_wait3A_512 : memref<128x128xf32, #tpu.memory_space<vmem>>) dst(%dma_wait3A_509 : memref<128x128xf32, #tpu.memory_space<hbm>>)
    return
  }
}

</mosaic_0001>

<sc_bundles>
// kernel: _gather_rows.3.cloned.1.call-start
scs
__scs_entry_jumppad:
0x0: {  	(pc) =	sbr.rel $0x88, $3  }
0x1: {  	(tag) =	ssettag $0x0;
	lr =	simm.s32 $0x1  }
0x2: {  	[smem:$0x3F9F] =	sst lr;
	_ =	strace $0xD0000000  }
0x3: {  	_ = 	snop  }
0x4: {  	_ = 	snop  }
0x5: {  	_ = 	snop  }
0x6: {  	_ = 	snop  }
0x7: {  	_ = 	snop  }
__scs_overlays_trampoline_lowered:
0x8: {  	[smem:$0x3FAE] =	sst s0  }
0x9: {  	[smem:$0x3FAF] =	sst s1  }
0xa: {  	[smem:$0x3FB0] =	sst s2  }
0xb: {  	[smem:$0x3FB1] =	sst s3  }
0xc: {  	[smem:$0x3FB2] =	sst s4  }
0xd: {  	[smem:$0x3FB3] =	sst s5  }
0xe: {  	[smem:$0x3FB4] =	sst s6  }
0xf: {  	[smem:$0x3FB5] =	sst s7  }
0x10: {  	[smem:$0x3FB6] =	sst s8  }
0x11: {  	[smem:$0x3FB7] =	sst s9;
	s0 =	simm.s32 @!p0 $0x0  }
0x12: {  	s1 =	sld [smem:$0x3F9D];
	s0 =	simm.s32 @p0 $0x1  }
0x13: {  	[smem:$0x3FB8] =	sst s0;
	s0 =	simm.s32 @!p1 $0x0  }
0x14: {  	s2 =	sld [smem:$0x3F9C];
	s0 =	simm.s32 @p1 $0x1  }
0x15: {  	[smem:$0x3FB9] =	sst s0;
	s0 =	simm.s32 @!p2 $0x0  }
0x16: {  	s3 =	sld [smem:$0x3FDB];
	s0 =	simm.s32 @p2 $0x1  }
0x17: {  	s4 =	simm.s32 $0x1BF5;
	[smem:$0x3FBB] =	sst s0  }
0x18: {  	s0 =	sld [smem:$0x3F9E];
	_ =	swait.ge [sflag:s4], $0x0  }
0x19: {  	s7 =	sld [smem:$0x3F9F]  }
0x1a: {  	s8 =	sadd.s32 $0xFFFFE003, lr  }
0x1b: {  	s9 =	sadd.s32 $0xFFFFFEF7, lr;
	s5 =	simm.s32 $0xFFFFFFFF;
	p2 =	slt.u32 s8, $0xFFFFF086  }
0x1c: {  	p1 =	slt.u32 s9, $0xF7A;
	s5 =	simm.s32 @!p2 $0x0  }
0x1d: {  	s5 =	simm.s32 @p1 $0x1;
	p0 =	seq.s32 s7, s2  }
0x1e: {  	s7 =	smul.u32 @!p0 $0xF7A, s2;
	p2 =	seq.s32 @!p0 s5, $0x0  }
0x1f: {  	s9 =	smul.u32 $0xF7A, s1;
	s8 =	simm.s32 @!p0 $0x1BF5;
	p2 =	por !p2, p0  }
0x20: {  	[sflag:s8] =	ssyncset.s32 @!p0 $0xFFFFF086;
	s6 =	sadd.s32 @!p0 s3, s7;
	s7 =	simm.s32 @!p0 $0x108  }
0x21: {  	s3 =	sadd.s32 s3, s9;
	s6 =	sadd.s32 @!p0 $0x88, s6;
	s7 =	simm.s32 @p2 $0x1082  }
0x22: {  	[simem:s7], [sflag:s8] =	dma.local @!p0 [hbm:s6], $0xF7A  }
0x23: {  	s9 =	sor.u32 $0xD0000000, s2;
	s6 =	simm.s32 $0x108;
	_ =	swait.ge @!p0 [sflag:s8], $0x0  }
0x24: {  	s3 =	sadd.s32 $0x88, s3;
	s6 =	simm.s32 @!p1 $0x1082;
	[sflag:s4] =	ssyncset.s32 $0xFFFFF086  }
0x25: {  	[simem:s6], [sflag:s4] =	dma.local [hbm:s3], $0xF7A  }
0x26: {  	[smem:$0x3F9F] =	sst s1;
	(tag) =	ssettag s2;
	_ =	strace s9  }
0x27: {  	s1 =	sld [smem:$0x3FAF]  }
0x28: {  	s2 =	sld [smem:$0x3FB0]  }
0x29: {  	s4 =	sld [smem:$0x3FB2]  }
0x2a: {  	p0 =	seq.s32 s5, $0x0;
	s5 =	sld [smem:$0x3FB3]  }
0x2b: {  	s6 =	sld [smem:$0x3FB4]  }
0x2c: {  	s7 =	sld [smem:$0x3FB5]  }
0x2d: {  	s3 =	simm.s32 $0x108;
	s8 =	sld [smem:$0x3FB6]  }
0x2e: {  	s3 =	simm.s32 @!p0 $0x1082;
	s9 =	sld [smem:$0x3FB7]  }
0x2f: {  	lr =	sadd.s32 s0, s3;
	s0 =	sld [smem:$0x3FAE]  }
0x30: {  	s3 =	sld [smem:$0x3FB1]  }
0x31: {  	[smem:$0x3FBA] =	sst s10  }
0x32: {  	s10 =	sld [smem:$0x3FB8];
	_ =	sdelay $0x3  }
0x33: {  	p0 =	seq.s32 s10, $0x1;
	s10 =	sld [smem:$0x3FBA];
	_ =	sdelay $0x3  }
0x34: {  	[smem:$0x3FBA] =	sst s10  }
0x35: {  	s10 =	sld [smem:$0x3FB9];
	_ =	sdelay $0x3  }
0x36: {  	p1 =	seq.s32 s10, $0x1;
	s10 =	sld [smem:$0x3FBA];
	_ =	sdelay $0x3  }
0x37: {  	[smem:$0x3FBA] =	sst s10  }
0x38: {  	s10 =	sld [smem:$0x3FBB]  }
0x39: {  	_ = 	snop;
	(pc) =	sbr.ind lr, $3  }
0x3a: {  	_ = 	snop  }
0x3b: {  	_ = 	snop  }
0x3c: {  	p2 =	seq.s32 s10, $0x1;
	s10 =	sld [smem:$0x3FBA]  }
0x3d: {  	_ =	shalt  }
0x3e: {  	_ =	shalt  }
0x3f: {  	_ =	shalt  }
0x40: {  	_ =	shalt  }
0x41: {  	_ =	shalt  }
0x42: {  	_ =	shalt  }
0x43: {  	_ =	shalt  }
0x44: {  	_ =	shalt  }
0x45: {  	_ =	shalt  }
0x46: {  	_ =	shalt  }
0x47: {  	_ =	shalt  }
0x48: {  	_ =	shalt  }
0x49: {  	_ =	shalt  }
0x4a: {  	_ =	shalt  }
0x4b: {  	_ =	shalt  }
0x4c: {  	_ =	shalt  }
0x4d: {  	_ =	shalt  }
0x4e: {  	_ =	shalt  }
0x4f: {  	_ =	shalt  }
0x50: {  	_ =	shalt  }
0x51: {  	_ =	shalt  }
0x52: {  	_ =	shalt  }
0x53: {  	_ =	shalt  }
0x54: {  	_ =	shalt  }
0x55: {  	_ =	shalt  }
0x56: {  	_ =	shalt  }
0x57: {  	_ =	shalt  }
0x58: {  	_ =	shalt  }
0x59: {  	_ =	shalt  }
0x5a: {  	_ =	shalt  }
0x5b: {  	_ =	shalt  }
0x5c: {  	_ =	shalt  }
0x5d: {  	_ =	shalt  }
0x5e: {  	_ =	shalt  }
0x5f: {  	_ =	shalt  }
0x60: {  	_ =	shalt  }
0x61: {  	_ =	shalt  }
0x62: {  	_ =	shalt  }
0x63: {  	_ =	shalt  }
0x64: {  	_ =	shalt  }
0x65: {  	_ =	shalt  }
0x66: {  	_ =	shalt  }
0x67: {  	_ =	shalt  }
0x68: {  	_ =	shalt  }
0x69: {  	_ =	shalt  }
0x6a: {  	_ =	shalt  }
0x6b: {  	_ =	shalt  }
0x6c: {  	_ =	shalt  }
0x6d: {  	_ =	shalt  }
0x6e: {  	_ =	shalt  }
0x6f: {  	_ =	shalt  }
0x70: {  	_ =	shalt  }
0x71: {  	_ =	shalt  }
0x72: {  	_ =	shalt  }
0x73: {  	_ =	shalt  }
0x74: {  	_ =	shalt  }
0x75: {  	_ =	shalt  }
0x76: {  	_ =	shalt  }
0x77: {  	_ =	shalt  }
0x78: {  	_ =	shalt  }
0x79: {  	_ =	shalt  }
0x7a: {  	_ =	shalt  }
0x7b: {  	_ =	shalt  }
0x7c: {  	_ =	shalt  }
0x7d: {  	_ =	shalt  }
0x7e: {  	_ =	shalt  }
0x7f: {  	_ =	shalt  }
0x80: {  	_ =	shalt  }
0x81: {  	_ =	shalt  }
0x82: {  	_ =	shalt  }
0x83: {  	_ =	shalt  }
0x84: {  	_ =	shalt  }
0x85: {  	_ =	shalt  }
0x86: {  	_ =	shalt  }
0x87: {  	_ =	shalt  }
.Lfunc_end0:
.L_simem_size_0:
called_computation_lowered:
.L_overlay_start_0:
0x88: {  	s2 =	sld [smem:$0x3FD9]  }
0x89: {  	s3 =	sld [smem:$0x3FFE];
	_ =	sdelay $0x1  }
0x8a: {  	s1 =	srdreg.scid  }
0x8b: {  	s0 =	sand.u32 $0x1, s1  }
0x8c: {  	s18 =	sshll.u32 s0, $0xA;
	s2 =	sadd.s32 s3, s2  }
0x8d: {  	s2 =	sadd.s32 s2, s18  }
0x8e: {  	[smem:$0x3FC6] =	sst s2  }
0x8f: {  	_ = 	snop  }
0x90: {  	s2 =	sld [smem:$0x3FC9]  }
0x91: {  	s19 =	sld [smem:$0x3FC8]  }
0x92: {  	s4 =	sld [smem:$0x3FD0];
	(tm) =	ssettm $0x1  }
0x93: {  	s5 =	sld [smem:$0x3FFB];
	_ =	sdelay $0x3  }
0x94: {  	_ =	strace s5  }
0x95: {  	s5 =	sld [smem:$0x3FFC];
	_ =	sdelay $0x3  }
0x96: {  	_ =	strace s5  }
0x97: {  	s5 =	sld [smem:$0x3FFD];
	_ =	sdelay $0x3  }
0x98: {  	_ =	strace s5  }
0x99: {  	_ =	strace $0x8FFFFFFF  }
0x9a: {  	s20 =	sld [smem:$0x3FDB];
	_ =	sdelay $0x1  }
0x9b: {  	s6 =	simm.s32 $_scs_section_size  }
0x9c: {  	s7 =	simm.s32 $_size__tile_overlayer_lowered;
	s8 =	simm.s32 $_tile_overlayer_lowered  }
0x9d: {  	s23 =	simm.s32 $0x1BFF;
	s22 =	sshll.u32 s8, $0x1;
	s5 =	sadd.s32 s6, s20  }
0x9e: {  	s9 =	simm.s32 $0x0;
	s21 =	sshll.u32 s7, $0x1;
	s7 =	sadd.s32 s22, s5  }
0x9f: {  	[timem:s9], [sflag:s23] =	dma.local [hbm:s7], s21  }
0xa0: {  	_ =	swait.ge [sflag:s23], s21  }
0xa1: {  	s6 =	ssub.s32 $0x0, s21;
	[sflag:s23] =	ssyncset.done $0x0  }
0xa2: {  	[sflag:s23] =	ssyncadd.s32 s6;
	_ =	sdelay $0x1  }
0xa3: {  	s24 =	simm.s32 $0x1B8B  }
0xa4: {  	_ =	swait.ge [sflag:s24], $0x1  }
0xa5: {  	[sflag:s24] =	ssyncset.done $0x0  }
0xa6: {  	s25 =	simm.s32 $0x1B8E;
	[sflag:s24] =	ssyncadd.s32 $0xFFFFFFFF  }
0xa7: {  	s26 =	simm.s32 $execute0_lowered;
	[smem:$0x3FD2] =	sst s25  }
0xa8: {  	s6 =	sshll.u32 s26, $0x1;
	_ =	strace $0x80000046;
	[dreg:$0x1] =	wrdreg $0xFFFFFFFF  }
0xa9: {  	s28 =	simm.s32 $_size_execute0_lowered;
	s5 =	sadd.s32 s5, s6;
	[dreg:$0x0] =	wrdreg $0x0  }
0xaa: {  	s6 =	sshll.u32 s28, $0x1;
	[dreg:$0x2] =	wrdreg s5  }
0xab: {  	[dreg:$0x3] =	wrdreg s6  }
0xac: {  	[dreg:$0x4] =	wrdreg $0xC0  }
0xad: {  	_ =	task [dreg:s9], $0x5FFFF  }
0xae: {  	[dreg:$0x1] =	wrdreg $0xFFFFFFFF  }
0xaf: {  	[dreg:$0x0] =	wrdreg $0x60  }
0xb0: {  	[dreg:$0x2] =	wrdreg s2  }
0xb1: {  	[dreg:$0x3] =	wrdreg s19  }
0xb2: {  	[dreg:$0x4] =	wrdreg s4  }
0xb3: {  	[dreg:$0x5] =	wrdreg $0x104000  }
0xb4: {  	[dreg:$0x6] =	wrdreg $0x9  }
0xb5: {  	_ =	task.clear_ibuf [dreg:s9], $0x7FFFF;
	_ =	strace $0x90000046  }
0xb6: {  	s29 =	simm.s32 $0x9;
	_ =	strace $0x80000048  }
0xb7: {  	_ =	swait.ge [sflag:s29], $0x1  }
0xb8: {  	[sflag:s29] =	ssyncadd.s32 $0xFFFFFFFF  }
0xb9: {  	_ =	strace $0x90000048  }
0xba: {  	_ =	sfence  }
0xbb: {  	s30 =	sld [smem:$0x0];
	_ =	sdelay $0x2  }
0xbc: {  	s31 =	sshll.u32 s1, $0xD;
	s1 =	sshrl.u32 s1, $0x2  }
0xbd: {  	s3 =	sand.u32 $0x4000, s31;
	s1 =	sadd.s32 s1, s30  }
0xbe: {  	s0 =	sor.u32 s3, s0;
	s1 =	sshll.u32 s1, $0x11  }
0xbf: {  	s0 =	sor.u32 s1, s0  }
0xc0: {  	s0 =	sadd.s32 $0x8F2B, s0  }
0xc1: {  	[sflag:s0] =	ssyncadd.remote.s32 $0x1  }
0xc2: {  	_ =	sfence.sel $0xFFFF  }
0xc3: {  	[dreg:$0x0] =	wrdreg $0xFFFFFFFF;
	(pc) =	sbr.abs _section_cstart, $3  }
0xc4: {  	[dreg:$0x1] =	wrdreg $0xFFFFFFFF  }
0xc5: {  	_ =	task.clear_ibuf [dreg:s9], $0x2FFFF;
	_ =	strace $0x9FFFFFFF  }
0xc6: {  	(tm) =	ssettm $0x7FFFFFFF  }
0xc7: {  	_ =	shalt  }
tec
execute0_lowered:
.L_overlay_start_1:
0x0: {  	(tag) =	ssettag $0x1  }
0x1: {  	s1 =	rddreg [dreg:$0x0]  }
0x2: {  	s2 =	rddreg [dreg:$0x1]  }
0x3: {  	s3 =	rddreg [dreg:$0x2]  }
0x4: {  	s4 =	rddreg [dreg:$0x3]  }
0x5: {  	s0 =	simm.s32 $0x0;
	s19 =	srdreg.scid;
	s10 =	stileid.u32  }
0x6: {  	[smem:$0x7FF] =	sst s0;
	s0 =	sand.u32 $0x1, s19;
	s7 =	smul.u32 $0x3F000, s10  }
0x7: {  	s6 =	sshll.u32 s10, $0x1;
	s20 =	smul.u32 $0x1F80, s10;
	s23 =	sshll.u32 s10, $0x6  }
0x8: {  	_ =	strace $0x80000047;
	s5 =	ssub.s32 $0x2, s0;
	s0 =	sor.u32 s0, s6  }
0x9: {  	s24 =	sor.u32 $0x1C0E, s23;
	s21 =	sshrl.u32 s7, $0x2;
	s9 =	smul.u32 $0xC80, s0  }
0xa: {  	s7 =	smul.u32 $0xC8, s0;
	s6 =	sadd.s32 s2, s20;
	[dreg:$0x6] =	wrdreg s24  }
0xb: {  	[dreg:$0x5] =	wrdreg s6;
	s25 =	sadd.s32 s1, s9  }
0xc: {  	s8 =	sshrl.u32 s5, $0x1;
	s29 =	sor.u32 $0x1, s7;
	[dreg:$0x7] =	wrdreg s25  }
0xd: {  	s5 =	ssub.s32 s5, s8;
	s31 =	sor.u32 $0x2, s7;
	[dreg:$0xb] =	wrdreg s29  }
0xe: {  	s22 =	sadd.s32 s21, s4;
	s5 =	smax.u32 s5, $0x1;
	[dreg:$0xc] =	wrdreg s31  }
.Ltmp0:
0xf: {  	s0 =	sshrl.u32 s22, $0x3;
	[dreg:$0xd] =	wrdreg s5;
	(pc) =	sbr.rel .LBB2_1-.Ltmp0, $4  }
0x10: {  	s26 =	sadd.s32 $0x10, s25;
	[dreg:$0xe] =	wrdreg s0  }
0x11: {  	s28 =	sadd.s32 $0x20, s25;
	[dreg:$0x8] =	wrdreg s26  }
0x12: {  	s30 =	simm.s32 $0xC400;
	s6 =	sadd.s32 $0x30, s25;
	[dreg:$0x9] =	wrdreg s28  }
0x13: {  	s23 =	simm.s32 $0xD;
	[dreg:$0xa] =	wrdreg s6;
	s6 =	simm.s32 $0x0  }
.LBB2_37:
0x14: {  	s0 =	simm.s32 $0x9  }
0x15: {  	_ =	swait.ge [sflag:s0], $0x4000  }
0x16: {  	[sflag:s0] =	ssyncset.done $0x0  }
0x17: {  	s28 =	simm.s32 $0xA;
	[sflag:s0] =	ssyncadd.s32 $0xFFFFC000  }
0x18: {  	_ =	swait.ge [sflag:s28], $0x4000  }
0x19: {  	[sflag:s28] =	ssyncset.done $0x0  }
0x1a: {  	s29 =	simm.s32 $0xB;
	[sflag:s28] =	ssyncadd.s32 $0xFFFFC000  }
0x1b: {  	_ =	swait.ge [sflag:s29], $0x4000  }
0x1c: {  	[sflag:s29] =	ssyncset.done $0x0  }
0x1d: {  	s5 =	simm.s32 $0xC;
	[sflag:s29] =	ssyncadd.s32 $0xFFFFC000  }
0x1e: {  	_ =	swait.ge [sflag:s5], $0x4000  }
0x1f: {  	s6 =	rddreg [dreg:$0xf]  }
0x20: {  	s31 =	rddreg [dreg:$0xd];
	s6 =	sadd.s32 $0x1, s6  }
0x21: {  	p0 =	sne.s32 s6, s31  }
.Ltmp1:
0x22: {  	_ = 	snop;
	(pc) =	sbr.rel @!p0 .LBB2_38-.Ltmp1, $3  }
0x23: {  	_ =	sdelay $0x1  }
0x24: {  	[sflag:s5] =	ssyncset.done $0x0  }
0x25: {  	[sflag:s5] =	ssyncadd.s32 $0xFFFFC000  }
.LBB2_1:
0x26: {  	[dreg:$0xf] =	wrdreg s6  }
0x27: {  	s0 =	rddreg [dreg:$0x5]  }
0x28: {  	s5 =	rddreg [dreg:$0x6]  }
0x29: {  	s11 =	rddreg [dreg:$0xe];
	s12 =	simm.s32 $0xE  }
0x2a: {  	[spmem:s11], [sflag:s5] =	dma.local [hbm:s0], $0x1F80  }
0x2b: {  	_ =	swait.ge [sflag:s12], $0x1F80  }
0x2c: {  	[sflag:s12] =	ssyncset.done $0x0  }
0x2d: {  	[sflag:s12] =	ssyncadd.s32 $0xFFFFE080  }
0x2e: {  	[bflag:$0x0] =	sbarrier.arrive $0xFFFF  }
0x2f: {  	s13 =	simm.s32 $0x0;
	s14 =	rddreg [dreg:$0x7]  }
0x30: {  	[tilespmem:s13], [sflag:$0x1] =	stream.linear.gather [hbm4b:s14+s13], $0x80, $0x38;
	v63 =	vld [tilespmem:$0x0]  }
0x31: {  	s16 =	simm.s32 $0x80;
	s15 =	rddreg [dreg:$0x8]  }
0x32: {  	[tilespmem:s16], [sflag:$0x2] =	stream.linear.gather [hbm4b:s15+s13], $0x80, $0x38;
	v63 =	vld [tilespmem:$0x0]  }
0x33: {  	s8 =	simm.s32 $0x100;
	s17 =	rddreg [dreg:$0x9]  }
0x34: {  	[tilespmem:s8], [sflag:$0x3] =	stream.linear.gather [hbm4b:s17+s13], $0x80, $0x38;
	v63 =	vld [tilespmem:$0x0]  }
0x35: {  	s19 =	simm.s32 $0x180;
	s20 =	simm.s32 $0x1;
	s18 =	rddreg [dreg:$0xa]  }
0x36: {  	[tilespmem:s19], [sflag:$0x4] =	stream.linear.gather [hbm4b:s18+s13], $0x80, $0x38;
	v63 =	vld [tilespmem:$0x0]  }
0x37: {  	_ =	swait.ge [sflag:s20], $0x80  }
0x38: {  	[sflag:s20] =	ssyncset.done $0x0  }
0x39: {  	[sflag:s20] =	ssyncadd.s32 $0xFFFFFF80  }
0x3a: {  	v0 =	vld [tilespmem:$0x0]  }
0x3b: {  	v1 =	vld [tilespmem:$0x10]  }
0x3c: {  	v2 =	vld [tilespmem:$0x20]  }
0x3d: {  	v3 =	vld [tilespmem:$0x30]  }
0x3e: {  	v4 =	vld [tilespmem:$0x40]  }
0x3f: {  	v5 =	vld [tilespmem:$0x50];
	vm0 =	vlt.s32 v0, $0x1F7F  }
0x40: {  	v6 =	vld [tilespmem:$0x60];
	vm5 =	vlt.s32 v1, $0x1F7F;
	v0 =	vnsel vm0, $0x1F7F, v0  }
0x41: {  	v26 =	vld [tilespmem:$0x70];
	vm6 =	vlt.s32 v2, $0x1F7F;
	v25 =	vnsel vm5, $0x1F7F, v1;
	[tilespmem:$0x200] =	vst v0  }
0x42: {  	vm7 =	vlt.s32 v3, $0x1F7F;
	v27 =	vnsel vm6, $0x1F7F, v2;
	[tilespmem:$0x210] =	vst v25  }
0x43: {  	vm8 =	vlt.s32 v4, $0x1F7F;
	v28 =	vnsel vm7, $0x1F7F, v3;
	[tilespmem:$0x220] =	vst v27  }
0x44: {  	vm9 =	vlt.s32 v5, $0x1F7F;
	v29 =	vnsel vm8, $0x1F7F, v4;
	[tilespmem:$0x230] =	vst v28  }
0x45: {  	vm10 =	vlt.s32 v6, $0x1F7F;
	v30 =	vnsel vm9, $0x1F7F, v5;
	[tilespmem:$0x240] =	vst v29  }
0x46: {  	vm11 =	vlt.s32 v26, $0x1F7F;
	v31 =	vnsel vm10, $0x1F7F, v6;
	[tilespmem:$0x250] =	vst v30  }
0x47: {  	v32 =	vnsel vm11, $0x1F7F, v26;
	[tilespmem:$0x260] =	vst v31  }
0x48: {  	s21 =	simm.s32 $0x200;
	s22 =	simm.s32 $0x400;
	s24 =	simm.s32 $0x2;
	[tilespmem:$0x270] =	vst v32  }
0x49: {  	[tilespmem:s22], [sflag:$0x5] =	stream.indirect.gather [spmem:s4], $0x80, s21, s16, $0xb8;
	v63 =	vld [tilespmem:$0x0]  }
0x4a: {  	_ =	swait.ge [sflag:s24], $0x80  }
0x4b: {  	[sflag:s24] =	ssyncset.done $0x0  }
0x4c: {  	[sflag:s24] =	ssyncadd.s32 $0xFFFFFF80  }
0x4d: {  	v33 =	vld [tilespmem:$0x80]  }
0x4e: {  	v34 =	vld [tilespmem:$0x90]  }
0x4f: {  	v35 =	vld [tilespmem:$0xA0]  }
0x50: {  	v36 =	vld [tilespmem:$0xB0]  }
0x51: {  	v37 =	vld [tilespmem:$0xC0]  }
0x52: {  	v38 =	vld [tilespmem:$0xD0];
	vm12 =	vlt.s32 v33, $0x1F7F  }
0x53: {  	v39 =	vld [tilespmem:$0xE0];
	vm13 =	vlt.s32 v34, $0x1F7F;
	v0 =	vnsel vm12, $0x1F7F, v33  }
0x54: {  	v41 =	vld [tilespmem:$0xF0];
	vm14 =	vlt.s32 v35, $0x1F7F;
	v40 =	vnsel vm13, $0x1F7F, v34;
	[tilespmem:$0x280] =	vst v0  }
0x55: {  	vm15 =	vlt.s32 v36, $0x1F7F;
	v42 =	vnsel vm14, $0x1F7F, v35;
	[tilespmem:$0x290] =	vst v40  }
0x56: {  	vm4 =	vlt.s32 v37, $0x1F7F;
	v43 =	vnsel vm15, $0x1F7F, v36;
	[tilespmem:$0x2A0] =	vst v42  }
0x57: {  	vm5 =	vlt.s32 v38, $0x1F7F;
	v44 =	vnsel vm4, $0x1F7F, v37;
	[tilespmem:$0x2B0] =	vst v43  }
0x58: {  	vm6 =	vlt.s32 v39, $0x1F7F;
	v45 =	vnsel vm5, $0x1F7F, v38;
	[tilespmem:$0x2C0] =	vst v44  }
0x59: {  	vm7 =	vlt.s32 v41, $0x1F7F;
	v46 =	vnsel vm6, $0x1F7F, v39;
	[tilespmem:$0x2D0] =	vst v45  }
0x5a: {  	v47 =	vnsel vm7, $0x1F7F, v41;
	[tilespmem:$0x2E0] =	vst v46  }
0x5b: {  	s25 =	simm.s32 $0x280;
	s26 =	simm.s32 $0x4400;
	s28 =	simm.s32 $0x3;
	[tilespmem:$0x2F0] =	vst v47  }
0x5c: {  	[tilespmem:s26], [sflag:$0x6] =	stream.indirect.gather [spmem:s4], $0x80, s25, s16, $0xb8;
	v63 =	vld [tilespmem:$0x0]  }
0x5d: {  	_ =	swait.ge [sflag:s28], $0x80  }
0x5e: {  	[sflag:s28] =	ssyncset.done $0x0  }
0x5f: {  	[sflag:s28] =	ssyncadd.s32 $0xFFFFFF80  }
0x60: {  	v48 =	vld [tilespmem:$0x100]  }
0x61: {  	v49 =	vld [tilespmem:$0x110]  }
0x62: {  	v50 =	vld [tilespmem:$0x120]  }
0x63: {  	v51 =	vld [tilespmem:$0x130]  }
0x64: {  	v52 =	vld [tilespmem:$0x140]  }
0x65: {  	v53 =	vld [tilespmem:$0x150];
	vm8 =	vlt.s32 v48, $0x1F7F  }
0x66: {  	v54 =	vld [tilespmem:$0x160];
	vm9 =	vlt.s32 v49, $0x1F7F;
	v0 =	vnsel vm8, $0x1F7F, v48  }
0x67: {  	v56 =	vld [tilespmem:$0x170];
	vm10 =	vlt.s32 v50, $0x1F7F;
	v55 =	vnsel vm9, $0x1F7F, v49;
	[tilespmem:$0x300] =	vst v0  }
0x68: {  	vm11 =	vlt.s32 v51, $0x1F7F;
	v57 =	vnsel vm10, $0x1F7F, v50;
	[tilespmem:$0x310] =	vst v55  }
0x69: {  	vm12 =	vlt.s32 v52, $0x1F7F;
	v58 =	vnsel vm11, $0x1F7F, v51;
	[tilespmem:$0x320] =	vst v57  }
0x6a: {  	vm13 =	vlt.s32 v53, $0x1F7F;
	v59 =	vnsel vm12, $0x1F7F, v52;
	[tilespmem:$0x330] =	vst v58  }
.Ltmp2:
0x6b: {  	vm14 =	vlt.s32 v54, $0x1F7F;
	v60 =	vnsel vm13, $0x1F7F, v53;
	[tilespmem:$0x340] =	vst v59;
	(pc) =	sbr.rel .LBB2_2-.Ltmp2, $4  }
0x6c: {  	vm15 =	vlt.s32 v56, $0x1F7F;
	v61 =	vnsel vm14, $0x1F7F, v54;
	[tilespmem:$0x350] =	vst v60  }
0x6d: {  	v62 =	vnsel vm15, $0x1F7F, v56;
	[tilespmem:$0x360] =	vst v61  }
0x6e: {  	s29 =	simm.s32 $0x300;
	s31 =	simm.s32 $0x8400;
	s17 =	simm.s32 $0x0;
	[tilespmem:$0x370] =	vst v62  }
0x6f: {  	[tilespmem:s31], [sflag:$0x7] =	stream.indirect.gather [spmem:s4], $0x80, s29, s16, $0xb8;
	v63 =	vld [tilespmem:$0x0]  }
.LBB2_35:
0x70: {  	[sflag:s23] =	ssyncadd.s32 $0xFFFFFF80  }
.LBB2_36:
0x71: {  	s17 =	sadd.s32 $0x1, s17  }
0x72: {  	p0 =	sne.s32 s17, $0x32  }
.Ltmp3:
0x73: {  	s0 =	sadd.s32 s7, s10;
	(pc) =	sbr.rel @!p0 .LBB2_37-.Ltmp3, $4  }
0x74: {  	s0 =	sshll.u32 s0, $0xB  }
0x75: {  	s0 =	sand.u32 $0x1FFFF800, s0  }
0x76: {  	s5 =	simm.s32 $0x0;
	s0 =	sadd.s32 s3, s0  }
0x77: {  	[hbm4b:s0+s5] =	stream.linear.scatter [tilespmem:s30], [sflag:$0xC], $0x4000, $0x38;
	v63 =	vld [tilespmem:$0x0]  }
.LBB2_2:
.Ltmp4:
0x78: {  	(pc) =	sbr.rel .LBB2_3-.Ltmp4, $4  }
0x79: {  	s0 =	simm.s32 $0x5  }
0x7a: {  	_ =	swait.ge [sflag:s0], $0x4000  }
0x7b: {  	s10 =	simm.s32 $0x0;
	[sflag:s0] =	ssyncset.done $0x0  }
0x7c: {  	s18 =	simm.s32 $0x0;
	s22 =	simm.s32 $0x0;
	[sflag:s0] =	ssyncadd.s32 $0xFFFFC000  }
.LBB2_5:
0x7d: {  	s18 =	sadd.s32 $0x2000, s18  }
0x7e: {  	p0 =	sne.s32 s18, $0x10000  }
.Ltmp5:
0x7f: {  	_ = 	snop;
	(pc) =	sbr.rel @!p0 .LBB2_6-.Ltmp5, $2  }
0x80: {  	_ =	sdelay $0x2  }
0x81: {  	s22 =	sadd.s32 s22, s25;
	s10 =	sadd.s32 $0x10, s10  }
.LBB2_3:
0x82: {  	v0 =	vld [tilespmem:s10+$0x0];
	_ =	sdelay $0x4  }
0x83: {  	(v2sf) =	vpush v0, $0x0  }
0x84: {  	(v2sf) =	vpush v0, $0x1  }
0x85: {  	(v2sf) =	vpush v0, $0x2  }
0x86: {  	(v2sf) =	vpush v0, $0x3  }
0x87: {  	(v2sf) =	vpush v0, $0x4;
	_ =	sdelay $0x1  }
0x88: {  	(v2sf) =	vpush v0, $0x5  }
0x89: {  	(v2sf) =	vpush v0, $0x6;
	_ =	sdelay $0x1  }
0x8a: {  	(v2sf) =	vpush v0, $0x7;
	_ =	sdelay $0x1  }
0x8b: {  	(v2sf) =	vpush v0, $0x8  }
0x8c: {  	(v2sf) =	vpush v0, $0x9;
	_ =	sdelay $0x1  }
0x8d: {  	s6 =	simm.s32 $0x1;
	s9 =	simm.s32 $0x1;
	s11 =	simm.s32 $0x1;
	(v2sf) =	vpush v0, $0xA  }
0x8e: {  	s16 =	simm.s32 $0x1;
	s24 =	simm.s32 $0x1;
	s5 =	spop (v2sf)  }
0x8f: {  	s25 =	simm.s32 $0x1;
	(v2sf) =	vpush v0, $0xB;
	s0 =	spop (v2sf);
	p0 =	sgt.s32 s5, $0x1F7F  }
0x90: {  	(v2sf) =	vpush v0, $0xC;
	s21 =	spop (v2sf);
	s6 =	simm.s32 @!p0 $0x0;
	p0 =	sgt.s32 s0, $0x1F7F  }
0x91: {  	s26 =	simm.s32 $0x1;
	s13 =	spop (v2sf);
	s9 =	simm.s32 @!p0 $0x0  }
0x92: {  	(v2sf) =	vpush v0, $0xD;
	p0 =	sgt.s32 s21, $0x1F7F;
	s15 =	spop (v2sf);
	s6 =	sadd.s32 s9, s6  }
0x93: {  	s11 =	simm.s32 @!p0 $0x0;
	p0 =	sgt.s32 s13, $0x1F7F;
	s9 =	simm.s32 $0x1  }
0x94: {  	s14 =	spop (v2sf);
	s6 =	sadd.s32 s11, s6;
	s9 =	simm.s32 @!p0 $0x0  }
0x95: {  	(v2sf) =	vpush v0, $0xE;
	p0 =	sgt.s32 s15, $0x1F7F;
	s11 =	simm.s32 $0x1;
	s19 =	spop (v2sf)  }
0x96: {  	(v2sf) =	vpush v0, $0xF;
	s12 =	sadd.s32 s9, s6;
	s11 =	simm.s32 @!p0 $0x0;
	p0 =	sgt.s32 s14, $0x1F7F  }
0x97: {  	s28 =	spop (v2sf);
	s11 =	sadd.s32 s11, s12;
	s16 =	simm.s32 @!p0 $0x0  }
0x98: {  	p0 =	sgt.s32 s19, $0x1F7F;
	s12 =	sadd.s32 s16, s11;
	s16 =	simm.s32 $0x1  }
0x99: {  	s6 =	spop (v2sf);
	s16 =	simm.s32 @!p0 $0x0;
	p0 =	sgt.s32 s28, $0x1F7F  }
0x9a: {  	s20 =	spop (v2sf);
	s12 =	sadd.s32 s16, s12;
	s24 =	simm.s32 @!p0 $0x0  }
0x9b: {  	p0 =	sgt.s32 s6, $0x1F7F;
	s16 =	sadd.s32 s24, s12;
	s24 =	simm.s32 $0x1  }
0x9c: {  	s9 =	spop (v2sf);
	s24 =	simm.s32 @!p0 $0x0;
	p0 =	sgt.s32 s20, $0x1F7F  }
0x9d: {  	s16 =	sadd.s32 s24, s16;
	s25 =	simm.s32 @!p0 $0x0;
	p0 =	sgt.s32 s9, $0x1F7F  }
0x9e: {  	s24 =	sadd.s32 s25, s16;
	s25 =	simm.s32 $0x1;
	s11 =	spop (v2sf)  }
0x9f: {  	s25 =	simm.s32 @!p0 $0x0;
	s12 =	spop (v2sf);
	p0 =	sgt.s32 s11, $0x1F7F  }
0xa0: {  	s24 =	sadd.s32 s25, s24;
	s25 =	simm.s32 $0x1;
	s26 =	simm.s32 @!p0 $0x0  }
0xa1: {  	s16 =	spop (v2sf);
	p0 =	sgt.s32 s12, $0x1F7F;
	s24 =	sadd.s32 s26, s24  }
0xa2: {  	s25 =	simm.s32 @!p0 $0x0;
	p0 =	sgt.s32 s16, $0x1F7F;
	s26 =	simm.s32 $0x1  }
0xa3: {  	s25 =	sadd.s32 s25, s24;
	s26 =	simm.s32 @!p0 $0x0  }
0xa4: {  	s24 =	spop (v2sf);
	s25 =	sadd.s32 s26, s25  }
0xa5: {  	p0 =	sgt.s32 s24, $0x1F7F;
	s26 =	simm.s32 $0x1;
	s29 =	spop (v2sf)  }
0xa6: {  	s31 =	simm.s32 $0x1;
	s26 =	simm.s32 @!p0 $0x0;
	p0 =	sgt.s32 s29, $0x1F7F  }
0xa7: {  	s25 =	sadd.s32 s26, s25;
	s31 =	simm.s32 @!p0 $0x0  }
0xa8: {  	s25 =	sadd.s32 s31, s25  }
0xa9: {  	p0 =	seq.s32 s25, $0x0  }
.Ltmp6:
0xaa: {  	_ = 	snop;
	(pc) =	sbr.rel @p0 .LBB2_5-.Ltmp6, $1  }
0xab: {  	_ =	sdelay $0x3  }
0xac: {  	p0 =	slt.s32 s5, $0x1F80  }
0xad: {  	s5 =	sshll.u32 @!p0 s5, $0x4  }
0xae: {  	s26 =	sshra.s32 @!p0 s18, $0x2;
	s5 =	sand.u32 @!p0 $0x1FFFFFF0, s5  }
0xaf: {  	s31 =	simm.s32 @!p0 $0x0;
	s26 =	sadd.s32 @!p0 $0x400, s26;
	s5 =	sadd.s32 @!p0 s2, s5  }
0xb0: {  	[tilespmem:s26], [sflag:$0xD] =	stream.linear.gather @!p0 [hbm4b:s5+s31], $0x80, $0x38;
	v63 =	vld [tilespmem:$0x0]  }
0xb1: {  	p0 =	slt.s32 s0, $0x1F80  }
0xb2: {  	s0 =	sshll.u32 @!p0 s0, $0x4  }
0xb3: {  	s5 =	sshra.s32 @!p0 s18, $0x2;
	s0 =	sand.u32 @!p0 $0x1FFFFFF0, s0  }
0xb4: {  	s26 =	simm.s32 @!p0 $0x0;
	s5 =	sadd.s32 @!p0 $0x480, s5;
	s0 =	sadd.s32 @!p0 s2, s0  }
0xb5: {  	[tilespmem:s5], [sflag:$0xD] =	stream.linear.gather @!p0 [hbm4b:s0+s26], $0x80, $0x38;
	v63 =	vld [tilespmem:$0x0]  }
0xb6: {  	p0 =	slt.s32 s21, $0x1F80  }
0xb7: {  	s0 =	sshll.u32 @!p0 s21, $0x4  }
0xb8: {  	s5 =	sshra.s32 @!p0 s18, $0x2;
	s0 =	sand.u32 @!p0 $0x1FFFFFF0, s0  }
0xb9: {  	s21 =	simm.s32 @!p0 $0x0;
	s5 =	sadd.s32 @!p0 $0x500, s5;
	s0 =	sadd.s32 @!p0 s2, s0  }
0xba: {  	[tilespmem:s5], [sflag:$0xD] =	stream.linear.gather @!p0 [hbm4b:s0+s21], $0x80, $0x38;
	v63 =	vld [tilespmem:$0x0]  }
0xbb: {  	p0 =	slt.s32 s13, $0x1F80  }
0xbc: {  	s0 =	sshll.u32 @!p0 s13, $0x4  }
0xbd: {  	s5 =	sshra.s32 @!p0 s18, $0x2;
	s0 =	sand.u32 @!p0 $0x1FFFFFF0, s0  }
0xbe: {  	s13 =	simm.s32 @!p0 $0x0;
	s5 =	sadd.s32 @!p0 $0x580, s5;
	s0 =	sadd.s32 @!p0 s2, s0  }
0xbf: {  	[tilespmem:s5], [sflag:$0xD] =	stream.linear.gather @!p0 [hbm4b:s0+s13], $0x80, $0x38;
	v63 =	vld [tilespmem:$0x0]  }
0xc0: {  	p0 =	slt.s32 s15, $0x1F80  }
0xc1: {  	s0 =	sshll.u32 @!p0 s15, $0x4  }
0xc2: {  	s5 =	sshra.s32 @!p0 s18, $0x2;
	s0 =	sand.u32 @!p0 $0x1FFFFFF0, s0  }
0xc3: {  	s13 =	simm.s32 @!p0 $0x0;
	s5 =	sadd.s32 @!p0 $0x600, s5;
	s0 =	sadd.s32 @!p0 s2, s0  }
0xc4: {  	[tilespmem:s5], [sflag:$0xD] =	stream.linear.gather @!p0 [hbm4b:s0+s13], $0x80, $0x38;
	v63 =	vld [tilespmem:$0x0]  }
0xc5: {  	p0 =	slt.s32 s14, $0x1F80  }
0xc6: {  	s0 =	sshll.u32 @!p0 s14, $0x4  }
0xc7: {  	s5 =	sshra.s32 @!p0 s18, $0x2;
	s0 =	sand.u32 @!p0 $0x1FFFFFF0, s0  }
0xc8: {  	s13 =	simm.s32 @!p0 $0x0;
	s5 =	sadd.s32 @!p0 $0x680, s5;
	s0 =	sadd.s32 @!p0 s2, s0  }
0xc9: {  	[tilespmem:s5], [sflag:$0xD] =	stream.linear.gather @!p0 [hbm4b:s0+s13], $0x80, $0x38;
	v63 =	vld [tilespmem:$0x0]  }
0xca: {  	p0 =	slt.s32 s19, $0x1F80  }
0xcb: {  	s0 =	sshll.u32 @!p0 s19, $0x4  }
0xcc: {  	s5 =	sshra.s32 @!p0 s18, $0x2;
	s0 =	sand.u32 @!p0 $0x1FFFFFF0, s0  }
0xcd: {  	s13 =	simm.s32 @!p0 $0x0;
	s5 =	sadd.s32 @!p0 $0x700, s5;
	s0 =	sadd.s32 @!p0 s2, s0  }
0xce: {  	[tilespmem:s5], [sflag:$0xD] =	stream.linear.gather @!p0 [hbm4b:s0+s13], $0x80, $0x38;
	v63 =	vld [tilespmem:$0x0]  }
0xcf: {  	p0 =	slt.s32 s28, $0x1F80  }
0xd0: {  	s0 =	sshll.u32 @!p0 s28, $0x4  }
0xd1: {  	s5 =	sshra.s32 @!p0 s18, $0x2;
	s0 =	sand.u32 @!p0 $0x1FFFFFF0, s0  }
0xd2: {  	s13 =	simm.s32 @!p0 $0x0;
	s5 =	sadd.s32 @!p0 $0x780, s5;
	s0 =	sadd.s32 @!p0 s2, s0  }
0xd3: {  	[tilespmem:s5], [sflag:$0xD] =	stream.linear.gather @!p0 [hbm4b:s0+s13], $0x80, $0x38;
	v63 =	vld [tilespmem:$0x0]  }
0xd4: {  	p0 =	slt.s32 s6, $0x1F80  }
0xd5: {  	s0 =	sshll.u32 @!p0 s6, $0x4  }
0xd6: {  	s5 =	sshra.s32 @!p0 s18, $0x2;
	s0 =	sand.u32 @!p0 $0x1FFFFFF0, s0  }
0xd7: {  	s6 =	simm.s32 @!p0 $0x0;
	s5 =	sadd.s32 @!p0 $0x800, s5;
	s0 =	sadd.s32 @!p0 s2, s0  }
0xd8: {  	[tilespmem:s5], [sflag:$0xD] =	stream.linear.gather @!p0 [hbm4b:s0+s6], $0x80, $0x38;
	v63 =	vld [tilespmem:$0x0]  }
0xd9: {  	p0 =	slt.s32 s20, $0x1F80  }
0xda: {  	s0 =	sshll.u32 @!p0 s20, $0x4  }
0xdb: {  	s5 =	sshra.s32 @!p0 s18, $0x2;
	s0 =	sand.u32 @!p0 $0x1FFFFFF0, s0  }
0xdc: {  	s6 =	simm.s32 @!p0 $0x0;
	s5 =	sadd.s32 @!p0 $0x880, s5;
	s0 =	sadd.s32 @!p0 s2, s0  }
0xdd: {  	[tilespmem:s5], [sflag:$0xD] =	stream.linear.gather @!p0 [hbm4b:s0+s6], $0x80, $0x38;
	v63 =	vld [tilespmem:$0x0]  }
0xde: {  	p0 =	slt.s32 s9, $0x1F80  }
0xdf: {  	s0 =	sshll.u32 @!p0 s9, $0x4  }
0xe0: {  	s5 =	sshra.s32 @!p0 s18, $0x2;
	s0 =	sand.u32 @!p0 $0x1FFFFFF0, s0  }
0xe1: {  	s6 =	simm.s32 @!p0 $0x0;
	s5 =	sadd.s32 @!p0 $0x900, s5;
	s0 =	sadd.s32 @!p0 s2, s0  }
0xe2: {  	[tilespmem:s5], [sflag:$0xD] =	stream.linear.gather @!p0 [hbm4b:s0+s6], $0x80, $0x38;
	v63 =	vld [tilespmem:$0x0]  }
0xe3: {  	p0 =	slt.s32 s11, $0x1F80  }
0xe4: {  	s0 =	sshll.u32 @!p0 s11, $0x4  }
0xe5: {  	s5 =	sshra.s32 @!p0 s18, $0x2;
	s0 =	sand.u32 @!p0 $0x1FFFFFF0, s0  }
0xe6: {  	s6 =	simm.s32 @!p0 $0x0;
	s5 =	sadd.s32 @!p0 $0x980, s5;
	s0 =	sadd.s32 @!p0 s2, s0  }
0xe7: {  	[tilespmem:s5], [sflag:$0xD] =	stream.linear.gather @!p0 [hbm4b:s0+s6], $0x80, $0x38;
	v63 =	vld [tilespmem:$0x0]  }
0xe8: {  	p0 =	slt.s32 s12, $0x1F80  }
0xe9: {  	s0 =	sshll.u32 @!p0 s12, $0x4  }
0xea: {  	s5 =	sshra.s32 @!p0 s18, $0x2;
	s0 =	sand.u32 @!p0 $0x1FFFFFF0, s0  }
0xeb: {  	s6 =	simm.s32 @!p0 $0x0;
	s5 =	sadd.s32 @!p0 $0xA00, s5;
	s0 =	sadd.s32 @!p0 s2, s0  }
0xec: {  	[tilespmem:s5], [sflag:$0xD] =	stream.linear.gather @!p0 [hbm4b:s0+s6], $0x80, $0x38;
	v63 =	vld [tilespmem:$0x0]  }
0xed: {  	p0 =	slt.s32 s16, $0x1F80  }
0xee: {  	s0 =	sshll.u32 @!p0 s16, $0x4  }
0xef: {  	s5 =	sshra.s32 @!p0 s18, $0x2;
	s0 =	sand.u32 @!p0 $0x1FFFFFF0, s0  }
0xf0: {  	s6 =	simm.s32 @!p0 $0x0;
	s5 =	sadd.s32 @!p0 $0xA80, s5;
	s0 =	sadd.s32 @!p0 s2, s0  }
0xf1: {  	[tilespmem:s5], [sflag:$0xD] =	stream.linear.gather @!p0 [hbm4b:s0+s6], $0x80, $0x38;
	v63 =	vld [tilespmem:$0x0]  }
0xf2: {  	p0 =	slt.s32 s24, $0x1F80  }
0xf3: {  	s0 =	sshll.u32 @!p0 s24, $0x4  }
0xf4: {  	s5 =	sshra.s32 @!p0 s18, $0x2;
	s0 =	sand.u32 @!p0 $0x1FFFFFF0, s0  }
0xf5: {  	s6 =	simm.s32 @!p0 $0x0;
	s5 =	sadd.s32 @!p0 $0xB00, s5;
	s0 =	sadd.s32 @!p0 s2, s0  }
0xf6: {  	[tilespmem:s5], [sflag:$0xD] =	stream.linear.gather @!p0 [hbm4b:s0+s6], $0x80, $0x38;
	v63 =	vld [tilespmem:$0x0]  }
.Ltmp7:
0xf7: {  	p0 =	slt.s32 s29, $0x1F80;
	(pc) =	sbr.rel .LBB2_5-.Ltmp7, $4  }
0xf8: {  	s0 =	sshll.u32 @!p0 s29, $0x4  }
0xf9: {  	s5 =	sshra.s32 @!p0 s18, $0x2;
	s0 =	sand.u32 @!p0 $0x1FFFFFF0, s0  }
0xfa: {  	s6 =	simm.s32 @!p0 $0x0;
	s5 =	sadd.s32 @!p0 $0xB80, s5;
	s0 =	sadd.s32 @!p0 s2, s0  }
0xfb: {  	[tilespmem:s5], [sflag:$0xD] =	stream.linear.gather @!p0 [hbm4b:s0+s6], $0x80, $0x38;
	v63 =	vld [tilespmem:$0x0]  }
.LBB2_6:
0xfc: {  	p0 =	seq.s32 s17, $0x31  }
0xfd: {  	s18 =	sshll.u32 s17, $0x2;
	p1 =	seq.s32 @!p0 s17, $0x0  }
0xfe: {  	s0 =	sadd.s32 @!p0 $0x4, s18;
	p1 =	por p0, !p1  }
.Ltmp8:
0xff: {  	s5 =	sadd.s32 @!p0 s7, s0;
	s0 =	sshll.u32 @!p0 s0, $0x4;
	(pc) =	sbr.rel @!p1 .LBB2_8-.Ltmp8, $4  }
0x100: {  	s5 =	sshll.u32 @!p0 s5, $0x4;
	s0 =	sand.u32 @!p0 $0x40, s0  }
0x101: {  	s5 =	sand.u32 @!p0 $0xFFFFF80, s5;
	s0 =	sadd.s32 @!p0 s1, s0  }
0x102: {  	s10 =	sor.u32 @!p0 $0x3, s18;
	s0 =	sadd.s32 @!p0 s5, s0;
	s5 =	simm.s32 @!p0 $0x0  }
0x103: {  	[tilespmem:s5], [sflag:$0x1] =	stream.linear.gather @!p0 [hbm4b:s0+s5], $0x80, $0x38;
	v63 =	vld [tilespmem:$0x0]  }
0x104: {  	s0 =	simm.s32 $0xC  }
0x105: {  	_ =	swait.ge [sflag:s0], $0x4000  }
0x106: {  	[sflag:s0] =	ssyncset.done $0x0  }
0x107: {  	s10 =	simm.s32 @p0 $0xC7;
	[sflag:s0] =	ssyncadd.s32 $0xFFFFC000  }
.LBB2_8:
0x108: {  	s0 =	simm.s32 $0x4  }
0x109: {  	_ =	swait.ge [sflag:s0], $0x80  }
0x10a: {  	[sflag:s0] =	ssyncset.done $0x0  }
0x10b: {  	[sflag:s0] =	ssyncadd.s32 $0xFFFFFF80  }
0x10c: {  	v0 =	vld [tilespmem:$0x180]  }
0x10d: {  	v1 =	vld [tilespmem:$0x190]  }
0x10e: {  	v2 =	vld [tilespmem:$0x1A0]  }
0x10f: {  	v3 =	vld [tilespmem:$0x1B0]  }
0x110: {  	v4 =	vld [tilespmem:$0x1C0]  }
0x111: {  	v5 =	vld [tilespmem:$0x1D0];
	vm0 =	vlt.s32 v0, $0x1F7F  }
0x112: {  	v6 =	vld [tilespmem:$0x1E0];
	vm9 =	vlt.s32 v1, $0x1F7F;
	v0 =	vnsel vm0, $0x1F7F, v0  }
0x113: {  	v56 =	vld [tilespmem:$0x1F0];
	vm10 =	vlt.s32 v2, $0x1F7F;
	v55 =	vnsel vm9, $0x1F7F, v1;
	[tilespmem:$0x380] =	vst v0  }
0x114: {  	vm11 =	vlt.s32 v3, $0x1F7F;
	v57 =	vnsel vm10, $0x1F7F, v2;
	[tilespmem:$0x390] =	vst v55  }
0x115: {  	vm12 =	vlt.s32 v4, $0x1F7F;
	v58 =	vnsel vm11, $0x1F7F, v3;
	[tilespmem:$0x3A0] =	vst v57  }
0x116: {  	p1 =	slt.s32 s22, $0x1;
	vm13 =	vlt.s32 v5, $0x1F7F;
	v59 =	vnsel vm12, $0x1F7F, v4;
	[tilespmem:$0x3B0] =	vst v58  }
.Ltmp9:
0x117: {  	vm14 =	vlt.s32 v6, $0x1F7F;
	v60 =	vnsel vm13, $0x1F7F, v5;
	[tilespmem:$0x3C0] =	vst v59;
	(pc) =	sbr.rel @p1 .LBB2_12-.Ltmp9, $4  }
0x118: {  	vm15 =	vlt.s32 v56, $0x1F7F;
	v61 =	vnsel vm14, $0x1F7F, v6;
	[tilespmem:$0x3D0] =	vst v60  }
0x119: {  	v62 =	vnsel vm15, $0x1F7F, v56;
	[tilespmem:$0x3E0] =	vst v61  }
0x11a: {  	s31 =	simm.s32 $0x80;
	s5 =	simm.s32 $0x380;
	s0 =	simm.s32 $0x0;
	[tilespmem:$0x3F0] =	vst v62  }
0x11b: {  	[tilespmem:s30], [sflag:$0x8] =	stream.indirect.gather [spmem:s4], $0x80, s5, s31, $0xb8;
	v63 =	vld [tilespmem:$0x0]  }
0x11c: {  	s0 =	sadd.s32 $0x1, s0  }
0x11d: {  	p1 =	slt.s32 s0, s22  }
.Ltmp10:
0x11e: {  	_ = 	snop;
	(pc) =	sbr.rel @!p1 .LBB2_11-.Ltmp10, $3  }
0x11f: {  	_ =	sdelay $0x1  }
0x120: {  	_ =	swait.ge [sflag:s23], $0x80  }
0x121: {  	[sflag:s23] =	ssyncset.done $0x0  }
.LBB2_10:
0x122: {  	s0 =	sadd.s32 $0x1, s0  }
0x123: {  	[sflag:s23] =	ssyncadd.s32 $0xFFFFFF80;
	p1 =	slt.s32 s0, s22  }
.Ltmp11:
0x124: {  	(pc) =	sbr.rel @p1 .LBB2_10-.Ltmp11, $3  }
0x125: {  	_ =	sdelay $0x1  }
0x126: {  	_ =	swait.ge [sflag:s23], $0x80  }
0x127: {  	[sflag:s23] =	ssyncset.done $0x0  }
.LBB2_11:
0x128: {  	[sflag:s23] =	ssyncadd.s32 $0xFFFFFF80  }
.LBB2_12:
0x129: {  	s0 =	sadd.s32 s7, s18  }
0x12a: {  	s25 =	simm.s32 $0x0;
	s5 =	simm.s32 $0x400;
	s0 =	sshll.u32 s0, $0xB  }
.Ltmp12:
0x12b: {  	s31 =	simm.s32 $0x6;
	s0 =	sadd.s32 s3, s0;
	(pc) =	sbr.rel .LBB2_13-.Ltmp12, $4  }
0x12c: {  	[hbm4b:s0+s25] =	stream.linear.scatter [tilespmem:s5], [sflag:$0x9], $0x4000, $0x38;
	v63 =	vld [tilespmem:$0x0]  }
0x12d: {  	_ =	swait.ge [sflag:s31], $0x4000  }
0x12e: {  	[sflag:s31] =	ssyncset.done $0x0  }
0x12f: {  	s29 =	simm.s32 $0x80;
	s22 =	simm.s32 $0x0;
	[sflag:s31] =	ssyncadd.s32 $0xFFFFC000  }
.LBB2_15:
0x130: {  	s25 =	sadd.s32 $0x2000, s25  }
0x131: {  	p1 =	sne.s32 s25, $0x10000  }
.Ltmp13:
0x132: {  	_ = 	snop;
	(pc) =	sbr.rel @!p1 .LBB2_16-.Ltmp13, $2  }
0x133: {  	_ =	sdelay $0x2  }
0x134: {  	s22 =	sadd.s32 s22, s9;
	s29 =	sadd.s32 $0x10, s29  }
.LBB2_13:
0x135: {  	v0 =	vld [tilespmem:s29+$0x0];
	_ =	sdelay $0x4  }
0x136: {  	(v2sf) =	vpush v0, $0x0  }
0x137: {  	(v2sf) =	vpush v0, $0x1  }
0x138: {  	(v2sf) =	vpush v0, $0x2  }
0x139: {  	(v2sf) =	vpush v0, $0x3  }
0x13a: {  	(v2sf) =	vpush v0, $0x4;
	_ =	sdelay $0x1  }
0x13b: {  	(v2sf) =	vpush v0, $0x5  }
0x13c: {  	(v2sf) =	vpush v0, $0x6;
	_ =	sdelay $0x1  }
0x13d: {  	(v2sf) =	vpush v0, $0x7;
	_ =	sdelay $0x2  }
0x13e: {  	(v2sf) =	vpush v0, $0x8;
	_ =	sdelay $0x1  }
0x13f: {  	s9 =	simm.s32 $0x1;
	(v2sf) =	vpush v0, $0x9  }
0x140: {  	s11 =	simm.s32 $0x1;
	s12 =	simm.s32 $0x1;
	(v2sf) =	vpush v0, $0xA;
	s26 =	spop (v2sf)  }
0x141: {  	s16 =	simm.s32 $0x1;
	s5 =	spop (v2sf);
	p1 =	sgt.s32 s26, $0x1F7F  }
0x142: {  	(v2sf) =	vpush v0, $0xB;
	s0 =	spop (v2sf);
	s9 =	simm.s32 @!p1 $0x0;
	p1 =	sgt.s32 s5, $0x1F7F  }
0x143: {  	s20 =	simm.s32 $0x1;
	s21 =	spop (v2sf);
	s11 =	simm.s32 @!p1 $0x0  }
0x144: {  	(v2sf) =	vpush v0, $0xC;
	p1 =	sgt.s32 s0, $0x1F7F;
	s13 =	spop (v2sf);
	s9 =	sadd.s32 s11, s9  }
0x145: {  	(v2sf) =	vpush v0, $0xD;
	s12 =	simm.s32 @!p1 $0x0;
	p1 =	sgt.s32 s21, $0x1F7F;
	s11 =	simm.s32 $0x1  }
0x146: {  	(v2sf) =	vpush v0, $0xE;
	s15 =	spop (v2sf);
	s9 =	sadd.s32 s12, s9;
	s11 =	simm.s32 @!p1 $0x0  }
0x147: {  	p1 =	sgt.s32 s13, $0x1F7F;
	s12 =	simm.s32 $0x1;
	s14 =	spop (v2sf)  }
0x148: {  	(v2sf) =	vpush v0, $0xF;
	s9 =	sadd.s32 s11, s9;
	s12 =	simm.s32 @!p1 $0x0;
	p1 =	sgt.s32 s15, $0x1F7F  }
0x149: {  	s6 =	spop (v2sf);
	s9 =	sadd.s32 s12, s9;
	s16 =	simm.s32 @!p1 $0x0  }
0x14a: {  	p1 =	sgt.s32 s14, $0x1F7F;
	s9 =	sadd.s32 s16, s9;
	s16 =	simm.s32 $0x1  }
0x14b: {  	s24 =	simm.s32 $0x1;
	s16 =	simm.s32 @!p1 $0x0;
	p1 =	sgt.s32 s6, $0x1F7F  }
0x14c: {  	s19 =	spop (v2sf);
	s9 =	sadd.s32 s16, s9;
	s20 =	simm.s32 @!p1 $0x0  }
0x14d: {  	p1 =	sgt.s32 s19, $0x1F7F;
	s9 =	sadd.s32 s20, s9;
	s20 =	simm.s32 $0x1  }
0x14e: {  	s31 =	simm.s32 $0x1;
	s28 =	spop (v2sf);
	s20 =	simm.s32 @!p1 $0x0  }
0x14f: {  	s11 =	spop (v2sf);
	p1 =	sgt.s32 s28, $0x1F7F;
	s9 =	sadd.s32 s20, s9  }
0x150: {  	s24 =	simm.s32 @!p1 $0x0;
	p1 =	sgt.s32 s11, $0x1F7F;
	s20 =	simm.s32 $0x1  }
0x151: {  	s9 =	sadd.s32 s24, s9;
	s20 =	simm.s32 @!p1 $0x0;
	s12 =	spop (v2sf)  }
0x152: {  	s30 =	simm.s32 $0x1;
	s9 =	sadd.s32 s20, s9;
	p1 =	sgt.s32 s12, $0x1F7F  }
0x153: {  	s20 =	simm.s32 $0x1;
	s16 =	spop (v2sf);
	s31 =	simm.s32 @!p1 $0x0  }
0x154: {  	s24 =	spop (v2sf);
	p1 =	sgt.s32 s16, $0x1F7F;
	s9 =	sadd.s32 s31, s9  }
0x155: {  	s20 =	simm.s32 @!p1 $0x0;
	p1 =	sgt.s32 s24, $0x1F7F;
	s31 =	spop (v2sf)  }
0x156: {  	s9 =	sadd.s32 s20, s9;
	s30 =	simm.s32 @!p1 $0x0;
	p1 =	sgt.s32 s31, $0x1F7F  }
0x157: {  	s20 =	spop (v2sf);
	s9 =	sadd.s32 s30, s9;
	s30 =	simm.s32 $0x1  }
0x158: {  	s8 =	simm.s32 $0x1;
	s30 =	simm.s32 @!p1 $0x0;
	p1 =	sgt.s32 s20, $0x1F7F  }
0x159: {  	s9 =	sadd.s32 s30, s9;
	s8 =	simm.s32 @!p1 $0x0  }
0x15a: {  	s9 =	sadd.s32 s8, s9  }
0x15b: {  	p1 =	seq.s32 s9, $0x0  }
.Ltmp14:
0x15c: {  	_ = 	snop;
	(pc) =	sbr.rel @p1 .LBB2_15-.Ltmp14, $1  }
0x15d: {  	_ =	sdelay $0x3  }
0x15e: {  	p1 =	slt.s32 s26, $0x1F80  }
0x15f: {  	s8 =	sshll.u32 @!p1 s26, $0x4  }
0x160: {  	s26 =	sshra.s32 @!p1 s25, $0x2;
	s8 =	sand.u32 @!p1 $0x1FFFFFF0, s8  }
0x161: {  	s30 =	simm.s32 @!p1 $0x0;
	s26 =	sadd.s32 @!p1 $0x4400, s26;
	s8 =	sadd.s32 @!p1 s2, s8  }
0x162: {  	[tilespmem:s26], [sflag:$0xD] =	stream.linear.gather @!p1 [hbm4b:s8+s30], $0x80, $0x38;
	v63 =	vld [tilespmem:$0x0]  }
0x163: {  	p1 =	slt.s32 s5, $0x1F80  }
0x164: {  	s5 =	sshll.u32 @!p1 s5, $0x4  }
0x165: {  	s8 =	sshra.s32 @!p1 s25, $0x2;
	s5 =	sand.u32 @!p1 $0x1FFFFFF0, s5  }
0x166: {  	s26 =	simm.s32 @!p1 $0x0;
	s8 =	sadd.s32 @!p1 $0x4480, s8;
	s5 =	sadd.s32 @!p1 s2, s5  }
0x167: {  	[tilespmem:s8], [sflag:$0xD] =	stream.linear.gather @!p1 [hbm4b:s5+s26], $0x80, $0x38;
	v63 =	vld [tilespmem:$0x0]  }
0x168: {  	p1 =	slt.s32 s0, $0x1F80  }
0x169: {  	s0 =	sshll.u32 @!p1 s0, $0x4  }
0x16a: {  	s5 =	sshra.s32 @!p1 s25, $0x2;
	s0 =	sand.u32 @!p1 $0x1FFFFFF0, s0  }
0x16b: {  	s8 =	simm.s32 @!p1 $0x0;
	s5 =	sadd.s32 @!p1 $0x4500, s5;
	s0 =	sadd.s32 @!p1 s2, s0  }
0x16c: {  	[tilespmem:s5], [sflag:$0xD] =	stream.linear.gather @!p1 [hbm4b:s0+s8], $0x80, $0x38;
	v63 =	vld [tilespmem:$0x0]  }
0x16d: {  	p1 =	slt.s32 s21, $0x1F80  }
0x16e: {  	s0 =	sshll.u32 @!p1 s21, $0x4  }
0x16f: {  	s5 =	sshra.s32 @!p1 s25, $0x2;
	s0 =	sand.u32 @!p1 $0x1FFFFFF0, s0  }
0x170: {  	s8 =	simm.s32 @!p1 $0x0;
	s5 =	sadd.s32 @!p1 $0x4580, s5;
	s0 =	sadd.s32 @!p1 s2, s0  }
0x171: {  	[tilespmem:s5], [sflag:$0xD] =	stream.linear.gather @!p1 [hbm4b:s0+s8], $0x80, $0x38;
	v63 =	vld [tilespmem:$0x0]  }
0x172: {  	p1 =	slt.s32 s13, $0x1F80  }
0x173: {  	s0 =	sshll.u32 @!p1 s13, $0x4  }
0x174: {  	s5 =	sshra.s32 @!p1 s25, $0x2;
	s0 =	sand.u32 @!p1 $0x1FFFFFF0, s0  }
0x175: {  	s8 =	simm.s32 @!p1 $0x0;
	s5 =	sadd.s32 @!p1 $0x4600, s5;
	s0 =	sadd.s32 @!p1 s2, s0  }
0x176: {  	[tilespmem:s5], [sflag:$0xD] =	stream.linear.gather @!p1 [hbm4b:s0+s8], $0x80, $0x38;
	v63 =	vld [tilespmem:$0x0]  }
0x177: {  	p1 =	slt.s32 s15, $0x1F80  }
0x178: {  	s0 =	sshll.u32 @!p1 s15, $0x4  }
0x179: {  	s5 =	sshra.s32 @!p1 s25, $0x2;
	s0 =	sand.u32 @!p1 $0x1FFFFFF0, s0  }
0x17a: {  	s8 =	simm.s32 @!p1 $0x0;
	s5 =	sadd.s32 @!p1 $0x4680, s5;
	s0 =	sadd.s32 @!p1 s2, s0  }
0x17b: {  	[tilespmem:s5], [sflag:$0xD] =	stream.linear.gather @!p1 [hbm4b:s0+s8], $0x80, $0x38;
	v63 =	vld [tilespmem:$0x0]  }
0x17c: {  	p1 =	slt.s32 s14, $0x1F80  }
0x17d: {  	s0 =	sshll.u32 @!p1 s14, $0x4  }
0x17e: {  	s5 =	sshra.s32 @!p1 s25, $0x2;
	s0 =	sand.u32 @!p1 $0x1FFFFFF0, s0  }
0x17f: {  	s8 =	simm.s32 @!p1 $0x0;
	s5 =	sadd.s32 @!p1 $0x4700, s5;
	s0 =	sadd.s32 @!p1 s2, s0  }
0x180: {  	[tilespmem:s5], [sflag:$0xD] =	stream.linear.gather @!p1 [hbm4b:s0+s8], $0x80, $0x38;
	v63 =	vld [tilespmem:$0x0]  }
0x181: {  	p1 =	slt.s32 s6, $0x1F80  }
0x182: {  	s0 =	sshll.u32 @!p1 s6, $0x4  }
0x183: {  	s5 =	sshra.s32 @!p1 s25, $0x2;
	s0 =	sand.u32 @!p1 $0x1FFFFFF0, s0  }
0x184: {  	s6 =	simm.s32 @!p1 $0x0;
	s5 =	sadd.s32 @!p1 $0x4780, s5;
	s0 =	sadd.s32 @!p1 s2, s0  }
0x185: {  	[tilespmem:s5], [sflag:$0xD] =	stream.linear.gather @!p1 [hbm4b:s0+s6], $0x80, $0x38;
	v63 =	vld [tilespmem:$0x0]  }
0x186: {  	p1 =	slt.s32 s19, $0x1F80  }
0x187: {  	s0 =	sshll.u32 @!p1 s19, $0x4  }
0x188: {  	s5 =	sshra.s32 @!p1 s25, $0x2;
	s0 =	sand.u32 @!p1 $0x1FFFFFF0, s0  }
0x189: {  	s6 =	simm.s32 @!p1 $0x0;
	s5 =	sadd.s32 @!p1 $0x4800, s5;
	s0 =	sadd.s32 @!p1 s2, s0  }
0x18a: {  	[tilespmem:s5], [sflag:$0xD] =	stream.linear.gather @!p1 [hbm4b:s0+s6], $0x80, $0x38;
	v63 =	vld [tilespmem:$0x0]  }
0x18b: {  	p1 =	slt.s32 s28, $0x1F80  }
0x18c: {  	s0 =	sshll.u32 @!p1 s28, $0x4  }
0x18d: {  	s5 =	sshra.s32 @!p1 s25, $0x2;
	s0 =	sand.u32 @!p1 $0x1FFFFFF0, s0  }
0x18e: {  	s6 =	simm.s32 @!p1 $0x0;
	s5 =	sadd.s32 @!p1 $0x4880, s5;
	s0 =	sadd.s32 @!p1 s2, s0  }
0x18f: {  	[tilespmem:s5], [sflag:$0xD] =	stream.linear.gather @!p1 [hbm4b:s0+s6], $0x80, $0x38;
	v63 =	vld [tilespmem:$0x0]  }
0x190: {  	p1 =	slt.s32 s11, $0x1F80  }
0x191: {  	s0 =	sshll.u32 @!p1 s11, $0x4  }
0x192: {  	s5 =	sshra.s32 @!p1 s25, $0x2;
	s0 =	sand.u32 @!p1 $0x1FFFFFF0, s0  }
0x193: {  	s6 =	simm.s32 @!p1 $0x0;
	s5 =	sadd.s32 @!p1 $0x4900, s5;
	s0 =	sadd.s32 @!p1 s2, s0  }
0x194: {  	[tilespmem:s5], [sflag:$0xD] =	stream.linear.gather @!p1 [hbm4b:s0+s6], $0x80, $0x38;
	v63 =	vld [tilespmem:$0x0]  }
0x195: {  	p1 =	slt.s32 s12, $0x1F80  }
0x196: {  	s0 =	sshll.u32 @!p1 s12, $0x4  }
0x197: {  	s5 =	sshra.s32 @!p1 s25, $0x2;
	s0 =	sand.u32 @!p1 $0x1FFFFFF0, s0  }
0x198: {  	s6 =	simm.s32 @!p1 $0x0;
	s5 =	sadd.s32 @!p1 $0x4980, s5;
	s0 =	sadd.s32 @!p1 s2, s0  }
0x199: {  	[tilespmem:s5], [sflag:$0xD] =	stream.linear.gather @!p1 [hbm4b:s0+s6], $0x80, $0x38;
	v63 =	vld [tilespmem:$0x0]  }
0x19a: {  	p1 =	slt.s32 s16, $0x1F80  }
0x19b: {  	s0 =	sshll.u32 @!p1 s16, $0x4  }
0x19c: {  	s5 =	sshra.s32 @!p1 s25, $0x2;
	s0 =	sand.u32 @!p1 $0x1FFFFFF0, s0  }
0x19d: {  	s6 =	simm.s32 @!p1 $0x0;
	s5 =	sadd.s32 @!p1 $0x4A00, s5;
	s0 =	sadd.s32 @!p1 s2, s0  }
0x19e: {  	[tilespmem:s5], [sflag:$0xD] =	stream.linear.gather @!p1 [hbm4b:s0+s6], $0x80, $0x38;
	v63 =	vld [tilespmem:$0x0]  }
0x19f: {  	p1 =	slt.s32 s24, $0x1F80  }
0x1a0: {  	s0 =	sshll.u32 @!p1 s24, $0x4  }
0x1a1: {  	s5 =	sshra.s32 @!p1 s25, $0x2;
	s0 =	sand.u32 @!p1 $0x1FFFFFF0, s0  }
0x1a2: {  	s6 =	simm.s32 @!p1 $0x0;
	s5 =	sadd.s32 @!p1 $0x4A80, s5;
	s0 =	sadd.s32 @!p1 s2, s0  }
0x1a3: {  	[tilespmem:s5], [sflag:$0xD] =	stream.linear.gather @!p1 [hbm4b:s0+s6], $0x80, $0x38;
	v63 =	vld [tilespmem:$0x0]  }
0x1a4: {  	p1 =	slt.s32 s31, $0x1F80  }
0x1a5: {  	s0 =	sshll.u32 @!p1 s31, $0x4  }
0x1a6: {  	s5 =	sshra.s32 @!p1 s25, $0x2;
	s0 =	sand.u32 @!p1 $0x1FFFFFF0, s0  }
0x1a7: {  	s6 =	simm.s32 @!p1 $0x0;
	s5 =	sadd.s32 @!p1 $0x4B00, s5;
	s0 =	sadd.s32 @!p1 s2, s0  }
0x1a8: {  	[tilespmem:s5], [sflag:$0xD] =	stream.linear.gather @!p1 [hbm4b:s0+s6], $0x80, $0x38;
	v63 =	vld [tilespmem:$0x0]  }
.Ltmp15:
0x1a9: {  	p1 =	slt.s32 s20, $0x1F80;
	(pc) =	sbr.rel .LBB2_15-.Ltmp15, $4  }
0x1aa: {  	s0 =	sshll.u32 @!p1 s20, $0x4  }
0x1ab: {  	s5 =	sshra.s32 @!p1 s25, $0x2;
	s0 =	sand.u32 @!p1 $0x1FFFFFF0, s0  }
0x1ac: {  	s6 =	simm.s32 @!p1 $0x0;
	s5 =	sadd.s32 @!p1 $0x4B80, s5;
	s0 =	sadd.s32 @!p1 s2, s0  }
0x1ad: {  	[tilespmem:s5], [sflag:$0xD] =	stream.linear.gather @!p1 [hbm4b:s0+s6], $0x80, $0x38;
	v63 =	vld [tilespmem:$0x0]  }
.LBB2_16:
0x1ae: {  	s0 =	sadd.s32 @!p0 $0x5, s18  }
0x1af: {  	s5 =	sadd.s32 @!p0 s7, s0;
	s0 =	sshll.u32 @!p0 s0, $0x4  }
0x1b0: {  	s5 =	sshll.u32 @!p0 s5, $0x4;
	s0 =	sand.u32 @!p0 $0x50, s0  }
0x1b1: {  	s5 =	sand.u32 @!p0 $0xFFFFF80, s5;
	s0 =	sadd.s32 @!p0 s1, s0  }
0x1b2: {  	s6 =	simm.s32 @!p0 $0x80;
	s0 =	sadd.s32 @!p0 s5, s0;
	s5 =	simm.s32 @!p0 $0x0  }
0x1b3: {  	[tilespmem:s6], [sflag:$0x2] =	stream.linear.gather @!p0 [hbm4b:s0+s5], $0x80, $0x38;
	v63 =	vld [tilespmem:$0x0]  }
0x1b4: {  	s0 =	simm.s32 @!p0 $0x9  }
0x1b5: {  	_ =	swait.ge @!p0 [sflag:s0], $0x4000  }
0x1b6: {  	[sflag:s0] =	ssyncset.done @!p0 $0x0  }
0x1b7: {  	[sflag:s0] =	ssyncadd.s32 @!p0 $0xFFFFC000;
	s0 =	simm.s32 @!p0 $0x1  }
0x1b8: {  	_ =	swait.ge @!p0 [sflag:s0], $0x80  }
0x1b9: {  	[sflag:s0] =	ssyncset.done @!p0 $0x0  }
0x1ba: {  	[sflag:s0] =	ssyncadd.s32 @!p0 $0xFFFFFF80  }
0x1bb: {  	v0 =	vld @!p0 [tilespmem:$0x0]  }
0x1bc: {  	v1 =	vld @!p0 [tilespmem:$0x10]  }
0x1bd: {  	v2 =	vld @!p0 [tilespmem:$0x20]  }
0x1be: {  	v3 =	vld @!p0 [tilespmem:$0x30]  }
0x1bf: {  	v4 =	vld @!p0 [tilespmem:$0x40]  }
0x1c0: {  	v5 =	vld @!p0 [tilespmem:$0x50];
	vm0 =	vlt.s32 @!p0 v0, $0x1F7F  }
0x1c1: {  	v6 =	vld @!p0 [tilespmem:$0x60];
	v0 =	vnsel @!p0 vm0, $0x1F7F, v0;
	vm0 =	vlt.s32 @!p0 v1, $0x1F7F  }
0x1c2: {  	[tilespmem:$0x200] =	vst @!p0 v0;
	v0 =	vnsel @!p0 vm0, $0x1F7F, v1;
	vm0 =	vlt.s32 @!p0 v2, $0x1F7F;
	v1 =	vld @!p0 [tilespmem:$0x70]  }
0x1c3: {  	[tilespmem:$0x210] =	vst @!p0 v0;
	v0 =	vnsel @!p0 vm0, $0x1F7F, v2;
	vm0 =	vlt.s32 @!p0 v3, $0x1F7F  }
0x1c4: {  	[tilespmem:$0x220] =	vst @!p0 v0;
	v0 =	vnsel @!p0 vm0, $0x1F7F, v3;
	vm0 =	vlt.s32 @!p0 v4, $0x1F7F  }
0x1c5: {  	[tilespmem:$0x230] =	vst @!p0 v0;
	v0 =	vnsel @!p0 vm0, $0x1F7F, v4;
	vm0 =	vlt.s32 @!p0 v5, $0x1F7F  }
0x1c6: {  	p1 =	slt.s32 s22, $0x1;
	[tilespmem:$0x240] =	vst @!p0 v0;
	v0 =	vnsel @!p0 vm0, $0x1F7F, v5;
	vm0 =	vlt.s32 @!p0 v6, $0x1F7F  }
.Ltmp16:
0x1c7: {  	[tilespmem:$0x250] =	vst @!p0 v0;
	v0 =	vnsel @!p0 vm0, $0x1F7F, v6;
	vm0 =	vlt.s32 @!p0 v1, $0x1F7F;
	(pc) =	sbr.rel @p1 .LBB2_20-.Ltmp16, $4  }
0x1c8: {  	[tilespmem:$0x260] =	vst @!p0 v0;
	v0 =	vnsel @!p0 vm0, $0x1F7F, v1  }
0x1c9: {  	s5 =	simm.s32 @!p0 $0x400;
	s0 =	simm.s32 @!p0 $0x200;
	[tilespmem:$0x270] =	vst @!p0 v0  }
0x1ca: {  	[tilespmem:s5], [sflag:$0x5] =	stream.indirect.gather @!p0 [spmem:s4], $0x80, s0, s6, $0xb8;
	v63 =	vld [tilespmem:$0x0]  }
0x1cb: {  	s0 =	simm.s32 $0x0  }
0x1cc: {  	s0 =	sadd.s32 $0x1, s0  }
0x1cd: {  	p1 =	slt.s32 s0, s22  }
.Ltmp17:
0x1ce: {  	_ = 	snop;
	(pc) =	sbr.rel @!p1 .LBB2_19-.Ltmp17, $3  }
0x1cf: {  	_ =	sdelay $0x1  }
0x1d0: {  	_ =	swait.ge [sflag:s23], $0x80  }
0x1d1: {  	[sflag:s23] =	ssyncset.done $0x0  }
.LBB2_18:
0x1d2: {  	s0 =	sadd.s32 $0x1, s0  }
0x1d3: {  	[sflag:s23] =	ssyncadd.s32 $0xFFFFFF80;
	p1 =	slt.s32 s0, s22  }
.Ltmp18:
0x1d4: {  	(pc) =	sbr.rel @p1 .LBB2_18-.Ltmp18, $3  }
0x1d5: {  	_ =	sdelay $0x1  }
0x1d6: {  	_ =	swait.ge [sflag:s23], $0x80  }
0x1d7: {  	[sflag:s23] =	ssyncset.done $0x0  }
.LBB2_19:
0x1d8: {  	[sflag:s23] =	ssyncadd.s32 $0xFFFFFF80  }
.LBB2_20:
0x1d9: {  	s0 =	rddreg [dreg:$0xb]  }
0x1da: {  	s0 =	sadd.s32 s18, s0  }
0x1db: {  	s0 =	sshll.u32 s0, $0xB  }
0x1dc: {  	s25 =	simm.s32 $0x0;
	s5 =	simm.s32 $0x4400;
	s0 =	sand.u32 $0x1FFFE800, s0  }
.Ltmp19:
0x1dd: {  	s31 =	simm.s32 $0x7;
	s0 =	sadd.s32 s3, s0;
	(pc) =	sbr.rel .LBB2_21-.Ltmp19, $4  }
0x1de: {  	[hbm4b:s0+s25] =	stream.linear.scatter [tilespmem:s5], [sflag:$0xA], $0x4000, $0x38;
	v63 =	vld [tilespmem:$0x0]  }
0x1df: {  	_ =	swait.ge [sflag:s31], $0x4000  }
0x1e0: {  	[sflag:s31] =	ssyncset.done $0x0  }
0x1e1: {  	s29 =	simm.s32 $0x100;
	s22 =	simm.s32 $0x0;
	[sflag:s31] =	ssyncadd.s32 $0xFFFFC000  }
.LBB2_23:
0x1e2: {  	s25 =	sadd.s32 $0x2000, s25  }
0x1e3: {  	p1 =	sne.s32 s25, $0x10000  }
.Ltmp20:
0x1e4: {  	_ = 	snop;
	(pc) =	sbr.rel @!p1 .LBB2_24-.Ltmp20, $2  }
0x1e5: {  	_ =	sdelay $0x2  }
0x1e6: {  	s22 =	sadd.s32 s22, s9;
	s29 =	sadd.s32 $0x10, s29  }
.LBB2_21:
0x1e7: {  	v0 =	vld [tilespmem:s29+$0x0];
	_ =	sdelay $0x4  }
0x1e8: {  	(v2sf) =	vpush v0, $0x0  }
0x1e9: {  	(v2sf) =	vpush v0, $0x1  }
0x1ea: {  	(v2sf) =	vpush v0, $0x2  }
0x1eb: {  	(v2sf) =	vpush v0, $0x3  }
0x1ec: {  	(v2sf) =	vpush v0, $0x4;
	_ =	sdelay $0x1  }
0x1ed: {  	(v2sf) =	vpush v0, $0x5  }
0x1ee: {  	(v2sf) =	vpush v0, $0x6;
	_ =	sdelay $0x1  }
0x1ef: {  	(v2sf) =	vpush v0, $0x7;
	_ =	sdelay $0x1  }
0x1f0: {  	(v2sf) =	vpush v0, $0x8  }
0x1f1: {  	(v2sf) =	vpush v0, $0x9;
	_ =	sdelay $0x1  }
0x1f2: {  	s8 =	simm.s32 $0x1  }
0x1f3: {  	s9 =	simm.s32 $0x1;
	s11 =	simm.s32 $0x1;
	(v2sf) =	vpush v0, $0xA;
	s26 =	spop (v2sf)  }
0x1f4: {  	s12 =	simm.s32 $0x1;
	s5 =	spop (v2sf);
	p1 =	sgt.s32 s26, $0x1F7F  }
0x1f5: {  	(v2sf) =	vpush v0, $0xB;
	s0 =	spop (v2sf);
	s8 =	simm.s32 @!p1 $0x0;
	p1 =	sgt.s32 s5, $0x1F7F  }
0x1f6: {  	s16 =	simm.s32 $0x1;
	(v2sf) =	vpush v0, $0xC;
	s21 =	spop (v2sf);
	s9 =	simm.s32 @!p1 $0x0  }
0x1f7: {  	p1 =	sgt.s32 s0, $0x1F7F;
	s13 =	spop (v2sf);
	s8 =	sadd.s32 s9, s8  }
0x1f8: {  	(v2sf) =	vpush v0, $0xD;
	s11 =	simm.s32 @!p1 $0x0;
	p1 =	sgt.s32 s21, $0x1F7F;
	s9 =	simm.s32 $0x1  }
0x1f9: {  	(v2sf) =	vpush v0, $0xE;
	s15 =	spop (v2sf);
	s8 =	sadd.s32 s11, s8;
	s9 =	simm.s32 @!p1 $0x0  }
0x1fa: {  	p1 =	sgt.s32 s13, $0x1F7F;
	s14 =	spop (v2sf);
	s8 =	sadd.s32 s9, s8  }
0x1fb: {  	(v2sf) =	vpush v0, $0xF;
	s12 =	simm.s32 @!p1 $0x0;
	p1 =	sgt.s32 s15, $0x1F7F;
	s9 =	simm.s32 $0x1  }
0x1fc: {  	s6 =	spop (v2sf);
	s8 =	sadd.s32 s12, s8;
	s9 =	simm.s32 @!p1 $0x0  }
0x1fd: {  	p1 =	sgt.s32 s14, $0x1F7F;
	s8 =	sadd.s32 s9, s8;
	s9 =	simm.s32 $0x1  }
0x1fe: {  	s20 =	simm.s32 $0x1;
	s19 =	spop (v2sf);
	s9 =	simm.s32 @!p1 $0x0  }
0x1ff: {  	s28 =	spop (v2sf);
	p1 =	sgt.s32 s6, $0x1F7F;
	s8 =	sadd.s32 s9, s8  }
0x200: {  	s16 =	simm.s32 @!p1 $0x0;
	p1 =	sgt.s32 s19, $0x1F7F;
	s9 =	simm.s32 $0x1  }
0x201: {  	s8 =	sadd.s32 s16, s8;
	s9 =	simm.s32 @!p1 $0x0;
	p1 =	sgt.s32 s28, $0x1F7F  }
0x202: {  	s11 =	spop (v2sf);
	s8 =	sadd.s32 s9, s8;
	s20 =	simm.s32 @!p1 $0x0  }
0x203: {  	p1 =	sgt.s32 s11, $0x1F7F;
	s9 =	simm.s32 $0x1;
	s8 =	sadd.s32 s20, s8  }
0x204: {  	s9 =	simm.s32 @!p1 $0x0;
	s20 =	simm.s32 $0x1;
	s12 =	spop (v2sf)  }
0x205: {  	s8 =	sadd.s32 s9, s8;
	s16 =	spop (v2sf);
	p1 =	sgt.s32 s12, $0x1F7F  }
0x206: {  	s9 =	simm.s32 $0x1;
	s20 =	simm.s32 @!p1 $0x0;
	p1 =	sgt.s32 s16, $0x1F7F  }
0x207: {  	s24 =	spop (v2sf);
	s8 =	sadd.s32 s20, s8;
	s9 =	simm.s32 @!p1 $0x0  }
0x208: {  	p1 =	sgt.s32 s24, $0x1F7F;
	s20 =	simm.s32 $0x1;
	s31 =	spop (v2sf)  }
0x209: {  	s8 =	sadd.s32 s9, s8;
	s20 =	simm.s32 @!p1 $0x0;
	p1 =	sgt.s32 s31, $0x1F7F  }
0x20a: {  	s9 =	simm.s32 $0x1;
	s8 =	sadd.s32 s20, s8;
	s20 =	spop (v2sf)  }
0x20b: {  	s30 =	simm.s32 $0x1;
	s9 =	simm.s32 @!p1 $0x0;
	p1 =	sgt.s32 s20, $0x1F7F  }
0x20c: {  	s8 =	sadd.s32 s9, s8;
	s30 =	simm.s32 @!p1 $0x0  }
0x20d: {  	s9 =	sadd.s32 s30, s8  }
0x20e: {  	p1 =	seq.s32 s9, $0x0  }
.Ltmp21:
0x20f: {  	_ = 	snop;
	(pc) =	sbr.rel @p1 .LBB2_23-.Ltmp21, $1  }
0x210: {  	_ =	sdelay $0x3  }
0x211: {  	p1 =	slt.s32 s26, $0x1F80  }
0x212: {  	s8 =	sshll.u32 @!p1 s26, $0x4  }
0x213: {  	s26 =	sshra.s32 @!p1 s25, $0x2;
	s8 =	sand.u32 @!p1 $0x1FFFFFF0, s8  }
0x214: {  	s30 =	simm.s32 @!p1 $0x0;
	s26 =	sadd.s32 @!p1 $0x8400, s26;
	s8 =	sadd.s32 @!p1 s2, s8  }
0x215: {  	[tilespmem:s26], [sflag:$0xD] =	stream.linear.gather @!p1 [hbm4b:s8+s30], $0x80, $0x38;
	v63 =	vld [tilespmem:$0x0]  }
0x216: {  	p1 =	slt.s32 s5, $0x1F80  }
0x217: {  	s5 =	sshll.u32 @!p1 s5, $0x4  }
0x218: {  	s8 =	sshra.s32 @!p1 s25, $0x2;
	s5 =	sand.u32 @!p1 $0x1FFFFFF0, s5  }
0x219: {  	s26 =	simm.s32 @!p1 $0x0;
	s8 =	sadd.s32 @!p1 $0x8480, s8;
	s5 =	sadd.s32 @!p1 s2, s5  }
0x21a: {  	[tilespmem:s8], [sflag:$0xD] =	stream.linear.gather @!p1 [hbm4b:s5+s26], $0x80, $0x38;
	v63 =	vld [tilespmem:$0x0]  }
0x21b: {  	p1 =	slt.s32 s0, $0x1F80  }
0x21c: {  	s0 =	sshll.u32 @!p1 s0, $0x4  }
0x21d: {  	s5 =	sshra.s32 @!p1 s25, $0x2;
	s0 =	sand.u32 @!p1 $0x1FFFFFF0, s0  }
0x21e: {  	s8 =	simm.s32 @!p1 $0x0;
	s5 =	sadd.s32 @!p1 $0x8500, s5;
	s0 =	sadd.s32 @!p1 s2, s0  }
0x21f: {  	[tilespmem:s5], [sflag:$0xD] =	stream.linear.gather @!p1 [hbm4b:s0+s8], $0x80, $0x38;
	v63 =	vld [tilespmem:$0x0]  }
0x220: {  	p1 =	slt.s32 s21, $0x1F80  }
0x221: {  	s0 =	sshll.u32 @!p1 s21, $0x4  }
0x222: {  	s5 =	sshra.s32 @!p1 s25, $0x2;
	s0 =	sand.u32 @!p1 $0x1FFFFFF0, s0  }
0x223: {  	s8 =	simm.s32 @!p1 $0x0;
	s5 =	sadd.s32 @!p1 $0x8580, s5;
	s0 =	sadd.s32 @!p1 s2, s0  }
0x224: {  	[tilespmem:s5], [sflag:$0xD] =	stream.linear.gather @!p1 [hbm4b:s0+s8], $0x80, $0x38;
	v63 =	vld [tilespmem:$0x0]  }
0x225: {  	p1 =	slt.s32 s13, $0x1F80  }
0x226: {  	s0 =	sshll.u32 @!p1 s13, $0x4  }
0x227: {  	s5 =	sshra.s32 @!p1 s25, $0x2;
	s0 =	sand.u32 @!p1 $0x1FFFFFF0, s0  }
0x228: {  	s8 =	simm.s32 @!p1 $0x0;
	s5 =	sadd.s32 @!p1 $0x8600, s5;
	s0 =	sadd.s32 @!p1 s2, s0  }
0x229: {  	[tilespmem:s5], [sflag:$0xD] =	stream.linear.gather @!p1 [hbm4b:s0+s8], $0x80, $0x38;
	v63 =	vld [tilespmem:$0x0]  }
0x22a: {  	p1 =	slt.s32 s15, $0x1F80  }
0x22b: {  	s0 =	sshll.u32 @!p1 s15, $0x4  }
0x22c: {  	s5 =	sshra.s32 @!p1 s25, $0x2;
	s0 =	sand.u32 @!p1 $0x1FFFFFF0, s0  }
0x22d: {  	s8 =	simm.s32 @!p1 $0x0;
	s5 =	sadd.s32 @!p1 $0x8680, s5;
	s0 =	sadd.s32 @!p1 s2, s0  }
0x22e: {  	[tilespmem:s5], [sflag:$0xD] =	stream.linear.gather @!p1 [hbm4b:s0+s8], $0x80, $0x38;
	v63 =	vld [tilespmem:$0x0]  }
0x22f: {  	p1 =	slt.s32 s14, $0x1F80  }
0x230: {  	s0 =	sshll.u32 @!p1 s14, $0x4  }
0x231: {  	s5 =	sshra.s32 @!p1 s25, $0x2;
	s0 =	sand.u32 @!p1 $0x1FFFFFF0, s0  }
0x232: {  	s8 =	simm.s32 @!p1 $0x0;
	s5 =	sadd.s32 @!p1 $0x8700, s5;
	s0 =	sadd.s32 @!p1 s2, s0  }
0x233: {  	[tilespmem:s5], [sflag:$0xD] =	stream.linear.gather @!p1 [hbm4b:s0+s8], $0x80, $0x38;
	v63 =	vld [tilespmem:$0x0]  }
0x234: {  	p1 =	slt.s32 s6, $0x1F80  }
0x235: {  	s0 =	sshll.u32 @!p1 s6, $0x4  }
0x236: {  	s5 =	sshra.s32 @!p1 s25, $0x2;
	s0 =	sand.u32 @!p1 $0x1FFFFFF0, s0  }
0x237: {  	s6 =	simm.s32 @!p1 $0x0;
	s5 =	sadd.s32 @!p1 $0x8780, s5;
	s0 =	sadd.s32 @!p1 s2, s0  }
0x238: {  	[tilespmem:s5], [sflag:$0xD] =	stream.linear.gather @!p1 [hbm4b:s0+s6], $0x80, $0x38;
	v63 =	vld [tilespmem:$0x0]  }
0x239: {  	p1 =	slt.s32 s19, $0x1F80  }
0x23a: {  	s0 =	sshll.u32 @!p1 s19, $0x4  }
0x23b: {  	s5 =	sshra.s32 @!p1 s25, $0x2;
	s0 =	sand.u32 @!p1 $0x1FFFFFF0, s0  }
0x23c: {  	s6 =	simm.s32 @!p1 $0x0;
	s5 =	sadd.s32 @!p1 $0x8800, s5;
	s0 =	sadd.s32 @!p1 s2, s0  }
0x23d: {  	[tilespmem:s5], [sflag:$0xD] =	stream.linear.gather @!p1 [hbm4b:s0+s6], $0x80, $0x38;
	v63 =	vld [tilespmem:$0x0]  }
0x23e: {  	p1 =	slt.s32 s28, $0x1F80  }
0x23f: {  	s0 =	sshll.u32 @!p1 s28, $0x4  }
0x240: {  	s5 =	sshra.s32 @!p1 s25, $0x2;
	s0 =	sand.u32 @!p1 $0x1FFFFFF0, s0  }
0x241: {  	s6 =	simm.s32 @!p1 $0x0;
	s5 =	sadd.s32 @!p1 $0x8880, s5;
	s0 =	sadd.s32 @!p1 s2, s0  }
0x242: {  	[tilespmem:s5], [sflag:$0xD] =	stream.linear.gather @!p1 [hbm4b:s0+s6], $0x80, $0x38;
	v63 =	vld [tilespmem:$0x0]  }
0x243: {  	p1 =	slt.s32 s11, $0x1F80  }
0x244: {  	s0 =	sshll.u32 @!p1 s11, $0x4  }
0x245: {  	s5 =	sshra.s32 @!p1 s25, $0x2;
	s0 =	sand.u32 @!p1 $0x1FFFFFF0, s0  }
0x246: {  	s6 =	simm.s32 @!p1 $0x0;
	s5 =	sadd.s32 @!p1 $0x8900, s5;
	s0 =	sadd.s32 @!p1 s2, s0  }
0x247: {  	[tilespmem:s5], [sflag:$0xD] =	stream.linear.gather @!p1 [hbm4b:s0+s6], $0x80, $0x38;
	v63 =	vld [tilespmem:$0x0]  }
0x248: {  	p1 =	slt.s32 s12, $0x1F80  }
0x249: {  	s0 =	sshll.u32 @!p1 s12, $0x4  }
0x24a: {  	s5 =	sshra.s32 @!p1 s25, $0x2;
	s0 =	sand.u32 @!p1 $0x1FFFFFF0, s0  }
0x24b: {  	s6 =	simm.s32 @!p1 $0x0;
	s5 =	sadd.s32 @!p1 $0x8980, s5;
	s0 =	sadd.s32 @!p1 s2, s0  }
0x24c: {  	[tilespmem:s5], [sflag:$0xD] =	stream.linear.gather @!p1 [hbm4b:s0+s6], $0x80, $0x38;
	v63 =	vld [tilespmem:$0x0]  }
0x24d: {  	p1 =	slt.s32 s16, $0x1F80  }
0x24e: {  	s0 =	sshll.u32 @!p1 s16, $0x4  }
0x24f: {  	s5 =	sshra.s32 @!p1 s25, $0x2;
	s0 =	sand.u32 @!p1 $0x1FFFFFF0, s0  }
0x250: {  	s6 =	simm.s32 @!p1 $0x0;
	s5 =	sadd.s32 @!p1 $0x8A00, s5;
	s0 =	sadd.s32 @!p1 s2, s0  }
0x251: {  	[tilespmem:s5], [sflag:$0xD] =	stream.linear.gather @!p1 [hbm4b:s0+s6], $0x80, $0x38;
	v63 =	vld [tilespmem:$0x0]  }
0x252: {  	p1 =	slt.s32 s24, $0x1F80  }
0x253: {  	s0 =	sshll.u32 @!p1 s24, $0x4  }
0x254: {  	s5 =	sshra.s32 @!p1 s25, $0x2;
	s0 =	sand.u32 @!p1 $0x1FFFFFF0, s0  }
0x255: {  	s6 =	simm.s32 @!p1 $0x0;
	s5 =	sadd.s32 @!p1 $0x8A80, s5;
	s0 =	sadd.s32 @!p1 s2, s0  }
0x256: {  	[tilespmem:s5], [sflag:$0xD] =	stream.linear.gather @!p1 [hbm4b:s0+s6], $0x80, $0x38;
	v63 =	vld [tilespmem:$0x0]  }
0x257: {  	p1 =	slt.s32 s31, $0x1F80  }
0x258: {  	s0 =	sshll.u32 @!p1 s31, $0x4  }
0x259: {  	s5 =	sshra.s32 @!p1 s25, $0x2;
	s0 =	sand.u32 @!p1 $0x1FFFFFF0, s0  }
0x25a: {  	s6 =	simm.s32 @!p1 $0x0;
	s5 =	sadd.s32 @!p1 $0x8B00, s5;
	s0 =	sadd.s32 @!p1 s2, s0  }
0x25b: {  	[tilespmem:s5], [sflag:$0xD] =	stream.linear.gather @!p1 [hbm4b:s0+s6], $0x80, $0x38;
	v63 =	vld [tilespmem:$0x0]  }
.Ltmp22:
0x25c: {  	p1 =	slt.s32 s20, $0x1F80;
	(pc) =	sbr.rel .LBB2_23-.Ltmp22, $4  }
0x25d: {  	s0 =	sshll.u32 @!p1 s20, $0x4  }
0x25e: {  	s5 =	sshra.s32 @!p1 s25, $0x2;
	s0 =	sand.u32 @!p1 $0x1FFFFFF0, s0  }
0x25f: {  	s6 =	simm.s32 @!p1 $0x0;
	s5 =	sadd.s32 @!p1 $0x8B80, s5;
	s0 =	sadd.s32 @!p1 s2, s0  }
0x260: {  	[tilespmem:s5], [sflag:$0xD] =	stream.linear.gather @!p1 [hbm4b:s0+s6], $0x80, $0x38;
	v63 =	vld [tilespmem:$0x0]  }
.LBB2_24:
0x261: {  	s0 =	sadd.s32 @!p0 $0x6, s18  }
0x262: {  	s5 =	sadd.s32 @!p0 s7, s0;
	s0 =	sshll.u32 @!p0 s0, $0x4  }
0x263: {  	s5 =	sshll.u32 @!p0 s5, $0x4;
	s0 =	sand.u32 @!p0 $0x60, s0  }
0x264: {  	s5 =	sand.u32 @!p0 $0xFFFFF80, s5;
	s0 =	sadd.s32 @!p0 s1, s0  }
0x265: {  	s6 =	simm.s32 @!p0 $0x100;
	s0 =	sadd.s32 @!p0 s5, s0;
	s5 =	simm.s32 @!p0 $0x0  }
0x266: {  	[tilespmem:s6], [sflag:$0x3] =	stream.linear.gather @!p0 [hbm4b:s0+s5], $0x80, $0x38;
	v63 =	vld [tilespmem:$0x0]  }
0x267: {  	s0 =	simm.s32 @!p0 $0xA  }
0x268: {  	_ =	swait.ge @!p0 [sflag:s0], $0x4000  }
0x269: {  	[sflag:s0] =	ssyncset.done @!p0 $0x0  }
0x26a: {  	[sflag:s0] =	ssyncadd.s32 @!p0 $0xFFFFC000;
	s0 =	simm.s32 @!p0 $0x2  }
0x26b: {  	_ =	swait.ge @!p0 [sflag:s0], $0x80  }
0x26c: {  	[sflag:s0] =	ssyncset.done @!p0 $0x0  }
0x26d: {  	[sflag:s0] =	ssyncadd.s32 @!p0 $0xFFFFFF80  }
0x26e: {  	v0 =	vld @!p0 [tilespmem:$0x80]  }
0x26f: {  	v1 =	vld @!p0 [tilespmem:$0x90]  }
0x270: {  	v2 =	vld @!p0 [tilespmem:$0xA0]  }
0x271: {  	v3 =	vld @!p0 [tilespmem:$0xB0]  }
0x272: {  	v4 =	vld @!p0 [tilespmem:$0xC0]  }
0x273: {  	v5 =	vld @!p0 [tilespmem:$0xD0];
	vm0 =	vlt.s32 @!p0 v0, $0x1F7F  }
0x274: {  	v6 =	vld @!p0 [tilespmem:$0xE0];
	v0 =	vnsel @!p0 vm0, $0x1F7F, v0;
	vm0 =	vlt.s32 @!p0 v1, $0x1F7F  }
0x275: {  	[tilespmem:$0x280] =	vst @!p0 v0;
	v0 =	vnsel @!p0 vm0, $0x1F7F, v1;
	vm0 =	vlt.s32 @!p0 v2, $0x1F7F;
	v1 =	vld @!p0 [tilespmem:$0xF0]  }
0x276: {  	[tilespmem:$0x290] =	vst @!p0 v0;
	v0 =	vnsel @!p0 vm0, $0x1F7F, v2;
	vm0 =	vlt.s32 @!p0 v3, $0x1F7F  }
0x277: {  	[tilespmem:$0x2A0] =	vst @!p0 v0;
	v0 =	vnsel @!p0 vm0, $0x1F7F, v3;
	vm0 =	vlt.s32 @!p0 v4, $0x1F7F  }
0x278: {  	[tilespmem:$0x2B0] =	vst @!p0 v0;
	v0 =	vnsel @!p0 vm0, $0x1F7F, v4;
	vm0 =	vlt.s32 @!p0 v5, $0x1F7F  }
0x279: {  	p1 =	slt.s32 s22, $0x1;
	[tilespmem:$0x2C0] =	vst @!p0 v0;
	v0 =	vnsel @!p0 vm0, $0x1F7F, v5;
	vm0 =	vlt.s32 @!p0 v6, $0x1F7F  }
.Ltmp23:
0x27a: {  	[tilespmem:$0x2D0] =	vst @!p0 v0;
	v0 =	vnsel @!p0 vm0, $0x1F7F, v6;
	vm0 =	vlt.s32 @!p0 v1, $0x1F7F;
	(pc) =	sbr.rel @p1 .LBB2_28-.Ltmp23, $4  }
0x27b: {  	[tilespmem:$0x2E0] =	vst @!p0 v0;
	v0 =	vnsel @!p0 vm0, $0x1F7F, v1  }
0x27c: {  	s5 =	simm.s32 @!p0 $0x280;
	s6 =	simm.s32 @!p0 $0x4400;
	s0 =	simm.s32 @!p0 $0x80;
	[tilespmem:$0x2F0] =	vst @!p0 v0  }
0x27d: {  	[tilespmem:s6], [sflag:$0x6] =	stream.indirect.gather @!p0 [spmem:s4], $0x80, s5, s0, $0xb8;
	v63 =	vld [tilespmem:$0x0]  }
0x27e: {  	s0 =	simm.s32 $0x0  }
0x27f: {  	s0 =	sadd.s32 $0x1, s0  }
0x280: {  	p1 =	slt.s32 s0, s22  }
.Ltmp24:
0x281: {  	_ = 	snop;
	(pc) =	sbr.rel @!p1 .LBB2_27-.Ltmp24, $3  }
0x282: {  	_ =	sdelay $0x1  }
0x283: {  	_ =	swait.ge [sflag:s23], $0x80  }
0x284: {  	[sflag:s23] =	ssyncset.done $0x0  }
.LBB2_26:
0x285: {  	s0 =	sadd.s32 $0x1, s0  }
0x286: {  	[sflag:s23] =	ssyncadd.s32 $0xFFFFFF80;
	p1 =	slt.s32 s0, s22  }
.Ltmp25:
0x287: {  	(pc) =	sbr.rel @p1 .LBB2_26-.Ltmp25, $3  }
0x288: {  	_ =	sdelay $0x1  }
0x289: {  	_ =	swait.ge [sflag:s23], $0x80  }
0x28a: {  	[sflag:s23] =	ssyncset.done $0x0  }
.LBB2_27:
0x28b: {  	[sflag:s23] =	ssyncadd.s32 $0xFFFFFF80  }
.LBB2_28:
0x28c: {  	s0 =	rddreg [dreg:$0xc]  }
0x28d: {  	s0 =	sadd.s32 s18, s0  }
0x28e: {  	s0 =	sshll.u32 s0, $0xB  }
0x28f: {  	s25 =	simm.s32 $0x0;
	s5 =	simm.s32 $0x8400;
	s0 =	sand.u32 $0x1FFFF000, s0  }
.Ltmp26:
0x290: {  	s31 =	simm.s32 $0x8;
	s0 =	sadd.s32 s3, s0;
	(pc) =	sbr.rel .LBB2_29-.Ltmp26, $4  }
0x291: {  	[hbm4b:s0+s25] =	stream.linear.scatter [tilespmem:s5], [sflag:$0xB], $0x4000, $0x38;
	v63 =	vld [tilespmem:$0x0]  }
0x292: {  	_ =	swait.ge [sflag:s31], $0x4000  }
0x293: {  	[sflag:s31] =	ssyncset.done $0x0  }
0x294: {  	s29 =	simm.s32 $0x180;
	s22 =	simm.s32 $0x0;
	[sflag:s31] =	ssyncadd.s32 $0xFFFFC000  }
.LBB2_31:
0x295: {  	s25 =	sadd.s32 $0x2000, s25  }
0x296: {  	p1 =	sne.s32 s25, $0x10000  }
.Ltmp27:
0x297: {  	_ = 	snop;
	(pc) =	sbr.rel @!p1 .LBB2_32-.Ltmp27, $2  }
0x298: {  	_ =	sdelay $0x2  }
0x299: {  	s22 =	sadd.s32 s22, s9;
	s29 =	sadd.s32 $0x10, s29  }
.LBB2_29:
0x29a: {  	v0 =	vld [tilespmem:s29+$0x0];
	_ =	sdelay $0x4  }
0x29b: {  	(v2sf) =	vpush v0, $0x0  }
0x29c: {  	(v2sf) =	vpush v0, $0x1  }
0x29d: {  	(v2sf) =	vpush v0, $0x2  }
0x29e: {  	(v2sf) =	vpush v0, $0x3  }
0x29f: {  	(v2sf) =	vpush v0, $0x4;
	_ =	sdelay $0x1  }
0x2a0: {  	(v2sf) =	vpush v0, $0x5  }
0x2a1: {  	(v2sf) =	vpush v0, $0x6;
	_ =	sdelay $0x1  }
0x2a2: {  	(v2sf) =	vpush v0, $0x7;
	_ =	sdelay $0x1  }
0x2a3: {  	(v2sf) =	vpush v0, $0x8  }
0x2a4: {  	(v2sf) =	vpush v0, $0x9;
	_ =	sdelay $0x1  }
0x2a5: {  	s8 =	simm.s32 $0x1  }
0x2a6: {  	s9 =	simm.s32 $0x1;
	s11 =	simm.s32 $0x1;
	(v2sf) =	vpush v0, $0xA;
	s26 =	spop (v2sf)  }
0x2a7: {  	s12 =	simm.s32 $0x1;
	s5 =	spop (v2sf);
	p1 =	sgt.s32 s26, $0x1F7F  }
0x2a8: {  	(v2sf) =	vpush v0, $0xB;
	s0 =	spop (v2sf);
	s8 =	simm.s32 @!p1 $0x0;
	p1 =	sgt.s32 s5, $0x1F7F  }
0x2a9: {  	s16 =	simm.s32 $0x1;
	(v2sf) =	vpush v0, $0xC;
	s21 =	spop (v2sf);
	s9 =	simm.s32 @!p1 $0x0  }
0x2aa: {  	p1 =	sgt.s32 s0, $0x1F7F;
	s13 =	spop (v2sf);
	s8 =	sadd.s32 s9, s8  }
0x2ab: {  	(v2sf) =	vpush v0, $0xD;
	s11 =	simm.s32 @!p1 $0x0;
	p1 =	sgt.s32 s21, $0x1F7F;
	s9 =	simm.s32 $0x1  }
0x2ac: {  	(v2sf) =	vpush v0, $0xE;
	s15 =	spop (v2sf);
	s8 =	sadd.s32 s11, s8;
	s9 =	simm.s32 @!p1 $0x0  }
0x2ad: {  	p1 =	sgt.s32 s13, $0x1F7F;
	s14 =	spop (v2sf);
	s8 =	sadd.s32 s9, s8  }
0x2ae: {  	(v2sf) =	vpush v0, $0xF;
	s12 =	simm.s32 @!p1 $0x0;
	p1 =	sgt.s32 s15, $0x1F7F;
	s9 =	simm.s32 $0x1  }
0x2af: {  	s6 =	spop (v2sf);
	s8 =	sadd.s32 s12, s8;
	s9 =	simm.s32 @!p1 $0x0  }
0x2b0: {  	p1 =	sgt.s32 s14, $0x1F7F;
	s8 =	sadd.s32 s9, s8;
	s9 =	simm.s32 $0x1  }
0x2b1: {  	s20 =	simm.s32 $0x1;
	s19 =	spop (v2sf);
	s9 =	simm.s32 @!p1 $0x0  }
0x2b2: {  	s28 =	spop (v2sf);
	p1 =	sgt.s32 s6, $0x1F7F;
	s8 =	sadd.s32 s9, s8  }
0x2b3: {  	s16 =	simm.s32 @!p1 $0x0;
	p1 =	sgt.s32 s19, $0x1F7F;
	s9 =	simm.s32 $0x1  }
0x2b4: {  	s8 =	sadd.s32 s16, s8;
	s9 =	simm.s32 @!p1 $0x0;
	p1 =	sgt.s32 s28, $0x1F7F  }
0x2b5: {  	s11 =	spop (v2sf);
	s8 =	sadd.s32 s9, s8;
	s20 =	simm.s32 @!p1 $0x0  }
0x2b6: {  	p1 =	sgt.s32 s11, $0x1F7F;
	s9 =	simm.s32 $0x1;
	s8 =	sadd.s32 s20, s8  }
0x2b7: {  	s9 =	simm.s32 @!p1 $0x0;
	s20 =	simm.s32 $0x1;
	s12 =	spop (v2sf)  }
0x2b8: {  	s8 =	sadd.s32 s9, s8;
	s16 =	spop (v2sf);
	p1 =	sgt.s32 s12, $0x1F7F  }
0x2b9: {  	s9 =	simm.s32 $0x1;
	s20 =	simm.s32 @!p1 $0x0;
	p1 =	sgt.s32 s16, $0x1F7F  }
0x2ba: {  	s24 =	spop (v2sf);
	s8 =	sadd.s32 s20, s8;
	s9 =	simm.s32 @!p1 $0x0  }
0x2bb: {  	p1 =	sgt.s32 s24, $0x1F7F;
	s20 =	simm.s32 $0x1;
	s31 =	spop (v2sf)  }
0x2bc: {  	s8 =	sadd.s32 s9, s8;
	s20 =	simm.s32 @!p1 $0x0;
	p1 =	sgt.s32 s31, $0x1F7F  }
0x2bd: {  	s9 =	simm.s32 $0x1;
	s8 =	sadd.s32 s20, s8;
	s20 =	spop (v2sf)  }
0x2be: {  	s30 =	simm.s32 $0x1;
	s9 =	simm.s32 @!p1 $0x0;
	p1 =	sgt.s32 s20, $0x1F7F  }
0x2bf: {  	s8 =	sadd.s32 s9, s8;
	s30 =	simm.s32 @!p1 $0x0  }
0x2c0: {  	s9 =	sadd.s32 s30, s8  }
0x2c1: {  	p1 =	seq.s32 s9, $0x0  }
.Ltmp28:
0x2c2: {  	_ = 	snop;
	(pc) =	sbr.rel @p1 .LBB2_31-.Ltmp28, $1  }
0x2c3: {  	_ =	sdelay $0x3  }
0x2c4: {  	p1 =	slt.s32 s26, $0x1F80  }
0x2c5: {  	s8 =	sshll.u32 @!p1 s26, $0x4  }
0x2c6: {  	s26 =	sshra.s32 @!p1 s25, $0x2;
	s8 =	sand.u32 @!p1 $0x1FFFFFF0, s8  }
0x2c7: {  	s30 =	simm.s32 @!p1 $0x0;
	s26 =	sadd.s32 @!p1 $0xC400, s26;
	s8 =	sadd.s32 @!p1 s2, s8  }
0x2c8: {  	[tilespmem:s26], [sflag:$0xD] =	stream.linear.gather @!p1 [hbm4b:s8+s30], $0x80, $0x38;
	v63 =	vld [tilespmem:$0x0]  }
0x2c9: {  	p1 =	slt.s32 s5, $0x1F80  }
0x2ca: {  	s5 =	sshll.u32 @!p1 s5, $0x4  }
0x2cb: {  	s8 =	sshra.s32 @!p1 s25, $0x2;
	s5 =	sand.u32 @!p1 $0x1FFFFFF0, s5  }
0x2cc: {  	s26 =	simm.s32 @!p1 $0x0;
	s8 =	sadd.s32 @!p1 $0xC480, s8;
	s5 =	sadd.s32 @!p1 s2, s5  }
0x2cd: {  	[tilespmem:s8], [sflag:$0xD] =	stream.linear.gather @!p1 [hbm4b:s5+s26], $0x80, $0x38;
	v63 =	vld [tilespmem:$0x0]  }
0x2ce: {  	p1 =	slt.s32 s0, $0x1F80  }
0x2cf: {  	s0 =	sshll.u32 @!p1 s0, $0x4  }
0x2d0: {  	s5 =	sshra.s32 @!p1 s25, $0x2;
	s0 =	sand.u32 @!p1 $0x1FFFFFF0, s0  }
0x2d1: {  	s8 =	simm.s32 @!p1 $0x0;
	s5 =	sadd.s32 @!p1 $0xC500, s5;
	s0 =	sadd.s32 @!p1 s2, s0  }
0x2d2: {  	[tilespmem:s5], [sflag:$0xD] =	stream.linear.gather @!p1 [hbm4b:s0+s8], $0x80, $0x38;
	v63 =	vld [tilespmem:$0x0]  }
0x2d3: {  	p1 =	slt.s32 s21, $0x1F80  }
0x2d4: {  	s0 =	sshll.u32 @!p1 s21, $0x4  }
0x2d5: {  	s5 =	sshra.s32 @!p1 s25, $0x2;
	s0 =	sand.u32 @!p1 $0x1FFFFFF0, s0  }
0x2d6: {  	s8 =	simm.s32 @!p1 $0x0;
	s5 =	sadd.s32 @!p1 $0xC580, s5;
	s0 =	sadd.s32 @!p1 s2, s0  }
0x2d7: {  	[tilespmem:s5], [sflag:$0xD] =	stream.linear.gather @!p1 [hbm4b:s0+s8], $0x80, $0x38;
	v63 =	vld [tilespmem:$0x0]  }
0x2d8: {  	p1 =	slt.s32 s13, $0x1F80  }
0x2d9: {  	s0 =	sshll.u32 @!p1 s13, $0x4  }
0x2da: {  	s5 =	sshra.s32 @!p1 s25, $0x2;
	s0 =	sand.u32 @!p1 $0x1FFFFFF0, s0  }
0x2db: {  	s8 =	simm.s32 @!p1 $0x0;
	s5 =	sadd.s32 @!p1 $0xC600, s5;
	s0 =	sadd.s32 @!p1 s2, s0  }
0x2dc: {  	[tilespmem:s5], [sflag:$0xD] =	stream.linear.gather @!p1 [hbm4b:s0+s8], $0x80, $0x38;
	v63 =	vld [tilespmem:$0x0]  }
0x2dd: {  	p1 =	slt.s32 s15, $0x1F80  }
0x2de: {  	s0 =	sshll.u32 @!p1 s15, $0x4  }
0x2df: {  	s5 =	sshra.s32 @!p1 s25, $0x2;
	s0 =	sand.u32 @!p1 $0x1FFFFFF0, s0  }
0x2e0: {  	s8 =	simm.s32 @!p1 $0x0;
	s5 =	sadd.s32 @!p1 $0xC680, s5;
	s0 =	sadd.s32 @!p1 s2, s0  }
0x2e1: {  	[tilespmem:s5], [sflag:$0xD] =	stream.linear.gather @!p1 [hbm4b:s0+s8], $0x80, $0x38;
	v63 =	vld [tilespmem:$0x0]  }
0x2e2: {  	p1 =	slt.s32 s14, $0x1F80  }
0x2e3: {  	s0 =	sshll.u32 @!p1 s14, $0x4  }
0x2e4: {  	s5 =	sshra.s32 @!p1 s25, $0x2;
	s0 =	sand.u32 @!p1 $0x1FFFFFF0, s0  }
0x2e5: {  	s8 =	simm.s32 @!p1 $0x0;
	s5 =	sadd.s32 @!p1 $0xC700, s5;
	s0 =	sadd.s32 @!p1 s2, s0  }
0x2e6: {  	[tilespmem:s5], [sflag:$0xD] =	stream.linear.gather @!p1 [hbm4b:s0+s8], $0x80, $0x38;
	v63 =	vld [tilespmem:$0x0]  }
0x2e7: {  	p1 =	slt.s32 s6, $0x1F80  }
0x2e8: {  	s0 =	sshll.u32 @!p1 s6, $0x4  }
0x2e9: {  	s5 =	sshra.s32 @!p1 s25, $0x2;
	s0 =	sand.u32 @!p1 $0x1FFFFFF0, s0  }
0x2ea: {  	s6 =	simm.s32 @!p1 $0x0;
	s5 =	sadd.s32 @!p1 $0xC780, s5;
	s0 =	sadd.s32 @!p1 s2, s0  }
0x2eb: {  	[tilespmem:s5], [sflag:$0xD] =	stream.linear.gather @!p1 [hbm4b:s0+s6], $0x80, $0x38;
	v63 =	vld [tilespmem:$0x0]  }
0x2ec: {  	p1 =	slt.s32 s19, $0x1F80  }
0x2ed: {  	s0 =	sshll.u32 @!p1 s19, $0x4  }
0x2ee: {  	s5 =	sshra.s32 @!p1 s25, $0x2;
	s0 =	sand.u32 @!p1 $0x1FFFFFF0, s0  }
0x2ef: {  	s6 =	simm.s32 @!p1 $0x0;
	s5 =	sadd.s32 @!p1 $0xC800, s5;
	s0 =	sadd.s32 @!p1 s2, s0  }
0x2f0: {  	[tilespmem:s5], [sflag:$0xD] =	stream.linear.gather @!p1 [hbm4b:s0+s6], $0x80, $0x38;
	v63 =	vld [tilespmem:$0x0]  }
0x2f1: {  	p1 =	slt.s32 s28, $0x1F80  }
0x2f2: {  	s0 =	sshll.u32 @!p1 s28, $0x4  }
0x2f3: {  	s5 =	sshra.s32 @!p1 s25, $0x2;
	s0 =	sand.u32 @!p1 $0x1FFFFFF0, s0  }
0x2f4: {  	s6 =	simm.s32 @!p1 $0x0;
	s5 =	sadd.s32 @!p1 $0xC880, s5;
	s0 =	sadd.s32 @!p1 s2, s0  }
0x2f5: {  	[tilespmem:s5], [sflag:$0xD] =	stream.linear.gather @!p1 [hbm4b:s0+s6], $0x80, $0x38;
	v63 =	vld [tilespmem:$0x0]  }
0x2f6: {  	p1 =	slt.s32 s11, $0x1F80  }
0x2f7: {  	s0 =	sshll.u32 @!p1 s11, $0x4  }
0x2f8: {  	s5 =	sshra.s32 @!p1 s25, $0x2;
	s0 =	sand.u32 @!p1 $0x1FFFFFF0, s0  }
0x2f9: {  	s6 =	simm.s32 @!p1 $0x0;
	s5 =	sadd.s32 @!p1 $0xC900, s5;
	s0 =	sadd.s32 @!p1 s2, s0  }
0x2fa: {  	[tilespmem:s5], [sflag:$0xD] =	stream.linear.gather @!p1 [hbm4b:s0+s6], $0x80, $0x38;
	v63 =	vld [tilespmem:$0x0]  }
0x2fb: {  	p1 =	slt.s32 s12, $0x1F80  }
0x2fc: {  	s0 =	sshll.u32 @!p1 s12, $0x4  }
0x2fd: {  	s5 =	sshra.s32 @!p1 s25, $0x2;
	s0 =	sand.u32 @!p1 $0x1FFFFFF0, s0  }
0x2fe: {  	s6 =	simm.s32 @!p1 $0x0;
	s5 =	sadd.s32 @!p1 $0xC980, s5;
	s0 =	sadd.s32 @!p1 s2, s0  }
0x2ff: {  	[tilespmem:s5], [sflag:$0xD] =	stream.linear.gather @!p1 [hbm4b:s0+s6], $0x80, $0x38;
	v63 =	vld [tilespmem:$0x0]  }
0x300: {  	p1 =	slt.s32 s16, $0x1F80  }
0x301: {  	s0 =	sshll.u32 @!p1 s16, $0x4  }
0x302: {  	s5 =	sshra.s32 @!p1 s25, $0x2;
	s0 =	sand.u32 @!p1 $0x1FFFFFF0, s0  }
0x303: {  	s6 =	simm.s32 @!p1 $0x0;
	s5 =	sadd.s32 @!p1 $0xCA00, s5;
	s0 =	sadd.s32 @!p1 s2, s0  }
0x304: {  	[tilespmem:s5], [sflag:$0xD] =	stream.linear.gather @!p1 [hbm4b:s0+s6], $0x80, $0x38;
	v63 =	vld [tilespmem:$0x0]  }
0x305: {  	p1 =	slt.s32 s24, $0x1F80  }
0x306: {  	s0 =	sshll.u32 @!p1 s24, $0x4  }
0x307: {  	s5 =	sshra.s32 @!p1 s25, $0x2;
	s0 =	sand.u32 @!p1 $0x1FFFFFF0, s0  }
0x308: {  	s6 =	simm.s32 @!p1 $0x0;
	s5 =	sadd.s32 @!p1 $0xCA80, s5;
	s0 =	sadd.s32 @!p1 s2, s0  }
0x309: {  	[tilespmem:s5], [sflag:$0xD] =	stream.linear.gather @!p1 [hbm4b:s0+s6], $0x80, $0x38;
	v63 =	vld [tilespmem:$0x0]  }
0x30a: {  	p1 =	slt.s32 s31, $0x1F80  }
0x30b: {  	s0 =	sshll.u32 @!p1 s31, $0x4  }
0x30c: {  	s5 =	sshra.s32 @!p1 s25, $0x2;
	s0 =	sand.u32 @!p1 $0x1FFFFFF0, s0  }
0x30d: {  	s6 =	simm.s32 @!p1 $0x0;
	s5 =	sadd.s32 @!p1 $0xCB00, s5;
	s0 =	sadd.s32 @!p1 s2, s0  }
0x30e: {  	[tilespmem:s5], [sflag:$0xD] =	stream.linear.gather @!p1 [hbm4b:s0+s6], $0x80, $0x38;
	v63 =	vld [tilespmem:$0x0]  }
.Ltmp29:
0x30f: {  	p1 =	slt.s32 s20, $0x1F80;
	(pc) =	sbr.rel .LBB2_31-.Ltmp29, $4  }
0x310: {  	s0 =	sshll.u32 @!p1 s20, $0x4  }
0x311: {  	s5 =	sshra.s32 @!p1 s25, $0x2;
	s0 =	sand.u32 @!p1 $0x1FFFFFF0, s0  }
0x312: {  	s6 =	simm.s32 @!p1 $0x0;
	s5 =	sadd.s32 @!p1 $0xCB80, s5;
	s0 =	sadd.s32 @!p1 s2, s0  }
0x313: {  	[tilespmem:s5], [sflag:$0xD] =	stream.linear.gather @!p1 [hbm4b:s0+s6], $0x80, $0x38;
	v63 =	vld [tilespmem:$0x0]  }
.LBB2_32:
0x314: {  	s0 =	sadd.s32 @!p0 $0x7, s18  }
0x315: {  	s5 =	sadd.s32 @!p0 s7, s0;
	s0 =	sshll.u32 @!p0 s0, $0x4  }
0x316: {  	s5 =	sshll.u32 @!p0 s5, $0x4;
	s0 =	sand.u32 @!p0 $0x70, s0  }
0x317: {  	s5 =	sand.u32 @!p0 $0xFFFFF80, s5;
	s0 =	sadd.s32 @!p0 s1, s0  }
0x318: {  	s6 =	simm.s32 @!p0 $0x180;
	s0 =	sadd.s32 @!p0 s5, s0;
	s5 =	simm.s32 @!p0 $0x0  }
0x319: {  	[tilespmem:s6], [sflag:$0x4] =	stream.linear.gather @!p0 [hbm4b:s0+s5], $0x80, $0x38;
	v63 =	vld [tilespmem:$0x0]  }
0x31a: {  	s0 =	simm.s32 @!p0 $0xB  }
0x31b: {  	_ =	swait.ge @!p0 [sflag:s0], $0x4000  }
0x31c: {  	[sflag:s0] =	ssyncset.done @!p0 $0x0  }
0x31d: {  	[sflag:s0] =	ssyncadd.s32 @!p0 $0xFFFFC000;
	s0 =	simm.s32 @!p0 $0x3  }
0x31e: {  	_ =	swait.ge @!p0 [sflag:s0], $0x80  }
0x31f: {  	[sflag:s0] =	ssyncset.done @!p0 $0x0  }
0x320: {  	[sflag:s0] =	ssyncadd.s32 @!p0 $0xFFFFFF80  }
0x321: {  	v0 =	vld @!p0 [tilespmem:$0x100]  }
0x322: {  	v1 =	vld @!p0 [tilespmem:$0x110]  }
0x323: {  	v2 =	vld @!p0 [tilespmem:$0x120]  }
0x324: {  	v3 =	vld @!p0 [tilespmem:$0x130]  }
0x325: {  	v4 =	vld @!p0 [tilespmem:$0x140]  }
0x326: {  	v5 =	vld @!p0 [tilespmem:$0x150];
	vm0 =	vlt.s32 @!p0 v0, $0x1F7F  }
0x327: {  	v6 =	vld @!p0 [tilespmem:$0x160];
	v0 =	vnsel @!p0 vm0, $0x1F7F, v0;
	vm0 =	vlt.s32 @!p0 v1, $0x1F7F  }
0x328: {  	[tilespmem:$0x300] =	vst @!p0 v0;
	v0 =	vnsel @!p0 vm0, $0x1F7F, v1;
	vm0 =	vlt.s32 @!p0 v2, $0x1F7F;
	v1 =	vld @!p0 [tilespmem:$0x170]  }
0x329: {  	[tilespmem:$0x310] =	vst @!p0 v0;
	v0 =	vnsel @!p0 vm0, $0x1F7F, v2;
	vm0 =	vlt.s32 @!p0 v3, $0x1F7F  }
0x32a: {  	[tilespmem:$0x320] =	vst @!p0 v0;
	v0 =	vnsel @!p0 vm0, $0x1F7F, v3;
	vm0 =	vlt.s32 @!p0 v4, $0x1F7F  }
0x32b: {  	[tilespmem:$0x330] =	vst @!p0 v0;
	v0 =	vnsel @!p0 vm0, $0x1F7F, v4;
	vm0 =	vlt.s32 @!p0 v5, $0x1F7F  }
0x32c: {  	[tilespmem:$0x340] =	vst @!p0 v0;
	v0 =	vnsel @!p0 vm0, $0x1F7F, v5;
	vm0 =	vlt.s32 @!p0 v6, $0x1F7F  }
0x32d: {  	[tilespmem:$0x350] =	vst @!p0 v0;
	v0 =	vnsel @!p0 vm0, $0x1F7F, v6;
	vm0 =	vlt.s32 @!p0 v1, $0x1F7F  }
0x32e: {  	[tilespmem:$0x360] =	vst @!p0 v0;
	v0 =	vnsel @!p0 vm0, $0x1F7F, v1  }
0x32f: {  	s5 =	simm.s32 @!p0 $0x300;
	s6 =	simm.s32 @!p0 $0x8400;
	s0 =	simm.s32 @!p0 $0x80;
	[tilespmem:$0x370] =	vst @!p0 v0  }
0x330: {  	[tilespmem:s6], [sflag:$0x7] =	stream.indirect.gather @!p0 [spmem:s4], $0x80, s5, s0, $0xb8;
	v63 =	vld [tilespmem:$0x0]  }
0x331: {  	p0 =	slt.s32 s22, $0x1  }
.Ltmp30:
0x332: {  	_ = 	snop;
	(pc) =	sbr.rel @p0 .LBB2_36-.Ltmp30, $2  }
0x333: {  	_ =	sdelay $0x2  }
0x334: {  	s30 =	simm.s32 $0xC400;
	s0 =	simm.s32 $0x0  }
0x335: {  	s0 =	sadd.s32 $0x1, s0  }
0x336: {  	p0 =	slt.s32 s0, s22  }
.Ltmp31:
0x337: {  	_ = 	snop;
	(pc) =	sbr.rel @!p0 .LBB2_35-.Ltmp31, $3  }
0x338: {  	_ =	sdelay $0x1  }
0x339: {  	_ =	swait.ge [sflag:s23], $0x80  }
0x33a: {  	[sflag:s23] =	ssyncset.done $0x0  }
.LBB2_34:
0x33b: {  	s0 =	sadd.s32 $0x1, s0  }
0x33c: {  	[sflag:s23] =	ssyncadd.s32 $0xFFFFFF80;
	p0 =	slt.s32 s0, s22  }
.Ltmp32:
0x33d: {  	(pc) =	sbr.rel @p0 .LBB2_34-.Ltmp32, $3  }
0x33e: {  	_ =	sdelay $0x1  }
0x33f: {  	_ =	swait.ge [sflag:s23], $0x80  }
0x340: {  	[sflag:s23] =	ssyncset.done $0x0  }
.Ltmp33:
0x341: {  	_ = 	snop;
	(pc) =	sbr.rel .LBB2_35-.Ltmp33, $1  }
0x342: {  	_ =	sdelay $0x3  }
.LBB2_38:
0x343: {  	_ =	sfence.sel $0x180000  }
0x344: {  	[bflag:$0x0] =	sbarrier.arrive $0xFFFF  }
0x345: {  	_ =	strace $0x90000047  }
0x346: {  	s0 =	stileid.u32;
	[bflag:$0x2] =	sbarrier.arrive $0xFFFF  }
0x347: {  	p0 =	sne.s32 s0, $0x0;
	s0 =	rddreg [dreg:$0x4]  }
0x348: {  	s0 =	sadd.s32 @!p0 $0x100000, s0  }
0x349: {  	[sflag:s0] =	ssyncadd.tile.s32 @!p0 $0x1;
	_ =	shalt  }
.Lfunc_end2:
_tile_overlayer_lowered:
.L_overlay_start_2:
0x34a: {  	(tag) =	ssettag $0x2  }
0x34b: {  	s0 =	rddreg [dreg:$0x0];
	s2 =	stileid.u32  }
0x34c: {  	s1 =	rddreg [dreg:$0x1];
	p0 =	sne.s32 s2, $0x0  }
0x34d: {  	s3 =	rddreg [dreg:$0x2];
	[bflag:$0x3] =	sbarrier.arrive $0xFFFF;
	s2 =	simm.s32 @!p0 $0x1C0E  }
0x34e: {  	[timem:s3], [sflag:s2] =	dma.local @!p0 [hbm:s0], s1  }
0x34f: {  	s0 =	simm.s32 @!p0 $0xE  }
0x350: {  	_ =	swait.ge @!p0 [sflag:s0], s1  }
0x351: {  	s1 =	ssub.s32 @!p0 $0x0, s1;
	[sflag:s0] =	ssyncset.done @!p0 $0x0  }
0x352: {  	[sflag:s0] =	ssyncadd.s32 @!p0 s1  }
0x353: {  	[bflag:$0x3] =	sbarrier.arrive $0xFFFF  }
0x354: {  	_ =	shalt  }

</sc_bundles>
